<compile_context>
chip_gen: v7x
topology: tpu7x:2x2x1
jax: 0.10.2.dev20260603
libtpu: 0.0.44.dev20260713+nightly
codegen_flags: <defaults>
</compile_context>

<pallas_src>
import jax
import jax.numpy as jnp
from jax import lax
from jax.experimental import pallas as pl
from jax.experimental.pallas import tpu as pltpu
from jax.experimental.pallas import tpu_sc as plsc

_N = 10000
_E = 320000
_D = 128
_G = 128
_L = 5
_NP = 10240
_BR = 512
_NB = _NP // _BR

_NC = 2
_NS = 16
_NW = _NC * _NS
_EPW = _E // _NW
_C = 125
_NCH = _EPW // _C
_RPT = _NP // _NS


def _sc_agg_body(hp_hbm, src_hbm, dst_hbm, zer_hbm, out_hbm,
                 sidx, didx, rows, acc_sh, isem, gsem):
    cid = lax.axis_index("c")
    sid = lax.axis_index("s")
    wid = sid * _NC + cid

    def start_idx(j, s):
        pltpu.async_copy(src_hbm.at[wid, j], sidx[s], isem[s])
        pltpu.async_copy(dst_hbm.at[wid, j], didx[s], isem[s])

    def wait_idx(j, s):
        pltpu.make_async_copy(src_hbm.at[wid, j], sidx[s], isem[s]).wait()
        pltpu.make_async_copy(dst_hbm.at[wid, j], didx[s], isem[s]).wait()

    def start_gather(s, half, r):
        pltpu.async_copy(hp_hbm.at[sidx[s].at[half]], rows[r], gsem[r])

    def scatter(s, half, r):
        pltpu.make_async_copy(hp_hbm.at[sidx[s].at[half]], rows[r],
                              gsem[r]).wait()
        pltpu.sync_copy(rows[r], acc_sh.at[didx[s].at[half]], add=True)

    start_idx(0, 0)
    start_idx(1, 1)
    pltpu.sync_copy(zer_hbm, acc_sh.at[pl.ds(sid * _RPT, _RPT)])
    plsc.subcore_barrier()
    wait_idx(0, 0)
    start_gather(0, 0, 0)

    nb4 = _NCH // 4

    def body(b, carry):
        j0 = 2 * b
        more = b < nb4 - 1
        start_gather(0, 1, 1)
        scatter(0, 0, 0)
        wait_idx(j0 + 1, 1)
        start_gather(1, 0, 0)
        scatter(0, 1, 1)

        @pl.when(more)
        def _():
            start_idx(j0 + 2, 0)

        start_gather(1, 1, 1)
        scatter(1, 0, 0)

        @pl.when(more)
        def _():
            wait_idx(j0 + 2, 0)
            start_gather(0, 0, 0)

        scatter(1, 1, 1)

        @pl.when(more)
        def _():
            start_idx(j0 + 3, 1)

        return carry

    lax.fori_loop(0, nb4, body, 0, unroll=False)
    plsc.subcore_barrier()
    pltpu.sync_copy(acc_sh.at[pl.ds(sid * _RPT, _RPT)],
                    out_hbm.at[cid, pl.ds(sid * _RPT, _RPT)])


def _sc_agg(hp, src4, dst4, zer):
    mesh = plsc.VectorSubcoreMesh(core_axis_name="c", subcore_axis_name="s",
                                  num_cores=_NC, num_subcores=_NS)
    f = pl.kernel(
        _sc_agg_body,
        out_type=jax.ShapeDtypeStruct((_NC, _NP, _D), jnp.float32),
        mesh=mesh,
        scratch_types=[
            [pltpu.VMEM((2, _C), jnp.int32) for _ in range(2)],
            [pltpu.VMEM((2, _C), jnp.int32) for _ in range(2)],
            [pltpu.VMEM((_C, _D), jnp.float32) for _ in range(2)],
            pltpu.VMEM_SHARED((_NP, _D), jnp.float32),
            [pltpu.SemaphoreType.DMA for _ in range(2)],
            [pltpu.SemaphoreType.DMA for _ in range(2)],
        ],
    )
    return f(hp, src4, dst4, zer)


def _bf(x):
    return x.astype(jnp.bfloat16)


def _mlp_seg_body(hp_ref, agg_ref, b3_ref, w1_ref, b1_ref, w2_ref, b2_ref,
                  gm_ref, bt_ref, eps_ref, pw_ref, pb_ref, h2_ref, out_ref,
                  seg_s, cnt_s):
    i = pl.program_id(0)
    e = eps_ref[0, 0]
    m = (1.0 + e) * hp_ref[...] + agg_ref[0] + agg_ref[1]
    a = jnp.maximum(
        jnp.dot(_bf(m), _bf(w1_ref[...]), preferred_element_type=jnp.float32)
        + b1_ref[...], 0.0)
    o = jnp.dot(_bf(a), _bf(w2_ref[...]),
                preferred_element_type=jnp.float32) + b2_ref[...]
    o = gm_ref[...] * o + bt_ref[...]
    b = b3_ref[0, 0, :]
    oh = (b[:, None] == lax.broadcasted_iota(jnp.int32, (_BR, _G), 1)
          ).astype(jnp.float32)
    contrib = lax.dot_general(oh, o, (((0,), (0,)), ((), ())),
                              preferred_element_type=jnp.float32)
    h2_ref[...] = o

    @pl.when(i == 0)
    def _():
        seg_s[...] = jnp.zeros_like(seg_s)
        cnt_s[...] = jnp.zeros_like(cnt_s)

    seg_s[...] += contrib
    cnt_s[...] += jnp.sum(oh, axis=0, keepdims=True)

    @pl.when(i == _NB - 1)
    def _():
        c = jnp.maximum(cnt_s[0, :], 1.0)
        hg = seg_s[...] * (1.0 / c)[:, None]
        out_ref[...] = jnp.dot(
            hg, pw_ref[...], preferred_element_type=jnp.float32
        ) + pb_ref[...]


def _full(shape):
    return pl.BlockSpec(shape, lambda i: tuple(0 for _ in shape))


def _mlp_seg(hp, agg2, batch3, w1, b1, w2, b2, gm, bt, eps1, pw, pb1, t):
    in_specs = [
        pl.BlockSpec((_BR, _D), lambda i: (i, 0)),
        pl.BlockSpec((2, _BR, _D), lambda i: (0, i, 0)),
        pl.BlockSpec((1, 1, _BR), lambda i: (i, 0, 0)),
        _full((_D, 2 * _D)),
        _full((1, 2 * _D)),
        _full((2 * _D, _D)),
        _full((1, _D)),
        _full((1, _D)),
        _full((1, _D)),
        _full((1, 1)),
        _full((_D, t)),
        _full((1, t)),
    ]
    return pl.pallas_call(
        _mlp_seg_body,
        grid=(_NB,),
        in_specs=in_specs,
        out_specs=[pl.BlockSpec((_BR, _D), lambda i: (i, 0)),
                   _full((_G, t))],
        out_shape=[jax.ShapeDtypeStruct((_NP, _D), jnp.float32),
                   jax.ShapeDtypeStruct((_G, t), jnp.float32)],
        scratch_shapes=[pltpu.VMEM((_G, _D), jnp.float32),
                        pltpu.VMEM((1, _G), jnp.float32)],
    )(hp, agg2, batch3, w1, b1, w2, b2, gm, bt, eps1, pw, pb1)


def _layer_body(hp_ref, agg_ref, b3_ref, w1_ref, b1_ref, w2_ref, b2_ref,
                gm_ref, bt_ref, eps_ref, vn_ref, vw1_ref, vb1_ref, vw2_ref,
                vb2_ref, hpo_ref, vno_ref, h2_s, seg_s, vn_s):
    i = pl.program_id(0)

    @pl.when(i < _NB)
    def _():
        e = eps_ref[0, 0]
        m = (1.0 + e) * hp_ref[...] + agg_ref[0] + agg_ref[1]
        a = jnp.maximum(
            jnp.dot(_bf(m), _bf(w1_ref[...]),
                    preferred_element_type=jnp.float32) + b1_ref[...], 0.0)
        o = jnp.dot(_bf(a), _bf(w2_ref[...]),
                    preferred_element_type=jnp.float32) + b2_ref[...]
        o = jnp.maximum(gm_ref[...] * o + bt_ref[...], 0.0)
        h2_s[pl.ds(i * _BR, _BR), :] = o
        b = b3_ref[0, 0, :]
        oh = (b[:, None] == lax.broadcasted_iota(jnp.int32, (_BR, _G), 1)
              ).astype(jnp.float32)
        contrib = lax.dot_general(oh, o, (((0,), (0,)), ((), ())),
                                  preferred_element_type=jnp.float32)

        @pl.when(i == 0)
        def _():
            seg_s[...] = jnp.zeros_like(seg_s)

        seg_s[...] += contrib

        @pl.when(i == _NB - 1)
        def _():
            vt = seg_s[...] + vn_ref[...]
            va = jnp.maximum(
                jnp.dot(vt, vw1_ref[...], preferred_element_type=jnp.float32)
                + vb1_ref[...], 0.0)
            v2 = jnp.maximum(
                jnp.dot(va, vw2_ref[...], preferred_element_type=jnp.float32)
                + vb2_ref[...], 0.0)
            vn_s[...] = v2
            vno_ref[...] = v2

    @pl.when(i >= _NB)
    def _():
        b = b3_ref[0, 0, :]
        oh = (b[:, None] == lax.broadcasted_iota(jnp.int32, (_BR, _G), 1)
              ).astype(jnp.float32)
        hpo_ref[...] = h2_s[pl.ds((i - _NB) * _BR, _BR), :] + jnp.dot(
            oh, vn_s[...], preferred_element_type=jnp.float32)


def _layer(hp, agg2, batch3, w1, b1, w2, b2, gm, bt, eps1, vn,
           vw1, vb1, vw2, vb2):
    nb = _NB
    return pl.pallas_call(
        _layer_body,
        grid=(2 * nb,),
        in_specs=[
            pl.BlockSpec((_BR, _D), lambda i: (jnp.minimum(i, nb - 1), 0)),
            pl.BlockSpec((2, _BR, _D),
                         lambda i: (0, jnp.minimum(i, nb - 1), 0)),
            pl.BlockSpec((1, 1, _BR),
                         lambda i: (jnp.where(i < nb, i, i - nb), 0, 0)),
            _full((_D, 2 * _D)),
            _full((1, 2 * _D)),
            _full((2 * _D, _D)),
            _full((1, _D)),
            _full((1, _D)),
            _full((1, _D)),
            _full((1, 1)),
            _full((_G, _D)),
            _full((_D, 2 * _D)),
            _full((1, 2 * _D)),
            _full((2 * _D, _D)),
            _full((1, _D)),
        ],
        out_specs=[
            pl.BlockSpec((_BR, _D),
                         lambda i: (jnp.where(i < nb, 0, i - nb), 0)),
            _full((_G, _D)),
        ],
        out_shape=[
            jax.ShapeDtypeStruct((_NP, _D), jnp.float32),
            jax.ShapeDtypeStruct((_G, _D), jnp.float32),
        ],
        scratch_shapes=[
            pltpu.VMEM((_NP, _D), jnp.float32),
            pltpu.VMEM((_G, _D), jnp.float32),
            pltpu.VMEM((_G, _D), jnp.float32),
        ],
    )(hp, agg2, batch3, w1, b1, w2, b2, gm, bt, eps1, vn,
      vw1, vb1, vw2, vb2)


def kernel(x, edge_index, batch, W1, b1, W2, b2, eps, gamma, beta,
           vW1, vb1, vW2, vb2, pW, pb):
    src4 = edge_index[0].reshape(_NW, _NCH // 2, 2, _C)
    dst4 = edge_index[1].reshape(_NW, _NCH // 2, 2, _C)
    zer = jnp.zeros((_RPT, _D), jnp.float32)
    t = pW.shape[1]
    batch_p = jnp.concatenate(
        [batch, jnp.full((_NP - _N,), _G, jnp.int32)])
    batch3 = batch_p.reshape(_NB, 1, _BR)
    xp = jnp.concatenate([x, jnp.zeros((_NP - _N, _D), jnp.float32)])
    eps1 = eps.reshape(_L, 1, 1)
    b1r = b1.reshape(_L, 1, 2 * _D)
    b2r = b2.reshape(_L, 1, _D)
    gmr = gamma.reshape(_L, 1, _D)
    btr = beta.reshape(_L, 1, _D)
    vb1r = vb1.reshape(_L - 1, 1, 2 * _D)
    vb2r = vb2.reshape(_L - 1, 1, _D)
    pb1 = pb.reshape(1, t)

    vn = jnp.zeros((_G, _D), jnp.float32)
    hp = xp
    out = None
    for l in range(_L):
        agg2 = _sc_agg(hp, src4, dst4, zer)
        last = l == _L - 1
        if last:
            _, out = _mlp_seg(hp, agg2, batch3, W1[l], b1r[l], W2[l],
                              b2r[l], gmr[l], btr[l], eps1[l], pW, pb1, t)
        else:
            hp, vn = _layer(hp, agg2, batch3, W1[l], b1r[l], W2[l], b2r[l],
                            gmr[l], btr[l], eps1[l], vn, vW1[l], vb1r[l],
                            vW2[l], vb2r[l])
    return out

# --- scband reference (transcript-rebuilt; emitter-appended) ---
"""Pipeline reference for scband-gnn-85667417686411 (READ-ONLY COPY).

The authoritative reference and input builder live on the scoring server;
editing this copy changes nothing except your own understanding.
"""

import jax, jax.numpy as jnp
import numpy as np

N = 10000   # nodes
E = 320000  # edges
D = 128     # emb_dim
G = 128     # graphs in batch
L = 5       # gnn layers
T = 10      # num_tasks


def setup_inputs(seed: int = 0) -> dict:
    key = jax.random.key(seed)
    ks = jax.random.split(key, 16)
    s = 0.05
    x = jax.random.normal(ks[0], (N, D), dtype=jnp.float32)
    edge_index = jax.random.randint(ks[1], (2, E), 0, N, dtype=jnp.int32)
    batch = jnp.sort(jax.random.randint(ks[2], (N,), 0, G, dtype=jnp.int32))
    # GIN conv MLP params (stacked over layers)
    W1 = jax.random.normal(ks[3], (L, D, 2 * D), dtype=jnp.float32) * s
    b1 = jnp.zeros((L, 2 * D), dtype=jnp.float32)
    W2 = jax.random.normal(ks[4], (L, 2 * D, D), dtype=jnp.float32) * s
    b2 = jnp.zeros((L, D), dtype=jnp.float32)
    eps = jnp.zeros((L,), dtype=jnp.float32)
    # eval-mode BatchNorm affine params (running stats = 0/1)
    gamma = jnp.ones((L, D), dtype=jnp.float32)
    beta = jnp.zeros((L, D), dtype=jnp.float32)
    # virtual-node update MLPs (layers 0..L-2)
    vW1 = jax.random.normal(ks[5], (L - 1, D, 2 * D), dtype=jnp.float32) * s
    vb1 = jnp.zeros((L - 1, 2 * D), dtype=jnp.float32)
    vW2 = jax.random.normal(ks[6], (L - 1, 2 * D, D), dtype=jnp.float32) * s
    vb2 = jnp.zeros((L - 1, D), dtype=jnp.float32)
    # graph prediction head
    pW = jax.random.normal(ks[7], (D, T), dtype=jnp.float32) * s
    pb = jnp.zeros((T,), dtype=jnp.float32)
    return {"x": x, "edge_index": edge_index, "batch": batch,
            "W1": W1, "b1": b1, "W2": W2, "b2": b2, "eps": eps,
            "gamma": gamma, "beta": beta,
            "vW1": vW1, "vb1": vb1, "vW2": vW2, "vb2": vb2,
            "pW": pW, "pb": pb}


def reference(x, edge_index, batch, W1, b1, W2, b2, eps, gamma, beta,
              vW1, vb1, vW2, vb2, pW, pb):
    src = edge_index[0]
    dst = edge_index[1]
    vn = jnp.zeros((G, x.shape[1]), dtype=x.dtype)  # virtual node embedding per graph
    h = x
    for l in range(L):
        # broadcast virtual node to its graph's nodes
        h = h + vn[batch]
        # GIN aggregation: sum of neighbor messages (gather + scatter-add)
        agg = jnp.zeros_like(h).at[dst].add(h[src])
        m = (1.0 + eps[l]) * h + agg
        hn = jax.nn.relu(m @ W1[l] + b1[l]) @ W2[l] + b2[l]
        hn = gamma[l] * hn + beta[l]  # eval-mode BatchNorm
        if l < L - 1:
            h2 = jax.nn.relu(hn)
        else:
            h2 = hn  # last layer: no relu (JK='last')
        if l < L - 1:
            # virtual node update: global add pool + MLP
            vtmp = jax.ops.segment_sum(h2, batch, num_segments=G) + vn
            vn = jax.nn.relu(jax.nn.relu(vtmp @ vW1[l] + vb1[l]) @ vW2[l] + vb2[l])
        h = h2
    # global mean pool
    sums = jax.ops.segment_sum(h, batch, num_segments=G)
    counts = jax.ops.segment_sum(jnp.ones((h.shape[0],), dtype=h.dtype), batch, num_segments=G)
    hg = sums / jnp.maximum(counts, 1.0)[:, None]
    return hg @ pW + pb

if __name__ == "__main__":
    import jax
    _d = setup_inputs()
    print(jax.jit(kernel)(*tuple(_d.values())))

</pallas_src>

<mosaic_0001>
#map = affine_map<(d0, d1) -> (0, 0)>
#map1 = affine_map<(d0, d1) -> (0, 0, 0, 0)>
#map2 = affine_map<(d0, d1) -> (0, 0, 0)>
module attributes {stable_mosaic.version = 14 : i64} {
  func.func @_sc_agg_body(%arg0: i32, %arg1: i32, %arg2: memref<10240x128xf32, #tpu.memory_space<hbm>>, %arg3: memref<32x40x2x125xi32, #tpu.memory_space<hbm>>, %arg4: memref<32x40x2x125xi32, #tpu.memory_space<hbm>>, %arg5: memref<640x128xf32, #tpu.memory_space<hbm>>, %arg6: memref<2x10240x128xf32, #tpu.memory_space<hbm>>, %arg7: memref<2x125xi32, #tpu.memory_space<vmem>>, %arg8: memref<2x125xi32, #tpu.memory_space<vmem>>, %arg9: memref<2x125xi32, #tpu.memory_space<vmem>>, %arg10: memref<2x125xi32, #tpu.memory_space<vmem>>, %arg11: memref<125x128xf32, #tpu.memory_space<vmem>>, %arg12: memref<125x128xf32, #tpu.memory_space<vmem>>, %arg13: memref<10240x128xf32, #tpu.memory_space<vmem_shared>>, %arg14: memref<!tpu.dma_semaphore, #tpu.memory_space<semaphore_mem>>, %arg15: memref<!tpu.dma_semaphore, #tpu.memory_space<semaphore_mem>>, %arg16: memref<!tpu.dma_semaphore, #tpu.memory_space<semaphore_mem>>, %arg17: memref<!tpu.dma_semaphore, #tpu.memory_space<semaphore_mem>>) attributes {dimension_semantics = [#tpu.dimension_semantics<core_parallel>, #tpu.dimension_semantics<subcore_parallel>], iteration_bounds = array<i64: 2, 16>, scalar_prefetch = 0 : i64, scratch_operands = 11 : i64, tpu.core_type = #tpu.core_type<sc_vector_subcore>, window_params = [{transform_indices = #map}, {transform_indices = #map1}, {transform_indices = #map1}, {transform_indices = #map}, {transform_indices = #map2}]} {
    %mul3A = arith.constant 2 : i32
    %mul3A_0 = arith.muli %arg1, %mul3A : i32
    %add3A = arith.addi %mul3A_0, %arg0 : i32
    %dma_start3A = arith.constant 0 : i32
    %dma_start3A_1 = arith.constant 0 : i32
    %dma_start3A_2 = arith.constant 0 : i32
    %dma_start3A_3 = tpu.memref_slice %arg3[%add3A, %dma_start3A, %dma_start3A_1, %dma_start3A_2] : memref<32x40x2x125xi32, #tpu.memory_space<hbm>> -> memref<1x1x2x125xi32, #tpu.memory_space<hbm>>
    %dma_start3A_4 = tpu.memref_squeeze %dma_start3A_3 : memref<1x1x2x125xi32, #tpu.memory_space<hbm>> -> memref<2x125xi32, #tpu.memory_space<hbm>>
    %dma_start3A_5 = arith.constant 0 : i32
    %dma_start3A_6 = arith.constant 0 : i32
    %dma_start3A_7 = tpu.memref_slice %arg3[%add3A, %dma_start3A, %dma_start3A_5, %dma_start3A_6] : memref<32x40x2x125xi32, #tpu.memory_space<hbm>> -> memref<1x1x2x125xi32, #tpu.memory_space<hbm>>
    %dma_start3A_8 = tpu.memref_squeeze %dma_start3A_7 : memref<1x1x2x125xi32, #tpu.memory_space<hbm>> -> memref<2x125xi32, #tpu.memory_space<hbm>>
    tpu.enqueue_dma source(%dma_start3A_8 : memref<2x125xi32, #tpu.memory_space<hbm>>) target(%arg7 : memref<2x125xi32, #tpu.memory_space<vmem>>) target_semaphore(%arg14 : memref<!tpu.dma_semaphore, #tpu.memory_space<semaphore_mem>>)
    %dma_start3A_9 = arith.constant 0 : i32
    %dma_start3A_10 = arith.constant 0 : i32
    %dma_start3A_11 = arith.constant 0 : i32
    %dma_start3A_12 = tpu.memref_slice %arg4[%add3A, %dma_start3A_9, %dma_start3A_10, %dma_start3A_11] : memref<32x40x2x125xi32, #tpu.memory_space<hbm>> -> memref<1x1x2x125xi32, #tpu.memory_space<hbm>>
    %dma_start3A_13 = tpu.memref_squeeze %dma_start3A_12 : memref<1x1x2x125xi32, #tpu.memory_space<hbm>> -> memref<2x125xi32, #tpu.memory_space<hbm>>
    %dma_start3A_14 = arith.constant 0 : i32
    %dma_start3A_15 = arith.constant 0 : i32
    %dma_start3A_16 = tpu.memref_slice %arg4[%add3A, %dma_start3A_9, %dma_start3A_14, %dma_start3A_15] : memref<32x40x2x125xi32, #tpu.memory_space<hbm>> -> memref<1x1x2x125xi32, #tpu.memory_space<hbm>>
    %dma_start3A_17 = tpu.memref_squeeze %dma_start3A_16 : memref<1x1x2x125xi32, #tpu.memory_space<hbm>> -> memref<2x125xi32, #tpu.memory_space<hbm>>
    tpu.enqueue_dma source(%dma_start3A_17 : memref<2x125xi32, #tpu.memory_space<hbm>>) target(%arg9 : memref<2x125xi32, #tpu.memory_space<vmem>>) target_semaphore(%arg14 : memref<!tpu.dma_semaphore, #tpu.memory_space<semaphore_mem>>)
    %dma_start3A_18 = arith.constant 1 : i32
    %dma_start3A_19 = arith.constant 0 : i32
    %dma_start3A_20 = arith.constant 0 : i32
    %dma_start3A_21 = tpu.memref_slice %arg3[%add3A, %dma_start3A_18, %dma_start3A_19, %dma_start3A_20] : memref<32x40x2x125xi32, #tpu.memory_space<hbm>> -> memref<1x1x2x125xi32, #tpu.memory_space<hbm>>
    %dma_start3A_22 = tpu.memref_squeeze %dma_start3A_21 : memref<1x1x2x125xi32, #tpu.memory_space<hbm>> -> memref<2x125xi32, #tpu.memory_space<hbm>>
    %dma_start3A_23 = arith.constant 0 : i32
    %dma_start3A_24 = arith.constant 0 : i32
    %dma_start3A_25 = tpu.memref_slice %arg3[%add3A, %dma_start3A_18, %dma_start3A_23, %dma_start3A_24] : memref<32x40x2x125xi32, #tpu.memory_space<hbm>> -> memref<1x1x2x125xi32, #tpu.memory_space<hbm>>
    %dma_start3A_26 = tpu.memref_squeeze %dma_start3A_25 : memref<1x1x2x125xi32, #tpu.memory_space<hbm>> -> memref<2x125xi32, #tpu.memory_space<hbm>>
    tpu.enqueue_dma source(%dma_start3A_26 : memref<2x125xi32, #tpu.memory_space<hbm>>) target(%arg8 : memref<2x125xi32, #tpu.memory_space<vmem>>) target_semaphore(%arg15 : memref<!tpu.dma_semaphore, #tpu.memory_space<semaphore_mem>>)
    %dma_start3A_27 = arith.constant 1 : i32
    %dma_start3A_28 = arith.constant 0 : i32
    %dma_start3A_29 = arith.constant 0 : i32
    %dma_start3A_30 = tpu.memref_slice %arg4[%add3A, %dma_start3A_27, %dma_start3A_28, %dma_start3A_29] : memref<32x40x2x125xi32, #tpu.memory_space<hbm>> -> memref<1x1x2x125xi32, #tpu.memory_space<hbm>>
    %dma_start3A_31 = tpu.memref_squeeze %dma_start3A_30 : memref<1x1x2x125xi32, #tpu.memory_space<hbm>> -> memref<2x125xi32, #tpu.memory_space<hbm>>
    %dma_start3A_32 = arith.constant 0 : i32
    %dma_start3A_33 = arith.constant 0 : i32
    %dma_start3A_34 = tpu.memref_slice %arg4[%add3A, %dma_start3A_27, %dma_start3A_32, %dma_start3A_33] : memref<32x40x2x125xi32, #tpu.memory_space<hbm>> -> memref<1x1x2x125xi32, #tpu.memory_space<hbm>>
    %dma_start3A_35 = tpu.memref_squeeze %dma_start3A_34 : memref<1x1x2x125xi32, #tpu.memory_space<hbm>> -> memref<2x125xi32, #tpu.memory_space<hbm>>
    tpu.enqueue_dma source(%dma_start3A_35 : memref<2x125xi32, #tpu.memory_space<hbm>>) target(%arg10 : memref<2x125xi32, #tpu.memory_space<vmem>>) target_semaphore(%arg15 : memref<!tpu.dma_semaphore, #tpu.memory_space<semaphore_mem>>)
    %mul3A_36 = arith.constant 640 : i32
    %mul3A_37 = arith.muli %arg1, %mul3A_36 : i32
    "tpu.region"() ({
      %run_scoped3A = tpu.sem_alloc : memref<!tpu.dma_semaphore, #tpu.memory_space<semaphore_mem>>
      %dma_start3A_72 = arith.constant 0 : i32
      %dma_start3A_73 = tpu.memref_slice %arg13[%mul3A_37, %dma_start3A_72] : memref<10240x128xf32, #tpu.memory_space<vmem_shared>> -> memref<640x128xf32, #tpu.memory_space<vmem_shared>>
      tpu.enqueue_dma source(%arg5 : memref<640x128xf32, #tpu.memory_space<hbm>>) target(%dma_start3A_73 : memref<640x128xf32, #tpu.memory_space<vmem_shared>>) target_semaphore(%run_scoped3A : memref<!tpu.dma_semaphore, #tpu.memory_space<semaphore_mem>>)
      %dma_wait3A_74 = arith.constant 0 : i32
      %dma_wait3A_75 = tpu.memref_slice %arg13[%mul3A_37, %dma_wait3A_74] : memref<10240x128xf32, #tpu.memory_space<vmem_shared>> -> memref<640x128xf32, #tpu.memory_space<vmem_shared>>
      tpu.wait_dma2 semaphore(%run_scoped3A : memref<!tpu.dma_semaphore, #tpu.memory_space<semaphore_mem>>) src(%arg5 : memref<640x128xf32, #tpu.memory_space<hbm>>) dst(%dma_wait3A_75 : memref<640x128xf32, #tpu.memory_space<vmem_shared>>)
      tpu.yield
    }) : () -> ()
    %barrier3A = arith.constant 0 : index
    tpu.barrier barrier_id(%barrier3A)
    %dma_wait3A = arith.constant 0 : i32
    %dma_wait3A_38 = arith.constant 0 : i32
    %dma_wait3A_39 = arith.constant 0 : i32
    %dma_wait3A_40 = tpu.memref_slice %arg3[%add3A, %dma_wait3A, %dma_wait3A_38, %dma_wait3A_39] : memref<32x40x2x125xi32, #tpu.memory_space<hbm>> -> memref<1x1x2x125xi32, #tpu.memory_space<hbm>>
    %dma_wait3A_41 = tpu.memref_squeeze %dma_wait3A_40 : memref<1x1x2x125xi32, #tpu.memory_space<hbm>> -> memref<2x125xi32, #tpu.memory_space<hbm>>
    %dma_wait3A_42 = arith.constant 0 : i32
    %dma_wait3A_43 = arith.constant 0 : i32
    %dma_wait3A_44 = tpu.memref_slice %arg3[%add3A, %dma_wait3A, %dma_wait3A_42, %dma_wait3A_43] : memref<32x40x2x125xi32, #tpu.memory_space<hbm>> -> memref<1x1x2x125xi32, #tpu.memory_space<hbm>>
    %dma_wait3A_45 = tpu.memref_squeeze %dma_wait3A_44 : memref<1x1x2x125xi32, #tpu.memory_space<hbm>> -> memref<2x125xi32, #tpu.memory_space<hbm>>
    tpu.wait_dma2 semaphore(%arg14 : memref<!tpu.dma_semaphore, #tpu.memory_space<semaphore_mem>>) src(%dma_wait3A_45 : memref<2x125xi32, #tpu.memory_space<hbm>>) dst(%arg7 : memref<2x125xi32, #tpu.memory_space<vmem>>)
    %dma_wait3A_46 = arith.constant 0 : i32
    %dma_wait3A_47 = arith.constant 0 : i32
    %dma_wait3A_48 = arith.constant 0 : i32
    %dma_wait3A_49 = tpu.memref_slice %arg4[%add3A, %dma_wait3A_46, %dma_wait3A_47, %dma_wait3A_48] : memref<32x40x2x125xi32, #tpu.memory_space<hbm>> -> memref<1x1x2x125xi32, #tpu.memory_space<hbm>>
    %dma_wait3A_50 = tpu.memref_squeeze %dma_wait3A_49 : memref<1x1x2x125xi32, #tpu.memory_space<hbm>> -> memref<2x125xi32, #tpu.memory_space<hbm>>
    %dma_wait3A_51 = arith.constant 0 : i32
    %dma_wait3A_52 = arith.constant 0 : i32
    %dma_wait3A_53 = tpu.memref_slice %arg4[%add3A, %dma_wait3A_46, %dma_wait3A_51, %dma_wait3A_52] : memref<32x40x2x125xi32, #tpu.memory_space<hbm>> -> memref<1x1x2x125xi32, #tpu.memory_space<hbm>>
    %dma_wait3A_54 = tpu.memref_squeeze %dma_wait3A_53 : memref<1x1x2x125xi32, #tpu.memory_space<hbm>> -> memref<2x125xi32, #tpu.memory_space<hbm>>
    tpu.wait_dma2 semaphore(%arg14 : memref<!tpu.dma_semaphore, #tpu.memory_space<semaphore_mem>>) src(%dma_wait3A_54 : memref<2x125xi32, #tpu.memory_space<hbm>>) dst(%arg9 : memref<2x125xi32, #tpu.memory_space<vmem>>)
    %dma_start3A_55 = arith.constant 0 : i32
    %dma_start3A_56 = arith.constant 0 : i32
    %dma_start3A_57 = tpu.memref_slice %arg7[%dma_start3A_55, %dma_start3A_56] : memref<2x125xi32, #tpu.memory_space<vmem>> -> memref<1x125xi32, #tpu.memory_space<vmem>>
    %dma_start3A_58 = tpu.memref_squeeze %dma_start3A_57 : memref<1x125xi32, #tpu.memory_space<vmem>> -> memref<125xi32, #tpu.memory_space<vmem>>
    %dma_start3A_59 = arith.constant 0 : i32
    %dma_start3A_60 = arith.constant 0 : i32
    %dma_start3A_61 = tpu.memref_slice %arg2[%dma_start3A_59, %dma_start3A_60] : memref<10240x128xf32, #tpu.memory_space<hbm>> -> memref<10240x128xf32, #tpu.memory_space<hbm>>
    tpu.enqueue_indirect_dma source(%dma_start3A_61 : memref<10240x128xf32, #tpu.memory_space<hbm>>) target(%arg11 : memref<125x128xf32, #tpu.memory_space<vmem>>) offsets(%dma_start3A_58 : memref<125xi32, #tpu.memory_space<vmem>>) semaphore(%arg16 : memref<!tpu.dma_semaphore, #tpu.memory_space<semaphore_mem>>)
    %scan3A = arith.constant 0 : i32
    %scan3A_62 = arith.constant 0 : i32
    %scan3A_63 = arith.constant 20 : i32
    %scan3A_64 = arith.addi %scan3A_62, %scan3A_63 : i32
    %scan3A_65 = arith.constant 1 : i32
    scf.for %scan3A_72 = %scan3A_62 to %scan3A_64 step %scan3A_65  : i32 {
      %mul3A_73 = arith.constant 2 : i32
      %mul3A_74 = arith.muli %mul3A_73, %scan3A_72 : i32
      %lt3A = arith.constant 19 : i32
      %lt3A_75 = arith.cmpi slt, %scan3A_72, %lt3A : i32
      %dma_start3A_76 = arith.constant 1 : i32
      %dma_start3A_77 = arith.constant 0 : i32
      %dma_start3A_78 = tpu.memref_slice %arg7[%dma_start3A_76, %dma_start3A_77] : memref<2x125xi32, #tpu.memory_space<vmem>> -> memref<1x125xi32, #tpu.memory_space<vmem>>
      %dma_start3A_79 = tpu.memref_squeeze %dma_start3A_78 : memref<1x125xi32, #tpu.memory_space<vmem>> -> memref<125xi32, #tpu.memory_space<vmem>>
      %dma_start3A_80 = arith.constant 0 : i32
      %dma_start3A_81 = arith.constant 0 : i32
      %dma_start3A_82 = tpu.memref_slice %arg2[%dma_start3A_80, %dma_start3A_81] : memref<10240x128xf32, #tpu.memory_space<hbm>> -> memref<10240x128xf32, #tpu.memory_space<hbm>>
      tpu.enqueue_indirect_dma source(%dma_start3A_82 : memref<10240x128xf32, #tpu.memory_space<hbm>>) target(%arg12 : memref<125x128xf32, #tpu.memory_space<vmem>>) offsets(%dma_start3A_79 : memref<125xi32, #tpu.memory_space<vmem>>) semaphore(%arg17 : memref<!tpu.dma_semaphore, #tpu.memory_space<semaphore_mem>>)
      %dma_wait3A_83 = arith.constant 0 : i32
      %dma_wait3A_84 = arith.constant 0 : i32
      %dma_wait3A_85 = tpu.memref_slice %arg7[%dma_wait3A_83, %dma_wait3A_84] : memref<2x125xi32, #tpu.memory_space<vmem>> -> memref<1x125xi32, #tpu.memory_space<vmem>>
      %dma_wait3A_86 = tpu.memref_squeeze %dma_wait3A_85 : memref<1x125xi32, #tpu.memory_space<vmem>> -> memref<125xi32, #tpu.memory_space<vmem>>
      %dma_wait3A_87 = arith.constant 0 : i32
      %dma_wait3A_88 = arith.constant 0 : i32
      %dma_wait3A_89 = tpu.memref_slice %arg2[%dma_wait3A_87, %dma_wait3A_88] : memref<10240x128xf32, #tpu.memory_space<hbm>> -> memref<10240x128xf32, #tpu.memory_space<hbm>>
      tpu.wait_indirect_dma semaphore(%arg16 : memref<!tpu.dma_semaphore, #tpu.memory_space<semaphore_mem>>) src(%dma_wait3A_89 : memref<10240x128xf32, #tpu.memory_space<hbm>>) dst(%arg11 : memref<125x128xf32, #tpu.memory_space<vmem>>)
      %run_scoped3A = arith.constant 0 : i32
      "tpu.region"() ({
        %run_scoped3A_153 = tpu.sem_alloc : memref<!tpu.dma_semaphore, #tpu.memory_space<semaphore_mem>>
        %dma_start3A_154 = arith.constant 0 : i32
        %dma_start3A_155 = tpu.memref_slice %arg9[%run_scoped3A, %dma_start3A_154] : memref<2x125xi32, #tpu.memory_space<vmem>> -> memref<1x125xi32, #tpu.memory_space<vmem>>
        %dma_start3A_156 = tpu.memref_squeeze %dma_start3A_155 : memref<1x125xi32, #tpu.memory_space<vmem>> -> memref<125xi32, #tpu.memory_space<vmem>>
        %dma_start3A_157 = arith.constant 0 : i32
        %dma_start3A_158 = arith.constant 0 : i32
        %dma_start3A_159 = tpu.memref_slice %arg13[%dma_start3A_157, %dma_start3A_158] : memref<10240x128xf32, #tpu.memory_space<vmem_shared>> -> memref<10240x128xf32, #tpu.memory_space<vmem_shared>>
        tpu.enqueue_indirect_dma source(%arg11 : memref<125x128xf32, #tpu.memory_space<vmem>>) target(%dma_start3A_159 : memref<10240x128xf32, #tpu.memory_space<vmem_shared>>) offsets(%dma_start3A_156 : memref<125xi32, #tpu.memory_space<vmem>>) semaphore(%run_scoped3A_153 : memref<!tpu.dma_semaphore, #tpu.memory_space<semaphore_mem>>) {add = true}
        %dma_wait3A_160 = arith.constant 0 : i32
        %dma_wait3A_161 = tpu.memref_slice %arg9[%run_scoped3A, %dma_wait3A_160] : memref<2x125xi32, #tpu.memory_space<vmem>> -> memref<1x125xi32, #tpu.memory_space<vmem>>
        %dma_wait3A_162 = tpu.memref_squeeze %dma_wait3A_161 : memref<1x125xi32, #tpu.memory_space<vmem>> -> memref<125xi32, #tpu.memory_space<vmem>>
        %dma_wait3A_163 = arith.constant 0 : i32
        %dma_wait3A_164 = arith.constant 0 : i32
        %dma_wait3A_165 = tpu.memref_slice %arg13[%dma_wait3A_163, %dma_wait3A_164] : memref<10240x128xf32, #tpu.memory_space<vmem_shared>> -> memref<10240x128xf32, #tpu.memory_space<vmem_shared>>
        tpu.wait_indirect_dma semaphore(%run_scoped3A_153 : memref<!tpu.dma_semaphore, #tpu.memory_space<semaphore_mem>>) src(%arg11 : memref<125x128xf32, #tpu.memory_space<vmem>>) dst(%dma_wait3A_165 : memref<10240x128xf32, #tpu.memory_space<vmem_shared>>)
        tpu.yield
      }) : () -> ()
      %add3A_90 = arith.constant 1 : i32
      %add3A_91 = arith.addi %mul3A_74, %add3A_90 : i32
      %dma_wait3A_92 = arith.constant 0 : i32
      %dma_wait3A_93 = arith.constant 0 : i32
      %dma_wait3A_94 = tpu.memref_slice %arg3[%add3A, %add3A_91, %dma_wait3A_92, %dma_wait3A_93] : memref<32x40x2x125xi32, #tpu.memory_space<hbm>> -> memref<1x1x2x125xi32, #tpu.memory_space<hbm>>
      %dma_wait3A_95 = tpu.memref_squeeze %dma_wait3A_94 : memref<1x1x2x125xi32, #tpu.memory_space<hbm>> -> memref<2x125xi32, #tpu.memory_space<hbm>>
      %dma_wait3A_96 = arith.constant 0 : i32
      %dma_wait3A_97 = arith.constant 0 : i32
      %dma_wait3A_98 = tpu.memref_slice %arg3[%add3A, %add3A_91, %dma_wait3A_96, %dma_wait3A_97] : memref<32x40x2x125xi32, #tpu.memory_space<hbm>> -> memref<1x1x2x125xi32, #tpu.memory_space<hbm>>
      %dma_wait3A_99 = tpu.memref_squeeze %dma_wait3A_98 : memref<1x1x2x125xi32, #tpu.memory_space<hbm>> -> memref<2x125xi32, #tpu.memory_space<hbm>>
      tpu.wait_dma2 semaphore(%arg15 : memref<!tpu.dma_semaphore, #tpu.memory_space<semaphore_mem>>) src(%dma_wait3A_99 : memref<2x125xi32, #tpu.memory_space<hbm>>) dst(%arg8 : memref<2x125xi32, #tpu.memory_space<vmem>>)
      %dma_wait3A_100 = arith.constant 0 : i32
      %dma_wait3A_101 = arith.constant 0 : i32
      %dma_wait3A_102 = tpu.memref_slice %arg4[%add3A, %add3A_91, %dma_wait3A_100, %dma_wait3A_101] : memref<32x40x2x125xi32, #tpu.memory_space<hbm>> -> memref<1x1x2x125xi32, #tpu.memory_space<hbm>>
      %dma_wait3A_103 = tpu.memref_squeeze %dma_wait3A_102 : memref<1x1x2x125xi32, #tpu.memory_space<hbm>> -> memref<2x125xi32, #tpu.memory_space<hbm>>
      %dma_wait3A_104 = arith.constant 0 : i32
      %dma_wait3A_105 = arith.constant 0 : i32
      %dma_wait3A_106 = tpu.memref_slice %arg4[%add3A, %add3A_91, %dma_wait3A_104, %dma_wait3A_105] : memref<32x40x2x125xi32, #tpu.memory_space<hbm>> -> memref<1x1x2x125xi32, #tpu.memory_space<hbm>>
      %dma_wait3A_107 = tpu.memref_squeeze %dma_wait3A_106 : memref<1x1x2x125xi32, #tpu.memory_space<hbm>> -> memref<2x125xi32, #tpu.memory_space<hbm>>
      tpu.wait_dma2 semaphore(%arg15 : memref<!tpu.dma_semaphore, #tpu.memory_space<semaphore_mem>>) src(%dma_wait3A_107 : memref<2x125xi32, #tpu.memory_space<hbm>>) dst(%arg10 : memref<2x125xi32, #tpu.memory_space<vmem>>)
      %dma_start3A_108 = arith.constant 0 : i32
      %dma_start3A_109 = arith.constant 0 : i32
      %dma_start3A_110 = tpu.memref_slice %arg8[%dma_start3A_108, %dma_start3A_109] : memref<2x125xi32, #tpu.memory_space<vmem>> -> memref<1x125xi32, #tpu.memory_space<vmem>>
      %dma_start3A_111 = tpu.memref_squeeze %dma_start3A_110 : memref<1x125xi32, #tpu.memory_space<vmem>> -> memref<125xi32, #tpu.memory_space<vmem>>
      %dma_start3A_112 = arith.constant 0 : i32
      %dma_start3A_113 = arith.constant 0 : i32
      %dma_start3A_114 = tpu.memref_slice %arg2[%dma_start3A_112, %dma_start3A_113] : memref<10240x128xf32, #tpu.memory_space<hbm>> -> memref<10240x128xf32, #tpu.memory_space<hbm>>
      tpu.enqueue_indirect_dma source(%dma_start3A_114 : memref<10240x128xf32, #tpu.memory_space<hbm>>) target(%arg11 : memref<125x128xf32, #tpu.memory_space<vmem>>) offsets(%dma_start3A_111 : memref<125xi32, #tpu.memory_space<vmem>>) semaphore(%arg16 : memref<!tpu.dma_semaphore, #tpu.memory_space<semaphore_mem>>)
      %dma_wait3A_115 = arith.constant 1 : i32
      %dma_wait3A_116 = arith.constant 0 : i32
      %dma_wait3A_117 = tpu.memref_slice %arg7[%dma_wait3A_115, %dma_wait3A_116] : memref<2x125xi32, #tpu.memory_space<vmem>> -> memref<1x125xi32, #tpu.memory_space<vmem>>
      %dma_wait3A_118 = tpu.memref_squeeze %dma_wait3A_117 : memref<1x125xi32, #tpu.memory_space<vmem>> -> memref<125xi32, #tpu.memory_space<vmem>>
      %dma_wait3A_119 = arith.constant 0 : i32
      %dma_wait3A_120 = arith.constant 0 : i32
      %dma_wait3A_121 = tpu.memref_slice %arg2[%dma_wait3A_119, %dma_wait3A_120] : memref<10240x128xf32, #tpu.memory_space<hbm>> -> memref<10240x128xf32, #tpu.memory_space<hbm>>
      tpu.wait_indirect_dma semaphore(%arg17 : memref<!tpu.dma_semaphore, #tpu.memory_space<semaphore_mem>>) src(%dma_wait3A_121 : memref<10240x128xf32, #tpu.memory_space<hbm>>) dst(%arg12 : memref<125x128xf32, #tpu.memory_space<vmem>>)
      %run_scoped3A_122 = arith.constant 1 : i32
      "tpu.region"() ({
        %run_scoped3A_153 = tpu.sem_alloc : memref<!tpu.dma_semaphore, #tpu.memory_space<semaphore_mem>>
        %dma_start3A_154 = arith.constant 0 : i32
        %dma_start3A_155 = tpu.memref_slice %arg9[%run_scoped3A_122, %dma_start3A_154] : memref<2x125xi32, #tpu.memory_space<vmem>> -> memref<1x125xi32, #tpu.memory_space<vmem>>
        %dma_start3A_156 = tpu.memref_squeeze %dma_start3A_155 : memref<1x125xi32, #tpu.memory_space<vmem>> -> memref<125xi32, #tpu.memory_space<vmem>>
        %dma_start3A_157 = arith.constant 0 : i32
        %dma_start3A_158 = arith.constant 0 : i32
        %dma_start3A_159 = tpu.memref_slice %arg13[%dma_start3A_157, %dma_start3A_158] : memref<10240x128xf32, #tpu.memory_space<vmem_shared>> -> memref<10240x128xf32, #tpu.memory_space<vmem_shared>>
        tpu.enqueue_indirect_dma source(%arg12 : memref<125x128xf32, #tpu.memory_space<vmem>>) target(%dma_start3A_159 : memref<10240x128xf32, #tpu.memory_space<vmem_shared>>) offsets(%dma_start3A_156 : memref<125xi32, #tpu.memory_space<vmem>>) semaphore(%run_scoped3A_153 : memref<!tpu.dma_semaphore, #tpu.memory_space<semaphore_mem>>) {add = true}
        %dma_wait3A_160 = arith.constant 0 : i32
        %dma_wait3A_161 = tpu.memref_slice %arg9[%run_scoped3A_122, %dma_wait3A_160] : memref<2x125xi32, #tpu.memory_space<vmem>> -> memref<1x125xi32, #tpu.memory_space<vmem>>
        %dma_wait3A_162 = tpu.memref_squeeze %dma_wait3A_161 : memref<1x125xi32, #tpu.memory_space<vmem>> -> memref<125xi32, #tpu.memory_space<vmem>>
        %dma_wait3A_163 = arith.constant 0 : i32
        %dma_wait3A_164 = arith.constant 0 : i32
        %dma_wait3A_165 = tpu.memref_slice %arg13[%dma_wait3A_163, %dma_wait3A_164] : memref<10240x128xf32, #tpu.memory_space<vmem_shared>> -> memref<10240x128xf32, #tpu.memory_space<vmem_shared>>
        tpu.wait_indirect_dma semaphore(%run_scoped3A_153 : memref<!tpu.dma_semaphore, #tpu.memory_space<semaphore_mem>>) src(%arg12 : memref<125x128xf32, #tpu.memory_space<vmem>>) dst(%dma_wait3A_165 : memref<10240x128xf32, #tpu.memory_space<vmem_shared>>)
        tpu.yield
      }) : () -> ()
      %convert_element_type3A = arith.extui %lt3A_75 : i1 to i32
      %cond3A = arith.constant 0 : i32
      %cond3A_123 = arith.cmpi ne, %convert_element_type3A, %cond3A : i32
      scf.if %cond3A_123 {
        %add3A_153 = arith.constant 2 : i32
        %add3A_154 = arith.addi %mul3A_74, %add3A_153 : i32
        %dma_start3A_155 = arith.constant 0 : i32
        %dma_start3A_156 = arith.constant 0 : i32
        %dma_start3A_157 = tpu.memref_slice %arg3[%add3A, %add3A_154, %dma_start3A_155, %dma_start3A_156] : memref<32x40x2x125xi32, #tpu.memory_space<hbm>> -> memref<1x1x2x125xi32, #tpu.memory_space<hbm>>
        %dma_start3A_158 = tpu.memref_squeeze %dma_start3A_157 : memref<1x1x2x125xi32, #tpu.memory_space<hbm>> -> memref<2x125xi32, #tpu.memory_space<hbm>>
        %dma_start3A_159 = arith.constant 0 : i32
        %dma_start3A_160 = arith.constant 0 : i32
        %dma_start3A_161 = tpu.memref_slice %arg3[%add3A, %add3A_154, %dma_start3A_159, %dma_start3A_160] : memref<32x40x2x125xi32, #tpu.memory_space<hbm>> -> memref<1x1x2x125xi32, #tpu.memory_space<hbm>>
        %dma_start3A_162 = tpu.memref_squeeze %dma_start3A_161 : memref<1x1x2x125xi32, #tpu.memory_space<hbm>> -> memref<2x125xi32, #tpu.memory_space<hbm>>
        tpu.enqueue_dma source(%dma_start3A_162 : memref<2x125xi32, #tpu.memory_space<hbm>>) target(%arg7 : memref<2x125xi32, #tpu.memory_space<vmem>>) target_semaphore(%arg14 : memref<!tpu.dma_semaphore, #tpu.memory_space<semaphore_mem>>)
        %dma_start3A_163 = arith.constant 0 : i32
        %dma_start3A_164 = arith.constant 0 : i32
        %dma_start3A_165 = tpu.memref_slice %arg4[%add3A, %add3A_154, %dma_start3A_163, %dma_start3A_164] : memref<32x40x2x125xi32, #tpu.memory_space<hbm>> -> memref<1x1x2x125xi32, #tpu.memory_space<hbm>>
        %dma_start3A_166 = tpu.memref_squeeze %dma_start3A_165 : memref<1x1x2x125xi32, #tpu.memory_space<hbm>> -> memref<2x125xi32, #tpu.memory_space<hbm>>
        %dma_start3A_167 = arith.constant 0 : i32
        %dma_start3A_168 = arith.constant 0 : i32
        %dma_start3A_169 = tpu.memref_slice %arg4[%add3A, %add3A_154, %dma_start3A_167, %dma_start3A_168] : memref<32x40x2x125xi32, #tpu.memory_space<hbm>> -> memref<1x1x2x125xi32, #tpu.memory_space<hbm>>
        %dma_start3A_170 = tpu.memref_squeeze %dma_start3A_169 : memref<1x1x2x125xi32, #tpu.memory_space<hbm>> -> memref<2x125xi32, #tpu.memory_space<hbm>>
        tpu.enqueue_dma source(%dma_start3A_170 : memref<2x125xi32, #tpu.memory_space<hbm>>) target(%arg9 : memref<2x125xi32, #tpu.memory_space<vmem>>) target_semaphore(%arg14 : memref<!tpu.dma_semaphore, #tpu.memory_space<semaphore_mem>>)
      } else {
      }
      %dma_start3A_124 = arith.constant 1 : i32
      %dma_start3A_125 = arith.constant 0 : i32
      %dma_start3A_126 = tpu.memref_slice %arg8[%dma_start3A_124, %dma_start3A_125] : memref<2x125xi32, #tpu.memory_space<vmem>> -> memref<1x125xi32, #tpu.memory_space<vmem>>
      %dma_start3A_127 = tpu.memref_squeeze %dma_start3A_126 : memref<1x125xi32, #tpu.memory_space<vmem>> -> memref<125xi32, #tpu.memory_space<vmem>>
      %dma_start3A_128 = arith.constant 0 : i32
      %dma_start3A_129 = arith.constant 0 : i32
      %dma_start3A_130 = tpu.memref_slice %arg2[%dma_start3A_128, %dma_start3A_129] : memref<10240x128xf32, #tpu.memory_space<hbm>> -> memref<10240x128xf32, #tpu.memory_space<hbm>>
      tpu.enqueue_indirect_dma source(%dma_start3A_130 : memref<10240x128xf32, #tpu.memory_space<hbm>>) target(%arg12 : memref<125x128xf32, #tpu.memory_space<vmem>>) offsets(%dma_start3A_127 : memref<125xi32, #tpu.memory_space<vmem>>) semaphore(%arg17 : memref<!tpu.dma_semaphore, #tpu.memory_space<semaphore_mem>>)
      %dma_wait3A_131 = arith.constant 0 : i32
      %dma_wait3A_132 = arith.constant 0 : i32
      %dma_wait3A_133 = tpu.memref_slice %arg8[%dma_wait3A_131, %dma_wait3A_132] : memref<2x125xi32, #tpu.memory_space<vmem>> -> memref<1x125xi32, #tpu.memory_space<vmem>>
      %dma_wait3A_134 = tpu.memref_squeeze %dma_wait3A_133 : memref<1x125xi32, #tpu.memory_space<vmem>> -> memref<125xi32, #tpu.memory_space<vmem>>
      %dma_wait3A_135 = arith.constant 0 : i32
      %dma_wait3A_136 = arith.constant 0 : i32
      %dma_wait3A_137 = tpu.memref_slice %arg2[%dma_wait3A_135, %dma_wait3A_136] : memref<10240x128xf32, #tpu.memory_space<hbm>> -> memref<10240x128xf32, #tpu.memory_space<hbm>>
      tpu.wait_indirect_dma semaphore(%arg16 : memref<!tpu.dma_semaphore, #tpu.memory_space<semaphore_mem>>) src(%dma_wait3A_137 : memref<10240x128xf32, #tpu.memory_space<hbm>>) dst(%arg11 : memref<125x128xf32, #tpu.memory_space<vmem>>)
      %run_scoped3A_138 = arith.constant 0 : i32
      "tpu.region"() ({
        %run_scoped3A_153 = tpu.sem_alloc : memref<!tpu.dma_semaphore, #tpu.memory_space<semaphore_mem>>
        %dma_start3A_154 = arith.constant 0 : i32
        %dma_start3A_155 = tpu.memref_slice %arg10[%run_scoped3A_138, %dma_start3A_154] : memref<2x125xi32, #tpu.memory_space<vmem>> -> memref<1x125xi32, #tpu.memory_space<vmem>>
        %dma_start3A_156 = tpu.memref_squeeze %dma_start3A_155 : memref<1x125xi32, #tpu.memory_space<vmem>> -> memref<125xi32, #tpu.memory_space<vmem>>
        %dma_start3A_157 = arith.constant 0 : i32
        %dma_start3A_158 = arith.constant 0 : i32
        %dma_start3A_159 = tpu.memref_slice %arg13[%dma_start3A_157, %dma_start3A_158] : memref<10240x128xf32, #tpu.memory_space<vmem_shared>> -> memref<10240x128xf32, #tpu.memory_space<vmem_shared>>
        tpu.enqueue_indirect_dma source(%arg11 : memref<125x128xf32, #tpu.memory_space<vmem>>) target(%dma_start3A_159 : memref<10240x128xf32, #tpu.memory_space<vmem_shared>>) offsets(%dma_start3A_156 : memref<125xi32, #tpu.memory_space<vmem>>) semaphore(%run_scoped3A_153 : memref<!tpu.dma_semaphore, #tpu.memory_space<semaphore_mem>>) {add = true}
        %dma_wait3A_160 = arith.constant 0 : i32
        %dma_wait3A_161 = tpu.memref_slice %arg10[%run_scoped3A_138, %dma_wait3A_160] : memref<2x125xi32, #tpu.memory_space<vmem>> -> memref<1x125xi32, #tpu.memory_space<vmem>>
        %dma_wait3A_162 = tpu.memref_squeeze %dma_wait3A_161 : memref<1x125xi32, #tpu.memory_space<vmem>> -> memref<125xi32, #tpu.memory_space<vmem>>
        %dma_wait3A_163 = arith.constant 0 : i32
        %dma_wait3A_164 = arith.constant 0 : i32
        %dma_wait3A_165 = tpu.memref_slice %arg13[%dma_wait3A_163, %dma_wait3A_164] : memref<10240x128xf32, #tpu.memory_space<vmem_shared>> -> memref<10240x128xf32, #tpu.memory_space<vmem_shared>>
        tpu.wait_indirect_dma semaphore(%run_scoped3A_153 : memref<!tpu.dma_semaphore, #tpu.memory_space<semaphore_mem>>) src(%arg11 : memref<125x128xf32, #tpu.memory_space<vmem>>) dst(%dma_wait3A_165 : memref<10240x128xf32, #tpu.memory_space<vmem_shared>>)
        tpu.yield
      }) : () -> ()
      %convert_element_type3A_139 = arith.extui %lt3A_75 : i1 to i32
      %cond3A_140 = arith.constant 0 : i32
      %cond3A_141 = arith.cmpi ne, %convert_element_type3A_139, %cond3A_140 : i32
      scf.if %cond3A_141 {
        %add3A_153 = arith.constant 2 : i32
        %add3A_154 = arith.addi %mul3A_74, %add3A_153 : i32
        %dma_wait3A_155 = arith.constant 0 : i32
        %dma_wait3A_156 = arith.constant 0 : i32
        %dma_wait3A_157 = tpu.memref_slice %arg3[%add3A, %add3A_154, %dma_wait3A_155, %dma_wait3A_156] : memref<32x40x2x125xi32, #tpu.memory_space<hbm>> -> memref<1x1x2x125xi32, #tpu.memory_space<hbm>>
        %dma_wait3A_158 = tpu.memref_squeeze %dma_wait3A_157 : memref<1x1x2x125xi32, #tpu.memory_space<hbm>> -> memref<2x125xi32, #tpu.memory_space<hbm>>
        %dma_wait3A_159 = arith.constant 0 : i32
        %dma_wait3A_160 = arith.constant 0 : i32
        %dma_wait3A_161 = tpu.memref_slice %arg3[%add3A, %add3A_154, %dma_wait3A_159, %dma_wait3A_160] : memref<32x40x2x125xi32, #tpu.memory_space<hbm>> -> memref<1x1x2x125xi32, #tpu.memory_space<hbm>>
        %dma_wait3A_162 = tpu.memref_squeeze %dma_wait3A_161 : memref<1x1x2x125xi32, #tpu.memory_space<hbm>> -> memref<2x125xi32, #tpu.memory_space<hbm>>
        tpu.wait_dma2 semaphore(%arg14 : memref<!tpu.dma_semaphore, #tpu.memory_space<semaphore_mem>>) src(%dma_wait3A_162 : memref<2x125xi32, #tpu.memory_space<hbm>>) dst(%arg7 : memref<2x125xi32, #tpu.memory_space<vmem>>)
        %dma_wait3A_163 = arith.constant 0 : i32
        %dma_wait3A_164 = arith.constant 0 : i32
        %dma_wait3A_165 = tpu.memref_slice %arg4[%add3A, %add3A_154, %dma_wait3A_163, %dma_wait3A_164] : memref<32x40x2x125xi32, #tpu.memory_space<hbm>> -> memref<1x1x2x125xi32, #tpu.memory_space<hbm>>
        %dma_wait3A_166 = tpu.memref_squeeze %dma_wait3A_165 : memref<1x1x2x125xi32, #tpu.memory_space<hbm>> -> memref<2x125xi32, #tpu.memory_space<hbm>>
        %dma_wait3A_167 = arith.constant 0 : i32
        %dma_wait3A_168 = arith.constant 0 : i32
        %dma_wait3A_169 = tpu.memref_slice %arg4[%add3A, %add3A_154, %dma_wait3A_167, %dma_wait3A_168] : memref<32x40x2x125xi32, #tpu.memory_space<hbm>> -> memref<1x1x2x125xi32, #tpu.memory_space<hbm>>
        %dma_wait3A_170 = tpu.memref_squeeze %dma_wait3A_169 : memref<1x1x2x125xi32, #tpu.memory_space<hbm>> -> memref<2x125xi32, #tpu.memory_space<hbm>>
        tpu.wait_dma2 semaphore(%arg14 : memref<!tpu.dma_semaphore, #tpu.memory_space<semaphore_mem>>) src(%dma_wait3A_170 : memref<2x125xi32, #tpu.memory_space<hbm>>) dst(%arg9 : memref<2x125xi32, #tpu.memory_space<vmem>>)
        %dma_start3A_171 = arith.constant 0 : i32
        %dma_start3A_172 = arith.constant 0 : i32
        %dma_start3A_173 = tpu.memref_slice %arg7[%dma_start3A_171, %dma_start3A_172] : memref<2x125xi32, #tpu.memory_space<vmem>> -> memref<1x125xi32, #tpu.memory_space<vmem>>
        %dma_start3A_174 = tpu.memref_squeeze %dma_start3A_173 : memref<1x125xi32, #tpu.memory_space<vmem>> -> memref<125xi32, #tpu.memory_space<vmem>>
        %dma_start3A_175 = arith.constant 0 : i32
        %dma_start3A_176 = arith.constant 0 : i32
        %dma_start3A_177 = tpu.memref_slice %arg2[%dma_start3A_175, %dma_start3A_176] : memref<10240x128xf32, #tpu.memory_space<hbm>> -> memref<10240x128xf32, #tpu.memory_space<hbm>>
        tpu.enqueue_indirect_dma source(%dma_start3A_177 : memref<10240x128xf32, #tpu.memory_space<hbm>>) target(%arg11 : memref<125x128xf32, #tpu.memory_space<vmem>>) offsets(%dma_start3A_174 : memref<125xi32, #tpu.memory_space<vmem>>) semaphore(%arg16 : memref<!tpu.dma_semaphore, #tpu.memory_space<semaphore_mem>>)
      } else {
      }
      %dma_wait3A_142 = arith.constant 1 : i32
      %dma_wait3A_143 = arith.constant 0 : i32
      %dma_wait3A_144 = tpu.memref_slice %arg8[%dma_wait3A_142, %dma_wait3A_143] : memref<2x125xi32, #tpu.memory_space<vmem>> -> memref<1x125xi32, #tpu.memory_space<vmem>>
      %dma_wait3A_145 = tpu.memref_squeeze %dma_wait3A_144 : memref<1x125xi32, #tpu.memory_space<vmem>> -> memref<125xi32, #tpu.memory_space<vmem>>
      %dma_wait3A_146 = arith.constant 0 : i32
      %dma_wait3A_147 = arith.constant 0 : i32
      %dma_wait3A_148 = tpu.memref_slice %arg2[%dma_wait3A_146, %dma_wait3A_147] : memref<10240x128xf32, #tpu.memory_space<hbm>> -> memref<10240x128xf32, #tpu.memory_space<hbm>>
      tpu.wait_indirect_dma semaphore(%arg17 : memref<!tpu.dma_semaphore, #tpu.memory_space<semaphore_mem>>) src(%dma_wait3A_148 : memref<10240x128xf32, #tpu.memory_space<hbm>>) dst(%arg12 : memref<125x128xf32, #tpu.memory_space<vmem>>)
      %run_scoped3A_149 = arith.constant 1 : i32
      "tpu.region"() ({
        %run_scoped3A_153 = tpu.sem_alloc : memref<!tpu.dma_semaphore, #tpu.memory_space<semaphore_mem>>
        %dma_start3A_154 = arith.constant 0 : i32
        %dma_start3A_155 = tpu.memref_slice %arg10[%run_scoped3A_149, %dma_start3A_154] : memref<2x125xi32, #tpu.memory_space<vmem>> -> memref<1x125xi32, #tpu.memory_space<vmem>>
        %dma_start3A_156 = tpu.memref_squeeze %dma_start3A_155 : memref<1x125xi32, #tpu.memory_space<vmem>> -> memref<125xi32, #tpu.memory_space<vmem>>
        %dma_start3A_157 = arith.constant 0 : i32
        %dma_start3A_158 = arith.constant 0 : i32
        %dma_start3A_159 = tpu.memref_slice %arg13[%dma_start3A_157, %dma_start3A_158] : memref<10240x128xf32, #tpu.memory_space<vmem_shared>> -> memref<10240x128xf32, #tpu.memory_space<vmem_shared>>
        tpu.enqueue_indirect_dma source(%arg12 : memref<125x128xf32, #tpu.memory_space<vmem>>) target(%dma_start3A_159 : memref<10240x128xf32, #tpu.memory_space<vmem_shared>>) offsets(%dma_start3A_156 : memref<125xi32, #tpu.memory_space<vmem>>) semaphore(%run_scoped3A_153 : memref<!tpu.dma_semaphore, #tpu.memory_space<semaphore_mem>>) {add = true}
        %dma_wait3A_160 = arith.constant 0 : i32
        %dma_wait3A_161 = tpu.memref_slice %arg10[%run_scoped3A_149, %dma_wait3A_160] : memref<2x125xi32, #tpu.memory_space<vmem>> -> memref<1x125xi32, #tpu.memory_space<vmem>>
        %dma_wait3A_162 = tpu.memref_squeeze %dma_wait3A_161 : memref<1x125xi32, #tpu.memory_space<vmem>> -> memref<125xi32, #tpu.memory_space<vmem>>
        %dma_wait3A_163 = arith.constant 0 : i32
        %dma_wait3A_164 = arith.constant 0 : i32
        %dma_wait3A_165 = tpu.memref_slice %arg13[%dma_wait3A_163, %dma_wait3A_164] : memref<10240x128xf32, #tpu.memory_space<vmem_shared>> -> memref<10240x128xf32, #tpu.memory_space<vmem_shared>>
        tpu.wait_indirect_dma semaphore(%run_scoped3A_153 : memref<!tpu.dma_semaphore, #tpu.memory_space<semaphore_mem>>) src(%arg12 : memref<125x128xf32, #tpu.memory_space<vmem>>) dst(%dma_wait3A_165 : memref<10240x128xf32, #tpu.memory_space<vmem_shared>>)
        tpu.yield
      }) : () -> ()
      %convert_element_type3A_150 = arith.extui %lt3A_75 : i1 to i32
      %cond3A_151 = arith.constant 0 : i32
      %cond3A_152 = arith.cmpi ne, %convert_element_type3A_150, %cond3A_151 : i32
      scf.if %cond3A_152 {
        %add3A_153 = arith.constant 3 : i32
        %add3A_154 = arith.addi %mul3A_74, %add3A_153 : i32
        %dma_start3A_155 = arith.constant 0 : i32
        %dma_start3A_156 = arith.constant 0 : i32
        %dma_start3A_157 = tpu.memref_slice %arg3[%add3A, %add3A_154, %dma_start3A_155, %dma_start3A_156] : memref<32x40x2x125xi32, #tpu.memory_space<hbm>> -> memref<1x1x2x125xi32, #tpu.memory_space<hbm>>
        %dma_start3A_158 = tpu.memref_squeeze %dma_start3A_157 : memref<1x1x2x125xi32, #tpu.memory_space<hbm>> -> memref<2x125xi32, #tpu.memory_space<hbm>>
        %dma_start3A_159 = arith.constant 0 : i32
        %dma_start3A_160 = arith.constant 0 : i32
        %dma_start3A_161 = tpu.memref_slice %arg3[%add3A, %add3A_154, %dma_start3A_159, %dma_start3A_160] : memref<32x40x2x125xi32, #tpu.memory_space<hbm>> -> memref<1x1x2x125xi32, #tpu.memory_space<hbm>>
        %dma_start3A_162 = tpu.memref_squeeze %dma_start3A_161 : memref<1x1x2x125xi32, #tpu.memory_space<hbm>> -> memref<2x125xi32, #tpu.memory_space<hbm>>
        tpu.enqueue_dma source(%dma_start3A_162 : memref<2x125xi32, #tpu.memory_space<hbm>>) target(%arg8 : memref<2x125xi32, #tpu.memory_space<vmem>>) target_semaphore(%arg15 : memref<!tpu.dma_semaphore, #tpu.memory_space<semaphore_mem>>)
        %dma_start3A_163 = arith.constant 0 : i32
        %dma_start3A_164 = arith.constant 0 : i32
        %dma_start3A_165 = tpu.memref_slice %arg4[%add3A, %add3A_154, %dma_start3A_163, %dma_start3A_164] : memref<32x40x2x125xi32, #tpu.memory_space<hbm>> -> memref<1x1x2x125xi32, #tpu.memory_space<hbm>>
        %dma_start3A_166 = tpu.memref_squeeze %dma_start3A_165 : memref<1x1x2x125xi32, #tpu.memory_space<hbm>> -> memref<2x125xi32, #tpu.memory_space<hbm>>
        %dma_start3A_167 = arith.constant 0 : i32
        %dma_start3A_168 = arith.constant 0 : i32
        %dma_start3A_169 = tpu.memref_slice %arg4[%add3A, %add3A_154, %dma_start3A_167, %dma_start3A_168] : memref<32x40x2x125xi32, #tpu.memory_space<hbm>> -> memref<1x1x2x125xi32, #tpu.memory_space<hbm>>
        %dma_start3A_170 = tpu.memref_squeeze %dma_start3A_169 : memref<1x1x2x125xi32, #tpu.memory_space<hbm>> -> memref<2x125xi32, #tpu.memory_space<hbm>>
        tpu.enqueue_dma source(%dma_start3A_170 : memref<2x125xi32, #tpu.memory_space<hbm>>) target(%arg10 : memref<2x125xi32, #tpu.memory_space<vmem>>) target_semaphore(%arg15 : memref<!tpu.dma_semaphore, #tpu.memory_space<semaphore_mem>>)
      } else {
      }
    }
    %scan3A_66 = arith.constant 20 : i32
    %barrier3A_67 = arith.constant 0 : index
    tpu.barrier barrier_id(%barrier3A_67)
    %mul3A_68 = arith.constant 640 : i32
    %mul3A_69 = arith.muli %arg1, %mul3A_68 : i32
    %mul3A_70 = arith.constant 640 : i32
    %mul3A_71 = arith.muli %arg1, %mul3A_70 : i32
    "tpu.region"() ({
      %run_scoped3A = tpu.sem_alloc : memref<!tpu.dma_semaphore, #tpu.memory_space<semaphore_mem>>
      %dma_start3A_72 = arith.constant 0 : i32
      %dma_start3A_73 = tpu.memref_slice %arg6[%arg0, %mul3A_71, %dma_start3A_72] : memref<2x10240x128xf32, #tpu.memory_space<hbm>> -> memref<1x640x128xf32, #tpu.memory_space<hbm>>
      %dma_start3A_74 = tpu.memref_squeeze %dma_start3A_73 : memref<1x640x128xf32, #tpu.memory_space<hbm>> -> memref<640x128xf32, #tpu.memory_space<hbm>>
      %dma_start3A_75 = arith.constant 0 : i32
      %dma_start3A_76 = tpu.memref_slice %arg13[%mul3A_69, %dma_start3A_75] : memref<10240x128xf32, #tpu.memory_space<vmem_shared>> -> memref<640x128xf32, #tpu.memory_space<vmem_shared>>
      tpu.enqueue_dma source(%dma_start3A_76 : memref<640x128xf32, #tpu.memory_space<vmem_shared>>) target(%dma_start3A_74 : memref<640x128xf32, #tpu.memory_space<hbm>>) target_semaphore(%run_scoped3A : memref<!tpu.dma_semaphore, #tpu.memory_space<semaphore_mem>>)
      %dma_wait3A_77 = arith.constant 0 : i32
      %dma_wait3A_78 = tpu.memref_slice %arg6[%arg0, %mul3A_71, %dma_wait3A_77] : memref<2x10240x128xf32, #tpu.memory_space<hbm>> -> memref<1x640x128xf32, #tpu.memory_space<hbm>>
      %dma_wait3A_79 = tpu.memref_squeeze %dma_wait3A_78 : memref<1x640x128xf32, #tpu.memory_space<hbm>> -> memref<640x128xf32, #tpu.memory_space<hbm>>
      %dma_wait3A_80 = arith.constant 0 : i32
      %dma_wait3A_81 = tpu.memref_slice %arg13[%mul3A_69, %dma_wait3A_80] : memref<10240x128xf32, #tpu.memory_space<vmem_shared>> -> memref<640x128xf32, #tpu.memory_space<vmem_shared>>
      tpu.wait_dma2 semaphore(%run_scoped3A : memref<!tpu.dma_semaphore, #tpu.memory_space<semaphore_mem>>) src(%dma_wait3A_81 : memref<640x128xf32, #tpu.memory_space<vmem_shared>>) dst(%dma_wait3A_79 : memref<640x128xf32, #tpu.memory_space<hbm>>)
      tpu.yield
    }) : () -> ()
    return
  }
}

#map = affine_map<(d0, d1) -> (0, 0)>
#map1 = affine_map<(d0, d1) -> (0, 0, 0, 0)>
#map2 = affine_map<(d0, d1) -> (0, 0, 0)>
module attributes {stable_mosaic.version = 14 : i64} {
  func.func @_sc_agg_body(%arg0: i32, %arg1: i32, %arg2: memref<10240x128xf32, #tpu.memory_space<hbm>>, %arg3: memref<32x40x2x125xi32, #tpu.memory_space<hbm>>, %arg4: memref<32x40x2x125xi32, #tpu.memory_space<hbm>>, %arg5: memref<640x128xf32, #tpu.memory_space<hbm>>, %arg6: memref<2x10240x128xf32, #tpu.memory_space<hbm>>, %arg7: memref<2x125xi32, #tpu.memory_space<vmem>>, %arg8: memref<2x125xi32, #tpu.memory_space<vmem>>, %arg9: memref<2x125xi32, #tpu.memory_space<vmem>>, %arg10: memref<2x125xi32, #tpu.memory_space<vmem>>, %arg11: memref<125x128xf32, #tpu.memory_space<vmem>>, %arg12: memref<125x128xf32, #tpu.memory_space<vmem>>, %arg13: memref<10240x128xf32, #tpu.memory_space<vmem_shared>>, %arg14: memref<!tpu.dma_semaphore, #tpu.memory_space<semaphore_mem>>, %arg15: memref<!tpu.dma_semaphore, #tpu.memory_space<semaphore_mem>>, %arg16: memref<!tpu.dma_semaphore, #tpu.memory_space<semaphore_mem>>, %arg17: memref<!tpu.dma_semaphore, #tpu.memory_space<semaphore_mem>>) attributes {dimension_semantics = [#tpu.dimension_semantics<core_parallel>, #tpu.dimension_semantics<subcore_parallel>], iteration_bounds = array<i64: 2, 16>, scalar_prefetch = 0 : i64, scratch_operands = 11 : i64, tpu.core_type = #tpu.core_type<sc_vector_subcore>, window_params = [{transform_indices = #map}, {transform_indices = #map1}, {transform_indices = #map1}, {transform_indices = #map}, {transform_indices = #map2}]} {
    %mul3A = arith.constant 2 : i32
    %mul3A_0 = arith.muli %arg1, %mul3A : i32
    %add3A = arith.addi %mul3A_0, %arg0 : i32
    %dma_start3A = arith.constant 0 : i32
    %dma_start3A_1 = arith.constant 0 : i32
    %dma_start3A_2 = arith.constant 0 : i32
    %dma_start3A_3 = tpu.memref_slice %arg3[%add3A, %dma_start3A, %dma_start3A_1, %dma_start3A_2] : memref<32x40x2x125xi32, #tpu.memory_space<hbm>> -> memref<1x1x2x125xi32, #tpu.memory_space<hbm>>
    %dma_start3A_4 = tpu.memref_squeeze %dma_start3A_3 : memref<1x1x2x125xi32, #tpu.memory_space<hbm>> -> memref<2x125xi32, #tpu.memory_space<hbm>>
    %dma_start3A_5 = arith.constant 0 : i32
    %dma_start3A_6 = arith.constant 0 : i32
    %dma_start3A_7 = tpu.memref_slice %arg3[%add3A, %dma_start3A, %dma_start3A_5, %dma_start3A_6] : memref<32x40x2x125xi32, #tpu.memory_space<hbm>> -> memref<1x1x2x125xi32, #tpu.memory_space<hbm>>
    %dma_start3A_8 = tpu.memref_squeeze %dma_start3A_7 : memref<1x1x2x125xi32, #tpu.memory_space<hbm>> -> memref<2x125xi32, #tpu.memory_space<hbm>>
    tpu.enqueue_dma source(%dma_start3A_8 : memref<2x125xi32, #tpu.memory_space<hbm>>) target(%arg7 : memref<2x125xi32, #tpu.memory_space<vmem>>) target_semaphore(%arg14 : memref<!tpu.dma_semaphore, #tpu.memory_space<semaphore_mem>>)
    %dma_start3A_9 = arith.constant 0 : i32
    %dma_start3A_10 = arith.constant 0 : i32
    %dma_start3A_11 = arith.constant 0 : i32
    %dma_start3A_12 = tpu.memref_slice %arg4[%add3A, %dma_start3A_9, %dma_start3A_10, %dma_start3A_11] : memref<32x40x2x125xi32, #tpu.memory_space<hbm>> -> memref<1x1x2x125xi32, #tpu.memory_space<hbm>>
    %dma_start3A_13 = tpu.memref_squeeze %dma_start3A_12 : memref<1x1x2x125xi32, #tpu.memory_space<hbm>> -> memref<2x125xi32, #tpu.memory_space<hbm>>
    %dma_start3A_14 = arith.constant 0 : i32
    %dma_start3A_15 = arith.constant 0 : i32
    %dma_start3A_16 = tpu.memref_slice %arg4[%add3A, %dma_start3A_9, %dma_start3A_14, %dma_start3A_15] : memref<32x40x2x125xi32, #tpu.memory_space<hbm>> -> memref<1x1x2x125xi32, #tpu.memory_space<hbm>>
    %dma_start3A_17 = tpu.memref_squeeze %dma_start3A_16 : memref<1x1x2x125xi32, #tpu.memory_space<hbm>> -> memref<2x125xi32, #tpu.memory_space<hbm>>
    tpu.enqueue_dma source(%dma_start3A_17 : memref<2x125xi32, #tpu.memory_space<hbm>>) target(%arg9 : memref<2x125xi32, #tpu.memory_space<vmem>>) target_semaphore(%arg14 : memref<!tpu.dma_semaphore, #tpu.memory_space<semaphore_mem>>)
    %dma_start3A_18 = arith.constant 1 : i32
    %dma_start3A_19 = arith.constant 0 : i32
    %dma_start3A_20 = arith.constant 0 : i32
    %dma_start3A_21 = tpu.memref_slice %arg3[%add3A, %dma_start3A_18, %dma_start3A_19, %dma_start3A_20] : memref<32x40x2x125xi32, #tpu.memory_space<hbm>> -> memref<1x1x2x125xi32, #tpu.memory_space<hbm>>
    %dma_start3A_22 = tpu.memref_squeeze %dma_start3A_21 : memref<1x1x2x125xi32, #tpu.memory_space<hbm>> -> memref<2x125xi32, #tpu.memory_space<hbm>>
    %dma_start3A_23 = arith.constant 0 : i32
    %dma_start3A_24 = arith.constant 0 : i32
    %dma_start3A_25 = tpu.memref_slice %arg3[%add3A, %dma_start3A_18, %dma_start3A_23, %dma_start3A_24] : memref<32x40x2x125xi32, #tpu.memory_space<hbm>> -> memref<1x1x2x125xi32, #tpu.memory_space<hbm>>
    %dma_start3A_26 = tpu.memref_squeeze %dma_start3A_25 : memref<1x1x2x125xi32, #tpu.memory_space<hbm>> -> memref<2x125xi32, #tpu.memory_space<hbm>>
    tpu.enqueue_dma source(%dma_start3A_26 : memref<2x125xi32, #tpu.memory_space<hbm>>) target(%arg8 : memref<2x125xi32, #tpu.memory_space<vmem>>) target_semaphore(%arg15 : memref<!tpu.dma_semaphore, #tpu.memory_space<semaphore_mem>>)
    %dma_start3A_27 = arith.constant 1 : i32
    %dma_start3A_28 = arith.constant 0 : i32
    %dma_start3A_29 = arith.constant 0 : i32
    %dma_start3A_30 = tpu.memref_slice %arg4[%add3A, %dma_start3A_27, %dma_start3A_28, %dma_start3A_29] : memref<32x40x2x125xi32, #tpu.memory_space<hbm>> -> memref<1x1x2x125xi32, #tpu.memory_space<hbm>>
    %dma_start3A_31 = tpu.memref_squeeze %dma_start3A_30 : memref<1x1x2x125xi32, #tpu.memory_space<hbm>> -> memref<2x125xi32, #tpu.memory_space<hbm>>
    %dma_start3A_32 = arith.constant 0 : i32
    %dma_start3A_33 = arith.constant 0 : i32
    %dma_start3A_34 = tpu.memref_slice %arg4[%add3A, %dma_start3A_27, %dma_start3A_32, %dma_start3A_33] : memref<32x40x2x125xi32, #tpu.memory_space<hbm>> -> memref<1x1x2x125xi32, #tpu.memory_space<hbm>>
    %dma_start3A_35 = tpu.memref_squeeze %dma_start3A_34 : memref<1x1x2x125xi32, #tpu.memory_space<hbm>> -> memref<2x125xi32, #tpu.memory_space<hbm>>
    tpu.enqueue_dma source(%dma_start3A_35 : memref<2x125xi32, #tpu.memory_space<hbm>>) target(%arg10 : memref<2x125xi32, #tpu.memory_space<vmem>>) target_semaphore(%arg15 : memref<!tpu.dma_semaphore, #tpu.memory_space<semaphore_mem>>)
    %mul3A_36 = arith.constant 640 : i32
    %mul3A_37 = arith.muli %arg1, %mul3A_36 : i32
    "tpu.region"() ({
      %run_scoped3A = tpu.sem_alloc : memref<!tpu.dma_semaphore, #tpu.memory_space<semaphore_mem>>
      %dma_start3A_72 = arith.constant 0 : i32
      %dma_start3A_73 = tpu.memref_slice %arg13[%mul3A_37, %dma_start3A_72] : memref<10240x128xf32, #tpu.memory_space<vmem_shared>> -> memref<640x128xf32, #tpu.memory_space<vmem_shared>>
      tpu.enqueue_dma source(%arg5 : memref<640x128xf32, #tpu.memory_space<hbm>>) target(%dma_start3A_73 : memref<640x128xf32, #tpu.memory_space<vmem_shared>>) target_semaphore(%run_scoped3A : memref<!tpu.dma_semaphore, #tpu.memory_space<semaphore_mem>>)
      %dma_wait3A_74 = arith.constant 0 : i32
      %dma_wait3A_75 = tpu.memref_slice %arg13[%mul3A_37, %dma_wait3A_74] : memref<10240x128xf32, #tpu.memory_space<vmem_shared>> -> memref<640x128xf32, #tpu.memory_space<vmem_shared>>
      tpu.wait_dma2 semaphore(%run_scoped3A : memref<!tpu.dma_semaphore, #tpu.memory_space<semaphore_mem>>) src(%arg5 : memref<640x128xf32, #tpu.memory_space<hbm>>) dst(%dma_wait3A_75 : memref<640x128xf32, #tpu.memory_space<vmem_shared>>)
      tpu.yield
    }) : () -> ()
    %barrier3A = arith.constant 0 : index
    tpu.barrier barrier_id(%barrier3A)
    %dma_wait3A = arith.constant 0 : i32
    %dma_wait3A_38 = arith.constant 0 : i32
    %dma_wait3A_39 = arith.constant 0 : i32
    %dma_wait3A_40 = tpu.memref_slice %arg3[%add3A, %dma_wait3A, %dma_wait3A_38, %dma_wait3A_39] : memref<32x40x2x125xi32, #tpu.memory_space<hbm>> -> memref<1x1x2x125xi32, #tpu.memory_space<hbm>>
    %dma_wait3A_41 = tpu.memref_squeeze %dma_wait3A_40 : memref<1x1x2x125xi32, #tpu.memory_space<hbm>> -> memref<2x125xi32, #tpu.memory_space<hbm>>
    %dma_wait3A_42 = arith.constant 0 : i32
    %dma_wait3A_43 = arith.constant 0 : i32
    %dma_wait3A_44 = tpu.memref_slice %arg3[%add3A, %dma_wait3A, %dma_wait3A_42, %dma_wait3A_43] : memref<32x40x2x125xi32, #tpu.memory_space<hbm>> -> memref<1x1x2x125xi32, #tpu.memory_space<hbm>>
    %dma_wait3A_45 = tpu.memref_squeeze %dma_wait3A_44 : memref<1x1x2x125xi32, #tpu.memory_space<hbm>> -> memref<2x125xi32, #tpu.memory_space<hbm>>
    tpu.wait_dma2 semaphore(%arg14 : memref<!tpu.dma_semaphore, #tpu.memory_space<semaphore_mem>>) src(%dma_wait3A_45 : memref<2x125xi32, #tpu.memory_space<hbm>>) dst(%arg7 : memref<2x125xi32, #tpu.memory_space<vmem>>)
    %dma_wait3A_46 = arith.constant 0 : i32
    %dma_wait3A_47 = arith.constant 0 : i32
    %dma_wait3A_48 = arith.constant 0 : i32
    %dma_wait3A_49 = tpu.memref_slice %arg4[%add3A, %dma_wait3A_46, %dma_wait3A_47, %dma_wait3A_48] : memref<32x40x2x125xi32, #tpu.memory_space<hbm>> -> memref<1x1x2x125xi32, #tpu.memory_space<hbm>>
    %dma_wait3A_50 = tpu.memref_squeeze %dma_wait3A_49 : memref<1x1x2x125xi32, #tpu.memory_space<hbm>> -> memref<2x125xi32, #tpu.memory_space<hbm>>
    %dma_wait3A_51 = arith.constant 0 : i32
    %dma_wait3A_52 = arith.constant 0 : i32
    %dma_wait3A_53 = tpu.memref_slice %arg4[%add3A, %dma_wait3A_46, %dma_wait3A_51, %dma_wait3A_52] : memref<32x40x2x125xi32, #tpu.memory_space<hbm>> -> memref<1x1x2x125xi32, #tpu.memory_space<hbm>>
    %dma_wait3A_54 = tpu.memref_squeeze %dma_wait3A_53 : memref<1x1x2x125xi32, #tpu.memory_space<hbm>> -> memref<2x125xi32, #tpu.memory_space<hbm>>
    tpu.wait_dma2 semaphore(%arg14 : memref<!tpu.dma_semaphore, #tpu.memory_space<semaphore_mem>>) src(%dma_wait3A_54 : memref<2x125xi32, #tpu.memory_space<hbm>>) dst(%arg9 : memref<2x125xi32, #tpu.memory_space<vmem>>)
    %dma_start3A_55 = arith.constant 0 : i32
    %dma_start3A_56 = arith.constant 0 : i32
    %dma_start3A_57 = tpu.memref_slice %arg7[%dma_start3A_55, %dma_start3A_56] : memref<2x125xi32, #tpu.memory_space<vmem>> -> memref<1x125xi32, #tpu.memory_space<vmem>>
    %dma_start3A_58 = tpu.memref_squeeze %dma_start3A_57 : memref<1x125xi32, #tpu.memory_space<vmem>> -> memref<125xi32, #tpu.memory_space<vmem>>
    %dma_start3A_59 = arith.constant 0 : i32
    %dma_start3A_60 = arith.constant 0 : i32
    %dma_start3A_61 = tpu.memref_slice %arg2[%dma_start3A_59, %dma_start3A_60] : memref<10240x128xf32, #tpu.memory_space<hbm>> -> memref<10240x128xf32, #tpu.memory_space<hbm>>
    tpu.enqueue_indirect_dma source(%dma_start3A_61 : memref<10240x128xf32, #tpu.memory_space<hbm>>) target(%arg11 : memref<125x128xf32, #tpu.memory_space<vmem>>) offsets(%dma_start3A_58 : memref<125xi32, #tpu.memory_space<vmem>>) semaphore(%arg16 : memref<!tpu.dma_semaphore, #tpu.memory_space<semaphore_mem>>)
    %scan3A = arith.constant 0 : i32
    %scan3A_62 = arith.constant 0 : i32
    %scan3A_63 = arith.constant 20 : i32
    %scan3A_64 = arith.addi %scan3A_62, %scan3A_63 : i32
    %scan3A_65 = arith.constant 1 : i32
    scf.for %scan3A_72 = %scan3A_62 to %scan3A_64 step %scan3A_65  : i32 {
      %mul3A_73 = arith.constant 2 : i32
      %mul3A_74 = arith.muli %mul3A_73, %scan3A_72 : i32
      %lt3A = arith.constant 19 : i32
      %lt3A_75 = arith.cmpi slt, %scan3A_72, %lt3A : i32
      %dma_start3A_76 = arith.constant 1 : i32
      %dma_start3A_77 = arith.constant 0 : i32
      %dma_start3A_78 = tpu.memref_slice %arg7[%dma_start3A_76, %dma_start3A_77] : memref<2x125xi32, #tpu.memory_space<vmem>> -> memref<1x125xi32, #tpu.memory_space<vmem>>
      %dma_start3A_79 = tpu.memref_squeeze %dma_start3A_78 : memref<1x125xi32, #tpu.memory_space<vmem>> -> memref<125xi32, #tpu.memory_space<vmem>>
      %dma_start3A_80 = arith.constant 0 : i32
      %dma_start3A_81 = arith.constant 0 : i32
      %dma_start3A_82 = tpu.memref_slice %arg2[%dma_start3A_80, %dma_start3A_81] : memref<10240x128xf32, #tpu.memory_space<hbm>> -> memref<10240x128xf32, #tpu.memory_space<hbm>>
      tpu.enqueue_indirect_dma source(%dma_start3A_82 : memref<10240x128xf32, #tpu.memory_space<hbm>>) target(%arg12 : memref<125x128xf32, #tpu.memory_space<vmem>>) offsets(%dma_start3A_79 : memref<125xi32, #tpu.memory_space<vmem>>) semaphore(%arg17 : memref<!tpu.dma_semaphore, #tpu.memory_space<semaphore_mem>>)
      %dma_wait3A_83 = arith.constant 0 : i32
      %dma_wait3A_84 = arith.constant 0 : i32
      %dma_wait3A_85 = tpu.memref_slice %arg7[%dma_wait3A_83, %dma_wait3A_84] : memref<2x125xi32, #tpu.memory_space<vmem>> -> memref<1x125xi32, #tpu.memory_space<vmem>>
      %dma_wait3A_86 = tpu.memref_squeeze %dma_wait3A_85 : memref<1x125xi32, #tpu.memory_space<vmem>> -> memref<125xi32, #tpu.memory_space<vmem>>
      %dma_wait3A_87 = arith.constant 0 : i32
      %dma_wait3A_88 = arith.constant 0 : i32
      %dma_wait3A_89 = tpu.memref_slice %arg2[%dma_wait3A_87, %dma_wait3A_88] : memref<10240x128xf32, #tpu.memory_space<hbm>> -> memref<10240x128xf32, #tpu.memory_space<hbm>>
      tpu.wait_indirect_dma semaphore(%arg16 : memref<!tpu.dma_semaphore, #tpu.memory_space<semaphore_mem>>) src(%dma_wait3A_89 : memref<10240x128xf32, #tpu.memory_space<hbm>>) dst(%arg11 : memref<125x128xf32, #tpu.memory_space<vmem>>)
      %run_scoped3A = arith.constant 0 : i32
      "tpu.region"() ({
        %run_scoped3A_153 = tpu.sem_alloc : memref<!tpu.dma_semaphore, #tpu.memory_space<semaphore_mem>>
        %dma_start3A_154 = arith.constant 0 : i32
        %dma_start3A_155 = tpu.memref_slice %arg9[%run_scoped3A, %dma_start3A_154] : memref<2x125xi32, #tpu.memory_space<vmem>> -> memref<1x125xi32, #tpu.memory_space<vmem>>
        %dma_start3A_156 = tpu.memref_squeeze %dma_start3A_155 : memref<1x125xi32, #tpu.memory_space<vmem>> -> memref<125xi32, #tpu.memory_space<vmem>>
        %dma_start3A_157 = arith.constant 0 : i32
        %dma_start3A_158 = arith.constant 0 : i32
        %dma_start3A_159 = tpu.memref_slice %arg13[%dma_start3A_157, %dma_start3A_158] : memref<10240x128xf32, #tpu.memory_space<vmem_shared>> -> memref<10240x128xf32, #tpu.memory_space<vmem_shared>>
        tpu.enqueue_indirect_dma source(%arg11 : memref<125x128xf32, #tpu.memory_space<vmem>>) target(%dma_start3A_159 : memref<10240x128xf32, #tpu.memory_space<vmem_shared>>) offsets(%dma_start3A_156 : memref<125xi32, #tpu.memory_space<vmem>>) semaphore(%run_scoped3A_153 : memref<!tpu.dma_semaphore, #tpu.memory_space<semaphore_mem>>) {add = true}
        %dma_wait3A_160 = arith.constant 0 : i32
        %dma_wait3A_161 = tpu.memref_slice %arg9[%run_scoped3A, %dma_wait3A_160] : memref<2x125xi32, #tpu.memory_space<vmem>> -> memref<1x125xi32, #tpu.memory_space<vmem>>
        %dma_wait3A_162 = tpu.memref_squeeze %dma_wait3A_161 : memref<1x125xi32, #tpu.memory_space<vmem>> -> memref<125xi32, #tpu.memory_space<vmem>>
        %dma_wait3A_163 = arith.constant 0 : i32
        %dma_wait3A_164 = arith.constant 0 : i32
        %dma_wait3A_165 = tpu.memref_slice %arg13[%dma_wait3A_163, %dma_wait3A_164] : memref<10240x128xf32, #tpu.memory_space<vmem_shared>> -> memref<10240x128xf32, #tpu.memory_space<vmem_shared>>
        tpu.wait_indirect_dma semaphore(%run_scoped3A_153 : memref<!tpu.dma_semaphore, #tpu.memory_space<semaphore_mem>>) src(%arg11 : memref<125x128xf32, #tpu.memory_space<vmem>>) dst(%dma_wait3A_165 : memref<10240x128xf32, #tpu.memory_space<vmem_shared>>)
        tpu.yield
      }) : () -> ()
      %add3A_90 = arith.constant 1 : i32
      %add3A_91 = arith.addi %mul3A_74, %add3A_90 : i32
      %dma_wait3A_92 = arith.constant 0 : i32
      %dma_wait3A_93 = arith.constant 0 : i32
      %dma_wait3A_94 = tpu.memref_slice %arg3[%add3A, %add3A_91, %dma_wait3A_92, %dma_wait3A_93] : memref<32x40x2x125xi32, #tpu.memory_space<hbm>> -> memref<1x1x2x125xi32, #tpu.memory_space<hbm>>
      %dma_wait3A_95 = tpu.memref_squeeze %dma_wait3A_94 : memref<1x1x2x125xi32, #tpu.memory_space<hbm>> -> memref<2x125xi32, #tpu.memory_space<hbm>>
      %dma_wait3A_96 = arith.constant 0 : i32
      %dma_wait3A_97 = arith.constant 0 : i32
      %dma_wait3A_98 = tpu.memref_slice %arg3[%add3A, %add3A_91, %dma_wait3A_96, %dma_wait3A_97] : memref<32x40x2x125xi32, #tpu.memory_space<hbm>> -> memref<1x1x2x125xi32, #tpu.memory_space<hbm>>
      %dma_wait3A_99 = tpu.memref_squeeze %dma_wait3A_98 : memref<1x1x2x125xi32, #tpu.memory_space<hbm>> -> memref<2x125xi32, #tpu.memory_space<hbm>>
      tpu.wait_dma2 semaphore(%arg15 : memref<!tpu.dma_semaphore, #tpu.memory_space<semaphore_mem>>) src(%dma_wait3A_99 : memref<2x125xi32, #tpu.memory_space<hbm>>) dst(%arg8 : memref<2x125xi32, #tpu.memory_space<vmem>>)
      %dma_wait3A_100 = arith.constant 0 : i32
      %dma_wait3A_101 = arith.constant 0 : i32
      %dma_wait3A_102 = tpu.memref_slice %arg4[%add3A, %add3A_91, %dma_wait3A_100, %dma_wait3A_101] : memref<32x40x2x125xi32, #tpu.memory_space<hbm>> -> memref<1x1x2x125xi32, #tpu.memory_space<hbm>>
      %dma_wait3A_103 = tpu.memref_squeeze %dma_wait3A_102 : memref<1x1x2x125xi32, #tpu.memory_space<hbm>> -> memref<2x125xi32, #tpu.memory_space<hbm>>
      %dma_wait3A_104 = arith.constant 0 : i32
      %dma_wait3A_105 = arith.constant 0 : i32
      %dma_wait3A_106 = tpu.memref_slice %arg4[%add3A, %add3A_91, %dma_wait3A_104, %dma_wait3A_105] : memref<32x40x2x125xi32, #tpu.memory_space<hbm>> -> memref<1x1x2x125xi32, #tpu.memory_space<hbm>>
      %dma_wait3A_107 = tpu.memref_squeeze %dma_wait3A_106 : memref<1x1x2x125xi32, #tpu.memory_space<hbm>> -> memref<2x125xi32, #tpu.memory_space<hbm>>
      tpu.wait_dma2 semaphore(%arg15 : memref<!tpu.dma_semaphore, #tpu.memory_space<semaphore_mem>>) src(%dma_wait3A_107 : memref<2x125xi32, #tpu.memory_space<hbm>>) dst(%arg10 : memref<2x125xi32, #tpu.memory_space<vmem>>)
      %dma_start3A_108 = arith.constant 0 : i32
      %dma_start3A_109 = arith.constant 0 : i32
      %dma_start3A_110 = tpu.memref_slice %arg8[%dma_start3A_108, %dma_start3A_109] : memref<2x125xi32, #tpu.memory_space<vmem>> -> memref<1x125xi32, #tpu.memory_space<vmem>>
      %dma_start3A_111 = tpu.memref_squeeze %dma_start3A_110 : memref<1x125xi32, #tpu.memory_space<vmem>> -> memref<125xi32, #tpu.memory_space<vmem>>
      %dma_start3A_112 = arith.constant 0 : i32
      %dma_start3A_113 = arith.constant 0 : i32
      %dma_start3A_114 = tpu.memref_slice %arg2[%dma_start3A_112, %dma_start3A_113] : memref<10240x128xf32, #tpu.memory_space<hbm>> -> memref<10240x128xf32, #tpu.memory_space<hbm>>
      tpu.enqueue_indirect_dma source(%dma_start3A_114 : memref<10240x128xf32, #tpu.memory_space<hbm>>) target(%arg11 : memref<125x128xf32, #tpu.memory_space<vmem>>) offsets(%dma_start3A_111 : memref<125xi32, #tpu.memory_space<vmem>>) semaphore(%arg16 : memref<!tpu.dma_semaphore, #tpu.memory_space<semaphore_mem>>)
      %dma_wait3A_115 = arith.constant 1 : i32
      %dma_wait3A_116 = arith.constant 0 : i32
      %dma_wait3A_117 = tpu.memref_slice %arg7[%dma_wait3A_115, %dma_wait3A_116] : memref<2x125xi32, #tpu.memory_space<vmem>> -> memref<1x125xi32, #tpu.memory_space<vmem>>
      %dma_wait3A_118 = tpu.memref_squeeze %dma_wait3A_117 : memref<1x125xi32, #tpu.memory_space<vmem>> -> memref<125xi32, #tpu.memory_space<vmem>>
      %dma_wait3A_119 = arith.constant 0 : i32
      %dma_wait3A_120 = arith.constant 0 : i32
      %dma_wait3A_121 = tpu.memref_slice %arg2[%dma_wait3A_119, %dma_wait3A_120] : memref<10240x128xf32, #tpu.memory_space<hbm>> -> memref<10240x128xf32, #tpu.memory_space<hbm>>
      tpu.wait_indirect_dma semaphore(%arg17 : memref<!tpu.dma_semaphore, #tpu.memory_space<semaphore_mem>>) src(%dma_wait3A_121 : memref<10240x128xf32, #tpu.memory_space<hbm>>) dst(%arg12 : memref<125x128xf32, #tpu.memory_space<vmem>>)
      %run_scoped3A_122 = arith.constant 1 : i32
      "tpu.region"() ({
        %run_scoped3A_153 = tpu.sem_alloc : memref<!tpu.dma_semaphore, #tpu.memory_space<semaphore_mem>>
        %dma_start3A_154 = arith.constant 0 : i32
        %dma_start3A_155 = tpu.memref_slice %arg9[%run_scoped3A_122, %dma_start3A_154] : memref<2x125xi32, #tpu.memory_space<vmem>> -> memref<1x125xi32, #tpu.memory_space<vmem>>
        %dma_start3A_156 = tpu.memref_squeeze %dma_start3A_155 : memref<1x125xi32, #tpu.memory_space<vmem>> -> memref<125xi32, #tpu.memory_space<vmem>>
        %dma_start3A_157 = arith.constant 0 : i32
        %dma_start3A_158 = arith.constant 0 : i32
        %dma_start3A_159 = tpu.memref_slice %arg13[%dma_start3A_157, %dma_start3A_158] : memref<10240x128xf32, #tpu.memory_space<vmem_shared>> -> memref<10240x128xf32, #tpu.memory_space<vmem_shared>>
        tpu.enqueue_indirect_dma source(%arg12 : memref<125x128xf32, #tpu.memory_space<vmem>>) target(%dma_start3A_159 : memref<10240x128xf32, #tpu.memory_space<vmem_shared>>) offsets(%dma_start3A_156 : memref<125xi32, #tpu.memory_space<vmem>>) semaphore(%run_scoped3A_153 : memref<!tpu.dma_semaphore, #tpu.memory_space<semaphore_mem>>) {add = true}
        %dma_wait3A_160 = arith.constant 0 : i32
        %dma_wait3A_161 = tpu.memref_slice %arg9[%run_scoped3A_122, %dma_wait3A_160] : memref<2x125xi32, #tpu.memory_space<vmem>> -> memref<1x125xi32, #tpu.memory_space<vmem>>
        %dma_wait3A_162 = tpu.memref_squeeze %dma_wait3A_161 : memref<1x125xi32, #tpu.memory_space<vmem>> -> memref<125xi32, #tpu.memory_space<vmem>>
        %dma_wait3A_163 = arith.constant 0 : i32
        %dma_wait3A_164 = arith.constant 0 : i32
        %dma_wait3A_165 = tpu.memref_slice %arg13[%dma_wait3A_163, %dma_wait3A_164] : memref<10240x128xf32, #tpu.memory_space<vmem_shared>> -> memref<10240x128xf32, #tpu.memory_space<vmem_shared>>
        tpu.wait_indirect_dma semaphore(%run_scoped3A_153 : memref<!tpu.dma_semaphore, #tpu.memory_space<semaphore_mem>>) src(%arg12 : memref<125x128xf32, #tpu.memory_space<vmem>>) dst(%dma_wait3A_165 : memref<10240x128xf32, #tpu.memory_space<vmem_shared>>)
        tpu.yield
      }) : () -> ()
      %convert_element_type3A = arith.extui %lt3A_75 : i1 to i32
      %cond3A = arith.constant 0 : i32
      %cond3A_123 = arith.cmpi ne, %convert_element_type3A, %cond3A : i32
      scf.if %cond3A_123 {
        %add3A_153 = arith.constant 2 : i32
        %add3A_154 = arith.addi %mul3A_74, %add3A_153 : i32
        %dma_start3A_155 = arith.constant 0 : i32
        %dma_start3A_156 = arith.constant 0 : i32
        %dma_start3A_157 = tpu.memref_slice %arg3[%add3A, %add3A_154, %dma_start3A_155, %dma_start3A_156] : memref<32x40x2x125xi32, #tpu.memory_space<hbm>> -> memref<1x1x2x125xi32, #tpu.memory_space<hbm>>
        %dma_start3A_158 = tpu.memref_squeeze %dma_start3A_157 : memref<1x1x2x125xi32, #tpu.memory_space<hbm>> -> memref<2x125xi32, #tpu.memory_space<hbm>>
        %dma_start3A_159 = arith.constant 0 : i32
        %dma_start3A_160 = arith.constant 0 : i32
        %dma_start3A_161 = tpu.memref_slice %arg3[%add3A, %add3A_154, %dma_start3A_159, %dma_start3A_160] : memref<32x40x2x125xi32, #tpu.memory_space<hbm>> -> memref<1x1x2x125xi32, #tpu.memory_space<hbm>>
        %dma_start3A_162 = tpu.memref_squeeze %dma_start3A_161 : memref<1x1x2x125xi32, #tpu.memory_space<hbm>> -> memref<2x125xi32, #tpu.memory_space<hbm>>
        tpu.enqueue_dma source(%dma_start3A_162 : memref<2x125xi32, #tpu.memory_space<hbm>>) target(%arg7 : memref<2x125xi32, #tpu.memory_space<vmem>>) target_semaphore(%arg14 : memref<!tpu.dma_semaphore, #tpu.memory_space<semaphore_mem>>)
        %dma_start3A_163 = arith.constant 0 : i32
        %dma_start3A_164 = arith.constant 0 : i32
        %dma_start3A_165 = tpu.memref_slice %arg4[%add3A, %add3A_154, %dma_start3A_163, %dma_start3A_164] : memref<32x40x2x125xi32, #tpu.memory_space<hbm>> -> memref<1x1x2x125xi32, #tpu.memory_space<hbm>>
        %dma_start3A_166 = tpu.memref_squeeze %dma_start3A_165 : memref<1x1x2x125xi32, #tpu.memory_space<hbm>> -> memref<2x125xi32, #tpu.memory_space<hbm>>
        %dma_start3A_167 = arith.constant 0 : i32
        %dma_start3A_168 = arith.constant 0 : i32
        %dma_start3A_169 = tpu.memref_slice %arg4[%add3A, %add3A_154, %dma_start3A_167, %dma_start3A_168] : memref<32x40x2x125xi32, #tpu.memory_space<hbm>> -> memref<1x1x2x125xi32, #tpu.memory_space<hbm>>
        %dma_start3A_170 = tpu.memref_squeeze %dma_start3A_169 : memref<1x1x2x125xi32, #tpu.memory_space<hbm>> -> memref<2x125xi32, #tpu.memory_space<hbm>>
        tpu.enqueue_dma source(%dma_start3A_170 : memref<2x125xi32, #tpu.memory_space<hbm>>) target(%arg9 : memref<2x125xi32, #tpu.memory_space<vmem>>) target_semaphore(%arg14 : memref<!tpu.dma_semaphore, #tpu.memory_space<semaphore_mem>>)
      } else {
      }
      %dma_start3A_124 = arith.constant 1 : i32
      %dma_start3A_125 = arith.constant 0 : i32
      %dma_start3A_126 = tpu.memref_slice %arg8[%dma_start3A_124, %dma_start3A_125] : memref<2x125xi32, #tpu.memory_space<vmem>> -> memref<1x125xi32, #tpu.memory_space<vmem>>
      %dma_start3A_127 = tpu.memref_squeeze %dma_start3A_126 : memref<1x125xi32, #tpu.memory_space<vmem>> -> memref<125xi32, #tpu.memory_space<vmem>>
      %dma_start3A_128 = arith.constant 0 : i32
      %dma_start3A_129 = arith.constant 0 : i32
      %dma_start3A_130 = tpu.memref_slice %arg2[%dma_start3A_128, %dma_start3A_129] : memref<10240x128xf32, #tpu.memory_space<hbm>> -> memref<10240x128xf32, #tpu.memory_space<hbm>>
      tpu.enqueue_indirect_dma source(%dma_start3A_130 : memref<10240x128xf32, #tpu.memory_space<hbm>>) target(%arg12 : memref<125x128xf32, #tpu.memory_space<vmem>>) offsets(%dma_start3A_127 : memref<125xi32, #tpu.memory_space<vmem>>) semaphore(%arg17 : memref<!tpu.dma_semaphore, #tpu.memory_space<semaphore_mem>>)
      %dma_wait3A_131 = arith.constant 0 : i32
      %dma_wait3A_132 = arith.constant 0 : i32
      %dma_wait3A_133 = tpu.memref_slice %arg8[%dma_wait3A_131, %dma_wait3A_132] : memref<2x125xi32, #tpu.memory_space<vmem>> -> memref<1x125xi32, #tpu.memory_space<vmem>>
      %dma_wait3A_134 = tpu.memref_squeeze %dma_wait3A_133 : memref<1x125xi32, #tpu.memory_space<vmem>> -> memref<125xi32, #tpu.memory_space<vmem>>
      %dma_wait3A_135 = arith.constant 0 : i32
      %dma_wait3A_136 = arith.constant 0 : i32
      %dma_wait3A_137 = tpu.memref_slice %arg2[%dma_wait3A_135, %dma_wait3A_136] : memref<10240x128xf32, #tpu.memory_space<hbm>> -> memref<10240x128xf32, #tpu.memory_space<hbm>>
      tpu.wait_indirect_dma semaphore(%arg16 : memref<!tpu.dma_semaphore, #tpu.memory_space<semaphore_mem>>) src(%dma_wait3A_137 : memref<10240x128xf32, #tpu.memory_space<hbm>>) dst(%arg11 : memref<125x128xf32, #tpu.memory_space<vmem>>)
      %run_scoped3A_138 = arith.constant 0 : i32
      "tpu.region"() ({
        %run_scoped3A_153 = tpu.sem_alloc : memref<!tpu.dma_semaphore, #tpu.memory_space<semaphore_mem>>
        %dma_start3A_154 = arith.constant 0 : i32
        %dma_start3A_155 = tpu.memref_slice %arg10[%run_scoped3A_138, %dma_start3A_154] : memref<2x125xi32, #tpu.memory_space<vmem>> -> memref<1x125xi32, #tpu.memory_space<vmem>>
        %dma_start3A_156 = tpu.memref_squeeze %dma_start3A_155 : memref<1x125xi32, #tpu.memory_space<vmem>> -> memref<125xi32, #tpu.memory_space<vmem>>
        %dma_start3A_157 = arith.constant 0 : i32
        %dma_start3A_158 = arith.constant 0 : i32
        %dma_start3A_159 = tpu.memref_slice %arg13[%dma_start3A_157, %dma_start3A_158] : memref<10240x128xf32, #tpu.memory_space<vmem_shared>> -> memref<10240x128xf32, #tpu.memory_space<vmem_shared>>
        tpu.enqueue_indirect_dma source(%arg11 : memref<125x128xf32, #tpu.memory_space<vmem>>) target(%dma_start3A_159 : memref<10240x128xf32, #tpu.memory_space<vmem_shared>>) offsets(%dma_start3A_156 : memref<125xi32, #tpu.memory_space<vmem>>) semaphore(%run_scoped3A_153 : memref<!tpu.dma_semaphore, #tpu.memory_space<semaphore_mem>>) {add = true}
        %dma_wait3A_160 = arith.constant 0 : i32
        %dma_wait3A_161 = tpu.memref_slice %arg10[%run_scoped3A_138, %dma_wait3A_160] : memref<2x125xi32, #tpu.memory_space<vmem>> -> memref<1x125xi32, #tpu.memory_space<vmem>>
        %dma_wait3A_162 = tpu.memref_squeeze %dma_wait3A_161 : memref<1x125xi32, #tpu.memory_space<vmem>> -> memref<125xi32, #tpu.memory_space<vmem>>
        %dma_wait3A_163 = arith.constant 0 : i32
        %dma_wait3A_164 = arith.constant 0 : i32
        %dma_wait3A_165 = tpu.memref_slice %arg13[%dma_wait3A_163, %dma_wait3A_164] : memref<10240x128xf32, #tpu.memory_space<vmem_shared>> -> memref<10240x128xf32, #tpu.memory_space<vmem_shared>>
        tpu.wait_indirect_dma semaphore(%run_scoped3A_153 : memref<!tpu.dma_semaphore, #tpu.memory_space<semaphore_mem>>) src(%arg11 : memref<125x128xf32, #tpu.memory_space<vmem>>) dst(%dma_wait3A_165 : memref<10240x128xf32, #tpu.memory_space<vmem_shared>>)
        tpu.yield
      }) : () -> ()
      %convert_element_type3A_139 = arith.extui %lt3A_75 : i1 to i32
      %cond3A_140 = arith.constant 0 : i32
      %cond3A_141 = arith.cmpi ne, %convert_element_type3A_139, %cond3A_140 : i32
      scf.if %cond3A_141 {
        %add3A_153 = arith.constant 2 : i32
        %add3A_154 = arith.addi %mul3A_74, %add3A_153 : i32
        %dma_wait3A_155 = arith.constant 0 : i32
        %dma_wait3A_156 = arith.constant 0 : i32
        %dma_wait3A_157 = tpu.memref_slice %arg3[%add3A, %add3A_154, %dma_wait3A_155, %dma_wait3A_156] : memref<32x40x2x125xi32, #tpu.memory_space<hbm>> -> memref<1x1x2x125xi32, #tpu.memory_space<hbm>>
        %dma_wait3A_158 = tpu.memref_squeeze %dma_wait3A_157 : memref<1x1x2x125xi32, #tpu.memory_space<hbm>> -> memref<2x125xi32, #tpu.memory_space<hbm>>
        %dma_wait3A_159 = arith.constant 0 : i32
        %dma_wait3A_160 = arith.constant 0 : i32
        %dma_wait3A_161 = tpu.memref_slice %arg3[%add3A, %add3A_154, %dma_wait3A_159, %dma_wait3A_160] : memref<32x40x2x125xi32, #tpu.memory_space<hbm>> -> memref<1x1x2x125xi32, #tpu.memory_space<hbm>>
        %dma_wait3A_162 = tpu.memref_squeeze %dma_wait3A_161 : memref<1x1x2x125xi32, #tpu.memory_space<hbm>> -> memref<2x125xi32, #tpu.memory_space<hbm>>
        tpu.wait_dma2 semaphore(%arg14 : memref<!tpu.dma_semaphore, #tpu.memory_space<semaphore_mem>>) src(%dma_wait3A_162 : memref<2x125xi32, #tpu.memory_space<hbm>>) dst(%arg7 : memref<2x125xi32, #tpu.memory_space<vmem>>)
        %dma_wait3A_163 = arith.constant 0 : i32
        %dma_wait3A_164 = arith.constant 0 : i32
        %dma_wait3A_165 = tpu.memref_slice %arg4[%add3A, %add3A_154, %dma_wait3A_163, %dma_wait3A_164] : memref<32x40x2x125xi32, #tpu.memory_space<hbm>> -> memref<1x1x2x125xi32, #tpu.memory_space<hbm>>
        %dma_wait3A_166 = tpu.memref_squeeze %dma_wait3A_165 : memref<1x1x2x125xi32, #tpu.memory_space<hbm>> -> memref<2x125xi32, #tpu.memory_space<hbm>>
        %dma_wait3A_167 = arith.constant 0 : i32
        %dma_wait3A_168 = arith.constant 0 : i32
        %dma_wait3A_169 = tpu.memref_slice %arg4[%add3A, %add3A_154, %dma_wait3A_167, %dma_wait3A_168] : memref<32x40x2x125xi32, #tpu.memory_space<hbm>> -> memref<1x1x2x125xi32, #tpu.memory_space<hbm>>
        %dma_wait3A_170 = tpu.memref_squeeze %dma_wait3A_169 : memref<1x1x2x125xi32, #tpu.memory_space<hbm>> -> memref<2x125xi32, #tpu.memory_space<hbm>>
        tpu.wait_dma2 semaphore(%arg14 : memref<!tpu.dma_semaphore, #tpu.memory_space<semaphore_mem>>) src(%dma_wait3A_170 : memref<2x125xi32, #tpu.memory_space<hbm>>) dst(%arg9 : memref<2x125xi32, #tpu.memory_space<vmem>>)
        %dma_start3A_171 = arith.constant 0 : i32
        %dma_start3A_172 = arith.constant 0 : i32
        %dma_start3A_173 = tpu.memref_slice %arg7[%dma_start3A_171, %dma_start3A_172] : memref<2x125xi32, #tpu.memory_space<vmem>> -> memref<1x125xi32, #tpu.memory_space<vmem>>
        %dma_start3A_174 = tpu.memref_squeeze %dma_start3A_173 : memref<1x125xi32, #tpu.memory_space<vmem>> -> memref<125xi32, #tpu.memory_space<vmem>>
        %dma_start3A_175 = arith.constant 0 : i32
        %dma_start3A_176 = arith.constant 0 : i32
        %dma_start3A_177 = tpu.memref_slice %arg2[%dma_start3A_175, %dma_start3A_176] : memref<10240x128xf32, #tpu.memory_space<hbm>> -> memref<10240x128xf32, #tpu.memory_space<hbm>>
        tpu.enqueue_indirect_dma source(%dma_start3A_177 : memref<10240x128xf32, #tpu.memory_space<hbm>>) target(%arg11 : memref<125x128xf32, #tpu.memory_space<vmem>>) offsets(%dma_start3A_174 : memref<125xi32, #tpu.memory_space<vmem>>) semaphore(%arg16 : memref<!tpu.dma_semaphore, #tpu.memory_space<semaphore_mem>>)
      } else {
      }
      %dma_wait3A_142 = arith.constant 1 : i32
      %dma_wait3A_143 = arith.constant 0 : i32
      %dma_wait3A_144 = tpu.memref_slice %arg8[%dma_wait3A_142, %dma_wait3A_143] : memref<2x125xi32, #tpu.memory_space<vmem>> -> memref<1x125xi32, #tpu.memory_space<vmem>>
      %dma_wait3A_145 = tpu.memref_squeeze %dma_wait3A_144 : memref<1x125xi32, #tpu.memory_space<vmem>> -> memref<125xi32, #tpu.memory_space<vmem>>
      %dma_wait3A_146 = arith.constant 0 : i32
      %dma_wait3A_147 = arith.constant 0 : i32
      %dma_wait3A_148 = tpu.memref_slice %arg2[%dma_wait3A_146, %dma_wait3A_147] : memref<10240x128xf32, #tpu.memory_space<hbm>> -> memref<10240x128xf32, #tpu.memory_space<hbm>>
      tpu.wait_indirect_dma semaphore(%arg17 : memref<!tpu.dma_semaphore, #tpu.memory_space<semaphore_mem>>) src(%dma_wait3A_148 : memref<10240x128xf32, #tpu.memory_space<hbm>>) dst(%arg12 : memref<125x128xf32, #tpu.memory_space<vmem>>)
      %run_scoped3A_149 = arith.constant 1 : i32
      "tpu.region"() ({
        %run_scoped3A_153 = tpu.sem_alloc : memref<!tpu.dma_semaphore, #tpu.memory_space<semaphore_mem>>
        %dma_start3A_154 = arith.constant 0 : i32
        %dma_start3A_155 = tpu.memref_slice %arg10[%run_scoped3A_149, %dma_start3A_154] : memref<2x125xi32, #tpu.memory_space<vmem>> -> memref<1x125xi32, #tpu.memory_space<vmem>>
        %dma_start3A_156 = tpu.memref_squeeze %dma_start3A_155 : memref<1x125xi32, #tpu.memory_space<vmem>> -> memref<125xi32, #tpu.memory_space<vmem>>
        %dma_start3A_157 = arith.constant 0 : i32
        %dma_start3A_158 = arith.constant 0 : i32
        %dma_start3A_159 = tpu.memref_slice %arg13[%dma_start3A_157, %dma_start3A_158] : memref<10240x128xf32, #tpu.memory_space<vmem_shared>> -> memref<10240x128xf32, #tpu.memory_space<vmem_shared>>
        tpu.enqueue_indirect_dma source(%arg12 : memref<125x128xf32, #tpu.memory_space<vmem>>) target(%dma_start3A_159 : memref<10240x128xf32, #tpu.memory_space<vmem_shared>>) offsets(%dma_start3A_156 : memref<125xi32, #tpu.memory_space<vmem>>) semaphore(%run_scoped3A_153 : memref<!tpu.dma_semaphore, #tpu.memory_space<semaphore_mem>>) {add = true}
        %dma_wait3A_160 = arith.constant 0 : i32
        %dma_wait3A_161 = tpu.memref_slice %arg10[%run_scoped3A_149, %dma_wait3A_160] : memref<2x125xi32, #tpu.memory_space<vmem>> -> memref<1x125xi32, #tpu.memory_space<vmem>>
        %dma_wait3A_162 = tpu.memref_squeeze %dma_wait3A_161 : memref<1x125xi32, #tpu.memory_space<vmem>> -> memref<125xi32, #tpu.memory_space<vmem>>
        %dma_wait3A_163 = arith.constant 0 : i32
        %dma_wait3A_164 = arith.constant 0 : i32
        %dma_wait3A_165 = tpu.memref_slice %arg13[%dma_wait3A_163, %dma_wait3A_164] : memref<10240x128xf32, #tpu.memory_space<vmem_shared>> -> memref<10240x128xf32, #tpu.memory_space<vmem_shared>>
        tpu.wait_indirect_dma semaphore(%run_scoped3A_153 : memref<!tpu.dma_semaphore, #tpu.memory_space<semaphore_mem>>) src(%arg12 : memref<125x128xf32, #tpu.memory_space<vmem>>) dst(%dma_wait3A_165 : memref<10240x128xf32, #tpu.memory_space<vmem_shared>>)
        tpu.yield
      }) : () -> ()
      %convert_element_type3A_150 = arith.extui %lt3A_75 : i1 to i32
      %cond3A_151 = arith.constant 0 : i32
      %cond3A_152 = arith.cmpi ne, %convert_element_type3A_150, %cond3A_151 : i32
      scf.if %cond3A_152 {
        %add3A_153 = arith.constant 3 : i32
        %add3A_154 = arith.addi %mul3A_74, %add3A_153 : i32
        %dma_start3A_155 = arith.constant 0 : i32
        %dma_start3A_156 = arith.constant 0 : i32
        %dma_start3A_157 = tpu.memref_slice %arg3[%add3A, %add3A_154, %dma_start3A_155, %dma_start3A_156] : memref<32x40x2x125xi32, #tpu.memory_space<hbm>> -> memref<1x1x2x125xi32, #tpu.memory_space<hbm>>
        %dma_start3A_158 = tpu.memref_squeeze %dma_start3A_157 : memref<1x1x2x125xi32, #tpu.memory_space<hbm>> -> memref<2x125xi32, #tpu.memory_space<hbm>>
        %dma_start3A_159 = arith.constant 0 : i32
        %dma_start3A_160 = arith.constant 0 : i32
        %dma_start3A_161 = tpu.memref_slice %arg3[%add3A, %add3A_154, %dma_start3A_159, %dma_start3A_160] : memref<32x40x2x125xi32, #tpu.memory_space<hbm>> -> memref<1x1x2x125xi32, #tpu.memory_space<hbm>>
        %dma_start3A_162 = tpu.memref_squeeze %dma_start3A_161 : memref<1x1x2x125xi32, #tpu.memory_space<hbm>> -> memref<2x125xi32, #tpu.memory_space<hbm>>
        tpu.enqueue_dma source(%dma_start3A_162 : memref<2x125xi32, #tpu.memory_space<hbm>>) target(%arg8 : memref<2x125xi32, #tpu.memory_space<vmem>>) target_semaphore(%arg15 : memref<!tpu.dma_semaphore, #tpu.memory_space<semaphore_mem>>)
        %dma_start3A_163 = arith.constant 0 : i32
        %dma_start3A_164 = arith.constant 0 : i32
        %dma_start3A_165 = tpu.memref_slice %arg4[%add3A, %add3A_154, %dma_start3A_163, %dma_start3A_164] : memref<32x40x2x125xi32, #tpu.memory_space<hbm>> -> memref<1x1x2x125xi32, #tpu.memory_space<hbm>>
        %dma_start3A_166 = tpu.memref_squeeze %dma_start3A_165 : memref<1x1x2x125xi32, #tpu.memory_space<hbm>> -> memref<2x125xi32, #tpu.memory_space<hbm>>
        %dma_start3A_167 = arith.constant 0 : i32
        %dma_start3A_168 = arith.constant 0 : i32
        %dma_start3A_169 = tpu.memref_slice %arg4[%add3A, %add3A_154, %dma_start3A_167, %dma_start3A_168] : memref<32x40x2x125xi32, #tpu.memory_space<hbm>> -> memref<1x1x2x125xi32, #tpu.memory_space<hbm>>
        %dma_start3A_170 = tpu.memref_squeeze %dma_start3A_169 : memref<1x1x2x125xi32, #tpu.memory_space<hbm>> -> memref<2x125xi32, #tpu.memory_space<hbm>>
        tpu.enqueue_dma source(%dma_start3A_170 : memref<2x125xi32, #tpu.memory_space<hbm>>) target(%arg10 : memref<2x125xi32, #tpu.memory_space<vmem>>) target_semaphore(%arg15 : memref<!tpu.dma_semaphore, #tpu.memory_space<semaphore_mem>>)
      } else {
      }
    }
    %scan3A_66 = arith.constant 20 : i32
    %barrier3A_67 = arith.constant 0 : index
    tpu.barrier barrier_id(%barrier3A_67)
    %mul3A_68 = arith.constant 640 : i32
    %mul3A_69 = arith.muli %arg1, %mul3A_68 : i32
    %mul3A_70 = arith.constant 640 : i32
    %mul3A_71 = arith.muli %arg1, %mul3A_70 : i32
    "tpu.region"() ({
      %run_scoped3A = tpu.sem_alloc : memref<!tpu.dma_semaphore, #tpu.memory_space<semaphore_mem>>
      %dma_start3A_72 = arith.constant 0 : i32
      %dma_start3A_73 = tpu.memref_slice %arg6[%arg0, %mul3A_71, %dma_start3A_72] : memref<2x10240x128xf32, #tpu.memory_space<hbm>> -> memref<1x640x128xf32, #tpu.memory_space<hbm>>
      %dma_start3A_74 = tpu.memref_squeeze %dma_start3A_73 : memref<1x640x128xf32, #tpu.memory_space<hbm>> -> memref<640x128xf32, #tpu.memory_space<hbm>>
      %dma_start3A_75 = arith.constant 0 : i32
      %dma_start3A_76 = tpu.memref_slice %arg13[%mul3A_69, %dma_start3A_75] : memref<10240x128xf32, #tpu.memory_space<vmem_shared>> -> memref<640x128xf32, #tpu.memory_space<vmem_shared>>
      tpu.enqueue_dma source(%dma_start3A_76 : memref<640x128xf32, #tpu.memory_space<vmem_shared>>) target(%dma_start3A_74 : memref<640x128xf32, #tpu.memory_space<hbm>>) target_semaphore(%run_scoped3A : memref<!tpu.dma_semaphore, #tpu.memory_space<semaphore_mem>>)
      %dma_wait3A_77 = arith.constant 0 : i32
      %dma_wait3A_78 = tpu.memref_slice %arg6[%arg0, %mul3A_71, %dma_wait3A_77] : memref<2x10240x128xf32, #tpu.memory_space<hbm>> -> memref<1x640x128xf32, #tpu.memory_space<hbm>>
      %dma_wait3A_79 = tpu.memref_squeeze %dma_wait3A_78 : memref<1x640x128xf32, #tpu.memory_space<hbm>> -> memref<640x128xf32, #tpu.memory_space<hbm>>
      %dma_wait3A_80 = arith.constant 0 : i32
      %dma_wait3A_81 = tpu.memref_slice %arg13[%mul3A_69, %dma_wait3A_80] : memref<10240x128xf32, #tpu.memory_space<vmem_shared>> -> memref<640x128xf32, #tpu.memory_space<vmem_shared>>
      tpu.wait_dma2 semaphore(%run_scoped3A : memref<!tpu.dma_semaphore, #tpu.memory_space<semaphore_mem>>) src(%dma_wait3A_81 : memref<640x128xf32, #tpu.memory_space<vmem_shared>>) dst(%dma_wait3A_79 : memref<640x128xf32, #tpu.memory_space<hbm>>)
      tpu.yield
    }) : () -> ()
    return
  }
}

#map = affine_map<(d0, d1) -> (0, 0)>
#map1 = affine_map<(d0, d1) -> (0, 0, 0, 0)>
#map2 = affine_map<(d0, d1) -> (0, 0, 0)>
module attributes {stable_mosaic.version = 14 : i64} {
  func.func @_sc_agg_body(%arg0: i32, %arg1: i32, %arg2: memref<10240x128xf32, #tpu.memory_space<hbm>>, %arg3: memref<32x40x2x125xi32, #tpu.memory_space<hbm>>, %arg4: memref<32x40x2x125xi32, #tpu.memory_space<hbm>>, %arg5: memref<640x128xf32, #tpu.memory_space<hbm>>, %arg6: memref<2x10240x128xf32, #tpu.memory_space<hbm>>, %arg7: memref<2x125xi32, #tpu.memory_space<vmem>>, %arg8: memref<2x125xi32, #tpu.memory_space<vmem>>, %arg9: memref<2x125xi32, #tpu.memory_space<vmem>>, %arg10: memref<2x125xi32, #tpu.memory_space<vmem>>, %arg11: memref<125x128xf32, #tpu.memory_space<vmem>>, %arg12: memref<125x128xf32, #tpu.memory_space<vmem>>, %arg13: memref<10240x128xf32, #tpu.memory_space<vmem_shared>>, %arg14: memref<!tpu.dma_semaphore, #tpu.memory_space<semaphore_mem>>, %arg15: memref<!tpu.dma_semaphore, #tpu.memory_space<semaphore_mem>>, %arg16: memref<!tpu.dma_semaphore, #tpu.memory_space<semaphore_mem>>, %arg17: memref<!tpu.dma_semaphore, #tpu.memory_space<semaphore_mem>>) attributes {dimension_semantics = [#tpu.dimension_semantics<core_parallel>, #tpu.dimension_semantics<subcore_parallel>], iteration_bounds = array<i64: 2, 16>, scalar_prefetch = 0 : i64, scratch_operands = 11 : i64, tpu.core_type = #tpu.core_type<sc_vector_subcore>, window_params = [{transform_indices = #map}, {transform_indices = #map1}, {transform_indices = #map1}, {transform_indices = #map}, {transform_indices = #map2}]} {
    %mul3A = arith.constant 2 : i32
    %mul3A_0 = arith.muli %arg1, %mul3A : i32
    %add3A = arith.addi %mul3A_0, %arg0 : i32
    %dma_start3A = arith.constant 0 : i32
    %dma_start3A_1 = arith.constant 0 : i32
    %dma_start3A_2 = arith.constant 0 : i32
    %dma_start3A_3 = tpu.memref_slice %arg3[%add3A, %dma_start3A, %dma_start3A_1, %dma_start3A_2] : memref<32x40x2x125xi32, #tpu.memory_space<hbm>> -> memref<1x1x2x125xi32, #tpu.memory_space<hbm>>
    %dma_start3A_4 = tpu.memref_squeeze %dma_start3A_3 : memref<1x1x2x125xi32, #tpu.memory_space<hbm>> -> memref<2x125xi32, #tpu.memory_space<hbm>>
    %dma_start3A_5 = arith.constant 0 : i32
    %dma_start3A_6 = arith.constant 0 : i32
    %dma_start3A_7 = tpu.memref_slice %arg3[%add3A, %dma_start3A, %dma_start3A_5, %dma_start3A_6] : memref<32x40x2x125xi32, #tpu.memory_space<hbm>> -> memref<1x1x2x125xi32, #tpu.memory_space<hbm>>
    %dma_start3A_8 = tpu.memref_squeeze %dma_start3A_7 : memref<1x1x2x125xi32, #tpu.memory_space<hbm>> -> memref<2x125xi32, #tpu.memory_space<hbm>>
    tpu.enqueue_dma source(%dma_start3A_8 : memref<2x125xi32, #tpu.memory_space<hbm>>) target(%arg7 : memref<2x125xi32, #tpu.memory_space<vmem>>) target_semaphore(%arg14 : memref<!tpu.dma_semaphore, #tpu.memory_space<semaphore_mem>>)
    %dma_start3A_9 = arith.constant 0 : i32
    %dma_start3A_10 = arith.constant 0 : i32
    %dma_start3A_11 = arith.constant 0 : i32
    %dma_start3A_12 = tpu.memref_slice %arg4[%add3A, %dma_start3A_9, %dma_start3A_10, %dma_start3A_11] : memref<32x40x2x125xi32, #tpu.memory_space<hbm>> -> memref<1x1x2x125xi32, #tpu.memory_space<hbm>>
    %dma_start3A_13 = tpu.memref_squeeze %dma_start3A_12 : memref<1x1x2x125xi32, #tpu.memory_space<hbm>> -> memref<2x125xi32, #tpu.memory_space<hbm>>
    %dma_start3A_14 = arith.constant 0 : i32
    %dma_start3A_15 = arith.constant 0 : i32
    %dma_start3A_16 = tpu.memref_slice %arg4[%add3A, %dma_start3A_9, %dma_start3A_14, %dma_start3A_15] : memref<32x40x2x125xi32, #tpu.memory_space<hbm>> -> memref<1x1x2x125xi32, #tpu.memory_space<hbm>>
    %dma_start3A_17 = tpu.memref_squeeze %dma_start3A_16 : memref<1x1x2x125xi32, #tpu.memory_space<hbm>> -> memref<2x125xi32, #tpu.memory_space<hbm>>
    tpu.enqueue_dma source(%dma_start3A_17 : memref<2x125xi32, #tpu.memory_space<hbm>>) target(%arg9 : memref<2x125xi32, #tpu.memory_space<vmem>>) target_semaphore(%arg14 : memref<!tpu.dma_semaphore, #tpu.memory_space<semaphore_mem>>)
    %dma_start3A_18 = arith.constant 1 : i32
    %dma_start3A_19 = arith.constant 0 : i32
    %dma_start3A_20 = arith.constant 0 : i32
    %dma_start3A_21 = tpu.memref_slice %arg3[%add3A, %dma_start3A_18, %dma_start3A_19, %dma_start3A_20] : memref<32x40x2x125xi32, #tpu.memory_space<hbm>> -> memref<1x1x2x125xi32, #tpu.memory_space<hbm>>
    %dma_start3A_22 = tpu.memref_squeeze %dma_start3A_21 : memref<1x1x2x125xi32, #tpu.memory_space<hbm>> -> memref<2x125xi32, #tpu.memory_space<hbm>>
    %dma_start3A_23 = arith.constant 0 : i32
    %dma_start3A_24 = arith.constant 0 : i32
    %dma_start3A_25 = tpu.memref_slice %arg3[%add3A, %dma_start3A_18, %dma_start3A_23, %dma_start3A_24] : memref<32x40x2x125xi32, #tpu.memory_space<hbm>> -> memref<1x1x2x125xi32, #tpu.memory_space<hbm>>
    %dma_start3A_26 = tpu.memref_squeeze %dma_start3A_25 : memref<1x1x2x125xi32, #tpu.memory_space<hbm>> -> memref<2x125xi32, #tpu.memory_space<hbm>>
    tpu.enqueue_dma source(%dma_start3A_26 : memref<2x125xi32, #tpu.memory_space<hbm>>) target(%arg8 : memref<2x125xi32, #tpu.memory_space<vmem>>) target_semaphore(%arg15 : memref<!tpu.dma_semaphore, #tpu.memory_space<semaphore_mem>>)
    %dma_start3A_27 = arith.constant 1 : i32
    %dma_start3A_28 = arith.constant 0 : i32
    %dma_start3A_29 = arith.constant 0 : i32
    %dma_start3A_30 = tpu.memref_slice %arg4[%add3A, %dma_start3A_27, %dma_start3A_28, %dma_start3A_29] : memref<32x40x2x125xi32, #tpu.memory_space<hbm>> -> memref<1x1x2x125xi32, #tpu.memory_space<hbm>>
    %dma_start3A_31 = tpu.memref_squeeze %dma_start3A_30 : memref<1x1x2x125xi32, #tpu.memory_space<hbm>> -> memref<2x125xi32, #tpu.memory_space<hbm>>
    %dma_start3A_32 = arith.constant 0 : i32
    %dma_start3A_33 = arith.constant 0 : i32
    %dma_start3A_34 = tpu.memref_slice %arg4[%add3A, %dma_start3A_27, %dma_start3A_32, %dma_start3A_33] : memref<32x40x2x125xi32, #tpu.memory_space<hbm>> -> memref<1x1x2x125xi32, #tpu.memory_space<hbm>>
    %dma_start3A_35 = tpu.memref_squeeze %dma_start3A_34 : memref<1x1x2x125xi32, #tpu.memory_space<hbm>> -> memref<2x125xi32, #tpu.memory_space<hbm>>
    tpu.enqueue_dma source(%dma_start3A_35 : memref<2x125xi32, #tpu.memory_space<hbm>>) target(%arg10 : memref<2x125xi32, #tpu.memory_space<vmem>>) target_semaphore(%arg15 : memref<!tpu.dma_semaphore, #tpu.memory_space<semaphore_mem>>)
    %mul3A_36 = arith.constant 640 : i32
    %mul3A_37 = arith.muli %arg1, %mul3A_36 : i32
    "tpu.region"() ({
      %run_scoped3A = tpu.sem_alloc : memref<!tpu.dma_semaphore, #tpu.memory_space<semaphore_mem>>
      %dma_start3A_72 = arith.constant 0 : i32
      %dma_start3A_73 = tpu.memref_slice %arg13[%mul3A_37, %dma_start3A_72] : memref<10240x128xf32, #tpu.memory_space<vmem_shared>> -> memref<640x128xf32, #tpu.memory_space<vmem_shared>>
      tpu.enqueue_dma source(%arg5 : memref<640x128xf32, #tpu.memory_space<hbm>>) target(%dma_start3A_73 : memref<640x128xf32, #tpu.memory_space<vmem_shared>>) target_semaphore(%run_scoped3A : memref<!tpu.dma_semaphore, #tpu.memory_space<semaphore_mem>>)
      %dma_wait3A_74 = arith.constant 0 : i32
      %dma_wait3A_75 = tpu.memref_slice %arg13[%mul3A_37, %dma_wait3A_74] : memref<10240x128xf32, #tpu.memory_space<vmem_shared>> -> memref<640x128xf32, #tpu.memory_space<vmem_shared>>
      tpu.wait_dma2 semaphore(%run_scoped3A : memref<!tpu.dma_semaphore, #tpu.memory_space<semaphore_mem>>) src(%arg5 : memref<640x128xf32, #tpu.memory_space<hbm>>) dst(%dma_wait3A_75 : memref<640x128xf32, #tpu.memory_space<vmem_shared>>)
      tpu.yield
    }) : () -> ()
    %barrier3A = arith.constant 0 : index
    tpu.barrier barrier_id(%barrier3A)
    %dma_wait3A = arith.constant 0 : i32
    %dma_wait3A_38 = arith.constant 0 : i32
    %dma_wait3A_39 = arith.constant 0 : i32
    %dma_wait3A_40 = tpu.memref_slice %arg3[%add3A, %dma_wait3A, %dma_wait3A_38, %dma_wait3A_39] : memref<32x40x2x125xi32, #tpu.memory_space<hbm>> -> memref<1x1x2x125xi32, #tpu.memory_space<hbm>>
    %dma_wait3A_41 = tpu.memref_squeeze %dma_wait3A_40 : memref<1x1x2x125xi32, #tpu.memory_space<hbm>> -> memref<2x125xi32, #tpu.memory_space<hbm>>
    %dma_wait3A_42 = arith.constant 0 : i32
    %dma_wait3A_43 = arith.constant 0 : i32
    %dma_wait3A_44 = tpu.memref_slice %arg3[%add3A, %dma_wait3A, %dma_wait3A_42, %dma_wait3A_43] : memref<32x40x2x125xi32, #tpu.memory_space<hbm>> -> memref<1x1x2x125xi32, #tpu.memory_space<hbm>>
    %dma_wait3A_45 = tpu.memref_squeeze %dma_wait3A_44 : memref<1x1x2x125xi32, #tpu.memory_space<hbm>> -> memref<2x125xi32, #tpu.memory_space<hbm>>
    tpu.wait_dma2 semaphore(%arg14 : memref<!tpu.dma_semaphore, #tpu.memory_space<semaphore_mem>>) src(%dma_wait3A_45 : memref<2x125xi32, #tpu.memory_space<hbm>>) dst(%arg7 : memref<2x125xi32, #tpu.memory_space<vmem>>)
    %dma_wait3A_46 = arith.constant 0 : i32
    %dma_wait3A_47 = arith.constant 0 : i32
    %dma_wait3A_48 = arith.constant 0 : i32
    %dma_wait3A_49 = tpu.memref_slice %arg4[%add3A, %dma_wait3A_46, %dma_wait3A_47, %dma_wait3A_48] : memref<32x40x2x125xi32, #tpu.memory_space<hbm>> -> memref<1x1x2x125xi32, #tpu.memory_space<hbm>>
    %dma_wait3A_50 = tpu.memref_squeeze %dma_wait3A_49 : memref<1x1x2x125xi32, #tpu.memory_space<hbm>> -> memref<2x125xi32, #tpu.memory_space<hbm>>
    %dma_wait3A_51 = arith.constant 0 : i32
    %dma_wait3A_52 = arith.constant 0 : i32
    %dma_wait3A_53 = tpu.memref_slice %arg4[%add3A, %dma_wait3A_46, %dma_wait3A_51, %dma_wait3A_52] : memref<32x40x2x125xi32, #tpu.memory_space<hbm>> -> memref<1x1x2x125xi32, #tpu.memory_space<hbm>>
    %dma_wait3A_54 = tpu.memref_squeeze %dma_wait3A_53 : memref<1x1x2x125xi32, #tpu.memory_space<hbm>> -> memref<2x125xi32, #tpu.memory_space<hbm>>
    tpu.wait_dma2 semaphore(%arg14 : memref<!tpu.dma_semaphore, #tpu.memory_space<semaphore_mem>>) src(%dma_wait3A_54 : memref<2x125xi32, #tpu.memory_space<hbm>>) dst(%arg9 : memref<2x125xi32, #tpu.memory_space<vmem>>)
    %dma_start3A_55 = arith.constant 0 : i32
    %dma_start3A_56 = arith.constant 0 : i32
    %dma_start3A_57 = tpu.memref_slice %arg7[%dma_start3A_55, %dma_start3A_56] : memref<2x125xi32, #tpu.memory_space<vmem>> -> memref<1x125xi32, #tpu.memory_space<vmem>>
    %dma_start3A_58 = tpu.memref_squeeze %dma_start3A_57 : memref<1x125xi32, #tpu.memory_space<vmem>> -> memref<125xi32, #tpu.memory_space<vmem>>
    %dma_start3A_59 = arith.constant 0 : i32
    %dma_start3A_60 = arith.constant 0 : i32
    %dma_start3A_61 = tpu.memref_slice %arg2[%dma_start3A_59, %dma_start3A_60] : memref<10240x128xf32, #tpu.memory_space<hbm>> -> memref<10240x128xf32, #tpu.memory_space<hbm>>
    tpu.enqueue_indirect_dma source(%dma_start3A_61 : memref<10240x128xf32, #tpu.memory_space<hbm>>) target(%arg11 : memref<125x128xf32, #tpu.memory_space<vmem>>) offsets(%dma_start3A_58 : memref<125xi32, #tpu.memory_space<vmem>>) semaphore(%arg16 : memref<!tpu.dma_semaphore, #tpu.memory_space<semaphore_mem>>)
    %scan3A = arith.constant 0 : i32
    %scan3A_62 = arith.constant 0 : i32
    %scan3A_63 = arith.constant 20 : i32
    %scan3A_64 = arith.addi %scan3A_62, %scan3A_63 : i32
    %scan3A_65 = arith.constant 1 : i32
    scf.for %scan3A_72 = %scan3A_62 to %scan3A_64 step %scan3A_65  : i32 {
      %mul3A_73 = arith.constant 2 : i32
      %mul3A_74 = arith.muli %mul3A_73, %scan3A_72 : i32
      %lt3A = arith.constant 19 : i32
      %lt3A_75 = arith.cmpi slt, %scan3A_72, %lt3A : i32
      %dma_start3A_76 = arith.constant 1 : i32
      %dma_start3A_77 = arith.constant 0 : i32
      %dma_start3A_78 = tpu.memref_slice %arg7[%dma_start3A_76, %dma_start3A_77] : memref<2x125xi32, #tpu.memory_space<vmem>> -> memref<1x125xi32, #tpu.memory_space<vmem>>
      %dma_start3A_79 = tpu.memref_squeeze %dma_start3A_78 : memref<1x125xi32, #tpu.memory_space<vmem>> -> memref<125xi32, #tpu.memory_space<vmem>>
      %dma_start3A_80 = arith.constant 0 : i32
      %dma_start3A_81 = arith.constant 0 : i32
      %dma_start3A_82 = tpu.memref_slice %arg2[%dma_start3A_80, %dma_start3A_81] : memref<10240x128xf32, #tpu.memory_space<hbm>> -> memref<10240x128xf32, #tpu.memory_space<hbm>>
      tpu.enqueue_indirect_dma source(%dma_start3A_82 : memref<10240x128xf32, #tpu.memory_space<hbm>>) target(%arg12 : memref<125x128xf32, #tpu.memory_space<vmem>>) offsets(%dma_start3A_79 : memref<125xi32, #tpu.memory_space<vmem>>) semaphore(%arg17 : memref<!tpu.dma_semaphore, #tpu.memory_space<semaphore_mem>>)
      %dma_wait3A_83 = arith.constant 0 : i32
      %dma_wait3A_84 = arith.constant 0 : i32
      %dma_wait3A_85 = tpu.memref_slice %arg7[%dma_wait3A_83, %dma_wait3A_84] : memref<2x125xi32, #tpu.memory_space<vmem>> -> memref<1x125xi32, #tpu.memory_space<vmem>>
      %dma_wait3A_86 = tpu.memref_squeeze %dma_wait3A_85 : memref<1x125xi32, #tpu.memory_space<vmem>> -> memref<125xi32, #tpu.memory_space<vmem>>
      %dma_wait3A_87 = arith.constant 0 : i32
      %dma_wait3A_88 = arith.constant 0 : i32
      %dma_wait3A_89 = tpu.memref_slice %arg2[%dma_wait3A_87, %dma_wait3A_88] : memref<10240x128xf32, #tpu.memory_space<hbm>> -> memref<10240x128xf32, #tpu.memory_space<hbm>>
      tpu.wait_indirect_dma semaphore(%arg16 : memref<!tpu.dma_semaphore, #tpu.memory_space<semaphore_mem>>) src(%dma_wait3A_89 : memref<10240x128xf32, #tpu.memory_space<hbm>>) dst(%arg11 : memref<125x128xf32, #tpu.memory_space<vmem>>)
      %run_scoped3A = arith.constant 0 : i32
      "tpu.region"() ({
        %run_scoped3A_153 = tpu.sem_alloc : memref<!tpu.dma_semaphore, #tpu.memory_space<semaphore_mem>>
        %dma_start3A_154 = arith.constant 0 : i32
        %dma_start3A_155 = tpu.memref_slice %arg9[%run_scoped3A, %dma_start3A_154] : memref<2x125xi32, #tpu.memory_space<vmem>> -> memref<1x125xi32, #tpu.memory_space<vmem>>
        %dma_start3A_156 = tpu.memref_squeeze %dma_start3A_155 : memref<1x125xi32, #tpu.memory_space<vmem>> -> memref<125xi32, #tpu.memory_space<vmem>>
        %dma_start3A_157 = arith.constant 0 : i32
        %dma_start3A_158 = arith.constant 0 : i32
        %dma_start3A_159 = tpu.memref_slice %arg13[%dma_start3A_157, %dma_start3A_158] : memref<10240x128xf32, #tpu.memory_space<vmem_shared>> -> memref<10240x128xf32, #tpu.memory_space<vmem_shared>>
        tpu.enqueue_indirect_dma source(%arg11 : memref<125x128xf32, #tpu.memory_space<vmem>>) target(%dma_start3A_159 : memref<10240x128xf32, #tpu.memory_space<vmem_shared>>) offsets(%dma_start3A_156 : memref<125xi32, #tpu.memory_space<vmem>>) semaphore(%run_scoped3A_153 : memref<!tpu.dma_semaphore, #tpu.memory_space<semaphore_mem>>) {add = true}
        %dma_wait3A_160 = arith.constant 0 : i32
        %dma_wait3A_161 = tpu.memref_slice %arg9[%run_scoped3A, %dma_wait3A_160] : memref<2x125xi32, #tpu.memory_space<vmem>> -> memref<1x125xi32, #tpu.memory_space<vmem>>
        %dma_wait3A_162 = tpu.memref_squeeze %dma_wait3A_161 : memref<1x125xi32, #tpu.memory_space<vmem>> -> memref<125xi32, #tpu.memory_space<vmem>>
        %dma_wait3A_163 = arith.constant 0 : i32
        %dma_wait3A_164 = arith.constant 0 : i32
        %dma_wait3A_165 = tpu.memref_slice %arg13[%dma_wait3A_163, %dma_wait3A_164] : memref<10240x128xf32, #tpu.memory_space<vmem_shared>> -> memref<10240x128xf32, #tpu.memory_space<vmem_shared>>
        tpu.wait_indirect_dma semaphore(%run_scoped3A_153 : memref<!tpu.dma_semaphore, #tpu.memory_space<semaphore_mem>>) src(%arg11 : memref<125x128xf32, #tpu.memory_space<vmem>>) dst(%dma_wait3A_165 : memref<10240x128xf32, #tpu.memory_space<vmem_shared>>)
        tpu.yield
      }) : () -> ()
      %add3A_90 = arith.constant 1 : i32
      %add3A_91 = arith.addi %mul3A_74, %add3A_90 : i32
      %dma_wait3A_92 = arith.constant 0 : i32
      %dma_wait3A_93 = arith.constant 0 : i32
      %dma_wait3A_94 = tpu.memref_slice %arg3[%add3A, %add3A_91, %dma_wait3A_92, %dma_wait3A_93] : memref<32x40x2x125xi32, #tpu.memory_space<hbm>> -> memref<1x1x2x125xi32, #tpu.memory_space<hbm>>
      %dma_wait3A_95 = tpu.memref_squeeze %dma_wait3A_94 : memref<1x1x2x125xi32, #tpu.memory_space<hbm>> -> memref<2x125xi32, #tpu.memory_space<hbm>>
      %dma_wait3A_96 = arith.constant 0 : i32
      %dma_wait3A_97 = arith.constant 0 : i32
      %dma_wait3A_98 = tpu.memref_slice %arg3[%add3A, %add3A_91, %dma_wait3A_96, %dma_wait3A_97] : memref<32x40x2x125xi32, #tpu.memory_space<hbm>> -> memref<1x1x2x125xi32, #tpu.memory_space<hbm>>
      %dma_wait3A_99 = tpu.memref_squeeze %dma_wait3A_98 : memref<1x1x2x125xi32, #tpu.memory_space<hbm>> -> memref<2x125xi32, #tpu.memory_space<hbm>>
      tpu.wait_dma2 semaphore(%arg15 : memref<!tpu.dma_semaphore, #tpu.memory_space<semaphore_mem>>) src(%dma_wait3A_99 : memref<2x125xi32, #tpu.memory_space<hbm>>) dst(%arg8 : memref<2x125xi32, #tpu.memory_space<vmem>>)
      %dma_wait3A_100 = arith.constant 0 : i32
      %dma_wait3A_101 = arith.constant 0 : i32
      %dma_wait3A_102 = tpu.memref_slice %arg4[%add3A, %add3A_91, %dma_wait3A_100, %dma_wait3A_101] : memref<32x40x2x125xi32, #tpu.memory_space<hbm>> -> memref<1x1x2x125xi32, #tpu.memory_space<hbm>>
      %dma_wait3A_103 = tpu.memref_squeeze %dma_wait3A_102 : memref<1x1x2x125xi32, #tpu.memory_space<hbm>> -> memref<2x125xi32, #tpu.memory_space<hbm>>
      %dma_wait3A_104 = arith.constant 0 : i32
      %dma_wait3A_105 = arith.constant 0 : i32
      %dma_wait3A_106 = tpu.memref_slice %arg4[%add3A, %add3A_91, %dma_wait3A_104, %dma_wait3A_105] : memref<32x40x2x125xi32, #tpu.memory_space<hbm>> -> memref<1x1x2x125xi32, #tpu.memory_space<hbm>>
      %dma_wait3A_107 = tpu.memref_squeeze %dma_wait3A_106 : memref<1x1x2x125xi32, #tpu.memory_space<hbm>> -> memref<2x125xi32, #tpu.memory_space<hbm>>
      tpu.wait_dma2 semaphore(%arg15 : memref<!tpu.dma_semaphore, #tpu.memory_space<semaphore_mem>>) src(%dma_wait3A_107 : memref<2x125xi32, #tpu.memory_space<hbm>>) dst(%arg10 : memref<2x125xi32, #tpu.memory_space<vmem>>)
      %dma_start3A_108 = arith.constant 0 : i32
      %dma_start3A_109 = arith.constant 0 : i32
      %dma_start3A_110 = tpu.memref_slice %arg8[%dma_start3A_108, %dma_start3A_109] : memref<2x125xi32, #tpu.memory_space<vmem>> -> memref<1x125xi32, #tpu.memory_space<vmem>>
      %dma_start3A_111 = tpu.memref_squeeze %dma_start3A_110 : memref<1x125xi32, #tpu.memory_space<vmem>> -> memref<125xi32, #tpu.memory_space<vmem>>
      %dma_start3A_112 = arith.constant 0 : i32
      %dma_start3A_113 = arith.constant 0 : i32
      %dma_start3A_114 = tpu.memref_slice %arg2[%dma_start3A_112, %dma_start3A_113] : memref<10240x128xf32, #tpu.memory_space<hbm>> -> memref<10240x128xf32, #tpu.memory_space<hbm>>
      tpu.enqueue_indirect_dma source(%dma_start3A_114 : memref<10240x128xf32, #tpu.memory_space<hbm>>) target(%arg11 : memref<125x128xf32, #tpu.memory_space<vmem>>) offsets(%dma_start3A_111 : memref<125xi32, #tpu.memory_space<vmem>>) semaphore(%arg16 : memref<!tpu.dma_semaphore, #tpu.memory_space<semaphore_mem>>)
      %dma_wait3A_115 = arith.constant 1 : i32
      %dma_wait3A_116 = arith.constant 0 : i32
      %dma_wait3A_117 = tpu.memref_slice %arg7[%dma_wait3A_115, %dma_wait3A_116] : memref<2x125xi32, #tpu.memory_space<vmem>> -> memref<1x125xi32, #tpu.memory_space<vmem>>
      %dma_wait3A_118 = tpu.memref_squeeze %dma_wait3A_117 : memref<1x125xi32, #tpu.memory_space<vmem>> -> memref<125xi32, #tpu.memory_space<vmem>>
      %dma_wait3A_119 = arith.constant 0 : i32
      %dma_wait3A_120 = arith.constant 0 : i32
      %dma_wait3A_121 = tpu.memref_slice %arg2[%dma_wait3A_119, %dma_wait3A_120] : memref<10240x128xf32, #tpu.memory_space<hbm>> -> memref<10240x128xf32, #tpu.memory_space<hbm>>
      tpu.wait_indirect_dma semaphore(%arg17 : memref<!tpu.dma_semaphore, #tpu.memory_space<semaphore_mem>>) src(%dma_wait3A_121 : memref<10240x128xf32, #tpu.memory_space<hbm>>) dst(%arg12 : memref<125x128xf32, #tpu.memory_space<vmem>>)
      %run_scoped3A_122 = arith.constant 1 : i32
      "tpu.region"() ({
        %run_scoped3A_153 = tpu.sem_alloc : memref<!tpu.dma_semaphore, #tpu.memory_space<semaphore_mem>>
        %dma_start3A_154 = arith.constant 0 : i32
        %dma_start3A_155 = tpu.memref_slice %arg9[%run_scoped3A_122, %dma_start3A_154] : memref<2x125xi32, #tpu.memory_space<vmem>> -> memref<1x125xi32, #tpu.memory_space<vmem>>
        %dma_start3A_156 = tpu.memref_squeeze %dma_start3A_155 : memref<1x125xi32, #tpu.memory_space<vmem>> -> memref<125xi32, #tpu.memory_space<vmem>>
        %dma_start3A_157 = arith.constant 0 : i32
        %dma_start3A_158 = arith.constant 0 : i32
        %dma_start3A_159 = tpu.memref_slice %arg13[%dma_start3A_157, %dma_start3A_158] : memref<10240x128xf32, #tpu.memory_space<vmem_shared>> -> memref<10240x128xf32, #tpu.memory_space<vmem_shared>>
        tpu.enqueue_indirect_dma source(%arg12 : memref<125x128xf32, #tpu.memory_space<vmem>>) target(%dma_start3A_159 : memref<10240x128xf32, #tpu.memory_space<vmem_shared>>) offsets(%dma_start3A_156 : memref<125xi32, #tpu.memory_space<vmem>>) semaphore(%run_scoped3A_153 : memref<!tpu.dma_semaphore, #tpu.memory_space<semaphore_mem>>) {add = true}
        %dma_wait3A_160 = arith.constant 0 : i32
        %dma_wait3A_161 = tpu.memref_slice %arg9[%run_scoped3A_122, %dma_wait3A_160] : memref<2x125xi32, #tpu.memory_space<vmem>> -> memref<1x125xi32, #tpu.memory_space<vmem>>
        %dma_wait3A_162 = tpu.memref_squeeze %dma_wait3A_161 : memref<1x125xi32, #tpu.memory_space<vmem>> -> memref<125xi32, #tpu.memory_space<vmem>>
        %dma_wait3A_163 = arith.constant 0 : i32
        %dma_wait3A_164 = arith.constant 0 : i32
        %dma_wait3A_165 = tpu.memref_slice %arg13[%dma_wait3A_163, %dma_wait3A_164] : memref<10240x128xf32, #tpu.memory_space<vmem_shared>> -> memref<10240x128xf32, #tpu.memory_space<vmem_shared>>
        tpu.wait_indirect_dma semaphore(%run_scoped3A_153 : memref<!tpu.dma_semaphore, #tpu.memory_space<semaphore_mem>>) src(%arg12 : memref<125x128xf32, #tpu.memory_space<vmem>>) dst(%dma_wait3A_165 : memref<10240x128xf32, #tpu.memory_space<vmem_shared>>)
        tpu.yield
      }) : () -> ()
      %convert_element_type3A = arith.extui %lt3A_75 : i1 to i32
      %cond3A = arith.constant 0 : i32
      %cond3A_123 = arith.cmpi ne, %convert_element_type3A, %cond3A : i32
      scf.if %cond3A_123 {
        %add3A_153 = arith.constant 2 : i32
        %add3A_154 = arith.addi %mul3A_74, %add3A_153 : i32
        %dma_start3A_155 = arith.constant 0 : i32
        %dma_start3A_156 = arith.constant 0 : i32
        %dma_start3A_157 = tpu.memref_slice %arg3[%add3A, %add3A_154, %dma_start3A_155, %dma_start3A_156] : memref<32x40x2x125xi32, #tpu.memory_space<hbm>> -> memref<1x1x2x125xi32, #tpu.memory_space<hbm>>
        %dma_start3A_158 = tpu.memref_squeeze %dma_start3A_157 : memref<1x1x2x125xi32, #tpu.memory_space<hbm>> -> memref<2x125xi32, #tpu.memory_space<hbm>>
        %dma_start3A_159 = arith.constant 0 : i32
        %dma_start3A_160 = arith.constant 0 : i32
        %dma_start3A_161 = tpu.memref_slice %arg3[%add3A, %add3A_154, %dma_start3A_159, %dma_start3A_160] : memref<32x40x2x125xi32, #tpu.memory_space<hbm>> -> memref<1x1x2x125xi32, #tpu.memory_space<hbm>>
        %dma_start3A_162 = tpu.memref_squeeze %dma_start3A_161 : memref<1x1x2x125xi32, #tpu.memory_space<hbm>> -> memref<2x125xi32, #tpu.memory_space<hbm>>
        tpu.enqueue_dma source(%dma_start3A_162 : memref<2x125xi32, #tpu.memory_space<hbm>>) target(%arg7 : memref<2x125xi32, #tpu.memory_space<vmem>>) target_semaphore(%arg14 : memref<!tpu.dma_semaphore, #tpu.memory_space<semaphore_mem>>)
        %dma_start3A_163 = arith.constant 0 : i32
        %dma_start3A_164 = arith.constant 0 : i32
        %dma_start3A_165 = tpu.memref_slice %arg4[%add3A, %add3A_154, %dma_start3A_163, %dma_start3A_164] : memref<32x40x2x125xi32, #tpu.memory_space<hbm>> -> memref<1x1x2x125xi32, #tpu.memory_space<hbm>>
        %dma_start3A_166 = tpu.memref_squeeze %dma_start3A_165 : memref<1x1x2x125xi32, #tpu.memory_space<hbm>> -> memref<2x125xi32, #tpu.memory_space<hbm>>
        %dma_start3A_167 = arith.constant 0 : i32
        %dma_start3A_168 = arith.constant 0 : i32
        %dma_start3A_169 = tpu.memref_slice %arg4[%add3A, %add3A_154, %dma_start3A_167, %dma_start3A_168] : memref<32x40x2x125xi32, #tpu.memory_space<hbm>> -> memref<1x1x2x125xi32, #tpu.memory_space<hbm>>
        %dma_start3A_170 = tpu.memref_squeeze %dma_start3A_169 : memref<1x1x2x125xi32, #tpu.memory_space<hbm>> -> memref<2x125xi32, #tpu.memory_space<hbm>>
        tpu.enqueue_dma source(%dma_start3A_170 : memref<2x125xi32, #tpu.memory_space<hbm>>) target(%arg9 : memref<2x125xi32, #tpu.memory_space<vmem>>) target_semaphore(%arg14 : memref<!tpu.dma_semaphore, #tpu.memory_space<semaphore_mem>>)
      } else {
      }
      %dma_start3A_124 = arith.constant 1 : i32
      %dma_start3A_125 = arith.constant 0 : i32
      %dma_start3A_126 = tpu.memref_slice %arg8[%dma_start3A_124, %dma_start3A_125] : memref<2x125xi32, #tpu.memory_space<vmem>> -> memref<1x125xi32, #tpu.memory_space<vmem>>
      %dma_start3A_127 = tpu.memref_squeeze %dma_start3A_126 : memref<1x125xi32, #tpu.memory_space<vmem>> -> memref<125xi32, #tpu.memory_space<vmem>>
      %dma_start3A_128 = arith.constant 0 : i32
      %dma_start3A_129 = arith.constant 0 : i32
      %dma_start3A_130 = tpu.memref_slice %arg2[%dma_start3A_128, %dma_start3A_129] : memref<10240x128xf32, #tpu.memory_space<hbm>> -> memref<10240x128xf32, #tpu.memory_space<hbm>>
      tpu.enqueue_indirect_dma source(%dma_start3A_130 : memref<10240x128xf32, #tpu.memory_space<hbm>>) target(%arg12 : memref<125x128xf32, #tpu.memory_space<vmem>>) offsets(%dma_start3A_127 : memref<125xi32, #tpu.memory_space<vmem>>) semaphore(%arg17 : memref<!tpu.dma_semaphore, #tpu.memory_space<semaphore_mem>>)
      %dma_wait3A_131 = arith.constant 0 : i32
      %dma_wait3A_132 = arith.constant 0 : i32
      %dma_wait3A_133 = tpu.memref_slice %arg8[%dma_wait3A_131, %dma_wait3A_132] : memref<2x125xi32, #tpu.memory_space<vmem>> -> memref<1x125xi32, #tpu.memory_space<vmem>>
      %dma_wait3A_134 = tpu.memref_squeeze %dma_wait3A_133 : memref<1x125xi32, #tpu.memory_space<vmem>> -> memref<125xi32, #tpu.memory_space<vmem>>
      %dma_wait3A_135 = arith.constant 0 : i32
      %dma_wait3A_136 = arith.constant 0 : i32
      %dma_wait3A_137 = tpu.memref_slice %arg2[%dma_wait3A_135, %dma_wait3A_136] : memref<10240x128xf32, #tpu.memory_space<hbm>> -> memref<10240x128xf32, #tpu.memory_space<hbm>>
      tpu.wait_indirect_dma semaphore(%arg16 : memref<!tpu.dma_semaphore, #tpu.memory_space<semaphore_mem>>) src(%dma_wait3A_137 : memref<10240x128xf32, #tpu.memory_space<hbm>>) dst(%arg11 : memref<125x128xf32, #tpu.memory_space<vmem>>)
      %run_scoped3A_138 = arith.constant 0 : i32
      "tpu.region"() ({
        %run_scoped3A_153 = tpu.sem_alloc : memref<!tpu.dma_semaphore, #tpu.memory_space<semaphore_mem>>
        %dma_start3A_154 = arith.constant 0 : i32
        %dma_start3A_155 = tpu.memref_slice %arg10[%run_scoped3A_138, %dma_start3A_154] : memref<2x125xi32, #tpu.memory_space<vmem>> -> memref<1x125xi32, #tpu.memory_space<vmem>>
        %dma_start3A_156 = tpu.memref_squeeze %dma_start3A_155 : memref<1x125xi32, #tpu.memory_space<vmem>> -> memref<125xi32, #tpu.memory_space<vmem>>
        %dma_start3A_157 = arith.constant 0 : i32
        %dma_start3A_158 = arith.constant 0 : i32
        %dma_start3A_159 = tpu.memref_slice %arg13[%dma_start3A_157, %dma_start3A_158] : memref<10240x128xf32, #tpu.memory_space<vmem_shared>> -> memref<10240x128xf32, #tpu.memory_space<vmem_shared>>
        tpu.enqueue_indirect_dma source(%arg11 : memref<125x128xf32, #tpu.memory_space<vmem>>) target(%dma_start3A_159 : memref<10240x128xf32, #tpu.memory_space<vmem_shared>>) offsets(%dma_start3A_156 : memref<125xi32, #tpu.memory_space<vmem>>) semaphore(%run_scoped3A_153 : memref<!tpu.dma_semaphore, #tpu.memory_space<semaphore_mem>>) {add = true}
        %dma_wait3A_160 = arith.constant 0 : i32
        %dma_wait3A_161 = tpu.memref_slice %arg10[%run_scoped3A_138, %dma_wait3A_160] : memref<2x125xi32, #tpu.memory_space<vmem>> -> memref<1x125xi32, #tpu.memory_space<vmem>>
        %dma_wait3A_162 = tpu.memref_squeeze %dma_wait3A_161 : memref<1x125xi32, #tpu.memory_space<vmem>> -> memref<125xi32, #tpu.memory_space<vmem>>
        %dma_wait3A_163 = arith.constant 0 : i32
        %dma_wait3A_164 = arith.constant 0 : i32
        %dma_wait3A_165 = tpu.memref_slice %arg13[%dma_wait3A_163, %dma_wait3A_164] : memref<10240x128xf32, #tpu.memory_space<vmem_shared>> -> memref<10240x128xf32, #tpu.memory_space<vmem_shared>>
        tpu.wait_indirect_dma semaphore(%run_scoped3A_153 : memref<!tpu.dma_semaphore, #tpu.memory_space<semaphore_mem>>) src(%arg11 : memref<125x128xf32, #tpu.memory_space<vmem>>) dst(%dma_wait3A_165 : memref<10240x128xf32, #tpu.memory_space<vmem_shared>>)
        tpu.yield
      }) : () -> ()
      %convert_element_type3A_139 = arith.extui %lt3A_75 : i1 to i32
      %cond3A_140 = arith.constant 0 : i32
      %cond3A_141 = arith.cmpi ne, %convert_element_type3A_139, %cond3A_140 : i32
      scf.if %cond3A_141 {
        %add3A_153 = arith.constant 2 : i32
        %add3A_154 = arith.addi %mul3A_74, %add3A_153 : i32
        %dma_wait3A_155 = arith.constant 0 : i32
        %dma_wait3A_156 = arith.constant 0 : i32
        %dma_wait3A_157 = tpu.memref_slice %arg3[%add3A, %add3A_154, %dma_wait3A_155, %dma_wait3A_156] : memref<32x40x2x125xi32, #tpu.memory_space<hbm>> -> memref<1x1x2x125xi32, #tpu.memory_space<hbm>>
        %dma_wait3A_158 = tpu.memref_squeeze %dma_wait3A_157 : memref<1x1x2x125xi32, #tpu.memory_space<hbm>> -> memref<2x125xi32, #tpu.memory_space<hbm>>
        %dma_wait3A_159 = arith.constant 0 : i32
        %dma_wait3A_160 = arith.constant 0 : i32
        %dma_wait3A_161 = tpu.memref_slice %arg3[%add3A, %add3A_154, %dma_wait3A_159, %dma_wait3A_160] : memref<32x40x2x125xi32, #tpu.memory_space<hbm>> -> memref<1x1x2x125xi32, #tpu.memory_space<hbm>>
        %dma_wait3A_162 = tpu.memref_squeeze %dma_wait3A_161 : memref<1x1x2x125xi32, #tpu.memory_space<hbm>> -> memref<2x125xi32, #tpu.memory_space<hbm>>
        tpu.wait_dma2 semaphore(%arg14 : memref<!tpu.dma_semaphore, #tpu.memory_space<semaphore_mem>>) src(%dma_wait3A_162 : memref<2x125xi32, #tpu.memory_space<hbm>>) dst(%arg7 : memref<2x125xi32, #tpu.memory_space<vmem>>)
        %dma_wait3A_163 = arith.constant 0 : i32
        %dma_wait3A_164 = arith.constant 0 : i32
        %dma_wait3A_165 = tpu.memref_slice %arg4[%add3A, %add3A_154, %dma_wait3A_163, %dma_wait3A_164] : memref<32x40x2x125xi32, #tpu.memory_space<hbm>> -> memref<1x1x2x125xi32, #tpu.memory_space<hbm>>
        %dma_wait3A_166 = tpu.memref_squeeze %dma_wait3A_165 : memref<1x1x2x125xi32, #tpu.memory_space<hbm>> -> memref<2x125xi32, #tpu.memory_space<hbm>>
        %dma_wait3A_167 = arith.constant 0 : i32
        %dma_wait3A_168 = arith.constant 0 : i32
        %dma_wait3A_169 = tpu.memref_slice %arg4[%add3A, %add3A_154, %dma_wait3A_167, %dma_wait3A_168] : memref<32x40x2x125xi32, #tpu.memory_space<hbm>> -> memref<1x1x2x125xi32, #tpu.memory_space<hbm>>
        %dma_wait3A_170 = tpu.memref_squeeze %dma_wait3A_169 : memref<1x1x2x125xi32, #tpu.memory_space<hbm>> -> memref<2x125xi32, #tpu.memory_space<hbm>>
        tpu.wait_dma2 semaphore(%arg14 : memref<!tpu.dma_semaphore, #tpu.memory_space<semaphore_mem>>) src(%dma_wait3A_170 : memref<2x125xi32, #tpu.memory_space<hbm>>) dst(%arg9 : memref<2x125xi32, #tpu.memory_space<vmem>>)
        %dma_start3A_171 = arith.constant 0 : i32
        %dma_start3A_172 = arith.constant 0 : i32
        %dma_start3A_173 = tpu.memref_slice %arg7[%dma_start3A_171, %dma_start3A_172] : memref<2x125xi32, #tpu.memory_space<vmem>> -> memref<1x125xi32, #tpu.memory_space<vmem>>
        %dma_start3A_174 = tpu.memref_squeeze %dma_start3A_173 : memref<1x125xi32, #tpu.memory_space<vmem>> -> memref<125xi32, #tpu.memory_space<vmem>>
        %dma_start3A_175 = arith.constant 0 : i32
        %dma_start3A_176 = arith.constant 0 : i32
        %dma_start3A_177 = tpu.memref_slice %arg2[%dma_start3A_175, %dma_start3A_176] : memref<10240x128xf32, #tpu.memory_space<hbm>> -> memref<10240x128xf32, #tpu.memory_space<hbm>>
        tpu.enqueue_indirect_dma source(%dma_start3A_177 : memref<10240x128xf32, #tpu.memory_space<hbm>>) target(%arg11 : memref<125x128xf32, #tpu.memory_space<vmem>>) offsets(%dma_start3A_174 : memref<125xi32, #tpu.memory_space<vmem>>) semaphore(%arg16 : memref<!tpu.dma_semaphore, #tpu.memory_space<semaphore_mem>>)
      } else {
      }
      %dma_wait3A_142 = arith.constant 1 : i32
      %dma_wait3A_143 = arith.constant 0 : i32
      %dma_wait3A_144 = tpu.memref_slice %arg8[%dma_wait3A_142, %dma_wait3A_143] : memref<2x125xi32, #tpu.memory_space<vmem>> -> memref<1x125xi32, #tpu.memory_space<vmem>>
      %dma_wait3A_145 = tpu.memref_squeeze %dma_wait3A_144 : memref<1x125xi32, #tpu.memory_space<vmem>> -> memref<125xi32, #tpu.memory_space<vmem>>
      %dma_wait3A_146 = arith.constant 0 : i32
      %dma_wait3A_147 = arith.constant 0 : i32
      %dma_wait3A_148 = tpu.memref_slice %arg2[%dma_wait3A_146, %dma_wait3A_147] : memref<10240x128xf32, #tpu.memory_space<hbm>> -> memref<10240x128xf32, #tpu.memory_space<hbm>>
      tpu.wait_indirect_dma semaphore(%arg17 : memref<!tpu.dma_semaphore, #tpu.memory_space<semaphore_mem>>) src(%dma_wait3A_148 : memref<10240x128xf32, #tpu.memory_space<hbm>>) dst(%arg12 : memref<125x128xf32, #tpu.memory_space<vmem>>)
      %run_scoped3A_149 = arith.constant 1 : i32
      "tpu.region"() ({
        %run_scoped3A_153 = tpu.sem_alloc : memref<!tpu.dma_semaphore, #tpu.memory_space<semaphore_mem>>
        %dma_start3A_154 = arith.constant 0 : i32
        %dma_start3A_155 = tpu.memref_slice %arg10[%run_scoped3A_149, %dma_start3A_154] : memref<2x125xi32, #tpu.memory_space<vmem>> -> memref<1x125xi32, #tpu.memory_space<vmem>>
        %dma_start3A_156 = tpu.memref_squeeze %dma_start3A_155 : memref<1x125xi32, #tpu.memory_space<vmem>> -> memref<125xi32, #tpu.memory_space<vmem>>
        %dma_start3A_157 = arith.constant 0 : i32
        %dma_start3A_158 = arith.constant 0 : i32
        %dma_start3A_159 = tpu.memref_slice %arg13[%dma_start3A_157, %dma_start3A_158] : memref<10240x128xf32, #tpu.memory_space<vmem_shared>> -> memref<10240x128xf32, #tpu.memory_space<vmem_shared>>
        tpu.enqueue_indirect_dma source(%arg12 : memref<125x128xf32, #tpu.memory_space<vmem>>) target(%dma_start3A_159 : memref<10240x128xf32, #tpu.memory_space<vmem_shared>>) offsets(%dma_start3A_156 : memref<125xi32, #tpu.memory_space<vmem>>) semaphore(%run_scoped3A_153 : memref<!tpu.dma_semaphore, #tpu.memory_space<semaphore_mem>>) {add = true}
        %dma_wait3A_160 = arith.constant 0 : i32
        %dma_wait3A_161 = tpu.memref_slice %arg10[%run_scoped3A_149, %dma_wait3A_160] : memref<2x125xi32, #tpu.memory_space<vmem>> -> memref<1x125xi32, #tpu.memory_space<vmem>>
        %dma_wait3A_162 = tpu.memref_squeeze %dma_wait3A_161 : memref<1x125xi32, #tpu.memory_space<vmem>> -> memref<125xi32, #tpu.memory_space<vmem>>
        %dma_wait3A_163 = arith.constant 0 : i32
        %dma_wait3A_164 = arith.constant 0 : i32
        %dma_wait3A_165 = tpu.memref_slice %arg13[%dma_wait3A_163, %dma_wait3A_164] : memref<10240x128xf32, #tpu.memory_space<vmem_shared>> -> memref<10240x128xf32, #tpu.memory_space<vmem_shared>>
        tpu.wait_indirect_dma semaphore(%run_scoped3A_153 : memref<!tpu.dma_semaphore, #tpu.memory_space<semaphore_mem>>) src(%arg12 : memref<125x128xf32, #tpu.memory_space<vmem>>) dst(%dma_wait3A_165 : memref<10240x128xf32, #tpu.memory_space<vmem_shared>>)
        tpu.yield
      }) : () -> ()
      %convert_element_type3A_150 = arith.extui %lt3A_75 : i1 to i32
      %cond3A_151 = arith.constant 0 : i32
      %cond3A_152 = arith.cmpi ne, %convert_element_type3A_150, %cond3A_151 : i32
      scf.if %cond3A_152 {
        %add3A_153 = arith.constant 3 : i32
        %add3A_154 = arith.addi %mul3A_74, %add3A_153 : i32
        %dma_start3A_155 = arith.constant 0 : i32
        %dma_start3A_156 = arith.constant 0 : i32
        %dma_start3A_157 = tpu.memref_slice %arg3[%add3A, %add3A_154, %dma_start3A_155, %dma_start3A_156] : memref<32x40x2x125xi32, #tpu.memory_space<hbm>> -> memref<1x1x2x125xi32, #tpu.memory_space<hbm>>
        %dma_start3A_158 = tpu.memref_squeeze %dma_start3A_157 : memref<1x1x2x125xi32, #tpu.memory_space<hbm>> -> memref<2x125xi32, #tpu.memory_space<hbm>>
        %dma_start3A_159 = arith.constant 0 : i32
        %dma_start3A_160 = arith.constant 0 : i32
        %dma_start3A_161 = tpu.memref_slice %arg3[%add3A, %add3A_154, %dma_start3A_159, %dma_start3A_160] : memref<32x40x2x125xi32, #tpu.memory_space<hbm>> -> memref<1x1x2x125xi32, #tpu.memory_space<hbm>>
        %dma_start3A_162 = tpu.memref_squeeze %dma_start3A_161 : memref<1x1x2x125xi32, #tpu.memory_space<hbm>> -> memref<2x125xi32, #tpu.memory_space<hbm>>
        tpu.enqueue_dma source(%dma_start3A_162 : memref<2x125xi32, #tpu.memory_space<hbm>>) target(%arg8 : memref<2x125xi32, #tpu.memory_space<vmem>>) target_semaphore(%arg15 : memref<!tpu.dma_semaphore, #tpu.memory_space<semaphore_mem>>)
        %dma_start3A_163 = arith.constant 0 : i32
        %dma_start3A_164 = arith.constant 0 : i32
        %dma_start3A_165 = tpu.memref_slice %arg4[%add3A, %add3A_154, %dma_start3A_163, %dma_start3A_164] : memref<32x40x2x125xi32, #tpu.memory_space<hbm>> -> memref<1x1x2x125xi32, #tpu.memory_space<hbm>>
        %dma_start3A_166 = tpu.memref_squeeze %dma_start3A_165 : memref<1x1x2x125xi32, #tpu.memory_space<hbm>> -> memref<2x125xi32, #tpu.memory_space<hbm>>
        %dma_start3A_167 = arith.constant 0 : i32
        %dma_start3A_168 = arith.constant 0 : i32
        %dma_start3A_169 = tpu.memref_slice %arg4[%add3A, %add3A_154, %dma_start3A_167, %dma_start3A_168] : memref<32x40x2x125xi32, #tpu.memory_space<hbm>> -> memref<1x1x2x125xi32, #tpu.memory_space<hbm>>
        %dma_start3A_170 = tpu.memref_squeeze %dma_start3A_169 : memref<1x1x2x125xi32, #tpu.memory_space<hbm>> -> memref<2x125xi32, #tpu.memory_space<hbm>>
        tpu.enqueue_dma source(%dma_start3A_170 : memref<2x125xi32, #tpu.memory_space<hbm>>) target(%arg10 : memref<2x125xi32, #tpu.memory_space<vmem>>) target_semaphore(%arg15 : memref<!tpu.dma_semaphore, #tpu.memory_space<semaphore_mem>>)
      } else {
      }
    }
    %scan3A_66 = arith.constant 20 : i32
    %barrier3A_67 = arith.constant 0 : index
    tpu.barrier barrier_id(%barrier3A_67)
    %mul3A_68 = arith.constant 640 : i32
    %mul3A_69 = arith.muli %arg1, %mul3A_68 : i32
    %mul3A_70 = arith.constant 640 : i32
    %mul3A_71 = arith.muli %arg1, %mul3A_70 : i32
    "tpu.region"() ({
      %run_scoped3A = tpu.sem_alloc : memref<!tpu.dma_semaphore, #tpu.memory_space<semaphore_mem>>
      %dma_start3A_72 = arith.constant 0 : i32
      %dma_start3A_73 = tpu.memref_slice %arg6[%arg0, %mul3A_71, %dma_start3A_72] : memref<2x10240x128xf32, #tpu.memory_space<hbm>> -> memref<1x640x128xf32, #tpu.memory_space<hbm>>
      %dma_start3A_74 = tpu.memref_squeeze %dma_start3A_73 : memref<1x640x128xf32, #tpu.memory_space<hbm>> -> memref<640x128xf32, #tpu.memory_space<hbm>>
      %dma_start3A_75 = arith.constant 0 : i32
      %dma_start3A_76 = tpu.memref_slice %arg13[%mul3A_69, %dma_start3A_75] : memref<10240x128xf32, #tpu.memory_space<vmem_shared>> -> memref<640x128xf32, #tpu.memory_space<vmem_shared>>
      tpu.enqueue_dma source(%dma_start3A_76 : memref<640x128xf32, #tpu.memory_space<vmem_shared>>) target(%dma_start3A_74 : memref<640x128xf32, #tpu.memory_space<hbm>>) target_semaphore(%run_scoped3A : memref<!tpu.dma_semaphore, #tpu.memory_space<semaphore_mem>>)
      %dma_wait3A_77 = arith.constant 0 : i32
      %dma_wait3A_78 = tpu.memref_slice %arg6[%arg0, %mul3A_71, %dma_wait3A_77] : memref<2x10240x128xf32, #tpu.memory_space<hbm>> -> memref<1x640x128xf32, #tpu.memory_space<hbm>>
      %dma_wait3A_79 = tpu.memref_squeeze %dma_wait3A_78 : memref<1x640x128xf32, #tpu.memory_space<hbm>> -> memref<640x128xf32, #tpu.memory_space<hbm>>
      %dma_wait3A_80 = arith.constant 0 : i32
      %dma_wait3A_81 = tpu.memref_slice %arg13[%mul3A_69, %dma_wait3A_80] : memref<10240x128xf32, #tpu.memory_space<vmem_shared>> -> memref<640x128xf32, #tpu.memory_space<vmem_shared>>
      tpu.wait_dma2 semaphore(%run_scoped3A : memref<!tpu.dma_semaphore, #tpu.memory_space<semaphore_mem>>) src(%dma_wait3A_81 : memref<640x128xf32, #tpu.memory_space<vmem_shared>>) dst(%dma_wait3A_79 : memref<640x128xf32, #tpu.memory_space<hbm>>)
      tpu.yield
    }) : () -> ()
    return
  }
}

#map = affine_map<(d0, d1) -> (0, 0)>
#map1 = affine_map<(d0, d1) -> (0, 0, 0, 0)>
#map2 = affine_map<(d0, d1) -> (0, 0, 0)>
module attributes {stable_mosaic.version = 14 : i64} {
  func.func @_sc_agg_body(%arg0: i32, %arg1: i32, %arg2: memref<10240x128xf32, #tpu.memory_space<hbm>>, %arg3: memref<32x40x2x125xi32, #tpu.memory_space<hbm>>, %arg4: memref<32x40x2x125xi32, #tpu.memory_space<hbm>>, %arg5: memref<640x128xf32, #tpu.memory_space<hbm>>, %arg6: memref<2x10240x128xf32, #tpu.memory_space<hbm>>, %arg7: memref<2x125xi32, #tpu.memory_space<vmem>>, %arg8: memref<2x125xi32, #tpu.memory_space<vmem>>, %arg9: memref<2x125xi32, #tpu.memory_space<vmem>>, %arg10: memref<2x125xi32, #tpu.memory_space<vmem>>, %arg11: memref<125x128xf32, #tpu.memory_space<vmem>>, %arg12: memref<125x128xf32, #tpu.memory_space<vmem>>, %arg13: memref<10240x128xf32, #tpu.memory_space<vmem_shared>>, %arg14: memref<!tpu.dma_semaphore, #tpu.memory_space<semaphore_mem>>, %arg15: memref<!tpu.dma_semaphore, #tpu.memory_space<semaphore_mem>>, %arg16: memref<!tpu.dma_semaphore, #tpu.memory_space<semaphore_mem>>, %arg17: memref<!tpu.dma_semaphore, #tpu.memory_space<semaphore_mem>>) attributes {dimension_semantics = [#tpu.dimension_semantics<core_parallel>, #tpu.dimension_semantics<subcore_parallel>], iteration_bounds = array<i64: 2, 16>, scalar_prefetch = 0 : i64, scratch_operands = 11 : i64, tpu.core_type = #tpu.core_type<sc_vector_subcore>, window_params = [{transform_indices = #map}, {transform_indices = #map1}, {transform_indices = #map1}, {transform_indices = #map}, {transform_indices = #map2}]} {
    %mul3A = arith.constant 2 : i32
    %mul3A_0 = arith.muli %arg1, %mul3A : i32
    %add3A = arith.addi %mul3A_0, %arg0 : i32
    %dma_start3A = arith.constant 0 : i32
    %dma_start3A_1 = arith.constant 0 : i32
    %dma_start3A_2 = arith.constant 0 : i32
    %dma_start3A_3 = tpu.memref_slice %arg3[%add3A, %dma_start3A, %dma_start3A_1, %dma_start3A_2] : memref<32x40x2x125xi32, #tpu.memory_space<hbm>> -> memref<1x1x2x125xi32, #tpu.memory_space<hbm>>
    %dma_start3A_4 = tpu.memref_squeeze %dma_start3A_3 : memref<1x1x2x125xi32, #tpu.memory_space<hbm>> -> memref<2x125xi32, #tpu.memory_space<hbm>>
    %dma_start3A_5 = arith.constant 0 : i32
    %dma_start3A_6 = arith.constant 0 : i32
    %dma_start3A_7 = tpu.memref_slice %arg3[%add3A, %dma_start3A, %dma_start3A_5, %dma_start3A_6] : memref<32x40x2x125xi32, #tpu.memory_space<hbm>> -> memref<1x1x2x125xi32, #tpu.memory_space<hbm>>
    %dma_start3A_8 = tpu.memref_squeeze %dma_start3A_7 : memref<1x1x2x125xi32, #tpu.memory_space<hbm>> -> memref<2x125xi32, #tpu.memory_space<hbm>>
    tpu.enqueue_dma source(%dma_start3A_8 : memref<2x125xi32, #tpu.memory_space<hbm>>) target(%arg7 : memref<2x125xi32, #tpu.memory_space<vmem>>) target_semaphore(%arg14 : memref<!tpu.dma_semaphore, #tpu.memory_space<semaphore_mem>>)
    %dma_start3A_9 = arith.constant 0 : i32
    %dma_start3A_10 = arith.constant 0 : i32
    %dma_start3A_11 = arith.constant 0 : i32
    %dma_start3A_12 = tpu.memref_slice %arg4[%add3A, %dma_start3A_9, %dma_start3A_10, %dma_start3A_11] : memref<32x40x2x125xi32, #tpu.memory_space<hbm>> -> memref<1x1x2x125xi32, #tpu.memory_space<hbm>>
    %dma_start3A_13 = tpu.memref_squeeze %dma_start3A_12 : memref<1x1x2x125xi32, #tpu.memory_space<hbm>> -> memref<2x125xi32, #tpu.memory_space<hbm>>
    %dma_start3A_14 = arith.constant 0 : i32
    %dma_start3A_15 = arith.constant 0 : i32
    %dma_start3A_16 = tpu.memref_slice %arg4[%add3A, %dma_start3A_9, %dma_start3A_14, %dma_start3A_15] : memref<32x40x2x125xi32, #tpu.memory_space<hbm>> -> memref<1x1x2x125xi32, #tpu.memory_space<hbm>>
    %dma_start3A_17 = tpu.memref_squeeze %dma_start3A_16 : memref<1x1x2x125xi32, #tpu.memory_space<hbm>> -> memref<2x125xi32, #tpu.memory_space<hbm>>
    tpu.enqueue_dma source(%dma_start3A_17 : memref<2x125xi32, #tpu.memory_space<hbm>>) target(%arg9 : memref<2x125xi32, #tpu.memory_space<vmem>>) target_semaphore(%arg14 : memref<!tpu.dma_semaphore, #tpu.memory_space<semaphore_mem>>)
    %dma_start3A_18 = arith.constant 1 : i32
    %dma_start3A_19 = arith.constant 0 : i32
    %dma_start3A_20 = arith.constant 0 : i32
    %dma_start3A_21 = tpu.memref_slice %arg3[%add3A, %dma_start3A_18, %dma_start3A_19, %dma_start3A_20] : memref<32x40x2x125xi32, #tpu.memory_space<hbm>> -> memref<1x1x2x125xi32, #tpu.memory_space<hbm>>
    %dma_start3A_22 = tpu.memref_squeeze %dma_start3A_21 : memref<1x1x2x125xi32, #tpu.memory_space<hbm>> -> memref<2x125xi32, #tpu.memory_space<hbm>>
    %dma_start3A_23 = arith.constant 0 : i32
    %dma_start3A_24 = arith.constant 0 : i32
    %dma_start3A_25 = tpu.memref_slice %arg3[%add3A, %dma_start3A_18, %dma_start3A_23, %dma_start3A_24] : memref<32x40x2x125xi32, #tpu.memory_space<hbm>> -> memref<1x1x2x125xi32, #tpu.memory_space<hbm>>
    %dma_start3A_26 = tpu.memref_squeeze %dma_start3A_25 : memref<1x1x2x125xi32, #tpu.memory_space<hbm>> -> memref<2x125xi32, #tpu.memory_space<hbm>>
    tpu.enqueue_dma source(%dma_start3A_26 : memref<2x125xi32, #tpu.memory_space<hbm>>) target(%arg8 : memref<2x125xi32, #tpu.memory_space<vmem>>) target_semaphore(%arg15 : memref<!tpu.dma_semaphore, #tpu.memory_space<semaphore_mem>>)
    %dma_start3A_27 = arith.constant 1 : i32
    %dma_start3A_28 = arith.constant 0 : i32
    %dma_start3A_29 = arith.constant 0 : i32
    %dma_start3A_30 = tpu.memref_slice %arg4[%add3A, %dma_start3A_27, %dma_start3A_28, %dma_start3A_29] : memref<32x40x2x125xi32, #tpu.memory_space<hbm>> -> memref<1x1x2x125xi32, #tpu.memory_space<hbm>>
    %dma_start3A_31 = tpu.memref_squeeze %dma_start3A_30 : memref<1x1x2x125xi32, #tpu.memory_space<hbm>> -> memref<2x125xi32, #tpu.memory_space<hbm>>
    %dma_start3A_32 = arith.constant 0 : i32
    %dma_start3A_33 = arith.constant 0 : i32
    %dma_start3A_34 = tpu.memref_slice %arg4[%add3A, %dma_start3A_27, %dma_start3A_32, %dma_start3A_33] : memref<32x40x2x125xi32, #tpu.memory_space<hbm>> -> memref<1x1x2x125xi32, #tpu.memory_space<hbm>>
    %dma_start3A_35 = tpu.memref_squeeze %dma_start3A_34 : memref<1x1x2x125xi32, #tpu.memory_space<hbm>> -> memref<2x125xi32, #tpu.memory_space<hbm>>
    tpu.enqueue_dma source(%dma_start3A_35 : memref<2x125xi32, #tpu.memory_space<hbm>>) target(%arg10 : memref<2x125xi32, #tpu.memory_space<vmem>>) target_semaphore(%arg15 : memref<!tpu.dma_semaphore, #tpu.memory_space<semaphore_mem>>)
    %mul3A_36 = arith.constant 640 : i32
    %mul3A_37 = arith.muli %arg1, %mul3A_36 : i32
    "tpu.region"() ({
      %run_scoped3A = tpu.sem_alloc : memref<!tpu.dma_semaphore, #tpu.memory_space<semaphore_mem>>
      %dma_start3A_72 = arith.constant 0 : i32
      %dma_start3A_73 = tpu.memref_slice %arg13[%mul3A_37, %dma_start3A_72] : memref<10240x128xf32, #tpu.memory_space<vmem_shared>> -> memref<640x128xf32, #tpu.memory_space<vmem_shared>>
      tpu.enqueue_dma source(%arg5 : memref<640x128xf32, #tpu.memory_space<hbm>>) target(%dma_start3A_73 : memref<640x128xf32, #tpu.memory_space<vmem_shared>>) target_semaphore(%run_scoped3A : memref<!tpu.dma_semaphore, #tpu.memory_space<semaphore_mem>>)
      %dma_wait3A_74 = arith.constant 0 : i32
      %dma_wait3A_75 = tpu.memref_slice %arg13[%mul3A_37, %dma_wait3A_74] : memref<10240x128xf32, #tpu.memory_space<vmem_shared>> -> memref<640x128xf32, #tpu.memory_space<vmem_shared>>
      tpu.wait_dma2 semaphore(%run_scoped3A : memref<!tpu.dma_semaphore, #tpu.memory_space<semaphore_mem>>) src(%arg5 : memref<640x128xf32, #tpu.memory_space<hbm>>) dst(%dma_wait3A_75 : memref<640x128xf32, #tpu.memory_space<vmem_shared>>)
      tpu.yield
    }) : () -> ()
    %barrier3A = arith.constant 0 : index
    tpu.barrier barrier_id(%barrier3A)
    %dma_wait3A = arith.constant 0 : i32
    %dma_wait3A_38 = arith.constant 0 : i32
    %dma_wait3A_39 = arith.constant 0 : i32
    %dma_wait3A_40 = tpu.memref_slice %arg3[%add3A, %dma_wait3A, %dma_wait3A_38, %dma_wait3A_39] : memref<32x40x2x125xi32, #tpu.memory_space<hbm>> -> memref<1x1x2x125xi32, #tpu.memory_space<hbm>>
    %dma_wait3A_41 = tpu.memref_squeeze %dma_wait3A_40 : memref<1x1x2x125xi32, #tpu.memory_space<hbm>> -> memref<2x125xi32, #tpu.memory_space<hbm>>
    %dma_wait3A_42 = arith.constant 0 : i32
    %dma_wait3A_43 = arith.constant 0 : i32
    %dma_wait3A_44 = tpu.memref_slice %arg3[%add3A, %dma_wait3A, %dma_wait3A_42, %dma_wait3A_43] : memref<32x40x2x125xi32, #tpu.memory_space<hbm>> -> memref<1x1x2x125xi32, #tpu.memory_space<hbm>>
    %dma_wait3A_45 = tpu.memref_squeeze %dma_wait3A_44 : memref<1x1x2x125xi32, #tpu.memory_space<hbm>> -> memref<2x125xi32, #tpu.memory_space<hbm>>
    tpu.wait_dma2 semaphore(%arg14 : memref<!tpu.dma_semaphore, #tpu.memory_space<semaphore_mem>>) src(%dma_wait3A_45 : memref<2x125xi32, #tpu.memory_space<hbm>>) dst(%arg7 : memref<2x125xi32, #tpu.memory_space<vmem>>)
    %dma_wait3A_46 = arith.constant 0 : i32
    %dma_wait3A_47 = arith.constant 0 : i32
    %dma_wait3A_48 = arith.constant 0 : i32
    %dma_wait3A_49 = tpu.memref_slice %arg4[%add3A, %dma_wait3A_46, %dma_wait3A_47, %dma_wait3A_48] : memref<32x40x2x125xi32, #tpu.memory_space<hbm>> -> memref<1x1x2x125xi32, #tpu.memory_space<hbm>>
    %dma_wait3A_50 = tpu.memref_squeeze %dma_wait3A_49 : memref<1x1x2x125xi32, #tpu.memory_space<hbm>> -> memref<2x125xi32, #tpu.memory_space<hbm>>
    %dma_wait3A_51 = arith.constant 0 : i32
    %dma_wait3A_52 = arith.constant 0 : i32
    %dma_wait3A_53 = tpu.memref_slice %arg4[%add3A, %dma_wait3A_46, %dma_wait3A_51, %dma_wait3A_52] : memref<32x40x2x125xi32, #tpu.memory_space<hbm>> -> memref<1x1x2x125xi32, #tpu.memory_space<hbm>>
    %dma_wait3A_54 = tpu.memref_squeeze %dma_wait3A_53 : memref<1x1x2x125xi32, #tpu.memory_space<hbm>> -> memref<2x125xi32, #tpu.memory_space<hbm>>
    tpu.wait_dma2 semaphore(%arg14 : memref<!tpu.dma_semaphore, #tpu.memory_space<semaphore_mem>>) src(%dma_wait3A_54 : memref<2x125xi32, #tpu.memory_space<hbm>>) dst(%arg9 : memref<2x125xi32, #tpu.memory_space<vmem>>)
    %dma_start3A_55 = arith.constant 0 : i32
    %dma_start3A_56 = arith.constant 0 : i32
    %dma_start3A_57 = tpu.memref_slice %arg7[%dma_start3A_55, %dma_start3A_56] : memref<2x125xi32, #tpu.memory_space<vmem>> -> memref<1x125xi32, #tpu.memory_space<vmem>>
    %dma_start3A_58 = tpu.memref_squeeze %dma_start3A_57 : memref<1x125xi32, #tpu.memory_space<vmem>> -> memref<125xi32, #tpu.memory_space<vmem>>
    %dma_start3A_59 = arith.constant 0 : i32
    %dma_start3A_60 = arith.constant 0 : i32
    %dma_start3A_61 = tpu.memref_slice %arg2[%dma_start3A_59, %dma_start3A_60] : memref<10240x128xf32, #tpu.memory_space<hbm>> -> memref<10240x128xf32, #tpu.memory_space<hbm>>
    tpu.enqueue_indirect_dma source(%dma_start3A_61 : memref<10240x128xf32, #tpu.memory_space<hbm>>) target(%arg11 : memref<125x128xf32, #tpu.memory_space<vmem>>) offsets(%dma_start3A_58 : memref<125xi32, #tpu.memory_space<vmem>>) semaphore(%arg16 : memref<!tpu.dma_semaphore, #tpu.memory_space<semaphore_mem>>)
    %scan3A = arith.constant 0 : i32
    %scan3A_62 = arith.constant 0 : i32
    %scan3A_63 = arith.constant 20 : i32
    %scan3A_64 = arith.addi %scan3A_62, %scan3A_63 : i32
    %scan3A_65 = arith.constant 1 : i32
    scf.for %scan3A_72 = %scan3A_62 to %scan3A_64 step %scan3A_65  : i32 {
      %mul3A_73 = arith.constant 2 : i32
      %mul3A_74 = arith.muli %mul3A_73, %scan3A_72 : i32
      %lt3A = arith.constant 19 : i32
      %lt3A_75 = arith.cmpi slt, %scan3A_72, %lt3A : i32
      %dma_start3A_76 = arith.constant 1 : i32
      %dma_start3A_77 = arith.constant 0 : i32
      %dma_start3A_78 = tpu.memref_slice %arg7[%dma_start3A_76, %dma_start3A_77] : memref<2x125xi32, #tpu.memory_space<vmem>> -> memref<1x125xi32, #tpu.memory_space<vmem>>
      %dma_start3A_79 = tpu.memref_squeeze %dma_start3A_78 : memref<1x125xi32, #tpu.memory_space<vmem>> -> memref<125xi32, #tpu.memory_space<vmem>>
      %dma_start3A_80 = arith.constant 0 : i32
      %dma_start3A_81 = arith.constant 0 : i32
      %dma_start3A_82 = tpu.memref_slice %arg2[%dma_start3A_80, %dma_start3A_81] : memref<10240x128xf32, #tpu.memory_space<hbm>> -> memref<10240x128xf32, #tpu.memory_space<hbm>>
      tpu.enqueue_indirect_dma source(%dma_start3A_82 : memref<10240x128xf32, #tpu.memory_space<hbm>>) target(%arg12 : memref<125x128xf32, #tpu.memory_space<vmem>>) offsets(%dma_start3A_79 : memref<125xi32, #tpu.memory_space<vmem>>) semaphore(%arg17 : memref<!tpu.dma_semaphore, #tpu.memory_space<semaphore_mem>>)
      %dma_wait3A_83 = arith.constant 0 : i32
      %dma_wait3A_84 = arith.constant 0 : i32
      %dma_wait3A_85 = tpu.memref_slice %arg7[%dma_wait3A_83, %dma_wait3A_84] : memref<2x125xi32, #tpu.memory_space<vmem>> -> memref<1x125xi32, #tpu.memory_space<vmem>>
      %dma_wait3A_86 = tpu.memref_squeeze %dma_wait3A_85 : memref<1x125xi32, #tpu.memory_space<vmem>> -> memref<125xi32, #tpu.memory_space<vmem>>
      %dma_wait3A_87 = arith.constant 0 : i32
      %dma_wait3A_88 = arith.constant 0 : i32
      %dma_wait3A_89 = tpu.memref_slice %arg2[%dma_wait3A_87, %dma_wait3A_88] : memref<10240x128xf32, #tpu.memory_space<hbm>> -> memref<10240x128xf32, #tpu.memory_space<hbm>>
      tpu.wait_indirect_dma semaphore(%arg16 : memref<!tpu.dma_semaphore, #tpu.memory_space<semaphore_mem>>) src(%dma_wait3A_89 : memref<10240x128xf32, #tpu.memory_space<hbm>>) dst(%arg11 : memref<125x128xf32, #tpu.memory_space<vmem>>)
      %run_scoped3A = arith.constant 0 : i32
      "tpu.region"() ({
        %run_scoped3A_153 = tpu.sem_alloc : memref<!tpu.dma_semaphore, #tpu.memory_space<semaphore_mem>>
        %dma_start3A_154 = arith.constant 0 : i32
        %dma_start3A_155 = tpu.memref_slice %arg9[%run_scoped3A, %dma_start3A_154] : memref<2x125xi32, #tpu.memory_space<vmem>> -> memref<1x125xi32, #tpu.memory_space<vmem>>
        %dma_start3A_156 = tpu.memref_squeeze %dma_start3A_155 : memref<1x125xi32, #tpu.memory_space<vmem>> -> memref<125xi32, #tpu.memory_space<vmem>>
        %dma_start3A_157 = arith.constant 0 : i32
        %dma_start3A_158 = arith.constant 0 : i32
        %dma_start3A_159 = tpu.memref_slice %arg13[%dma_start3A_157, %dma_start3A_158] : memref<10240x128xf32, #tpu.memory_space<vmem_shared>> -> memref<10240x128xf32, #tpu.memory_space<vmem_shared>>
        tpu.enqueue_indirect_dma source(%arg11 : memref<125x128xf32, #tpu.memory_space<vmem>>) target(%dma_start3A_159 : memref<10240x128xf32, #tpu.memory_space<vmem_shared>>) offsets(%dma_start3A_156 : memref<125xi32, #tpu.memory_space<vmem>>) semaphore(%run_scoped3A_153 : memref<!tpu.dma_semaphore, #tpu.memory_space<semaphore_mem>>) {add = true}
        %dma_wait3A_160 = arith.constant 0 : i32
        %dma_wait3A_161 = tpu.memref_slice %arg9[%run_scoped3A, %dma_wait3A_160] : memref<2x125xi32, #tpu.memory_space<vmem>> -> memref<1x125xi32, #tpu.memory_space<vmem>>
        %dma_wait3A_162 = tpu.memref_squeeze %dma_wait3A_161 : memref<1x125xi32, #tpu.memory_space<vmem>> -> memref<125xi32, #tpu.memory_space<vmem>>
        %dma_wait3A_163 = arith.constant 0 : i32
        %dma_wait3A_164 = arith.constant 0 : i32
        %dma_wait3A_165 = tpu.memref_slice %arg13[%dma_wait3A_163, %dma_wait3A_164] : memref<10240x128xf32, #tpu.memory_space<vmem_shared>> -> memref<10240x128xf32, #tpu.memory_space<vmem_shared>>
        tpu.wait_indirect_dma semaphore(%run_scoped3A_153 : memref<!tpu.dma_semaphore, #tpu.memory_space<semaphore_mem>>) src(%arg11 : memref<125x128xf32, #tpu.memory_space<vmem>>) dst(%dma_wait3A_165 : memref<10240x128xf32, #tpu.memory_space<vmem_shared>>)
        tpu.yield
      }) : () -> ()
      %add3A_90 = arith.constant 1 : i32
      %add3A_91 = arith.addi %mul3A_74, %add3A_90 : i32
      %dma_wait3A_92 = arith.constant 0 : i32
      %dma_wait3A_93 = arith.constant 0 : i32
      %dma_wait3A_94 = tpu.memref_slice %arg3[%add3A, %add3A_91, %dma_wait3A_92, %dma_wait3A_93] : memref<32x40x2x125xi32, #tpu.memory_space<hbm>> -> memref<1x1x2x125xi32, #tpu.memory_space<hbm>>
      %dma_wait3A_95 = tpu.memref_squeeze %dma_wait3A_94 : memref<1x1x2x125xi32, #tpu.memory_space<hbm>> -> memref<2x125xi32, #tpu.memory_space<hbm>>
      %dma_wait3A_96 = arith.constant 0 : i32
      %dma_wait3A_97 = arith.constant 0 : i32
      %dma_wait3A_98 = tpu.memref_slice %arg3[%add3A, %add3A_91, %dma_wait3A_96, %dma_wait3A_97] : memref<32x40x2x125xi32, #tpu.memory_space<hbm>> -> memref<1x1x2x125xi32, #tpu.memory_space<hbm>>
      %dma_wait3A_99 = tpu.memref_squeeze %dma_wait3A_98 : memref<1x1x2x125xi32, #tpu.memory_space<hbm>> -> memref<2x125xi32, #tpu.memory_space<hbm>>
      tpu.wait_dma2 semaphore(%arg15 : memref<!tpu.dma_semaphore, #tpu.memory_space<semaphore_mem>>) src(%dma_wait3A_99 : memref<2x125xi32, #tpu.memory_space<hbm>>) dst(%arg8 : memref<2x125xi32, #tpu.memory_space<vmem>>)
      %dma_wait3A_100 = arith.constant 0 : i32
      %dma_wait3A_101 = arith.constant 0 : i32
      %dma_wait3A_102 = tpu.memref_slice %arg4[%add3A, %add3A_91, %dma_wait3A_100, %dma_wait3A_101] : memref<32x40x2x125xi32, #tpu.memory_space<hbm>> -> memref<1x1x2x125xi32, #tpu.memory_space<hbm>>
      %dma_wait3A_103 = tpu.memref_squeeze %dma_wait3A_102 : memref<1x1x2x125xi32, #tpu.memory_space<hbm>> -> memref<2x125xi32, #tpu.memory_space<hbm>>
      %dma_wait3A_104 = arith.constant 0 : i32
      %dma_wait3A_105 = arith.constant 0 : i32
      %dma_wait3A_106 = tpu.memref_slice %arg4[%add3A, %add3A_91, %dma_wait3A_104, %dma_wait3A_105] : memref<32x40x2x125xi32, #tpu.memory_space<hbm>> -> memref<1x1x2x125xi32, #tpu.memory_space<hbm>>
      %dma_wait3A_107 = tpu.memref_squeeze %dma_wait3A_106 : memref<1x1x2x125xi32, #tpu.memory_space<hbm>> -> memref<2x125xi32, #tpu.memory_space<hbm>>
      tpu.wait_dma2 semaphore(%arg15 : memref<!tpu.dma_semaphore, #tpu.memory_space<semaphore_mem>>) src(%dma_wait3A_107 : memref<2x125xi32, #tpu.memory_space<hbm>>) dst(%arg10 : memref<2x125xi32, #tpu.memory_space<vmem>>)
      %dma_start3A_108 = arith.constant 0 : i32
      %dma_start3A_109 = arith.constant 0 : i32
      %dma_start3A_110 = tpu.memref_slice %arg8[%dma_start3A_108, %dma_start3A_109] : memref<2x125xi32, #tpu.memory_space<vmem>> -> memref<1x125xi32, #tpu.memory_space<vmem>>
      %dma_start3A_111 = tpu.memref_squeeze %dma_start3A_110 : memref<1x125xi32, #tpu.memory_space<vmem>> -> memref<125xi32, #tpu.memory_space<vmem>>
      %dma_start3A_112 = arith.constant 0 : i32
      %dma_start3A_113 = arith.constant 0 : i32
      %dma_start3A_114 = tpu.memref_slice %arg2[%dma_start3A_112, %dma_start3A_113] : memref<10240x128xf32, #tpu.memory_space<hbm>> -> memref<10240x128xf32, #tpu.memory_space<hbm>>
      tpu.enqueue_indirect_dma source(%dma_start3A_114 : memref<10240x128xf32, #tpu.memory_space<hbm>>) target(%arg11 : memref<125x128xf32, #tpu.memory_space<vmem>>) offsets(%dma_start3A_111 : memref<125xi32, #tpu.memory_space<vmem>>) semaphore(%arg16 : memref<!tpu.dma_semaphore, #tpu.memory_space<semaphore_mem>>)
      %dma_wait3A_115 = arith.constant 1 : i32
      %dma_wait3A_116 = arith.constant 0 : i32
      %dma_wait3A_117 = tpu.memref_slice %arg7[%dma_wait3A_115, %dma_wait3A_116] : memref<2x125xi32, #tpu.memory_space<vmem>> -> memref<1x125xi32, #tpu.memory_space<vmem>>
      %dma_wait3A_118 = tpu.memref_squeeze %dma_wait3A_117 : memref<1x125xi32, #tpu.memory_space<vmem>> -> memref<125xi32, #tpu.memory_space<vmem>>
      %dma_wait3A_119 = arith.constant 0 : i32
      %dma_wait3A_120 = arith.constant 0 : i32
      %dma_wait3A_121 = tpu.memref_slice %arg2[%dma_wait3A_119, %dma_wait3A_120] : memref<10240x128xf32, #tpu.memory_space<hbm>> -> memref<10240x128xf32, #tpu.memory_space<hbm>>
      tpu.wait_indirect_dma semaphore(%arg17 : memref<!tpu.dma_semaphore, #tpu.memory_space<semaphore_mem>>) src(%dma_wait3A_121 : memref<10240x128xf32, #tpu.memory_space<hbm>>) dst(%arg12 : memref<125x128xf32, #tpu.memory_space<vmem>>)
      %run_scoped3A_122 = arith.constant 1 : i32
      "tpu.region"() ({
        %run_scoped3A_153 = tpu.sem_alloc : memref<!tpu.dma_semaphore, #tpu.memory_space<semaphore_mem>>
        %dma_start3A_154 = arith.constant 0 : i32
        %dma_start3A_155 = tpu.memref_slice %arg9[%run_scoped3A_122, %dma_start3A_154] : memref<2x125xi32, #tpu.memory_space<vmem>> -> memref<1x125xi32, #tpu.memory_space<vmem>>
        %dma_start3A_156 = tpu.memref_squeeze %dma_start3A_155 : memref<1x125xi32, #tpu.memory_space<vmem>> -> memref<125xi32, #tpu.memory_space<vmem>>
        %dma_start3A_157 = arith.constant 0 : i32
        %dma_start3A_158 = arith.constant 0 : i32
        %dma_start3A_159 = tpu.memref_slice %arg13[%dma_start3A_157, %dma_start3A_158] : memref<10240x128xf32, #tpu.memory_space<vmem_shared>> -> memref<10240x128xf32, #tpu.memory_space<vmem_shared>>
        tpu.enqueue_indirect_dma source(%arg12 : memref<125x128xf32, #tpu.memory_space<vmem>>) target(%dma_start3A_159 : memref<10240x128xf32, #tpu.memory_space<vmem_shared>>) offsets(%dma_start3A_156 : memref<125xi32, #tpu.memory_space<vmem>>) semaphore(%run_scoped3A_153 : memref<!tpu.dma_semaphore, #tpu.memory_space<semaphore_mem>>) {add = true}
        %dma_wait3A_160 = arith.constant 0 : i32
        %dma_wait3A_161 = tpu.memref_slice %arg9[%run_scoped3A_122, %dma_wait3A_160] : memref<2x125xi32, #tpu.memory_space<vmem>> -> memref<1x125xi32, #tpu.memory_space<vmem>>
        %dma_wait3A_162 = tpu.memref_squeeze %dma_wait3A_161 : memref<1x125xi32, #tpu.memory_space<vmem>> -> memref<125xi32, #tpu.memory_space<vmem>>
        %dma_wait3A_163 = arith.constant 0 : i32
        %dma_wait3A_164 = arith.constant 0 : i32
        %dma_wait3A_165 = tpu.memref_slice %arg13[%dma_wait3A_163, %dma_wait3A_164] : memref<10240x128xf32, #tpu.memory_space<vmem_shared>> -> memref<10240x128xf32, #tpu.memory_space<vmem_shared>>
        tpu.wait_indirect_dma semaphore(%run_scoped3A_153 : memref<!tpu.dma_semaphore, #tpu.memory_space<semaphore_mem>>) src(%arg12 : memref<125x128xf32, #tpu.memory_space<vmem>>) dst(%dma_wait3A_165 : memref<10240x128xf32, #tpu.memory_space<vmem_shared>>)
        tpu.yield
      }) : () -> ()
      %convert_element_type3A = arith.extui %lt3A_75 : i1 to i32
      %cond3A = arith.constant 0 : i32
      %cond3A_123 = arith.cmpi ne, %convert_element_type3A, %cond3A : i32
      scf.if %cond3A_123 {
        %add3A_153 = arith.constant 2 : i32
        %add3A_154 = arith.addi %mul3A_74, %add3A_153 : i32
        %dma_start3A_155 = arith.constant 0 : i32
        %dma_start3A_156 = arith.constant 0 : i32
        %dma_start3A_157 = tpu.memref_slice %arg3[%add3A, %add3A_154, %dma_start3A_155, %dma_start3A_156] : memref<32x40x2x125xi32, #tpu.memory_space<hbm>> -> memref<1x1x2x125xi32, #tpu.memory_space<hbm>>
        %dma_start3A_158 = tpu.memref_squeeze %dma_start3A_157 : memref<1x1x2x125xi32, #tpu.memory_space<hbm>> -> memref<2x125xi32, #tpu.memory_space<hbm>>
        %dma_start3A_159 = arith.constant 0 : i32
        %dma_start3A_160 = arith.constant 0 : i32
        %dma_start3A_161 = tpu.memref_slice %arg3[%add3A, %add3A_154, %dma_start3A_159, %dma_start3A_160] : memref<32x40x2x125xi32, #tpu.memory_space<hbm>> -> memref<1x1x2x125xi32, #tpu.memory_space<hbm>>
        %dma_start3A_162 = tpu.memref_squeeze %dma_start3A_161 : memref<1x1x2x125xi32, #tpu.memory_space<hbm>> -> memref<2x125xi32, #tpu.memory_space<hbm>>
        tpu.enqueue_dma source(%dma_start3A_162 : memref<2x125xi32, #tpu.memory_space<hbm>>) target(%arg7 : memref<2x125xi32, #tpu.memory_space<vmem>>) target_semaphore(%arg14 : memref<!tpu.dma_semaphore, #tpu.memory_space<semaphore_mem>>)
        %dma_start3A_163 = arith.constant 0 : i32
        %dma_start3A_164 = arith.constant 0 : i32
        %dma_start3A_165 = tpu.memref_slice %arg4[%add3A, %add3A_154, %dma_start3A_163, %dma_start3A_164] : memref<32x40x2x125xi32, #tpu.memory_space<hbm>> -> memref<1x1x2x125xi32, #tpu.memory_space<hbm>>
        %dma_start3A_166 = tpu.memref_squeeze %dma_start3A_165 : memref<1x1x2x125xi32, #tpu.memory_space<hbm>> -> memref<2x125xi32, #tpu.memory_space<hbm>>
        %dma_start3A_167 = arith.constant 0 : i32
        %dma_start3A_168 = arith.constant 0 : i32
        %dma_start3A_169 = tpu.memref_slice %arg4[%add3A, %add3A_154, %dma_start3A_167, %dma_start3A_168] : memref<32x40x2x125xi32, #tpu.memory_space<hbm>> -> memref<1x1x2x125xi32, #tpu.memory_space<hbm>>
        %dma_start3A_170 = tpu.memref_squeeze %dma_start3A_169 : memref<1x1x2x125xi32, #tpu.memory_space<hbm>> -> memref<2x125xi32, #tpu.memory_space<hbm>>
        tpu.enqueue_dma source(%dma_start3A_170 : memref<2x125xi32, #tpu.memory_space<hbm>>) target(%arg9 : memref<2x125xi32, #tpu.memory_space<vmem>>) target_semaphore(%arg14 : memref<!tpu.dma_semaphore, #tpu.memory_space<semaphore_mem>>)
      } else {
      }
      %dma_start3A_124 = arith.constant 1 : i32
      %dma_start3A_125 = arith.constant 0 : i32
      %dma_start3A_126 = tpu.memref_slice %arg8[%dma_start3A_124, %dma_start3A_125] : memref<2x125xi32, #tpu.memory_space<vmem>> -> memref<1x125xi32, #tpu.memory_space<vmem>>
      %dma_start3A_127 = tpu.memref_squeeze %dma_start3A_126 : memref<1x125xi32, #tpu.memory_space<vmem>> -> memref<125xi32, #tpu.memory_space<vmem>>
      %dma_start3A_128 = arith.constant 0 : i32
      %dma_start3A_129 = arith.constant 0 : i32
      %dma_start3A_130 = tpu.memref_slice %arg2[%dma_start3A_128, %dma_start3A_129] : memref<10240x128xf32, #tpu.memory_space<hbm>> -> memref<10240x128xf32, #tpu.memory_space<hbm>>
      tpu.enqueue_indirect_dma source(%dma_start3A_130 : memref<10240x128xf32, #tpu.memory_space<hbm>>) target(%arg12 : memref<125x128xf32, #tpu.memory_space<vmem>>) offsets(%dma_start3A_127 : memref<125xi32, #tpu.memory_space<vmem>>) semaphore(%arg17 : memref<!tpu.dma_semaphore, #tpu.memory_space<semaphore_mem>>)
      %dma_wait3A_131 = arith.constant 0 : i32
      %dma_wait3A_132 = arith.constant 0 : i32
      %dma_wait3A_133 = tpu.memref_slice %arg8[%dma_wait3A_131, %dma_wait3A_132] : memref<2x125xi32, #tpu.memory_space<vmem>> -> memref<1x125xi32, #tpu.memory_space<vmem>>
      %dma_wait3A_134 = tpu.memref_squeeze %dma_wait3A_133 : memref<1x125xi32, #tpu.memory_space<vmem>> -> memref<125xi32, #tpu.memory_space<vmem>>
      %dma_wait3A_135 = arith.constant 0 : i32
      %dma_wait3A_136 = arith.constant 0 : i32
      %dma_wait3A_137 = tpu.memref_slice %arg2[%dma_wait3A_135, %dma_wait3A_136] : memref<10240x128xf32, #tpu.memory_space<hbm>> -> memref<10240x128xf32, #tpu.memory_space<hbm>>
      tpu.wait_indirect_dma semaphore(%arg16 : memref<!tpu.dma_semaphore, #tpu.memory_space<semaphore_mem>>) src(%dma_wait3A_137 : memref<10240x128xf32, #tpu.memory_space<hbm>>) dst(%arg11 : memref<125x128xf32, #tpu.memory_space<vmem>>)
      %run_scoped3A_138 = arith.constant 0 : i32
      "tpu.region"() ({
        %run_scoped3A_153 = tpu.sem_alloc : memref<!tpu.dma_semaphore, #tpu.memory_space<semaphore_mem>>
        %dma_start3A_154 = arith.constant 0 : i32
        %dma_start3A_155 = tpu.memref_slice %arg10[%run_scoped3A_138, %dma_start3A_154] : memref<2x125xi32, #tpu.memory_space<vmem>> -> memref<1x125xi32, #tpu.memory_space<vmem>>
        %dma_start3A_156 = tpu.memref_squeeze %dma_start3A_155 : memref<1x125xi32, #tpu.memory_space<vmem>> -> memref<125xi32, #tpu.memory_space<vmem>>
        %dma_start3A_157 = arith.constant 0 : i32
        %dma_start3A_158 = arith.constant 0 : i32
        %dma_start3A_159 = tpu.memref_slice %arg13[%dma_start3A_157, %dma_start3A_158] : memref<10240x128xf32, #tpu.memory_space<vmem_shared>> -> memref<10240x128xf32, #tpu.memory_space<vmem_shared>>
        tpu.enqueue_indirect_dma source(%arg11 : memref<125x128xf32, #tpu.memory_space<vmem>>) target(%dma_start3A_159 : memref<10240x128xf32, #tpu.memory_space<vmem_shared>>) offsets(%dma_start3A_156 : memref<125xi32, #tpu.memory_space<vmem>>) semaphore(%run_scoped3A_153 : memref<!tpu.dma_semaphore, #tpu.memory_space<semaphore_mem>>) {add = true}
        %dma_wait3A_160 = arith.constant 0 : i32
        %dma_wait3A_161 = tpu.memref_slice %arg10[%run_scoped3A_138, %dma_wait3A_160] : memref<2x125xi32, #tpu.memory_space<vmem>> -> memref<1x125xi32, #tpu.memory_space<vmem>>
        %dma_wait3A_162 = tpu.memref_squeeze %dma_wait3A_161 : memref<1x125xi32, #tpu.memory_space<vmem>> -> memref<125xi32, #tpu.memory_space<vmem>>
        %dma_wait3A_163 = arith.constant 0 : i32
        %dma_wait3A_164 = arith.constant 0 : i32
        %dma_wait3A_165 = tpu.memref_slice %arg13[%dma_wait3A_163, %dma_wait3A_164] : memref<10240x128xf32, #tpu.memory_space<vmem_shared>> -> memref<10240x128xf32, #tpu.memory_space<vmem_shared>>
        tpu.wait_indirect_dma semaphore(%run_scoped3A_153 : memref<!tpu.dma_semaphore, #tpu.memory_space<semaphore_mem>>) src(%arg11 : memref<125x128xf32, #tpu.memory_space<vmem>>) dst(%dma_wait3A_165 : memref<10240x128xf32, #tpu.memory_space<vmem_shared>>)
        tpu.yield
      }) : () -> ()
      %convert_element_type3A_139 = arith.extui %lt3A_75 : i1 to i32
      %cond3A_140 = arith.constant 0 : i32
      %cond3A_141 = arith.cmpi ne, %convert_element_type3A_139, %cond3A_140 : i32
      scf.if %cond3A_141 {
        %add3A_153 = arith.constant 2 : i32
        %add3A_154 = arith.addi %mul3A_74, %add3A_153 : i32
        %dma_wait3A_155 = arith.constant 0 : i32
        %dma_wait3A_156 = arith.constant 0 : i32
        %dma_wait3A_157 = tpu.memref_slice %arg3[%add3A, %add3A_154, %dma_wait3A_155, %dma_wait3A_156] : memref<32x40x2x125xi32, #tpu.memory_space<hbm>> -> memref<1x1x2x125xi32, #tpu.memory_space<hbm>>
        %dma_wait3A_158 = tpu.memref_squeeze %dma_wait3A_157 : memref<1x1x2x125xi32, #tpu.memory_space<hbm>> -> memref<2x125xi32, #tpu.memory_space<hbm>>
        %dma_wait3A_159 = arith.constant 0 : i32
        %dma_wait3A_160 = arith.constant 0 : i32
        %dma_wait3A_161 = tpu.memref_slice %arg3[%add3A, %add3A_154, %dma_wait3A_159, %dma_wait3A_160] : memref<32x40x2x125xi32, #tpu.memory_space<hbm>> -> memref<1x1x2x125xi32, #tpu.memory_space<hbm>>
        %dma_wait3A_162 = tpu.memref_squeeze %dma_wait3A_161 : memref<1x1x2x125xi32, #tpu.memory_space<hbm>> -> memref<2x125xi32, #tpu.memory_space<hbm>>
        tpu.wait_dma2 semaphore(%arg14 : memref<!tpu.dma_semaphore, #tpu.memory_space<semaphore_mem>>) src(%dma_wait3A_162 : memref<2x125xi32, #tpu.memory_space<hbm>>) dst(%arg7 : memref<2x125xi32, #tpu.memory_space<vmem>>)
        %dma_wait3A_163 = arith.constant 0 : i32
        %dma_wait3A_164 = arith.constant 0 : i32
        %dma_wait3A_165 = tpu.memref_slice %arg4[%add3A, %add3A_154, %dma_wait3A_163, %dma_wait3A_164] : memref<32x40x2x125xi32, #tpu.memory_space<hbm>> -> memref<1x1x2x125xi32, #tpu.memory_space<hbm>>
        %dma_wait3A_166 = tpu.memref_squeeze %dma_wait3A_165 : memref<1x1x2x125xi32, #tpu.memory_space<hbm>> -> memref<2x125xi32, #tpu.memory_space<hbm>>
        %dma_wait3A_167 = arith.constant 0 : i32
        %dma_wait3A_168 = arith.constant 0 : i32
        %dma_wait3A_169 = tpu.memref_slice %arg4[%add3A, %add3A_154, %dma_wait3A_167, %dma_wait3A_168] : memref<32x40x2x125xi32, #tpu.memory_space<hbm>> -> memref<1x1x2x125xi32, #tpu.memory_space<hbm>>
        %dma_wait3A_170 = tpu.memref_squeeze %dma_wait3A_169 : memref<1x1x2x125xi32, #tpu.memory_space<hbm>> -> memref<2x125xi32, #tpu.memory_space<hbm>>
        tpu.wait_dma2 semaphore(%arg14 : memref<!tpu.dma_semaphore, #tpu.memory_space<semaphore_mem>>) src(%dma_wait3A_170 : memref<2x125xi32, #tpu.memory_space<hbm>>) dst(%arg9 : memref<2x125xi32, #tpu.memory_space<vmem>>)
        %dma_start3A_171 = arith.constant 0 : i32
        %dma_start3A_172 = arith.constant 0 : i32
        %dma_start3A_173 = tpu.memref_slice %arg7[%dma_start3A_171, %dma_start3A_172] : memref<2x125xi32, #tpu.memory_space<vmem>> -> memref<1x125xi32, #tpu.memory_space<vmem>>
        %dma_start3A_174 = tpu.memref_squeeze %dma_start3A_173 : memref<1x125xi32, #tpu.memory_space<vmem>> -> memref<125xi32, #tpu.memory_space<vmem>>
        %dma_start3A_175 = arith.constant 0 : i32
        %dma_start3A_176 = arith.constant 0 : i32
        %dma_start3A_177 = tpu.memref_slice %arg2[%dma_start3A_175, %dma_start3A_176] : memref<10240x128xf32, #tpu.memory_space<hbm>> -> memref<10240x128xf32, #tpu.memory_space<hbm>>
        tpu.enqueue_indirect_dma source(%dma_start3A_177 : memref<10240x128xf32, #tpu.memory_space<hbm>>) target(%arg11 : memref<125x128xf32, #tpu.memory_space<vmem>>) offsets(%dma_start3A_174 : memref<125xi32, #tpu.memory_space<vmem>>) semaphore(%arg16 : memref<!tpu.dma_semaphore, #tpu.memory_space<semaphore_mem>>)
      } else {
      }
      %dma_wait3A_142 = arith.constant 1 : i32
      %dma_wait3A_143 = arith.constant 0 : i32
      %dma_wait3A_144 = tpu.memref_slice %arg8[%dma_wait3A_142, %dma_wait3A_143] : memref<2x125xi32, #tpu.memory_space<vmem>> -> memref<1x125xi32, #tpu.memory_space<vmem>>
      %dma_wait3A_145 = tpu.memref_squeeze %dma_wait3A_144 : memref<1x125xi32, #tpu.memory_space<vmem>> -> memref<125xi32, #tpu.memory_space<vmem>>
      %dma_wait3A_146 = arith.constant 0 : i32
      %dma_wait3A_147 = arith.constant 0 : i32
      %dma_wait3A_148 = tpu.memref_slice %arg2[%dma_wait3A_146, %dma_wait3A_147] : memref<10240x128xf32, #tpu.memory_space<hbm>> -> memref<10240x128xf32, #tpu.memory_space<hbm>>
      tpu.wait_indirect_dma semaphore(%arg17 : memref<!tpu.dma_semaphore, #tpu.memory_space<semaphore_mem>>) src(%dma_wait3A_148 : memref<10240x128xf32, #tpu.memory_space<hbm>>) dst(%arg12 : memref<125x128xf32, #tpu.memory_space<vmem>>)
      %run_scoped3A_149 = arith.constant 1 : i32
      "tpu.region"() ({
        %run_scoped3A_153 = tpu.sem_alloc : memref<!tpu.dma_semaphore, #tpu.memory_space<semaphore_mem>>
        %dma_start3A_154 = arith.constant 0 : i32
        %dma_start3A_155 = tpu.memref_slice %arg10[%run_scoped3A_149, %dma_start3A_154] : memref<2x125xi32, #tpu.memory_space<vmem>> -> memref<1x125xi32, #tpu.memory_space<vmem>>
        %dma_start3A_156 = tpu.memref_squeeze %dma_start3A_155 : memref<1x125xi32, #tpu.memory_space<vmem>> -> memref<125xi32, #tpu.memory_space<vmem>>
        %dma_start3A_157 = arith.constant 0 : i32
        %dma_start3A_158 = arith.constant 0 : i32
        %dma_start3A_159 = tpu.memref_slice %arg13[%dma_start3A_157, %dma_start3A_158] : memref<10240x128xf32, #tpu.memory_space<vmem_shared>> -> memref<10240x128xf32, #tpu.memory_space<vmem_shared>>
        tpu.enqueue_indirect_dma source(%arg12 : memref<125x128xf32, #tpu.memory_space<vmem>>) target(%dma_start3A_159 : memref<10240x128xf32, #tpu.memory_space<vmem_shared>>) offsets(%dma_start3A_156 : memref<125xi32, #tpu.memory_space<vmem>>) semaphore(%run_scoped3A_153 : memref<!tpu.dma_semaphore, #tpu.memory_space<semaphore_mem>>) {add = true}
        %dma_wait3A_160 = arith.constant 0 : i32
        %dma_wait3A_161 = tpu.memref_slice %arg10[%run_scoped3A_149, %dma_wait3A_160] : memref<2x125xi32, #tpu.memory_space<vmem>> -> memref<1x125xi32, #tpu.memory_space<vmem>>
        %dma_wait3A_162 = tpu.memref_squeeze %dma_wait3A_161 : memref<1x125xi32, #tpu.memory_space<vmem>> -> memref<125xi32, #tpu.memory_space<vmem>>
        %dma_wait3A_163 = arith.constant 0 : i32
        %dma_wait3A_164 = arith.constant 0 : i32
        %dma_wait3A_165 = tpu.memref_slice %arg13[%dma_wait3A_163, %dma_wait3A_164] : memref<10240x128xf32, #tpu.memory_space<vmem_shared>> -> memref<10240x128xf32, #tpu.memory_space<vmem_shared>>
        tpu.wait_indirect_dma semaphore(%run_scoped3A_153 : memref<!tpu.dma_semaphore, #tpu.memory_space<semaphore_mem>>) src(%arg12 : memref<125x128xf32, #tpu.memory_space<vmem>>) dst(%dma_wait3A_165 : memref<10240x128xf32, #tpu.memory_space<vmem_shared>>)
        tpu.yield
      }) : () -> ()
      %convert_element_type3A_150 = arith.extui %lt3A_75 : i1 to i32
      %cond3A_151 = arith.constant 0 : i32
      %cond3A_152 = arith.cmpi ne, %convert_element_type3A_150, %cond3A_151 : i32
      scf.if %cond3A_152 {
        %add3A_153 = arith.constant 3 : i32
        %add3A_154 = arith.addi %mul3A_74, %add3A_153 : i32
        %dma_start3A_155 = arith.constant 0 : i32
        %dma_start3A_156 = arith.constant 0 : i32
        %dma_start3A_157 = tpu.memref_slice %arg3[%add3A, %add3A_154, %dma_start3A_155, %dma_start3A_156] : memref<32x40x2x125xi32, #tpu.memory_space<hbm>> -> memref<1x1x2x125xi32, #tpu.memory_space<hbm>>
        %dma_start3A_158 = tpu.memref_squeeze %dma_start3A_157 : memref<1x1x2x125xi32, #tpu.memory_space<hbm>> -> memref<2x125xi32, #tpu.memory_space<hbm>>
        %dma_start3A_159 = arith.constant 0 : i32
        %dma_start3A_160 = arith.constant 0 : i32
        %dma_start3A_161 = tpu.memref_slice %arg3[%add3A, %add3A_154, %dma_start3A_159, %dma_start3A_160] : memref<32x40x2x125xi32, #tpu.memory_space<hbm>> -> memref<1x1x2x125xi32, #tpu.memory_space<hbm>>
        %dma_start3A_162 = tpu.memref_squeeze %dma_start3A_161 : memref<1x1x2x125xi32, #tpu.memory_space<hbm>> -> memref<2x125xi32, #tpu.memory_space<hbm>>
        tpu.enqueue_dma source(%dma_start3A_162 : memref<2x125xi32, #tpu.memory_space<hbm>>) target(%arg8 : memref<2x125xi32, #tpu.memory_space<vmem>>) target_semaphore(%arg15 : memref<!tpu.dma_semaphore, #tpu.memory_space<semaphore_mem>>)
        %dma_start3A_163 = arith.constant 0 : i32
        %dma_start3A_164 = arith.constant 0 : i32
        %dma_start3A_165 = tpu.memref_slice %arg4[%add3A, %add3A_154, %dma_start3A_163, %dma_start3A_164] : memref<32x40x2x125xi32, #tpu.memory_space<hbm>> -> memref<1x1x2x125xi32, #tpu.memory_space<hbm>>
        %dma_start3A_166 = tpu.memref_squeeze %dma_start3A_165 : memref<1x1x2x125xi32, #tpu.memory_space<hbm>> -> memref<2x125xi32, #tpu.memory_space<hbm>>
        %dma_start3A_167 = arith.constant 0 : i32
        %dma_start3A_168 = arith.constant 0 : i32
        %dma_start3A_169 = tpu.memref_slice %arg4[%add3A, %add3A_154, %dma_start3A_167, %dma_start3A_168] : memref<32x40x2x125xi32, #tpu.memory_space<hbm>> -> memref<1x1x2x125xi32, #tpu.memory_space<hbm>>
        %dma_start3A_170 = tpu.memref_squeeze %dma_start3A_169 : memref<1x1x2x125xi32, #tpu.memory_space<hbm>> -> memref<2x125xi32, #tpu.memory_space<hbm>>
        tpu.enqueue_dma source(%dma_start3A_170 : memref<2x125xi32, #tpu.memory_space<hbm>>) target(%arg10 : memref<2x125xi32, #tpu.memory_space<vmem>>) target_semaphore(%arg15 : memref<!tpu.dma_semaphore, #tpu.memory_space<semaphore_mem>>)
      } else {
      }
    }
    %scan3A_66 = arith.constant 20 : i32
    %barrier3A_67 = arith.constant 0 : index
    tpu.barrier barrier_id(%barrier3A_67)
    %mul3A_68 = arith.constant 640 : i32
    %mul3A_69 = arith.muli %arg1, %mul3A_68 : i32
    %mul3A_70 = arith.constant 640 : i32
    %mul3A_71 = arith.muli %arg1, %mul3A_70 : i32
    "tpu.region"() ({
      %run_scoped3A = tpu.sem_alloc : memref<!tpu.dma_semaphore, #tpu.memory_space<semaphore_mem>>
      %dma_start3A_72 = arith.constant 0 : i32
      %dma_start3A_73 = tpu.memref_slice %arg6[%arg0, %mul3A_71, %dma_start3A_72] : memref<2x10240x128xf32, #tpu.memory_space<hbm>> -> memref<1x640x128xf32, #tpu.memory_space<hbm>>
      %dma_start3A_74 = tpu.memref_squeeze %dma_start3A_73 : memref<1x640x128xf32, #tpu.memory_space<hbm>> -> memref<640x128xf32, #tpu.memory_space<hbm>>
      %dma_start3A_75 = arith.constant 0 : i32
      %dma_start3A_76 = tpu.memref_slice %arg13[%mul3A_69, %dma_start3A_75] : memref<10240x128xf32, #tpu.memory_space<vmem_shared>> -> memref<640x128xf32, #tpu.memory_space<vmem_shared>>
      tpu.enqueue_dma source(%dma_start3A_76 : memref<640x128xf32, #tpu.memory_space<vmem_shared>>) target(%dma_start3A_74 : memref<640x128xf32, #tpu.memory_space<hbm>>) target_semaphore(%run_scoped3A : memref<!tpu.dma_semaphore, #tpu.memory_space<semaphore_mem>>)
      %dma_wait3A_77 = arith.constant 0 : i32
      %dma_wait3A_78 = tpu.memref_slice %arg6[%arg0, %mul3A_71, %dma_wait3A_77] : memref<2x10240x128xf32, #tpu.memory_space<hbm>> -> memref<1x640x128xf32, #tpu.memory_space<hbm>>
      %dma_wait3A_79 = tpu.memref_squeeze %dma_wait3A_78 : memref<1x640x128xf32, #tpu.memory_space<hbm>> -> memref<640x128xf32, #tpu.memory_space<hbm>>
      %dma_wait3A_80 = arith.constant 0 : i32
      %dma_wait3A_81 = tpu.memref_slice %arg13[%mul3A_69, %dma_wait3A_80] : memref<10240x128xf32, #tpu.memory_space<vmem_shared>> -> memref<640x128xf32, #tpu.memory_space<vmem_shared>>
      tpu.wait_dma2 semaphore(%run_scoped3A : memref<!tpu.dma_semaphore, #tpu.memory_space<semaphore_mem>>) src(%dma_wait3A_81 : memref<640x128xf32, #tpu.memory_space<vmem_shared>>) dst(%dma_wait3A_79 : memref<640x128xf32, #tpu.memory_space<hbm>>)
      tpu.yield
    }) : () -> ()
    return
  }
}

#map = affine_map<(d0, d1) -> (0, 0)>
#map1 = affine_map<(d0, d1) -> (0, 0, 0, 0)>
#map2 = affine_map<(d0, d1) -> (0, 0, 0)>
module attributes {stable_mosaic.version = 14 : i64} {
  func.func @_sc_agg_body(%arg0: i32, %arg1: i32, %arg2: memref<10240x128xf32, #tpu.memory_space<hbm>>, %arg3: memref<32x40x2x125xi32, #tpu.memory_space<hbm>>, %arg4: memref<32x40x2x125xi32, #tpu.memory_space<hbm>>, %arg5: memref<640x128xf32, #tpu.memory_space<hbm>>, %arg6: memref<2x10240x128xf32, #tpu.memory_space<hbm>>, %arg7: memref<2x125xi32, #tpu.memory_space<vmem>>, %arg8: memref<2x125xi32, #tpu.memory_space<vmem>>, %arg9: memref<2x125xi32, #tpu.memory_space<vmem>>, %arg10: memref<2x125xi32, #tpu.memory_space<vmem>>, %arg11: memref<125x128xf32, #tpu.memory_space<vmem>>, %arg12: memref<125x128xf32, #tpu.memory_space<vmem>>, %arg13: memref<10240x128xf32, #tpu.memory_space<vmem_shared>>, %arg14: memref<!tpu.dma_semaphore, #tpu.memory_space<semaphore_mem>>, %arg15: memref<!tpu.dma_semaphore, #tpu.memory_space<semaphore_mem>>, %arg16: memref<!tpu.dma_semaphore, #tpu.memory_space<semaphore_mem>>, %arg17: memref<!tpu.dma_semaphore, #tpu.memory_space<semaphore_mem>>) attributes {dimension_semantics = [#tpu.dimension_semantics<core_parallel>, #tpu.dimension_semantics<subcore_parallel>], iteration_bounds = array<i64: 2, 16>, scalar_prefetch = 0 : i64, scratch_operands = 11 : i64, tpu.core_type = #tpu.core_type<sc_vector_subcore>, window_params = [{transform_indices = #map}, {transform_indices = #map1}, {transform_indices = #map1}, {transform_indices = #map}, {transform_indices = #map2}]} {
    %mul3A = arith.constant 2 : i32
    %mul3A_0 = arith.muli %arg1, %mul3A : i32
    %add3A = arith.addi %mul3A_0, %arg0 : i32
    %dma_start3A = arith.constant 0 : i32
    %dma_start3A_1 = arith.constant 0 : i32
    %dma_start3A_2 = arith.constant 0 : i32
    %dma_start3A_3 = tpu.memref_slice %arg3[%add3A, %dma_start3A, %dma_start3A_1, %dma_start3A_2] : memref<32x40x2x125xi32, #tpu.memory_space<hbm>> -> memref<1x1x2x125xi32, #tpu.memory_space<hbm>>
    %dma_start3A_4 = tpu.memref_squeeze %dma_start3A_3 : memref<1x1x2x125xi32, #tpu.memory_space<hbm>> -> memref<2x125xi32, #tpu.memory_space<hbm>>
    %dma_start3A_5 = arith.constant 0 : i32
    %dma_start3A_6 = arith.constant 0 : i32
    %dma_start3A_7 = tpu.memref_slice %arg3[%add3A, %dma_start3A, %dma_start3A_5, %dma_start3A_6] : memref<32x40x2x125xi32, #tpu.memory_space<hbm>> -> memref<1x1x2x125xi32, #tpu.memory_space<hbm>>
    %dma_start3A_8 = tpu.memref_squeeze %dma_start3A_7 : memref<1x1x2x125xi32, #tpu.memory_space<hbm>> -> memref<2x125xi32, #tpu.memory_space<hbm>>
    tpu.enqueue_dma source(%dma_start3A_8 : memref<2x125xi32, #tpu.memory_space<hbm>>) target(%arg7 : memref<2x125xi32, #tpu.memory_space<vmem>>) target_semaphore(%arg14 : memref<!tpu.dma_semaphore, #tpu.memory_space<semaphore_mem>>)
    %dma_start3A_9 = arith.constant 0 : i32
    %dma_start3A_10 = arith.constant 0 : i32
    %dma_start3A_11 = arith.constant 0 : i32
    %dma_start3A_12 = tpu.memref_slice %arg4[%add3A, %dma_start3A_9, %dma_start3A_10, %dma_start3A_11] : memref<32x40x2x125xi32, #tpu.memory_space<hbm>> -> memref<1x1x2x125xi32, #tpu.memory_space<hbm>>
    %dma_start3A_13 = tpu.memref_squeeze %dma_start3A_12 : memref<1x1x2x125xi32, #tpu.memory_space<hbm>> -> memref<2x125xi32, #tpu.memory_space<hbm>>
    %dma_start3A_14 = arith.constant 0 : i32
    %dma_start3A_15 = arith.constant 0 : i32
    %dma_start3A_16 = tpu.memref_slice %arg4[%add3A, %dma_start3A_9, %dma_start3A_14, %dma_start3A_15] : memref<32x40x2x125xi32, #tpu.memory_space<hbm>> -> memref<1x1x2x125xi32, #tpu.memory_space<hbm>>
    %dma_start3A_17 = tpu.memref_squeeze %dma_start3A_16 : memref<1x1x2x125xi32, #tpu.memory_space<hbm>> -> memref<2x125xi32, #tpu.memory_space<hbm>>
    tpu.enqueue_dma source(%dma_start3A_17 : memref<2x125xi32, #tpu.memory_space<hbm>>) target(%arg9 : memref<2x125xi32, #tpu.memory_space<vmem>>) target_semaphore(%arg14 : memref<!tpu.dma_semaphore, #tpu.memory_space<semaphore_mem>>)
    %dma_start3A_18 = arith.constant 1 : i32
    %dma_start3A_19 = arith.constant 0 : i32
    %dma_start3A_20 = arith.constant 0 : i32
    %dma_start3A_21 = tpu.memref_slice %arg3[%add3A, %dma_start3A_18, %dma_start3A_19, %dma_start3A_20] : memref<32x40x2x125xi32, #tpu.memory_space<hbm>> -> memref<1x1x2x125xi32, #tpu.memory_space<hbm>>
    %dma_start3A_22 = tpu.memref_squeeze %dma_start3A_21 : memref<1x1x2x125xi32, #tpu.memory_space<hbm>> -> memref<2x125xi32, #tpu.memory_space<hbm>>
    %dma_start3A_23 = arith.constant 0 : i32
    %dma_start3A_24 = arith.constant 0 : i32
    %dma_start3A_25 = tpu.memref_slice %arg3[%add3A, %dma_start3A_18, %dma_start3A_23, %dma_start3A_24] : memref<32x40x2x125xi32, #tpu.memory_space<hbm>> -> memref<1x1x2x125xi32, #tpu.memory_space<hbm>>
    %dma_start3A_26 = tpu.memref_squeeze %dma_start3A_25 : memref<1x1x2x125xi32, #tpu.memory_space<hbm>> -> memref<2x125xi32, #tpu.memory_space<hbm>>
    tpu.enqueue_dma source(%dma_start3A_26 : memref<2x125xi32, #tpu.memory_space<hbm>>) target(%arg8 : memref<2x125xi32, #tpu.memory_space<vmem>>) target_semaphore(%arg15 : memref<!tpu.dma_semaphore, #tpu.memory_space<semaphore_mem>>)
    %dma_start3A_27 = arith.constant 1 : i32
    %dma_start3A_28 = arith.constant 0 : i32
    %dma_start3A_29 = arith.constant 0 : i32
    %dma_start3A_30 = tpu.memref_slice %arg4[%add3A, %dma_start3A_27, %dma_start3A_28, %dma_start3A_29] : memref<32x40x2x125xi32, #tpu.memory_space<hbm>> -> memref<1x1x2x125xi32, #tpu.memory_space<hbm>>
    %dma_start3A_31 = tpu.memref_squeeze %dma_start3A_30 : memref<1x1x2x125xi32, #tpu.memory_space<hbm>> -> memref<2x125xi32, #tpu.memory_space<hbm>>
    %dma_start3A_32 = arith.constant 0 : i32
    %dma_start3A_33 = arith.constant 0 : i32
    %dma_start3A_34 = tpu.memref_slice %arg4[%add3A, %dma_start3A_27, %dma_start3A_32, %dma_start3A_33] : memref<32x40x2x125xi32, #tpu.memory_space<hbm>> -> memref<1x1x2x125xi32, #tpu.memory_space<hbm>>
    %dma_start3A_35 = tpu.memref_squeeze %dma_start3A_34 : memref<1x1x2x125xi32, #tpu.memory_space<hbm>> -> memref<2x125xi32, #tpu.memory_space<hbm>>
    tpu.enqueue_dma source(%dma_start3A_35 : memref<2x125xi32, #tpu.memory_space<hbm>>) target(%arg10 : memref<2x125xi32, #tpu.memory_space<vmem>>) target_semaphore(%arg15 : memref<!tpu.dma_semaphore, #tpu.memory_space<semaphore_mem>>)
    %mul3A_36 = arith.constant 640 : i32
    %mul3A_37 = arith.muli %arg1, %mul3A_36 : i32
    "tpu.region"() ({
      %run_scoped3A = tpu.sem_alloc : memref<!tpu.dma_semaphore, #tpu.memory_space<semaphore_mem>>
      %dma_start3A_72 = arith.constant 0 : i32
      %dma_start3A_73 = tpu.memref_slice %arg13[%mul3A_37, %dma_start3A_72] : memref<10240x128xf32, #tpu.memory_space<vmem_shared>> -> memref<640x128xf32, #tpu.memory_space<vmem_shared>>
      tpu.enqueue_dma source(%arg5 : memref<640x128xf32, #tpu.memory_space<hbm>>) target(%dma_start3A_73 : memref<640x128xf32, #tpu.memory_space<vmem_shared>>) target_semaphore(%run_scoped3A : memref<!tpu.dma_semaphore, #tpu.memory_space<semaphore_mem>>)
      %dma_wait3A_74 = arith.constant 0 : i32
      %dma_wait3A_75 = tpu.memref_slice %arg13[%mul3A_37, %dma_wait3A_74] : memref<10240x128xf32, #tpu.memory_space<vmem_shared>> -> memref<640x128xf32, #tpu.memory_space<vmem_shared>>
      tpu.wait_dma2 semaphore(%run_scoped3A : memref<!tpu.dma_semaphore, #tpu.memory_space<semaphore_mem>>) src(%arg5 : memref<640x128xf32, #tpu.memory_space<hbm>>) dst(%dma_wait3A_75 : memref<640x128xf32, #tpu.memory_space<vmem_shared>>)
      tpu.yield
    }) : () -> ()
    %barrier3A = arith.constant 0 : index
    tpu.barrier barrier_id(%barrier3A)
    %dma_wait3A = arith.constant 0 : i32
    %dma_wait3A_38 = arith.constant 0 : i32
    %dma_wait3A_39 = arith.constant 0 : i32
    %dma_wait3A_40 = tpu.memref_slice %arg3[%add3A, %dma_wait3A, %dma_wait3A_38, %dma_wait3A_39] : memref<32x40x2x125xi32, #tpu.memory_space<hbm>> -> memref<1x1x2x125xi32, #tpu.memory_space<hbm>>
    %dma_wait3A_41 = tpu.memref_squeeze %dma_wait3A_40 : memref<1x1x2x125xi32, #tpu.memory_space<hbm>> -> memref<2x125xi32, #tpu.memory_space<hbm>>
    %dma_wait3A_42 = arith.constant 0 : i32
    %dma_wait3A_43 = arith.constant 0 : i32
    %dma_wait3A_44 = tpu.memref_slice %arg3[%add3A, %dma_wait3A, %dma_wait3A_42, %dma_wait3A_43] : memref<32x40x2x125xi32, #tpu.memory_space<hbm>> -> memref<1x1x2x125xi32, #tpu.memory_space<hbm>>
    %dma_wait3A_45 = tpu.memref_squeeze %dma_wait3A_44 : memref<1x1x2x125xi32, #tpu.memory_space<hbm>> -> memref<2x125xi32, #tpu.memory_space<hbm>>
    tpu.wait_dma2 semaphore(%arg14 : memref<!tpu.dma_semaphore, #tpu.memory_space<semaphore_mem>>) src(%dma_wait3A_45 : memref<2x125xi32, #tpu.memory_space<hbm>>) dst(%arg7 : memref<2x125xi32, #tpu.memory_space<vmem>>)
    %dma_wait3A_46 = arith.constant 0 : i32
    %dma_wait3A_47 = arith.constant 0 : i32
    %dma_wait3A_48 = arith.constant 0 : i32
    %dma_wait3A_49 = tpu.memref_slice %arg4[%add3A, %dma_wait3A_46, %dma_wait3A_47, %dma_wait3A_48] : memref<32x40x2x125xi32, #tpu.memory_space<hbm>> -> memref<1x1x2x125xi32, #tpu.memory_space<hbm>>
    %dma_wait3A_50 = tpu.memref_squeeze %dma_wait3A_49 : memref<1x1x2x125xi32, #tpu.memory_space<hbm>> -> memref<2x125xi32, #tpu.memory_space<hbm>>
    %dma_wait3A_51 = arith.constant 0 : i32
    %dma_wait3A_52 = arith.constant 0 : i32
    %dma_wait3A_53 = tpu.memref_slice %arg4[%add3A, %dma_wait3A_46, %dma_wait3A_51, %dma_wait3A_52] : memref<32x40x2x125xi32, #tpu.memory_space<hbm>> -> memref<1x1x2x125xi32, #tpu.memory_space<hbm>>
    %dma_wait3A_54 = tpu.memref_squeeze %dma_wait3A_53 : memref<1x1x2x125xi32, #tpu.memory_space<hbm>> -> memref<2x125xi32, #tpu.memory_space<hbm>>
    tpu.wait_dma2 semaphore(%arg14 : memref<!tpu.dma_semaphore, #tpu.memory_space<semaphore_mem>>) src(%dma_wait3A_54 : memref<2x125xi32, #tpu.memory_space<hbm>>) dst(%arg9 : memref<2x125xi32, #tpu.memory_space<vmem>>)
    %dma_start3A_55 = arith.constant 0 : i32
    %dma_start3A_56 = arith.constant 0 : i32
    %dma_start3A_57 = tpu.memref_slice %arg7[%dma_start3A_55, %dma_start3A_56] : memref<2x125xi32, #tpu.memory_space<vmem>> -> memref<1x125xi32, #tpu.memory_space<vmem>>
    %dma_start3A_58 = tpu.memref_squeeze %dma_start3A_57 : memref<1x125xi32, #tpu.memory_space<vmem>> -> memref<125xi32, #tpu.memory_space<vmem>>
    %dma_start3A_59 = arith.constant 0 : i32
    %dma_start3A_60 = arith.constant 0 : i32
    %dma_start3A_61 = tpu.memref_slice %arg2[%dma_start3A_59, %dma_start3A_60] : memref<10240x128xf32, #tpu.memory_space<hbm>> -> memref<10240x128xf32, #tpu.memory_space<hbm>>
    tpu.enqueue_indirect_dma source(%dma_start3A_61 : memref<10240x128xf32, #tpu.memory_space<hbm>>) target(%arg11 : memref<125x128xf32, #tpu.memory_space<vmem>>) offsets(%dma_start3A_58 : memref<125xi32, #tpu.memory_space<vmem>>) semaphore(%arg16 : memref<!tpu.dma_semaphore, #tpu.memory_space<semaphore_mem>>)
    %scan3A = arith.constant 0 : i32
    %scan3A_62 = arith.constant 0 : i32
    %scan3A_63 = arith.constant 20 : i32
    %scan3A_64 = arith.addi %scan3A_62, %scan3A_63 : i32
    %scan3A_65 = arith.constant 1 : i32
    scf.for %scan3A_72 = %scan3A_62 to %scan3A_64 step %scan3A_65  : i32 {
      %mul3A_73 = arith.constant 2 : i32
      %mul3A_74 = arith.muli %mul3A_73, %scan3A_72 : i32
      %lt3A = arith.constant 19 : i32
      %lt3A_75 = arith.cmpi slt, %scan3A_72, %lt3A : i32
      %dma_start3A_76 = arith.constant 1 : i32
      %dma_start3A_77 = arith.constant 0 : i32
      %dma_start3A_78 = tpu.memref_slice %arg7[%dma_start3A_76, %dma_start3A_77] : memref<2x125xi32, #tpu.memory_space<vmem>> -> memref<1x125xi32, #tpu.memory_space<vmem>>
      %dma_start3A_79 = tpu.memref_squeeze %dma_start3A_78 : memref<1x125xi32, #tpu.memory_space<vmem>> -> memref<125xi32, #tpu.memory_space<vmem>>
      %dma_start3A_80 = arith.constant 0 : i32
      %dma_start3A_81 = arith.constant 0 : i32
      %dma_start3A_82 = tpu.memref_slice %arg2[%dma_start3A_80, %dma_start3A_81] : memref<10240x128xf32, #tpu.memory_space<hbm>> -> memref<10240x128xf32, #tpu.memory_space<hbm>>
      tpu.enqueue_indirect_dma source(%dma_start3A_82 : memref<10240x128xf32, #tpu.memory_space<hbm>>) target(%arg12 : memref<125x128xf32, #tpu.memory_space<vmem>>) offsets(%dma_start3A_79 : memref<125xi32, #tpu.memory_space<vmem>>) semaphore(%arg17 : memref<!tpu.dma_semaphore, #tpu.memory_space<semaphore_mem>>)
      %dma_wait3A_83 = arith.constant 0 : i32
      %dma_wait3A_84 = arith.constant 0 : i32
      %dma_wait3A_85 = tpu.memref_slice %arg7[%dma_wait3A_83, %dma_wait3A_84] : memref<2x125xi32, #tpu.memory_space<vmem>> -> memref<1x125xi32, #tpu.memory_space<vmem>>
      %dma_wait3A_86 = tpu.memref_squeeze %dma_wait3A_85 : memref<1x125xi32, #tpu.memory_space<vmem>> -> memref<125xi32, #tpu.memory_space<vmem>>
      %dma_wait3A_87 = arith.constant 0 : i32
      %dma_wait3A_88 = arith.constant 0 : i32
      %dma_wait3A_89 = tpu.memref_slice %arg2[%dma_wait3A_87, %dma_wait3A_88] : memref<10240x128xf32, #tpu.memory_space<hbm>> -> memref<10240x128xf32, #tpu.memory_space<hbm>>
      tpu.wait_indirect_dma semaphore(%arg16 : memref<!tpu.dma_semaphore, #tpu.memory_space<semaphore_mem>>) src(%dma_wait3A_89 : memref<10240x128xf32, #tpu.memory_space<hbm>>) dst(%arg11 : memref<125x128xf32, #tpu.memory_space<vmem>>)
      %run_scoped3A = arith.constant 0 : i32
      "tpu.region"() ({
        %run_scoped3A_153 = tpu.sem_alloc : memref<!tpu.dma_semaphore, #tpu.memory_space<semaphore_mem>>
        %dma_start3A_154 = arith.constant 0 : i32
        %dma_start3A_155 = tpu.memref_slice %arg9[%run_scoped3A, %dma_start3A_154] : memref<2x125xi32, #tpu.memory_space<vmem>> -> memref<1x125xi32, #tpu.memory_space<vmem>>
        %dma_start3A_156 = tpu.memref_squeeze %dma_start3A_155 : memref<1x125xi32, #tpu.memory_space<vmem>> -> memref<125xi32, #tpu.memory_space<vmem>>
        %dma_start3A_157 = arith.constant 0 : i32
        %dma_start3A_158 = arith.constant 0 : i32
        %dma_start3A_159 = tpu.memref_slice %arg13[%dma_start3A_157, %dma_start3A_158] : memref<10240x128xf32, #tpu.memory_space<vmem_shared>> -> memref<10240x128xf32, #tpu.memory_space<vmem_shared>>
        tpu.enqueue_indirect_dma source(%arg11 : memref<125x128xf32, #tpu.memory_space<vmem>>) target(%dma_start3A_159 : memref<10240x128xf32, #tpu.memory_space<vmem_shared>>) offsets(%dma_start3A_156 : memref<125xi32, #tpu.memory_space<vmem>>) semaphore(%run_scoped3A_153 : memref<!tpu.dma_semaphore, #tpu.memory_space<semaphore_mem>>) {add = true}
        %dma_wait3A_160 = arith.constant 0 : i32
        %dma_wait3A_161 = tpu.memref_slice %arg9[%run_scoped3A, %dma_wait3A_160] : memref<2x125xi32, #tpu.memory_space<vmem>> -> memref<1x125xi32, #tpu.memory_space<vmem>>
        %dma_wait3A_162 = tpu.memref_squeeze %dma_wait3A_161 : memref<1x125xi32, #tpu.memory_space<vmem>> -> memref<125xi32, #tpu.memory_space<vmem>>
        %dma_wait3A_163 = arith.constant 0 : i32
        %dma_wait3A_164 = arith.constant 0 : i32
        %dma_wait3A_165 = tpu.memref_slice %arg13[%dma_wait3A_163, %dma_wait3A_164] : memref<10240x128xf32, #tpu.memory_space<vmem_shared>> -> memref<10240x128xf32, #tpu.memory_space<vmem_shared>>
        tpu.wait_indirect_dma semaphore(%run_scoped3A_153 : memref<!tpu.dma_semaphore, #tpu.memory_space<semaphore_mem>>) src(%arg11 : memref<125x128xf32, #tpu.memory_space<vmem>>) dst(%dma_wait3A_165 : memref<10240x128xf32, #tpu.memory_space<vmem_shared>>)
        tpu.yield
      }) : () -> ()
      %add3A_90 = arith.constant 1 : i32
      %add3A_91 = arith.addi %mul3A_74, %add3A_90 : i32
      %dma_wait3A_92 = arith.constant 0 : i32
      %dma_wait3A_93 = arith.constant 0 : i32
      %dma_wait3A_94 = tpu.memref_slice %arg3[%add3A, %add3A_91, %dma_wait3A_92, %dma_wait3A_93] : memref<32x40x2x125xi32, #tpu.memory_space<hbm>> -> memref<1x1x2x125xi32, #tpu.memory_space<hbm>>
      %dma_wait3A_95 = tpu.memref_squeeze %dma_wait3A_94 : memref<1x1x2x125xi32, #tpu.memory_space<hbm>> -> memref<2x125xi32, #tpu.memory_space<hbm>>
      %dma_wait3A_96 = arith.constant 0 : i32
      %dma_wait3A_97 = arith.constant 0 : i32
      %dma_wait3A_98 = tpu.memref_slice %arg3[%add3A, %add3A_91, %dma_wait3A_96, %dma_wait3A_97] : memref<32x40x2x125xi32, #tpu.memory_space<hbm>> -> memref<1x1x2x125xi32, #tpu.memory_space<hbm>>
      %dma_wait3A_99 = tpu.memref_squeeze %dma_wait3A_98 : memref<1x1x2x125xi32, #tpu.memory_space<hbm>> -> memref<2x125xi32, #tpu.memory_space<hbm>>
      tpu.wait_dma2 semaphore(%arg15 : memref<!tpu.dma_semaphore, #tpu.memory_space<semaphore_mem>>) src(%dma_wait3A_99 : memref<2x125xi32, #tpu.memory_space<hbm>>) dst(%arg8 : memref<2x125xi32, #tpu.memory_space<vmem>>)
      %dma_wait3A_100 = arith.constant 0 : i32
      %dma_wait3A_101 = arith.constant 0 : i32
      %dma_wait3A_102 = tpu.memref_slice %arg4[%add3A, %add3A_91, %dma_wait3A_100, %dma_wait3A_101] : memref<32x40x2x125xi32, #tpu.memory_space<hbm>> -> memref<1x1x2x125xi32, #tpu.memory_space<hbm>>
      %dma_wait3A_103 = tpu.memref_squeeze %dma_wait3A_102 : memref<1x1x2x125xi32, #tpu.memory_space<hbm>> -> memref<2x125xi32, #tpu.memory_space<hbm>>
      %dma_wait3A_104 = arith.constant 0 : i32
      %dma_wait3A_105 = arith.constant 0 : i32
      %dma_wait3A_106 = tpu.memref_slice %arg4[%add3A, %add3A_91, %dma_wait3A_104, %dma_wait3A_105] : memref<32x40x2x125xi32, #tpu.memory_space<hbm>> -> memref<1x1x2x125xi32, #tpu.memory_space<hbm>>
      %dma_wait3A_107 = tpu.memref_squeeze %dma_wait3A_106 : memref<1x1x2x125xi32, #tpu.memory_space<hbm>> -> memref<2x125xi32, #tpu.memory_space<hbm>>
      tpu.wait_dma2 semaphore(%arg15 : memref<!tpu.dma_semaphore, #tpu.memory_space<semaphore_mem>>) src(%dma_wait3A_107 : memref<2x125xi32, #tpu.memory_space<hbm>>) dst(%arg10 : memref<2x125xi32, #tpu.memory_space<vmem>>)
      %dma_start3A_108 = arith.constant 0 : i32
      %dma_start3A_109 = arith.constant 0 : i32
      %dma_start3A_110 = tpu.memref_slice %arg8[%dma_start3A_108, %dma_start3A_109] : memref<2x125xi32, #tpu.memory_space<vmem>> -> memref<1x125xi32, #tpu.memory_space<vmem>>
      %dma_start3A_111 = tpu.memref_squeeze %dma_start3A_110 : memref<1x125xi32, #tpu.memory_space<vmem>> -> memref<125xi32, #tpu.memory_space<vmem>>
      %dma_start3A_112 = arith.constant 0 : i32
      %dma_start3A_113 = arith.constant 0 : i32
      %dma_start3A_114 = tpu.memref_slice %arg2[%dma_start3A_112, %dma_start3A_113] : memref<10240x128xf32, #tpu.memory_space<hbm>> -> memref<10240x128xf32, #tpu.memory_space<hbm>>
      tpu.enqueue_indirect_dma source(%dma_start3A_114 : memref<10240x128xf32, #tpu.memory_space<hbm>>) target(%arg11 : memref<125x128xf32, #tpu.memory_space<vmem>>) offsets(%dma_start3A_111 : memref<125xi32, #tpu.memory_space<vmem>>) semaphore(%arg16 : memref<!tpu.dma_semaphore, #tpu.memory_space<semaphore_mem>>)
      %dma_wait3A_115 = arith.constant 1 : i32
      %dma_wait3A_116 = arith.constant 0 : i32
      %dma_wait3A_117 = tpu.memref_slice %arg7[%dma_wait3A_115, %dma_wait3A_116] : memref<2x125xi32, #tpu.memory_space<vmem>> -> memref<1x125xi32, #tpu.memory_space<vmem>>
      %dma_wait3A_118 = tpu.memref_squeeze %dma_wait3A_117 : memref<1x125xi32, #tpu.memory_space<vmem>> -> memref<125xi32, #tpu.memory_space<vmem>>
      %dma_wait3A_119 = arith.constant 0 : i32
      %dma_wait3A_120 = arith.constant 0 : i32
      %dma_wait3A_121 = tpu.memref_slice %arg2[%dma_wait3A_119, %dma_wait3A_120] : memref<10240x128xf32, #tpu.memory_space<hbm>> -> memref<10240x128xf32, #tpu.memory_space<hbm>>
      tpu.wait_indirect_dma semaphore(%arg17 : memref<!tpu.dma_semaphore, #tpu.memory_space<semaphore_mem>>) src(%dma_wait3A_121 : memref<10240x128xf32, #tpu.memory_space<hbm>>) dst(%arg12 : memref<125x128xf32, #tpu.memory_space<vmem>>)
      %run_scoped3A_122 = arith.constant 1 : i32
      "tpu.region"() ({
        %run_scoped3A_153 = tpu.sem_alloc : memref<!tpu.dma_semaphore, #tpu.memory_space<semaphore_mem>>
        %dma_start3A_154 = arith.constant 0 : i32
        %dma_start3A_155 = tpu.memref_slice %arg9[%run_scoped3A_122, %dma_start3A_154] : memref<2x125xi32, #tpu.memory_space<vmem>> -> memref<1x125xi32, #tpu.memory_space<vmem>>
        %dma_start3A_156 = tpu.memref_squeeze %dma_start3A_155 : memref<1x125xi32, #tpu.memory_space<vmem>> -> memref<125xi32, #tpu.memory_space<vmem>>
        %dma_start3A_157 = arith.constant 0 : i32
        %dma_start3A_158 = arith.constant 0 : i32
        %dma_start3A_159 = tpu.memref_slice %arg13[%dma_start3A_157, %dma_start3A_158] : memref<10240x128xf32, #tpu.memory_space<vmem_shared>> -> memref<10240x128xf32, #tpu.memory_space<vmem_shared>>
        tpu.enqueue_indirect_dma source(%arg12 : memref<125x128xf32, #tpu.memory_space<vmem>>) target(%dma_start3A_159 : memref<10240x128xf32, #tpu.memory_space<vmem_shared>>) offsets(%dma_start3A_156 : memref<125xi32, #tpu.memory_space<vmem>>) semaphore(%run_scoped3A_153 : memref<!tpu.dma_semaphore, #tpu.memory_space<semaphore_mem>>) {add = true}
        %dma_wait3A_160 = arith.constant 0 : i32
        %dma_wait3A_161 = tpu.memref_slice %arg9[%run_scoped3A_122, %dma_wait3A_160] : memref<2x125xi32, #tpu.memory_space<vmem>> -> memref<1x125xi32, #tpu.memory_space<vmem>>
        %dma_wait3A_162 = tpu.memref_squeeze %dma_wait3A_161 : memref<1x125xi32, #tpu.memory_space<vmem>> -> memref<125xi32, #tpu.memory_space<vmem>>
        %dma_wait3A_163 = arith.constant 0 : i32
        %dma_wait3A_164 = arith.constant 0 : i32
        %dma_wait3A_165 = tpu.memref_slice %arg13[%dma_wait3A_163, %dma_wait3A_164] : memref<10240x128xf32, #tpu.memory_space<vmem_shared>> -> memref<10240x128xf32, #tpu.memory_space<vmem_shared>>
        tpu.wait_indirect_dma semaphore(%run_scoped3A_153 : memref<!tpu.dma_semaphore, #tpu.memory_space<semaphore_mem>>) src(%arg12 : memref<125x128xf32, #tpu.memory_space<vmem>>) dst(%dma_wait3A_165 : memref<10240x128xf32, #tpu.memory_space<vmem_shared>>)
        tpu.yield
      }) : () -> ()
      %convert_element_type3A = arith.extui %lt3A_75 : i1 to i32
      %cond3A = arith.constant 0 : i32
      %cond3A_123 = arith.cmpi ne, %convert_element_type3A, %cond3A : i32
      scf.if %cond3A_123 {
        %add3A_153 = arith.constant 2 : i32
        %add3A_154 = arith.addi %mul3A_74, %add3A_153 : i32
        %dma_start3A_155 = arith.constant 0 : i32
        %dma_start3A_156 = arith.constant 0 : i32
        %dma_start3A_157 = tpu.memref_slice %arg3[%add3A, %add3A_154, %dma_start3A_155, %dma_start3A_156] : memref<32x40x2x125xi32, #tpu.memory_space<hbm>> -> memref<1x1x2x125xi32, #tpu.memory_space<hbm>>
        %dma_start3A_158 = tpu.memref_squeeze %dma_start3A_157 : memref<1x1x2x125xi32, #tpu.memory_space<hbm>> -> memref<2x125xi32, #tpu.memory_space<hbm>>
        %dma_start3A_159 = arith.constant 0 : i32
        %dma_start3A_160 = arith.constant 0 : i32
        %dma_start3A_161 = tpu.memref_slice %arg3[%add3A, %add3A_154, %dma_start3A_159, %dma_start3A_160] : memref<32x40x2x125xi32, #tpu.memory_space<hbm>> -> memref<1x1x2x125xi32, #tpu.memory_space<hbm>>
        %dma_start3A_162 = tpu.memref_squeeze %dma_start3A_161 : memref<1x1x2x125xi32, #tpu.memory_space<hbm>> -> memref<2x125xi32, #tpu.memory_space<hbm>>
        tpu.enqueue_dma source(%dma_start3A_162 : memref<2x125xi32, #tpu.memory_space<hbm>>) target(%arg7 : memref<2x125xi32, #tpu.memory_space<vmem>>) target_semaphore(%arg14 : memref<!tpu.dma_semaphore, #tpu.memory_space<semaphore_mem>>)
        %dma_start3A_163 = arith.constant 0 : i32
        %dma_start3A_164 = arith.constant 0 : i32
        %dma_start3A_165 = tpu.memref_slice %arg4[%add3A, %add3A_154, %dma_start3A_163, %dma_start3A_164] : memref<32x40x2x125xi32, #tpu.memory_space<hbm>> -> memref<1x1x2x125xi32, #tpu.memory_space<hbm>>
        %dma_start3A_166 = tpu.memref_squeeze %dma_start3A_165 : memref<1x1x2x125xi32, #tpu.memory_space<hbm>> -> memref<2x125xi32, #tpu.memory_space<hbm>>
        %dma_start3A_167 = arith.constant 0 : i32
        %dma_start3A_168 = arith.constant 0 : i32
        %dma_start3A_169 = tpu.memref_slice %arg4[%add3A, %add3A_154, %dma_start3A_167, %dma_start3A_168] : memref<32x40x2x125xi32, #tpu.memory_space<hbm>> -> memref<1x1x2x125xi32, #tpu.memory_space<hbm>>
        %dma_start3A_170 = tpu.memref_squeeze %dma_start3A_169 : memref<1x1x2x125xi32, #tpu.memory_space<hbm>> -> memref<2x125xi32, #tpu.memory_space<hbm>>
        tpu.enqueue_dma source(%dma_start3A_170 : memref<2x125xi32, #tpu.memory_space<hbm>>) target(%arg9 : memref<2x125xi32, #tpu.memory_space<vmem>>) target_semaphore(%arg14 : memref<!tpu.dma_semaphore, #tpu.memory_space<semaphore_mem>>)
      } else {
      }
      %dma_start3A_124 = arith.constant 1 : i32
      %dma_start3A_125 = arith.constant 0 : i32
      %dma_start3A_126 = tpu.memref_slice %arg8[%dma_start3A_124, %dma_start3A_125] : memref<2x125xi32, #tpu.memory_space<vmem>> -> memref<1x125xi32, #tpu.memory_space<vmem>>
      %dma_start3A_127 = tpu.memref_squeeze %dma_start3A_126 : memref<1x125xi32, #tpu.memory_space<vmem>> -> memref<125xi32, #tpu.memory_space<vmem>>
      %dma_start3A_128 = arith.constant 0 : i32
      %dma_start3A_129 = arith.constant 0 : i32
      %dma_start3A_130 = tpu.memref_slice %arg2[%dma_start3A_128, %dma_start3A_129] : memref<10240x128xf32, #tpu.memory_space<hbm>> -> memref<10240x128xf32, #tpu.memory_space<hbm>>
      tpu.enqueue_indirect_dma source(%dma_start3A_130 : memref<10240x128xf32, #tpu.memory_space<hbm>>) target(%arg12 : memref<125x128xf32, #tpu.memory_space<vmem>>) offsets(%dma_start3A_127 : memref<125xi32, #tpu.memory_space<vmem>>) semaphore(%arg17 : memref<!tpu.dma_semaphore, #tpu.memory_space<semaphore_mem>>)
      %dma_wait3A_131 = arith.constant 0 : i32
      %dma_wait3A_132 = arith.constant 0 : i32
      %dma_wait3A_133 = tpu.memref_slice %arg8[%dma_wait3A_131, %dma_wait3A_132] : memref<2x125xi32, #tpu.memory_space<vmem>> -> memref<1x125xi32, #tpu.memory_space<vmem>>
      %dma_wait3A_134 = tpu.memref_squeeze %dma_wait3A_133 : memref<1x125xi32, #tpu.memory_space<vmem>> -> memref<125xi32, #tpu.memory_space<vmem>>
      %dma_wait3A_135 = arith.constant 0 : i32
      %dma_wait3A_136 = arith.constant 0 : i32
      %dma_wait3A_137 = tpu.memref_slice %arg2[%dma_wait3A_135, %dma_wait3A_136] : memref<10240x128xf32, #tpu.memory_space<hbm>> -> memref<10240x128xf32, #tpu.memory_space<hbm>>
      tpu.wait_indirect_dma semaphore(%arg16 : memref<!tpu.dma_semaphore, #tpu.memory_space<semaphore_mem>>) src(%dma_wait3A_137 : memref<10240x128xf32, #tpu.memory_space<hbm>>) dst(%arg11 : memref<125x128xf32, #tpu.memory_space<vmem>>)
      %run_scoped3A_138 = arith.constant 0 : i32
      "tpu.region"() ({
        %run_scoped3A_153 = tpu.sem_alloc : memref<!tpu.dma_semaphore, #tpu.memory_space<semaphore_mem>>
        %dma_start3A_154 = arith.constant 0 : i32
        %dma_start3A_155 = tpu.memref_slice %arg10[%run_scoped3A_138, %dma_start3A_154] : memref<2x125xi32, #tpu.memory_space<vmem>> -> memref<1x125xi32, #tpu.memory_space<vmem>>
        %dma_start3A_156 = tpu.memref_squeeze %dma_start3A_155 : memref<1x125xi32, #tpu.memory_space<vmem>> -> memref<125xi32, #tpu.memory_space<vmem>>
        %dma_start3A_157 = arith.constant 0 : i32
        %dma_start3A_158 = arith.constant 0 : i32
        %dma_start3A_159 = tpu.memref_slice %arg13[%dma_start3A_157, %dma_start3A_158] : memref<10240x128xf32, #tpu.memory_space<vmem_shared>> -> memref<10240x128xf32, #tpu.memory_space<vmem_shared>>
        tpu.enqueue_indirect_dma source(%arg11 : memref<125x128xf32, #tpu.memory_space<vmem>>) target(%dma_start3A_159 : memref<10240x128xf32, #tpu.memory_space<vmem_shared>>) offsets(%dma_start3A_156 : memref<125xi32, #tpu.memory_space<vmem>>) semaphore(%run_scoped3A_153 : memref<!tpu.dma_semaphore, #tpu.memory_space<semaphore_mem>>) {add = true}
        %dma_wait3A_160 = arith.constant 0 : i32
        %dma_wait3A_161 = tpu.memref_slice %arg10[%run_scoped3A_138, %dma_wait3A_160] : memref<2x125xi32, #tpu.memory_space<vmem>> -> memref<1x125xi32, #tpu.memory_space<vmem>>
        %dma_wait3A_162 = tpu.memref_squeeze %dma_wait3A_161 : memref<1x125xi32, #tpu.memory_space<vmem>> -> memref<125xi32, #tpu.memory_space<vmem>>
        %dma_wait3A_163 = arith.constant 0 : i32
        %dma_wait3A_164 = arith.constant 0 : i32
        %dma_wait3A_165 = tpu.memref_slice %arg13[%dma_wait3A_163, %dma_wait3A_164] : memref<10240x128xf32, #tpu.memory_space<vmem_shared>> -> memref<10240x128xf32, #tpu.memory_space<vmem_shared>>
        tpu.wait_indirect_dma semaphore(%run_scoped3A_153 : memref<!tpu.dma_semaphore, #tpu.memory_space<semaphore_mem>>) src(%arg11 : memref<125x128xf32, #tpu.memory_space<vmem>>) dst(%dma_wait3A_165 : memref<10240x128xf32, #tpu.memory_space<vmem_shared>>)
        tpu.yield
      }) : () -> ()
      %convert_element_type3A_139 = arith.extui %lt3A_75 : i1 to i32
      %cond3A_140 = arith.constant 0 : i32
      %cond3A_141 = arith.cmpi ne, %convert_element_type3A_139, %cond3A_140 : i32
      scf.if %cond3A_141 {
        %add3A_153 = arith.constant 2 : i32
        %add3A_154 = arith.addi %mul3A_74, %add3A_153 : i32
        %dma_wait3A_155 = arith.constant 0 : i32
        %dma_wait3A_156 = arith.constant 0 : i32
        %dma_wait3A_157 = tpu.memref_slice %arg3[%add3A, %add3A_154, %dma_wait3A_155, %dma_wait3A_156] : memref<32x40x2x125xi32, #tpu.memory_space<hbm>> -> memref<1x1x2x125xi32, #tpu.memory_space<hbm>>
        %dma_wait3A_158 = tpu.memref_squeeze %dma_wait3A_157 : memref<1x1x2x125xi32, #tpu.memory_space<hbm>> -> memref<2x125xi32, #tpu.memory_space<hbm>>
        %dma_wait3A_159 = arith.constant 0 : i32
        %dma_wait3A_160 = arith.constant 0 : i32
        %dma_wait3A_161 = tpu.memref_slice %arg3[%add3A, %add3A_154, %dma_wait3A_159, %dma_wait3A_160] : memref<32x40x2x125xi32, #tpu.memory_space<hbm>> -> memref<1x1x2x125xi32, #tpu.memory_space<hbm>>
        %dma_wait3A_162 = tpu.memref_squeeze %dma_wait3A_161 : memref<1x1x2x125xi32, #tpu.memory_space<hbm>> -> memref<2x125xi32, #tpu.memory_space<hbm>>
        tpu.wait_dma2 semaphore(%arg14 : memref<!tpu.dma_semaphore, #tpu.memory_space<semaphore_mem>>) src(%dma_wait3A_162 : memref<2x125xi32, #tpu.memory_space<hbm>>) dst(%arg7 : memref<2x125xi32, #tpu.memory_space<vmem>>)
        %dma_wait3A_163 = arith.constant 0 : i32
        %dma_wait3A_164 = arith.constant 0 : i32
        %dma_wait3A_165 = tpu.memref_slice %arg4[%add3A, %add3A_154, %dma_wait3A_163, %dma_wait3A_164] : memref<32x40x2x125xi32, #tpu.memory_space<hbm>> -> memref<1x1x2x125xi32, #tpu.memory_space<hbm>>
        %dma_wait3A_166 = tpu.memref_squeeze %dma_wait3A_165 : memref<1x1x2x125xi32, #tpu.memory_space<hbm>> -> memref<2x125xi32, #tpu.memory_space<hbm>>
        %dma_wait3A_167 = arith.constant 0 : i32
        %dma_wait3A_168 = arith.constant 0 : i32
        %dma_wait3A_169 = tpu.memref_slice %arg4[%add3A, %add3A_154, %dma_wait3A_167, %dma_wait3A_168] : memref<32x40x2x125xi32, #tpu.memory_space<hbm>> -> memref<1x1x2x125xi32, #tpu.memory_space<hbm>>
        %dma_wait3A_170 = tpu.memref_squeeze %dma_wait3A_169 : memref<1x1x2x125xi32, #tpu.memory_space<hbm>> -> memref<2x125xi32, #tpu.memory_space<hbm>>
        tpu.wait_dma2 semaphore(%arg14 : memref<!tpu.dma_semaphore, #tpu.memory_space<semaphore_mem>>) src(%dma_wait3A_170 : memref<2x125xi32, #tpu.memory_space<hbm>>) dst(%arg9 : memref<2x125xi32, #tpu.memory_space<vmem>>)
        %dma_start3A_171 = arith.constant 0 : i32
        %dma_start3A_172 = arith.constant 0 : i32
        %dma_start3A_173 = tpu.memref_slice %arg7[%dma_start3A_171, %dma_start3A_172] : memref<2x125xi32, #tpu.memory_space<vmem>> -> memref<1x125xi32, #tpu.memory_space<vmem>>
        %dma_start3A_174 = tpu.memref_squeeze %dma_start3A_173 : memref<1x125xi32, #tpu.memory_space<vmem>> -> memref<125xi32, #tpu.memory_space<vmem>>
        %dma_start3A_175 = arith.constant 0 : i32
        %dma_start3A_176 = arith.constant 0 : i32
        %dma_start3A_177 = tpu.memref_slice %arg2[%dma_start3A_175, %dma_start3A_176] : memref<10240x128xf32, #tpu.memory_space<hbm>> -> memref<10240x128xf32, #tpu.memory_space<hbm>>
        tpu.enqueue_indirect_dma source(%dma_start3A_177 : memref<10240x128xf32, #tpu.memory_space<hbm>>) target(%arg11 : memref<125x128xf32, #tpu.memory_space<vmem>>) offsets(%dma_start3A_174 : memref<125xi32, #tpu.memory_space<vmem>>) semaphore(%arg16 : memref<!tpu.dma_semaphore, #tpu.memory_space<semaphore_mem>>)
      } else {
      }
      %dma_wait3A_142 = arith.constant 1 : i32
      %dma_wait3A_143 = arith.constant 0 : i32
      %dma_wait3A_144 = tpu.memref_slice %arg8[%dma_wait3A_142, %dma_wait3A_143] : memref<2x125xi32, #tpu.memory_space<vmem>> -> memref<1x125xi32, #tpu.memory_space<vmem>>
      %dma_wait3A_145 = tpu.memref_squeeze %dma_wait3A_144 : memref<1x125xi32, #tpu.memory_space<vmem>> -> memref<125xi32, #tpu.memory_space<vmem>>
      %dma_wait3A_146 = arith.constant 0 : i32
      %dma_wait3A_147 = arith.constant 0 : i32
      %dma_wait3A_148 = tpu.memref_slice %arg2[%dma_wait3A_146, %dma_wait3A_147] : memref<10240x128xf32, #tpu.memory_space<hbm>> -> memref<10240x128xf32, #tpu.memory_space<hbm>>
      tpu.wait_indirect_dma semaphore(%arg17 : memref<!tpu.dma_semaphore, #tpu.memory_space<semaphore_mem>>) src(%dma_wait3A_148 : memref<10240x128xf32, #tpu.memory_space<hbm>>) dst(%arg12 : memref<125x128xf32, #tpu.memory_space<vmem>>)
      %run_scoped3A_149 = arith.constant 1 : i32
      "tpu.region"() ({
        %run_scoped3A_153 = tpu.sem_alloc : memref<!tpu.dma_semaphore, #tpu.memory_space<semaphore_mem>>
        %dma_start3A_154 = arith.constant 0 : i32
        %dma_start3A_155 = tpu.memref_slice %arg10[%run_scoped3A_149, %dma_start3A_154] : memref<2x125xi32, #tpu.memory_space<vmem>> -> memref<1x125xi32, #tpu.memory_space<vmem>>
        %dma_start3A_156 = tpu.memref_squeeze %dma_start3A_155 : memref<1x125xi32, #tpu.memory_space<vmem>> -> memref<125xi32, #tpu.memory_space<vmem>>
        %dma_start3A_157 = arith.constant 0 : i32
        %dma_start3A_158 = arith.constant 0 : i32
        %dma_start3A_159 = tpu.memref_slice %arg13[%dma_start3A_157, %dma_start3A_158] : memref<10240x128xf32, #tpu.memory_space<vmem_shared>> -> memref<10240x128xf32, #tpu.memory_space<vmem_shared>>
        tpu.enqueue_indirect_dma source(%arg12 : memref<125x128xf32, #tpu.memory_space<vmem>>) target(%dma_start3A_159 : memref<10240x128xf32, #tpu.memory_space<vmem_shared>>) offsets(%dma_start3A_156 : memref<125xi32, #tpu.memory_space<vmem>>) semaphore(%run_scoped3A_153 : memref<!tpu.dma_semaphore, #tpu.memory_space<semaphore_mem>>) {add = true}
        %dma_wait3A_160 = arith.constant 0 : i32
        %dma_wait3A_161 = tpu.memref_slice %arg10[%run_scoped3A_149, %dma_wait3A_160] : memref<2x125xi32, #tpu.memory_space<vmem>> -> memref<1x125xi32, #tpu.memory_space<vmem>>
        %dma_wait3A_162 = tpu.memref_squeeze %dma_wait3A_161 : memref<1x125xi32, #tpu.memory_space<vmem>> -> memref<125xi32, #tpu.memory_space<vmem>>
        %dma_wait3A_163 = arith.constant 0 : i32
        %dma_wait3A_164 = arith.constant 0 : i32
        %dma_wait3A_165 = tpu.memref_slice %arg13[%dma_wait3A_163, %dma_wait3A_164] : memref<10240x128xf32, #tpu.memory_space<vmem_shared>> -> memref<10240x128xf32, #tpu.memory_space<vmem_shared>>
        tpu.wait_indirect_dma semaphore(%run_scoped3A_153 : memref<!tpu.dma_semaphore, #tpu.memory_space<semaphore_mem>>) src(%arg12 : memref<125x128xf32, #tpu.memory_space<vmem>>) dst(%dma_wait3A_165 : memref<10240x128xf32, #tpu.memory_space<vmem_shared>>)
        tpu.yield
      }) : () -> ()
      %convert_element_type3A_150 = arith.extui %lt3A_75 : i1 to i32
      %cond3A_151 = arith.constant 0 : i32
      %cond3A_152 = arith.cmpi ne, %convert_element_type3A_150, %cond3A_151 : i32
      scf.if %cond3A_152 {
        %add3A_153 = arith.constant 3 : i32
        %add3A_154 = arith.addi %mul3A_74, %add3A_153 : i32
        %dma_start3A_155 = arith.constant 0 : i32
        %dma_start3A_156 = arith.constant 0 : i32
        %dma_start3A_157 = tpu.memref_slice %arg3[%add3A, %add3A_154, %dma_start3A_155, %dma_start3A_156] : memref<32x40x2x125xi32, #tpu.memory_space<hbm>> -> memref<1x1x2x125xi32, #tpu.memory_space<hbm>>
        %dma_start3A_158 = tpu.memref_squeeze %dma_start3A_157 : memref<1x1x2x125xi32, #tpu.memory_space<hbm>> -> memref<2x125xi32, #tpu.memory_space<hbm>>
        %dma_start3A_159 = arith.constant 0 : i32
        %dma_start3A_160 = arith.constant 0 : i32
        %dma_start3A_161 = tpu.memref_slice %arg3[%add3A, %add3A_154, %dma_start3A_159, %dma_start3A_160] : memref<32x40x2x125xi32, #tpu.memory_space<hbm>> -> memref<1x1x2x125xi32, #tpu.memory_space<hbm>>
        %dma_start3A_162 = tpu.memref_squeeze %dma_start3A_161 : memref<1x1x2x125xi32, #tpu.memory_space<hbm>> -> memref<2x125xi32, #tpu.memory_space<hbm>>
        tpu.enqueue_dma source(%dma_start3A_162 : memref<2x125xi32, #tpu.memory_space<hbm>>) target(%arg8 : memref<2x125xi32, #tpu.memory_space<vmem>>) target_semaphore(%arg15 : memref<!tpu.dma_semaphore, #tpu.memory_space<semaphore_mem>>)
        %dma_start3A_163 = arith.constant 0 : i32
        %dma_start3A_164 = arith.constant 0 : i32
        %dma_start3A_165 = tpu.memref_slice %arg4[%add3A, %add3A_154, %dma_start3A_163, %dma_start3A_164] : memref<32x40x2x125xi32, #tpu.memory_space<hbm>> -> memref<1x1x2x125xi32, #tpu.memory_space<hbm>>
        %dma_start3A_166 = tpu.memref_squeeze %dma_start3A_165 : memref<1x1x2x125xi32, #tpu.memory_space<hbm>> -> memref<2x125xi32, #tpu.memory_space<hbm>>
        %dma_start3A_167 = arith.constant 0 : i32
        %dma_start3A_168 = arith.constant 0 : i32
        %dma_start3A_169 = tpu.memref_slice %arg4[%add3A, %add3A_154, %dma_start3A_167, %dma_start3A_168] : memref<32x40x2x125xi32, #tpu.memory_space<hbm>> -> memref<1x1x2x125xi32, #tpu.memory_space<hbm>>
        %dma_start3A_170 = tpu.memref_squeeze %dma_start3A_169 : memref<1x1x2x125xi32, #tpu.memory_space<hbm>> -> memref<2x125xi32, #tpu.memory_space<hbm>>
        tpu.enqueue_dma source(%dma_start3A_170 : memref<2x125xi32, #tpu.memory_space<hbm>>) target(%arg10 : memref<2x125xi32, #tpu.memory_space<vmem>>) target_semaphore(%arg15 : memref<!tpu.dma_semaphore, #tpu.memory_space<semaphore_mem>>)
      } else {
      }
    }
    %scan3A_66 = arith.constant 20 : i32
    %barrier3A_67 = arith.constant 0 : index
    tpu.barrier barrier_id(%barrier3A_67)
    %mul3A_68 = arith.constant 640 : i32
    %mul3A_69 = arith.muli %arg1, %mul3A_68 : i32
    %mul3A_70 = arith.constant 640 : i32
    %mul3A_71 = arith.muli %arg1, %mul3A_70 : i32
    "tpu.region"() ({
      %run_scoped3A = tpu.sem_alloc : memref<!tpu.dma_semaphore, #tpu.memory_space<semaphore_mem>>
      %dma_start3A_72 = arith.constant 0 : i32
      %dma_start3A_73 = tpu.memref_slice %arg6[%arg0, %mul3A_71, %dma_start3A_72] : memref<2x10240x128xf32, #tpu.memory_space<hbm>> -> memref<1x640x128xf32, #tpu.memory_space<hbm>>
      %dma_start3A_74 = tpu.memref_squeeze %dma_start3A_73 : memref<1x640x128xf32, #tpu.memory_space<hbm>> -> memref<640x128xf32, #tpu.memory_space<hbm>>
      %dma_start3A_75 = arith.constant 0 : i32
      %dma_start3A_76 = tpu.memref_slice %arg13[%mul3A_69, %dma_start3A_75] : memref<10240x128xf32, #tpu.memory_space<vmem_shared>> -> memref<640x128xf32, #tpu.memory_space<vmem_shared>>
      tpu.enqueue_dma source(%dma_start3A_76 : memref<640x128xf32, #tpu.memory_space<vmem_shared>>) target(%dma_start3A_74 : memref<640x128xf32, #tpu.memory_space<hbm>>) target_semaphore(%run_scoped3A : memref<!tpu.dma_semaphore, #tpu.memory_space<semaphore_mem>>)
      %dma_wait3A_77 = arith.constant 0 : i32
      %dma_wait3A_78 = tpu.memref_slice %arg6[%arg0, %mul3A_71, %dma_wait3A_77] : memref<2x10240x128xf32, #tpu.memory_space<hbm>> -> memref<1x640x128xf32, #tpu.memory_space<hbm>>
      %dma_wait3A_79 = tpu.memref_squeeze %dma_wait3A_78 : memref<1x640x128xf32, #tpu.memory_space<hbm>> -> memref<640x128xf32, #tpu.memory_space<hbm>>
      %dma_wait3A_80 = arith.constant 0 : i32
      %dma_wait3A_81 = tpu.memref_slice %arg13[%mul3A_69, %dma_wait3A_80] : memref<10240x128xf32, #tpu.memory_space<vmem_shared>> -> memref<640x128xf32, #tpu.memory_space<vmem_shared>>
      tpu.wait_dma2 semaphore(%run_scoped3A : memref<!tpu.dma_semaphore, #tpu.memory_space<semaphore_mem>>) src(%dma_wait3A_81 : memref<640x128xf32, #tpu.memory_space<vmem_shared>>) dst(%dma_wait3A_79 : memref<640x128xf32, #tpu.memory_space<hbm>>)
      tpu.yield
    }) : () -> ()
    return
  }
}

module attributes {stable_mosaic.version = 14 : i64} {
  func.func @_layer_body(%arg0: i32, %arg1: memref<512x128xf32, #tpu.memory_space<vmem>>, %arg2: memref<2x512x128xf32, #tpu.memory_space<vmem>>, %arg3: memref<1x1x512xi32, #tpu.memory_space<vmem>>, %arg4: memref<128x256xf32, #tpu.memory_space<vmem>>, %arg5: memref<1x256xf32, #tpu.memory_space<vmem>>, %arg6: memref<256x128xf32, #tpu.memory_space<vmem>>, %arg7: memref<1x128xf32, #tpu.memory_space<vmem>>, %arg8: memref<1x128xf32, #tpu.memory_space<vmem>>, %arg9: memref<1x128xf32, #tpu.memory_space<vmem>>, %arg10: memref<1x1xf32, #tpu.memory_space<vmem>>, %arg11: memref<128x128xf32, #tpu.memory_space<vmem>>, %arg12: memref<128x256xf32, #tpu.memory_space<vmem>>, %arg13: memref<1x256xf32, #tpu.memory_space<vmem>>, %arg14: memref<256x128xf32, #tpu.memory_space<vmem>>, %arg15: memref<1x128xf32, #tpu.memory_space<vmem>>, %arg16: memref<512x128xf32, #tpu.memory_space<vmem>>, %arg17: memref<128x128xf32, #tpu.memory_space<vmem>>, %arg18: memref<10240x128xf32, #tpu.memory_space<vmem>>, %arg19: memref<128x128xf32, #tpu.memory_space<vmem>>, %arg20: memref<128x128xf32, #tpu.memory_space<vmem>>) attributes {dimension_semantics = [#tpu.dimension_semantics<arbitrary>], iteration_bounds = array<i64: 40>, scalar_prefetch = 0 : i64, scratch_operands = 3 : i64, tpu.core_type = #tpu.core_type<tc>, window_params = [{transform_indices = @transform_0, window_bounds = array<i64: 512, 128>}, {transform_indices = @transform_1, window_bounds = array<i64: 2, 512, 128>}, {transform_indices = @transform_2, window_bounds = array<i64: 1, 1, 512>}, {pipeline_mode = #tpu.pipeline_mode<synchronous>, transform_indices = @transform_3, window_bounds = array<i64: 128, 256>}, {pipeline_mode = #tpu.pipeline_mode<synchronous>, transform_indices = @transform_4, window_bounds = array<i64: 1, 256>}, {pipeline_mode = #tpu.pipeline_mode<synchronous>, transform_indices = @transform_5, window_bounds = array<i64: 256, 128>}, {pipeline_mode = #tpu.pipeline_mode<synchronous>, transform_indices = @transform_6, window_bounds = array<i64: 1, 128>}, {pipeline_mode = #tpu.pipeline_mode<synchronous>, transform_indices = @transform_7, window_bounds = array<i64: 1, 128>}, {pipeline_mode = #tpu.pipeline_mode<synchronous>, transform_indices = @transform_8, window_bounds = array<i64: 1, 128>}, {pipeline_mode = #tpu.pipeline_mode<synchronous>, transform_indices = @transform_9, window_bounds = array<i64: 1, 1>}, {pipeline_mode = #tpu.pipeline_mode<synchronous>, transform_indices = @transform_10, window_bounds = array<i64: 128, 128>}, {pipeline_mode = #tpu.pipeline_mode<synchronous>, transform_indices = @transform_11, window_bounds = array<i64: 128, 256>}, {pipeline_mode = #tpu.pipeline_mode<synchronous>, transform_indices = @transform_12, window_bounds = array<i64: 1, 256>}, {pipeline_mode = #tpu.pipeline_mode<synchronous>, transform_indices = @transform_13, window_bounds = array<i64: 256, 128>}, {pipeline_mode = #tpu.pipeline_mode<synchronous>, transform_indices = @transform_14, window_bounds = array<i64: 1, 128>}, {transform_indices = @transform_15, window_bounds = array<i64: 512, 128>}, {pipeline_mode = #tpu.pipeline_mode<synchronous>, transform_indices = @transform_16, window_bounds = array<i64: 128, 128>}]} {
    %lt3A = arith.constant 20 : i32
    %lt3A_0 = arith.cmpi slt, %arg0, %lt3A : i32
    %convert_element_type3A = arith.extui %lt3A_0 : i1 to i32
    %cond3A = arith.constant 0 : i32
    %cond3A_1 = arith.cmpi ne, %convert_element_type3A, %cond3A : i32
    scf.if %cond3A_1 {
      %get3A = arith.constant 0 : index
      %get3A_6 = arith.constant 0 : index
      %get3A_7 = vector.load %arg10[%get3A, %get3A_6] : memref<1x1xf32, #tpu.memory_space<vmem>>, vector<1x1xf32>
      %get3A_8 = vector.extract %get3A_7[0, 0] : f32 from vector<1x1xf32>
      %add3A = arith.constant 1.000000e+00 : f32
      %add3A_9 = arith.addf %add3A, %get3A_8 : f32
      %get3A_10 = arith.constant 0 : index
      %get3A_11 = arith.constant 0 : index
      %get3A_12 = vector.load %arg1[%get3A_10, %get3A_11] : memref<512x128xf32, #tpu.memory_space<vmem>>, vector<512x128xf32>
      %mul3A = vector.broadcast %add3A_9 : f32 to vector<512x128xf32>
      %mul3A_13 = arith.mulf %mul3A, %get3A_12 : vector<512x128xf32>
      %get3A_14 = arith.constant 0 : index
      %get3A_15 = arith.constant 0 : index
      %get3A_16 = arith.constant 0 : index
      %get3A_17 = vector.load %arg2[%get3A_14, %get3A_15, %get3A_16] : memref<2x512x128xf32, #tpu.memory_space<vmem>>, vector<1x512x128xf32>
      %get3A_18 = vector.shape_cast %get3A_17 : vector<1x512x128xf32> to vector<512x128xf32>
      %add3A_19 = arith.addf %mul3A_13, %get3A_18 : vector<512x128xf32>
      %get3A_20 = arith.constant 1 : index
      %get3A_21 = arith.constant 0 : index
      %get3A_22 = arith.constant 0 : index
      %get3A_23 = vector.load %arg2[%get3A_20, %get3A_21, %get3A_22] : memref<2x512x128xf32, #tpu.memory_space<vmem>>, vector<1x512x128xf32>
      %get3A_24 = vector.shape_cast %get3A_23 : vector<1x512x128xf32> to vector<512x128xf32>
      %add3A_25 = arith.addf %add3A_19, %get3A_24 : vector<512x128xf32>
      %convert_element_type3A_26 = arith.truncf %add3A_25 : vector<512x128xf32> to vector<512x128xbf16>
      %get3A_27 = arith.constant 0 : index
      %get3A_28 = arith.constant 0 : index
      %get3A_29 = vector.load %arg4[%get3A_27, %get3A_28] : memref<128x256xf32, #tpu.memory_space<vmem>>, vector<128x256xf32>
      %convert_element_type3A_30 = arith.truncf %get3A_29 : vector<128x256xf32> to vector<128x256xbf16>
      %dot_general3A = arith.constant dense<0.000000e+00> : vector<512x256xf32>
      %dot_general3A_31 = tpu.matmul %convert_element_type3A_26, %convert_element_type3A_30, %dot_general3A {dimension_numbers = #tpu.dot_dimension_numbers<[1], [0], [0], [1], [0, 0, 1, 1], [], []>, transpose_lhs_hint = false} : vector<512x128xbf16>, vector<128x256xbf16>, vector<512x256xf32> -> vector<512x256xf32>
      %get3A_32 = arith.constant 0 : index
      %get3A_33 = arith.constant 0 : index
      %get3A_34 = vector.load %arg5[%get3A_32, %get3A_33] : memref<1x256xf32, #tpu.memory_space<vmem>>, vector<1x256xf32>
      %add3A_35 = vector.broadcast %get3A_34 : vector<1x256xf32> to vector<512x256xf32>
      %add3A_36 = arith.addf %dot_general3A_31, %add3A_35 : vector<512x256xf32>
      %max3A = arith.constant 0.000000e+00 : f32
      %max3A_37 = vector.broadcast %max3A : f32 to vector<512x256xf32>
      %max3A_38 = arith.maximumf %add3A_36, %max3A_37 : vector<512x256xf32>
      %convert_element_type3A_39 = arith.truncf %max3A_38 : vector<512x256xf32> to vector<512x256xbf16>
      %get3A_40 = arith.constant 0 : index
      %get3A_41 = arith.constant 0 : index
      %get3A_42 = vector.load %arg6[%get3A_40, %get3A_41] : memref<256x128xf32, #tpu.memory_space<vmem>>, vector<256x128xf32>
      %convert_element_type3A_43 = arith.truncf %get3A_42 : vector<256x128xf32> to vector<256x128xbf16>
      %dot_general3A_44 = arith.constant dense<0.000000e+00> : vector<512x128xf32>
      %dot_general3A_45 = tpu.matmul %convert_element_type3A_39, %convert_element_type3A_43, %dot_general3A_44 {dimension_numbers = #tpu.dot_dimension_numbers<[1], [0], [0], [1], [0, 0, 1, 1], [], []>, transpose_lhs_hint = false} : vector<512x256xbf16>, vector<256x128xbf16>, vector<512x128xf32> -> vector<512x128xf32>
      %get3A_46 = arith.constant 0 : index
      %get3A_47 = arith.constant 0 : index
      %get3A_48 = vector.load %arg7[%get3A_46, %get3A_47] : memref<1x128xf32, #tpu.memory_space<vmem>>, vector<1x128xf32>
      %add3A_49 = vector.broadcast %get3A_48 : vector<1x128xf32> to vector<512x128xf32>
      %add3A_50 = arith.addf %dot_general3A_45, %add3A_49 : vector<512x128xf32>
      %get3A_51 = arith.constant 0 : index
      %get3A_52 = arith.constant 0 : index
      %get3A_53 = vector.load %arg8[%get3A_51, %get3A_52] : memref<1x128xf32, #tpu.memory_space<vmem>>, vector<1x128xf32>
      %mul3A_54 = vector.broadcast %get3A_53 : vector<1x128xf32> to vector<512x128xf32>
      %mul3A_55 = arith.mulf %mul3A_54, %add3A_50 : vector<512x128xf32>
      %get3A_56 = arith.constant 0 : index
      %get3A_57 = arith.constant 0 : index
      %get3A_58 = vector.load %arg9[%get3A_56, %get3A_57] : memref<1x128xf32, #tpu.memory_space<vmem>>, vector<1x128xf32>
      %add3A_59 = vector.broadcast %get3A_58 : vector<1x128xf32> to vector<512x128xf32>
      %add3A_60 = arith.addf %mul3A_55, %add3A_59 : vector<512x128xf32>
      %max3A_61 = arith.constant 0.000000e+00 : f32
      %max3A_62 = vector.broadcast %max3A_61 : f32 to vector<512x128xf32>
      %max3A_63 = arith.maximumf %add3A_60, %max3A_62 : vector<512x128xf32>
      %mul3A_64 = arith.constant 512 : i32
      %mul3A_65 = arith.muli %arg0, %mul3A_64 : i32
      %swap3A = arith.index_cast %mul3A_65 : i32 to index
      %swap3A_66 = arith.constant 0 : index
      %swap3A_67 = vector.load %arg18[%swap3A, %swap3A_66] : memref<10240x128xf32, #tpu.memory_space<vmem>>, vector<512x128xf32>
      tpu.vector_store %arg18[%swap3A, %swap3A_66], %max3A_63 {strides = array<i32>} : memref<10240x128xf32, #tpu.memory_space<vmem>>, vector<512x128xf32>,
      %get3A_68 = arith.constant 0 : index
      %get3A_69 = arith.constant 0 : index
      %get3A_70 = arith.constant 0 : index
      %get3A_71 = vector.load %arg3[%get3A_68, %get3A_69, %get3A_70] : memref<1x1x512xi32, #tpu.memory_space<vmem>>, vector<1x1x512xi32>
      %get3A_72 = vector.shape_cast %get3A_71 : vector<1x1x512xi32> to vector<512xi32>
      %broadcast_in_dim3A = vector.shape_cast %get3A_72 : vector<512xi32> to vector<512x1xi32>
      %iota3A = tpu.iota {dimensions = array<i32: 1>} : vector<512x128xi32>
      %eq3A = vector.broadcast %broadcast_in_dim3A : vector<512x1xi32> to vector<512x128xi32>
      %eq3A_73 = arith.cmpi eq, %eq3A, %iota3A : vector<512x128xi32>
      %convert_element_type3A_74 = arith.extui %eq3A_73 : vector<512x128xi1> to vector<512x128xi32>
      %convert_element_type3A_75 = arith.sitofp %convert_element_type3A_74 : vector<512x128xi32> to vector<512x128xf32>
      %dot_general3A_76 = arith.constant dense<0.000000e+00> : vector<128x128xf32>
      %dot_general3A_77 = tpu.matmul %convert_element_type3A_75, %max3A_63, %dot_general3A_76 {dimension_numbers = #tpu.dot_dimension_numbers<[0], [0], [1], [1], [0, 1, 1, 1], [], []>, transpose_lhs_hint = false} : vector<512x128xf32>, vector<512x128xf32>, vector<128x128xf32> -> vector<128x128xf32>
      %eq3A_78 = arith.constant 0 : i32
      %eq3A_79 = arith.cmpi eq, %arg0, %eq3A_78 : i32
      %convert_element_type3A_80 = arith.extui %eq3A_79 : i1 to i32
      %cond3A_81 = arith.constant 0 : i32
      %cond3A_82 = arith.cmpi ne, %convert_element_type3A_80, %cond3A_81 : i32
      scf.if %cond3A_82 {
        %broadcast_in_dim3A_95 = arith.constant 0.000000e+00 : f32
        %broadcast_in_dim3A_96 = vector.broadcast %broadcast_in_dim3A_95 : f32 to vector<128x128xf32>
        %swap3A_97 = arith.constant 0 : index
        %swap3A_98 = arith.constant 0 : index
        %swap3A_99 = vector.load %arg19[%swap3A_97, %swap3A_98] : memref<128x128xf32, #tpu.memory_space<vmem>>, vector<128x128xf32>
        tpu.vector_store %arg19[%swap3A_97, %swap3A_98], %broadcast_in_dim3A_96 {strides = array<i32>} : memref<128x128xf32, #tpu.memory_space<vmem>>, vector<128x128xf32>,
      } else {
      }
      %get3A_83 = arith.constant 0 : index
      %get3A_84 = arith.constant 0 : index
      %get3A_85 = vector.load %arg19[%get3A_83, %get3A_84] : memref<128x128xf32, #tpu.memory_space<vmem>>, vector<128x128xf32>
      %add3A_86 = arith.addf %get3A_85, %dot_general3A_77 : vector<128x128xf32>
      %swap3A_87 = arith.constant 0 : index
      %swap3A_88 = arith.constant 0 : index
      %swap3A_89 = vector.load %arg19[%swap3A_87, %swap3A_88] : memref<128x128xf32, #tpu.memory_space<vmem>>, vector<128x128xf32>
      tpu.vector_store %arg19[%swap3A_87, %swap3A_88], %add3A_86 {strides = array<i32>} : memref<128x128xf32, #tpu.memory_space<vmem>>, vector<128x128xf32>,
      %eq3A_90 = arith.constant 19 : i32
      %eq3A_91 = arith.cmpi eq, %arg0, %eq3A_90 : i32
      %convert_element_type3A_92 = arith.extui %eq3A_91 : i1 to i32
      %cond3A_93 = arith.constant 0 : i32
      %cond3A_94 = arith.cmpi ne, %convert_element_type3A_92, %cond3A_93 : i32
      scf.if %cond3A_94 {
        %get3A_95 = arith.constant 0 : index
        %get3A_96 = arith.constant 0 : index
        %get3A_97 = vector.load %arg19[%get3A_95, %get3A_96] : memref<128x128xf32, #tpu.memory_space<vmem>>, vector<128x128xf32>
        %get3A_98 = arith.constant 0 : index
        %get3A_99 = arith.constant 0 : index
        %get3A_100 = vector.load %arg11[%get3A_98, %get3A_99] : memref<128x128xf32, #tpu.memory_space<vmem>>, vector<128x128xf32>
        %add3A_101 = arith.addf %get3A_97, %get3A_100 : vector<128x128xf32>
        %get3A_102 = arith.constant 0 : index
        %get3A_103 = arith.constant 0 : index
        %get3A_104 = vector.load %arg12[%get3A_102, %get3A_103] : memref<128x256xf32, #tpu.memory_space<vmem>>, vector<128x256xf32>
        %dot_general3A_105 = arith.constant dense<0.000000e+00> : vector<128x256xf32>
        %dot_general3A_106 = tpu.matmul %add3A_101, %get3A_104, %dot_general3A_105 {dimension_numbers = #tpu.dot_dimension_numbers<[1], [0], [0], [1], [0, 0, 1, 1], [], []>, transpose_lhs_hint = false} : vector<128x128xf32>, vector<128x256xf32>, vector<128x256xf32> -> vector<128x256xf32>
        %get3A_107 = arith.constant 0 : index
        %get3A_108 = arith.constant 0 : index
        %get3A_109 = vector.load %arg13[%get3A_107, %get3A_108] : memref<1x256xf32, #tpu.memory_space<vmem>>, vector<1x256xf32>
        %add3A_110 = vector.broadcast %get3A_109 : vector<1x256xf32> to vector<128x256xf32>
        %add3A_111 = arith.addf %dot_general3A_106, %add3A_110 : vector<128x256xf32>
        %max3A_112 = arith.constant 0.000000e+00 : f32
        %max3A_113 = vector.broadcast %max3A_112 : f32 to vector<128x256xf32>
        %max3A_114 = arith.maximumf %add3A_111, %max3A_113 : vector<128x256xf32>
        %get3A_115 = arith.constant 0 : index
        %get3A_116 = arith.constant 0 : index
        %get3A_117 = vector.load %arg14[%get3A_115, %get3A_116] : memref<256x128xf32, #tpu.memory_space<vmem>>, vector<256x128xf32>
        %dot_general3A_118 = arith.constant dense<0.000000e+00> : vector<128x128xf32>
        %dot_general3A_119 = tpu.matmul %max3A_114, %get3A_117, %dot_general3A_118 {dimension_numbers = #tpu.dot_dimension_numbers<[1], [0], [0], [1], [0, 0, 1, 1], [], []>, transpose_lhs_hint = false} : vector<128x256xf32>, vector<256x128xf32>, vector<128x128xf32> -> vector<128x128xf32>
        %get3A_120 = arith.constant 0 : index
        %get3A_121 = arith.constant 0 : index
        %get3A_122 = vector.load %arg15[%get3A_120, %get3A_121] : memref<1x128xf32, #tpu.memory_space<vmem>>, vector<1x128xf32>
        %add3A_123 = vector.broadcast %get3A_122 : vector<1x128xf32> to vector<128x128xf32>
        %add3A_124 = arith.addf %dot_general3A_119, %add3A_123 : vector<128x128xf32>
        %max3A_125 = arith.constant 0.000000e+00 : f32
        %max3A_126 = vector.broadcast %max3A_125 : f32 to vector<128x128xf32>
        %max3A_127 = arith.maximumf %add3A_124, %max3A_126 : vector<128x128xf32>
        %swap3A_128 = arith.constant 0 : index
        %swap3A_129 = arith.constant 0 : index
        %swap3A_130 = vector.load %arg20[%swap3A_128, %swap3A_129] : memref<128x128xf32, #tpu.memory_space<vmem>>, vector<128x128xf32>
        tpu.vector_store %arg20[%swap3A_128, %swap3A_129], %max3A_127 {strides = array<i32>} : memref<128x128xf32, #tpu.memory_space<vmem>>, vector<128x128xf32>,
        %swap3A_131 = arith.constant 0 : index
        %swap3A_132 = arith.constant 0 : index
        %swap3A_133 = vector.load %arg17[%swap3A_131, %swap3A_132] : memref<128x128xf32, #tpu.memory_space<vmem>>, vector<128x128xf32>
        tpu.vector_store %arg17[%swap3A_131, %swap3A_132], %max3A_127 {strides = array<i32>} : memref<128x128xf32, #tpu.memory_space<vmem>>, vector<128x128xf32>,
      } else {
      }
    } else {
    }
    %ge3A = arith.constant 20 : i32
    %ge3A_2 = arith.cmpi sge, %arg0, %ge3A : i32
    %convert_element_type3A_3 = arith.extui %ge3A_2 : i1 to i32
    %cond3A_4 = arith.constant 0 : i32
    %cond3A_5 = arith.cmpi ne, %convert_element_type3A_3, %cond3A_4 : i32
    scf.if %cond3A_5 {
      %get3A = arith.constant 0 : index
      %get3A_6 = arith.constant 0 : index
      %get3A_7 = arith.constant 0 : index
      %get3A_8 = vector.load %arg3[%get3A, %get3A_6, %get3A_7] : memref<1x1x512xi32, #tpu.memory_space<vmem>>, vector<1x1x512xi32>
      %get3A_9 = vector.shape_cast %get3A_8 : vector<1x1x512xi32> to vector<512xi32>
      %broadcast_in_dim3A = vector.shape_cast %get3A_9 : vector<512xi32> to vector<512x1xi32>
      %iota3A = tpu.iota {dimensions = array<i32: 1>} : vector<512x128xi32>
      %eq3A = vector.broadcast %broadcast_in_dim3A : vector<512x1xi32> to vector<512x128xi32>
      %eq3A_10 = arith.cmpi eq, %eq3A, %iota3A : vector<512x128xi32>
      %convert_element_type3A_11 = arith.extui %eq3A_10 : vector<512x128xi1> to vector<512x128xi32>
      %convert_element_type3A_12 = arith.sitofp %convert_element_type3A_11 : vector<512x128xi32> to vector<512x128xf32>
      %sub3A = arith.constant 20 : i32
      %sub3A_13 = arith.subi %arg0, %sub3A : i32
      %mul3A = arith.constant 512 : i32
      %mul3A_14 = arith.muli %sub3A_13, %mul3A : i32
      %get3A_15 = arith.index_cast %mul3A_14 : i32 to index
      %get3A_16 = arith.constant 0 : index
      %get3A_17 = vector.load %arg18[%get3A_15, %get3A_16] : memref<10240x128xf32, #tpu.memory_space<vmem>>, vector<512x128xf32>
      %get3A_18 = arith.constant 0 : index
      %get3A_19 = arith.constant 0 : index
      %get3A_20 = vector.load %arg20[%get3A_18, %get3A_19] : memref<128x128xf32, #tpu.memory_space<vmem>>, vector<128x128xf32>
      %dot_general3A = arith.constant dense<0.000000e+00> : vector<512x128xf32>
      %dot_general3A_21 = tpu.matmul %convert_element_type3A_12, %get3A_20, %dot_general3A {dimension_numbers = #tpu.dot_dimension_numbers<[1], [0], [0], [1], [0, 0, 1, 1], [], []>, transpose_lhs_hint = false} : vector<512x128xf32>, vector<128x128xf32>, vector<512x128xf32> -> vector<512x128xf32>
      %add3A = arith.addf %get3A_17, %dot_general3A_21 : vector<512x128xf32>
      %swap3A = arith.constant 0 : index
      %swap3A_22 = arith.constant 0 : index
      %swap3A_23 = vector.load %arg16[%swap3A, %swap3A_22] : memref<512x128xf32, #tpu.memory_space<vmem>>, vector<512x128xf32>
      tpu.vector_store %arg16[%swap3A, %swap3A_22], %add3A {strides = array<i32>} : memref<512x128xf32, #tpu.memory_space<vmem>>, vector<512x128xf32>,
    } else {
    }
    return
  }
  func.func @transform_0(%arg0: i32) -> (i32, i32) {
    %min3A = arith.constant 19 : i32
    %min3A_0 = arith.minsi %arg0, %min3A : i32
    %c0_i32 = arith.constant 0 : i32
    %c0_i32_1 = arith.constant 0 : i32
    return %min3A_0, %c0_i32 : i32, i32
  }
  func.func @transform_1(%arg0: i32) -> (i32, i32, i32) {
    %min3A = arith.constant 19 : i32
    %min3A_0 = arith.minsi %arg0, %min3A : i32
    %c0_i32 = arith.constant 0 : i32
    %c0_i32_1 = arith.constant 0 : i32
    %c0_i32_2 = arith.constant 0 : i32
    return %c0_i32, %min3A_0, %c0_i32_1 : i32, i32, i32
  }
  func.func @transform_2(%arg0: i32) -> (i32, i32, i32) {
    %lt3A = arith.constant 20 : i32
    %lt3A_0 = arith.cmpi slt, %arg0, %lt3A : i32
    %sub3A = arith.constant 20 : i32
    %sub3A_1 = arith.subi %arg0, %sub3A : i32
    %select_n3A = arith.select %lt3A_0, %arg0, %sub3A_1 : i32
    %c0_i32 = arith.constant 0 : i32
    %c0_i32_2 = arith.constant 0 : i32
    %c0_i32_3 = arith.constant 0 : i32
    return %select_n3A, %c0_i32, %c0_i32_2 : i32, i32, i32
  }
  func.func @transform_3(%arg0: i32) -> (i32, i32) {
    %c0_i32 = arith.constant 0 : i32
    %c0_i32_0 = arith.constant 0 : i32
    %c0_i32_1 = arith.constant 0 : i32
    return %c0_i32, %c0_i32_0 : i32, i32
  }
  func.func @transform_4(%arg0: i32) -> (i32, i32) {
    %c0_i32 = arith.constant 0 : i32
    %c0_i32_0 = arith.constant 0 : i32
    %c0_i32_1 = arith.constant 0 : i32
    return %c0_i32, %c0_i32_0 : i32, i32
  }
  func.func @transform_5(%arg0: i32) -> (i32, i32) {
    %c0_i32 = arith.constant 0 : i32
    %c0_i32_0 = arith.constant 0 : i32
    %c0_i32_1 = arith.constant 0 : i32
    return %c0_i32, %c0_i32_0 : i32, i32
  }
  func.func @transform_6(%arg0: i32) -> (i32, i32) {
    %c0_i32 = arith.constant 0 : i32
    %c0_i32_0 = arith.constant 0 : i32
    %c0_i32_1 = arith.constant 0 : i32
    return %c0_i32, %c0_i32_0 : i32, i32
  }
  func.func @transform_7(%arg0: i32) -> (i32, i32) {
    %c0_i32 = arith.constant 0 : i32
    %c0_i32_0 = arith.constant 0 : i32
    %c0_i32_1 = arith.constant 0 : i32
    return %c0_i32, %c0_i32_0 : i32, i32
  }
  func.func @transform_8(%arg0: i32) -> (i32, i32) {
    %c0_i32 = arith.constant 0 : i32
    %c0_i32_0 = arith.constant 0 : i32
    %c0_i32_1 = arith.constant 0 : i32
    return %c0_i32, %c0_i32_0 : i32, i32
  }
  func.func @transform_9(%arg0: i32) -> (i32, i32) {
    %c0_i32 = arith.constant 0 : i32
    %c0_i32_0 = arith.constant 0 : i32
    %c0_i32_1 = arith.constant 0 : i32
    return %c0_i32, %c0_i32_0 : i32, i32
  }
  func.func @transform_10(%arg0: i32) -> (i32, i32) {
    %c0_i32 = arith.constant 0 : i32
    %c0_i32_0 = arith.constant 0 : i32
    %c0_i32_1 = arith.constant 0 : i32
    return %c0_i32, %c0_i32_0 : i32, i32
  }
  func.func @transform_11(%arg0: i32) -> (i32, i32) {
    %c0_i32 = arith.constant 0 : i32
    %c0_i32_0 = arith.constant 0 : i32
    %c0_i32_1 = arith.constant 0 : i32
    return %c0_i32, %c0_i32_0 : i32, i32
  }
  func.func @transform_12(%arg0: i32) -> (i32, i32) {
    %c0_i32 = arith.constant 0 : i32
    %c0_i32_0 = arith.constant 0 : i32
    %c0_i32_1 = arith.constant 0 : i32
    return %c0_i32, %c0_i32_0 : i32, i32
  }
  func.func @transform_13(%arg0: i32) -> (i32, i32) {
    %c0_i32 = arith.constant 0 : i32
    %c0_i32_0 = arith.constant 0 : i32
    %c0_i32_1 = arith.constant 0 : i32
    return %c0_i32, %c0_i32_0 : i32, i32
  }
  func.func @transform_14(%arg0: i32) -> (i32, i32) {
    %c0_i32 = arith.constant 0 : i32
    %c0_i32_0 = arith.constant 0 : i32
    %c0_i32_1 = arith.constant 0 : i32
    return %c0_i32, %c0_i32_0 : i32, i32
  }
  func.func @transform_15(%arg0: i32) -> (i32, i32) {
    %lt3A = arith.constant 20 : i32
    %lt3A_0 = arith.cmpi slt, %arg0, %lt3A : i32
    %sub3A = arith.constant 20 : i32
    %sub3A_1 = arith.subi %arg0, %sub3A : i32
    %jit3A = arith.constant 0 : i32
    %select_n3A = arith.select %lt3A_0, %jit3A, %sub3A_1 : i32
    %c0_i32 = arith.constant 0 : i32
    %c0_i32_2 = arith.constant 0 : i32
    return %select_n3A, %c0_i32 : i32, i32
  }
  func.func @transform_16(%arg0: i32) -> (i32, i32) {
    %c0_i32 = arith.constant 0 : i32
    %c0_i32_0 = arith.constant 0 : i32
    %c0_i32_1 = arith.constant 0 : i32
    return %c0_i32, %c0_i32_0 : i32, i32
  }
}

module attributes {stable_mosaic.version = 14 : i64} {
  func.func @_layer_body(%arg0: i32, %arg1: memref<512x128xf32, #tpu.memory_space<vmem>>, %arg2: memref<2x512x128xf32, #tpu.memory_space<vmem>>, %arg3: memref<1x1x512xi32, #tpu.memory_space<vmem>>, %arg4: memref<128x256xf32, #tpu.memory_space<vmem>>, %arg5: memref<1x256xf32, #tpu.memory_space<vmem>>, %arg6: memref<256x128xf32, #tpu.memory_space<vmem>>, %arg7: memref<1x128xf32, #tpu.memory_space<vmem>>, %arg8: memref<1x128xf32, #tpu.memory_space<vmem>>, %arg9: memref<1x128xf32, #tpu.memory_space<vmem>>, %arg10: memref<1x1xf32, #tpu.memory_space<vmem>>, %arg11: memref<128x128xf32, #tpu.memory_space<vmem>>, %arg12: memref<128x256xf32, #tpu.memory_space<vmem>>, %arg13: memref<1x256xf32, #tpu.memory_space<vmem>>, %arg14: memref<256x128xf32, #tpu.memory_space<vmem>>, %arg15: memref<1x128xf32, #tpu.memory_space<vmem>>, %arg16: memref<512x128xf32, #tpu.memory_space<vmem>>, %arg17: memref<128x128xf32, #tpu.memory_space<vmem>>, %arg18: memref<10240x128xf32, #tpu.memory_space<vmem>>, %arg19: memref<128x128xf32, #tpu.memory_space<vmem>>, %arg20: memref<128x128xf32, #tpu.memory_space<vmem>>) attributes {dimension_semantics = [#tpu.dimension_semantics<arbitrary>], iteration_bounds = array<i64: 40>, scalar_prefetch = 0 : i64, scratch_operands = 3 : i64, tpu.core_type = #tpu.core_type<tc>, window_params = [{transform_indices = @transform_0, window_bounds = array<i64: 512, 128>}, {transform_indices = @transform_1, window_bounds = array<i64: 2, 512, 128>}, {transform_indices = @transform_2, window_bounds = array<i64: 1, 1, 512>}, {pipeline_mode = #tpu.pipeline_mode<synchronous>, transform_indices = @transform_3, window_bounds = array<i64: 128, 256>}, {pipeline_mode = #tpu.pipeline_mode<synchronous>, transform_indices = @transform_4, window_bounds = array<i64: 1, 256>}, {pipeline_mode = #tpu.pipeline_mode<synchronous>, transform_indices = @transform_5, window_bounds = array<i64: 256, 128>}, {pipeline_mode = #tpu.pipeline_mode<synchronous>, transform_indices = @transform_6, window_bounds = array<i64: 1, 128>}, {pipeline_mode = #tpu.pipeline_mode<synchronous>, transform_indices = @transform_7, window_bounds = array<i64: 1, 128>}, {pipeline_mode = #tpu.pipeline_mode<synchronous>, transform_indices = @transform_8, window_bounds = array<i64: 1, 128>}, {pipeline_mode = #tpu.pipeline_mode<synchronous>, transform_indices = @transform_9, window_bounds = array<i64: 1, 1>}, {pipeline_mode = #tpu.pipeline_mode<synchronous>, transform_indices = @transform_10, window_bounds = array<i64: 128, 128>}, {pipeline_mode = #tpu.pipeline_mode<synchronous>, transform_indices = @transform_11, window_bounds = array<i64: 128, 256>}, {pipeline_mode = #tpu.pipeline_mode<synchronous>, transform_indices = @transform_12, window_bounds = array<i64: 1, 256>}, {pipeline_mode = #tpu.pipeline_mode<synchronous>, transform_indices = @transform_13, window_bounds = array<i64: 256, 128>}, {pipeline_mode = #tpu.pipeline_mode<synchronous>, transform_indices = @transform_14, window_bounds = array<i64: 1, 128>}, {transform_indices = @transform_15, window_bounds = array<i64: 512, 128>}, {pipeline_mode = #tpu.pipeline_mode<synchronous>, transform_indices = @transform_16, window_bounds = array<i64: 128, 128>}]} {
    %lt3A = arith.constant 20 : i32
    %lt3A_0 = arith.cmpi slt, %arg0, %lt3A : i32
    %convert_element_type3A = arith.extui %lt3A_0 : i1 to i32
    %cond3A = arith.constant 0 : i32
    %cond3A_1 = arith.cmpi ne, %convert_element_type3A, %cond3A : i32
    scf.if %cond3A_1 {
      %get3A = arith.constant 0 : index
      %get3A_6 = arith.constant 0 : index
      %get3A_7 = vector.load %arg10[%get3A, %get3A_6] : memref<1x1xf32, #tpu.memory_space<vmem>>, vector<1x1xf32>
      %get3A_8 = vector.extract %get3A_7[0, 0] : f32 from vector<1x1xf32>
      %add3A = arith.constant 1.000000e+00 : f32
      %add3A_9 = arith.addf %add3A, %get3A_8 : f32
      %get3A_10 = arith.constant 0 : index
      %get3A_11 = arith.constant 0 : index
      %get3A_12 = vector.load %arg1[%get3A_10, %get3A_11] : memref<512x128xf32, #tpu.memory_space<vmem>>, vector<512x128xf32>
      %mul3A = vector.broadcast %add3A_9 : f32 to vector<512x128xf32>
      %mul3A_13 = arith.mulf %mul3A, %get3A_12 : vector<512x128xf32>
      %get3A_14 = arith.constant 0 : index
      %get3A_15 = arith.constant 0 : index
      %get3A_16 = arith.constant 0 : index
      %get3A_17 = vector.load %arg2[%get3A_14, %get3A_15, %get3A_16] : memref<2x512x128xf32, #tpu.memory_space<vmem>>, vector<1x512x128xf32>
      %get3A_18 = vector.shape_cast %get3A_17 : vector<1x512x128xf32> to vector<512x128xf32>
      %add3A_19 = arith.addf %mul3A_13, %get3A_18 : vector<512x128xf32>
      %get3A_20 = arith.constant 1 : index
      %get3A_21 = arith.constant 0 : index
      %get3A_22 = arith.constant 0 : index
      %get3A_23 = vector.load %arg2[%get3A_20, %get3A_21, %get3A_22] : memref<2x512x128xf32, #tpu.memory_space<vmem>>, vector<1x512x128xf32>
      %get3A_24 = vector.shape_cast %get3A_23 : vector<1x512x128xf32> to vector<512x128xf32>
      %add3A_25 = arith.addf %add3A_19, %get3A_24 : vector<512x128xf32>
      %convert_element_type3A_26 = arith.truncf %add3A_25 : vector<512x128xf32> to vector<512x128xbf16>
      %get3A_27 = arith.constant 0 : index
      %get3A_28 = arith.constant 0 : index
      %get3A_29 = vector.load %arg4[%get3A_27, %get3A_28] : memref<128x256xf32, #tpu.memory_space<vmem>>, vector<128x256xf32>
      %convert_element_type3A_30 = arith.truncf %get3A_29 : vector<128x256xf32> to vector<128x256xbf16>
      %dot_general3A = arith.constant dense<0.000000e+00> : vector<512x256xf32>
      %dot_general3A_31 = tpu.matmul %convert_element_type3A_26, %convert_element_type3A_30, %dot_general3A {dimension_numbers = #tpu.dot_dimension_numbers<[1], [0], [0], [1], [0, 0, 1, 1], [], []>, transpose_lhs_hint = false} : vector<512x128xbf16>, vector<128x256xbf16>, vector<512x256xf32> -> vector<512x256xf32>
      %get3A_32 = arith.constant 0 : index
      %get3A_33 = arith.constant 0 : index
      %get3A_34 = vector.load %arg5[%get3A_32, %get3A_33] : memref<1x256xf32, #tpu.memory_space<vmem>>, vector<1x256xf32>
      %add3A_35 = vector.broadcast %get3A_34 : vector<1x256xf32> to vector<512x256xf32>
      %add3A_36 = arith.addf %dot_general3A_31, %add3A_35 : vector<512x256xf32>
      %max3A = arith.constant 0.000000e+00 : f32
      %max3A_37 = vector.broadcast %max3A : f32 to vector<512x256xf32>
      %max3A_38 = arith.maximumf %add3A_36, %max3A_37 : vector<512x256xf32>
      %convert_element_type3A_39 = arith.truncf %max3A_38 : vector<512x256xf32> to vector<512x256xbf16>
      %get3A_40 = arith.constant 0 : index
      %get3A_41 = arith.constant 0 : index
      %get3A_42 = vector.load %arg6[%get3A_40, %get3A_41] : memref<256x128xf32, #tpu.memory_space<vmem>>, vector<256x128xf32>
      %convert_element_type3A_43 = arith.truncf %get3A_42 : vector<256x128xf32> to vector<256x128xbf16>
      %dot_general3A_44 = arith.constant dense<0.000000e+00> : vector<512x128xf32>
      %dot_general3A_45 = tpu.matmul %convert_element_type3A_39, %convert_element_type3A_43, %dot_general3A_44 {dimension_numbers = #tpu.dot_dimension_numbers<[1], [0], [0], [1], [0, 0, 1, 1], [], []>, transpose_lhs_hint = false} : vector<512x256xbf16>, vector<256x128xbf16>, vector<512x128xf32> -> vector<512x128xf32>
      %get3A_46 = arith.constant 0 : index
      %get3A_47 = arith.constant 0 : index
      %get3A_48 = vector.load %arg7[%get3A_46, %get3A_47] : memref<1x128xf32, #tpu.memory_space<vmem>>, vector<1x128xf32>
      %add3A_49 = vector.broadcast %get3A_48 : vector<1x128xf32> to vector<512x128xf32>
      %add3A_50 = arith.addf %dot_general3A_45, %add3A_49 : vector<512x128xf32>
      %get3A_51 = arith.constant 0 : index
      %get3A_52 = arith.constant 0 : index
      %get3A_53 = vector.load %arg8[%get3A_51, %get3A_52] : memref<1x128xf32, #tpu.memory_space<vmem>>, vector<1x128xf32>
      %mul3A_54 = vector.broadcast %get3A_53 : vector<1x128xf32> to vector<512x128xf32>
      %mul3A_55 = arith.mulf %mul3A_54, %add3A_50 : vector<512x128xf32>
      %get3A_56 = arith.constant 0 : index
      %get3A_57 = arith.constant 0 : index
      %get3A_58 = vector.load %arg9[%get3A_56, %get3A_57] : memref<1x128xf32, #tpu.memory_space<vmem>>, vector<1x128xf32>
      %add3A_59 = vector.broadcast %get3A_58 : vector<1x128xf32> to vector<512x128xf32>
      %add3A_60 = arith.addf %mul3A_55, %add3A_59 : vector<512x128xf32>
      %max3A_61 = arith.constant 0.000000e+00 : f32
      %max3A_62 = vector.broadcast %max3A_61 : f32 to vector<512x128xf32>
      %max3A_63 = arith.maximumf %add3A_60, %max3A_62 : vector<512x128xf32>
      %mul3A_64 = arith.constant 512 : i32
      %mul3A_65 = arith.muli %arg0, %mul3A_64 : i32
      %swap3A = arith.index_cast %mul3A_65 : i32 to index
      %swap3A_66 = arith.constant 0 : index
      %swap3A_67 = vector.load %arg18[%swap3A, %swap3A_66] : memref<10240x128xf32, #tpu.memory_space<vmem>>, vector<512x128xf32>
      tpu.vector_store %arg18[%swap3A, %swap3A_66], %max3A_63 {strides = array<i32>} : memref<10240x128xf32, #tpu.memory_space<vmem>>, vector<512x128xf32>,
      %get3A_68 = arith.constant 0 : index
      %get3A_69 = arith.constant 0 : index
      %get3A_70 = arith.constant 0 : index
      %get3A_71 = vector.load %arg3[%get3A_68, %get3A_69, %get3A_70] : memref<1x1x512xi32, #tpu.memory_space<vmem>>, vector<1x1x512xi32>
      %get3A_72 = vector.shape_cast %get3A_71 : vector<1x1x512xi32> to vector<512xi32>
      %broadcast_in_dim3A = vector.shape_cast %get3A_72 : vector<512xi32> to vector<512x1xi32>
      %iota3A = tpu.iota {dimensions = array<i32: 1>} : vector<512x128xi32>
      %eq3A = vector.broadcast %broadcast_in_dim3A : vector<512x1xi32> to vector<512x128xi32>
      %eq3A_73 = arith.cmpi eq, %eq3A, %iota3A : vector<512x128xi32>
      %convert_element_type3A_74 = arith.extui %eq3A_73 : vector<512x128xi1> to vector<512x128xi32>
      %convert_element_type3A_75 = arith.sitofp %convert_element_type3A_74 : vector<512x128xi32> to vector<512x128xf32>
      %dot_general3A_76 = arith.constant dense<0.000000e+00> : vector<128x128xf32>
      %dot_general3A_77 = tpu.matmul %convert_element_type3A_75, %max3A_63, %dot_general3A_76 {dimension_numbers = #tpu.dot_dimension_numbers<[0], [0], [1], [1], [0, 1, 1, 1], [], []>, transpose_lhs_hint = false} : vector<512x128xf32>, vector<512x128xf32>, vector<128x128xf32> -> vector<128x128xf32>
      %eq3A_78 = arith.constant 0 : i32
      %eq3A_79 = arith.cmpi eq, %arg0, %eq3A_78 : i32
      %convert_element_type3A_80 = arith.extui %eq3A_79 : i1 to i32
      %cond3A_81 = arith.constant 0 : i32
      %cond3A_82 = arith.cmpi ne, %convert_element_type3A_80, %cond3A_81 : i32
      scf.if %cond3A_82 {
        %broadcast_in_dim3A_95 = arith.constant 0.000000e+00 : f32
        %broadcast_in_dim3A_96 = vector.broadcast %broadcast_in_dim3A_95 : f32 to vector<128x128xf32>
        %swap3A_97 = arith.constant 0 : index
        %swap3A_98 = arith.constant 0 : index
        %swap3A_99 = vector.load %arg19[%swap3A_97, %swap3A_98] : memref<128x128xf32, #tpu.memory_space<vmem>>, vector<128x128xf32>
        tpu.vector_store %arg19[%swap3A_97, %swap3A_98], %broadcast_in_dim3A_96 {strides = array<i32>} : memref<128x128xf32, #tpu.memory_space<vmem>>, vector<128x128xf32>,
      } else {
      }
      %get3A_83 = arith.constant 0 : index
      %get3A_84 = arith.constant 0 : index
      %get3A_85 = vector.load %arg19[%get3A_83, %get3A_84] : memref<128x128xf32, #tpu.memory_space<vmem>>, vector<128x128xf32>
      %add3A_86 = arith.addf %get3A_85, %dot_general3A_77 : vector<128x128xf32>
      %swap3A_87 = arith.constant 0 : index
      %swap3A_88 = arith.constant 0 : index
      %swap3A_89 = vector.load %arg19[%swap3A_87, %swap3A_88] : memref<128x128xf32, #tpu.memory_space<vmem>>, vector<128x128xf32>
      tpu.vector_store %arg19[%swap3A_87, %swap3A_88], %add3A_86 {strides = array<i32>} : memref<128x128xf32, #tpu.memory_space<vmem>>, vector<128x128xf32>,
      %eq3A_90 = arith.constant 19 : i32
      %eq3A_91 = arith.cmpi eq, %arg0, %eq3A_90 : i32
      %convert_element_type3A_92 = arith.extui %eq3A_91 : i1 to i32
      %cond3A_93 = arith.constant 0 : i32
      %cond3A_94 = arith.cmpi ne, %convert_element_type3A_92, %cond3A_93 : i32
      scf.if %cond3A_94 {
        %get3A_95 = arith.constant 0 : index
        %get3A_96 = arith.constant 0 : index
        %get3A_97 = vector.load %arg19[%get3A_95, %get3A_96] : memref<128x128xf32, #tpu.memory_space<vmem>>, vector<128x128xf32>
        %get3A_98 = arith.constant 0 : index
        %get3A_99 = arith.constant 0 : index
        %get3A_100 = vector.load %arg11[%get3A_98, %get3A_99] : memref<128x128xf32, #tpu.memory_space<vmem>>, vector<128x128xf32>
        %add3A_101 = arith.addf %get3A_97, %get3A_100 : vector<128x128xf32>
        %get3A_102 = arith.constant 0 : index
        %get3A_103 = arith.constant 0 : index
        %get3A_104 = vector.load %arg12[%get3A_102, %get3A_103] : memref<128x256xf32, #tpu.memory_space<vmem>>, vector<128x256xf32>
        %dot_general3A_105 = arith.constant dense<0.000000e+00> : vector<128x256xf32>
        %dot_general3A_106 = tpu.matmul %add3A_101, %get3A_104, %dot_general3A_105 {dimension_numbers = #tpu.dot_dimension_numbers<[1], [0], [0], [1], [0, 0, 1, 1], [], []>, transpose_lhs_hint = false} : vector<128x128xf32>, vector<128x256xf32>, vector<128x256xf32> -> vector<128x256xf32>
        %get3A_107 = arith.constant 0 : index
        %get3A_108 = arith.constant 0 : index
        %get3A_109 = vector.load %arg13[%get3A_107, %get3A_108] : memref<1x256xf32, #tpu.memory_space<vmem>>, vector<1x256xf32>
        %add3A_110 = vector.broadcast %get3A_109 : vector<1x256xf32> to vector<128x256xf32>
        %add3A_111 = arith.addf %dot_general3A_106, %add3A_110 : vector<128x256xf32>
        %max3A_112 = arith.constant 0.000000e+00 : f32
        %max3A_113 = vector.broadcast %max3A_112 : f32 to vector<128x256xf32>
        %max3A_114 = arith.maximumf %add3A_111, %max3A_113 : vector<128x256xf32>
        %get3A_115 = arith.constant 0 : index
        %get3A_116 = arith.constant 0 : index
        %get3A_117 = vector.load %arg14[%get3A_115, %get3A_116] : memref<256x128xf32, #tpu.memory_space<vmem>>, vector<256x128xf32>
        %dot_general3A_118 = arith.constant dense<0.000000e+00> : vector<128x128xf32>
        %dot_general3A_119 = tpu.matmul %max3A_114, %get3A_117, %dot_general3A_118 {dimension_numbers = #tpu.dot_dimension_numbers<[1], [0], [0], [1], [0, 0, 1, 1], [], []>, transpose_lhs_hint = false} : vector<128x256xf32>, vector<256x128xf32>, vector<128x128xf32> -> vector<128x128xf32>
        %get3A_120 = arith.constant 0 : index
        %get3A_121 = arith.constant 0 : index
        %get3A_122 = vector.load %arg15[%get3A_120, %get3A_121] : memref<1x128xf32, #tpu.memory_space<vmem>>, vector<1x128xf32>
        %add3A_123 = vector.broadcast %get3A_122 : vector<1x128xf32> to vector<128x128xf32>
        %add3A_124 = arith.addf %dot_general3A_119, %add3A_123 : vector<128x128xf32>
        %max3A_125 = arith.constant 0.000000e+00 : f32
        %max3A_126 = vector.broadcast %max3A_125 : f32 to vector<128x128xf32>
        %max3A_127 = arith.maximumf %add3A_124, %max3A_126 : vector<128x128xf32>
        %swap3A_128 = arith.constant 0 : index
        %swap3A_129 = arith.constant 0 : index
        %swap3A_130 = vector.load %arg20[%swap3A_128, %swap3A_129] : memref<128x128xf32, #tpu.memory_space<vmem>>, vector<128x128xf32>
        tpu.vector_store %arg20[%swap3A_128, %swap3A_129], %max3A_127 {strides = array<i32>} : memref<128x128xf32, #tpu.memory_space<vmem>>, vector<128x128xf32>,
        %swap3A_131 = arith.constant 0 : index
        %swap3A_132 = arith.constant 0 : index
        %swap3A_133 = vector.load %arg17[%swap3A_131, %swap3A_132] : memref<128x128xf32, #tpu.memory_space<vmem>>, vector<128x128xf32>
        tpu.vector_store %arg17[%swap3A_131, %swap3A_132], %max3A_127 {strides = array<i32>} : memref<128x128xf32, #tpu.memory_space<vmem>>, vector<128x128xf32>,
      } else {
      }
    } else {
    }
    %ge3A = arith.constant 20 : i32
    %ge3A_2 = arith.cmpi sge, %arg0, %ge3A : i32
    %convert_element_type3A_3 = arith.extui %ge3A_2 : i1 to i32
    %cond3A_4 = arith.constant 0 : i32
    %cond3A_5 = arith.cmpi ne, %convert_element_type3A_3, %cond3A_4 : i32
    scf.if %cond3A_5 {
      %get3A = arith.constant 0 : index
      %get3A_6 = arith.constant 0 : index
      %get3A_7 = arith.constant 0 : index
      %get3A_8 = vector.load %arg3[%get3A, %get3A_6, %get3A_7] : memref<1x1x512xi32, #tpu.memory_space<vmem>>, vector<1x1x512xi32>
      %get3A_9 = vector.shape_cast %get3A_8 : vector<1x1x512xi32> to vector<512xi32>
      %broadcast_in_dim3A = vector.shape_cast %get3A_9 : vector<512xi32> to vector<512x1xi32>
      %iota3A = tpu.iota {dimensions = array<i32: 1>} : vector<512x128xi32>
      %eq3A = vector.broadcast %broadcast_in_dim3A : vector<512x1xi32> to vector<512x128xi32>
      %eq3A_10 = arith.cmpi eq, %eq3A, %iota3A : vector<512x128xi32>
      %convert_element_type3A_11 = arith.extui %eq3A_10 : vector<512x128xi1> to vector<512x128xi32>
      %convert_element_type3A_12 = arith.sitofp %convert_element_type3A_11 : vector<512x128xi32> to vector<512x128xf32>
      %sub3A = arith.constant 20 : i32
      %sub3A_13 = arith.subi %arg0, %sub3A : i32
      %mul3A = arith.constant 512 : i32
      %mul3A_14 = arith.muli %sub3A_13, %mul3A : i32
      %get3A_15 = arith.index_cast %mul3A_14 : i32 to index
      %get3A_16 = arith.constant 0 : index
      %get3A_17 = vector.load %arg18[%get3A_15, %get3A_16] : memref<10240x128xf32, #tpu.memory_space<vmem>>, vector<512x128xf32>
      %get3A_18 = arith.constant 0 : index
      %get3A_19 = arith.constant 0 : index
      %get3A_20 = vector.load %arg20[%get3A_18, %get3A_19] : memref<128x128xf32, #tpu.memory_space<vmem>>, vector<128x128xf32>
      %dot_general3A = arith.constant dense<0.000000e+00> : vector<512x128xf32>
      %dot_general3A_21 = tpu.matmul %convert_element_type3A_12, %get3A_20, %dot_general3A {dimension_numbers = #tpu.dot_dimension_numbers<[1], [0], [0], [1], [0, 0, 1, 1], [], []>, transpose_lhs_hint = false} : vector<512x128xf32>, vector<128x128xf32>, vector<512x128xf32> -> vector<512x128xf32>
      %add3A = arith.addf %get3A_17, %dot_general3A_21 : vector<512x128xf32>
      %swap3A = arith.constant 0 : index
      %swap3A_22 = arith.constant 0 : index
      %swap3A_23 = vector.load %arg16[%swap3A, %swap3A_22] : memref<512x128xf32, #tpu.memory_space<vmem>>, vector<512x128xf32>
      tpu.vector_store %arg16[%swap3A, %swap3A_22], %add3A {strides = array<i32>} : memref<512x128xf32, #tpu.memory_space<vmem>>, vector<512x128xf32>,
    } else {
    }
    return
  }
  func.func @transform_0(%arg0: i32) -> (i32, i32) {
    %min3A = arith.constant 19 : i32
    %min3A_0 = arith.minsi %arg0, %min3A : i32
    %c0_i32 = arith.constant 0 : i32
    %c0_i32_1 = arith.constant 0 : i32
    return %min3A_0, %c0_i32 : i32, i32
  }
  func.func @transform_1(%arg0: i32) -> (i32, i32, i32) {
    %min3A = arith.constant 19 : i32
    %min3A_0 = arith.minsi %arg0, %min3A : i32
    %c0_i32 = arith.constant 0 : i32
    %c0_i32_1 = arith.constant 0 : i32
    %c0_i32_2 = arith.constant 0 : i32
    return %c0_i32, %min3A_0, %c0_i32_1 : i32, i32, i32
  }
  func.func @transform_2(%arg0: i32) -> (i32, i32, i32) {
    %lt3A = arith.constant 20 : i32
    %lt3A_0 = arith.cmpi slt, %arg0, %lt3A : i32
    %sub3A = arith.constant 20 : i32
    %sub3A_1 = arith.subi %arg0, %sub3A : i32
    %select_n3A = arith.select %lt3A_0, %arg0, %sub3A_1 : i32
    %c0_i32 = arith.constant 0 : i32
    %c0_i32_2 = arith.constant 0 : i32
    %c0_i32_3 = arith.constant 0 : i32
    return %select_n3A, %c0_i32, %c0_i32_2 : i32, i32, i32
  }
  func.func @transform_3(%arg0: i32) -> (i32, i32) {
    %c0_i32 = arith.constant 0 : i32
    %c0_i32_0 = arith.constant 0 : i32
    %c0_i32_1 = arith.constant 0 : i32
    return %c0_i32, %c0_i32_0 : i32, i32
  }
  func.func @transform_4(%arg0: i32) -> (i32, i32) {
    %c0_i32 = arith.constant 0 : i32
    %c0_i32_0 = arith.constant 0 : i32
    %c0_i32_1 = arith.constant 0 : i32
    return %c0_i32, %c0_i32_0 : i32, i32
  }
  func.func @transform_5(%arg0: i32) -> (i32, i32) {
    %c0_i32 = arith.constant 0 : i32
    %c0_i32_0 = arith.constant 0 : i32
    %c0_i32_1 = arith.constant 0 : i32
    return %c0_i32, %c0_i32_0 : i32, i32
  }
  func.func @transform_6(%arg0: i32) -> (i32, i32) {
    %c0_i32 = arith.constant 0 : i32
    %c0_i32_0 = arith.constant 0 : i32
    %c0_i32_1 = arith.constant 0 : i32
    return %c0_i32, %c0_i32_0 : i32, i32
  }
  func.func @transform_7(%arg0: i32) -> (i32, i32) {
    %c0_i32 = arith.constant 0 : i32
    %c0_i32_0 = arith.constant 0 : i32
    %c0_i32_1 = arith.constant 0 : i32
    return %c0_i32, %c0_i32_0 : i32, i32
  }
  func.func @transform_8(%arg0: i32) -> (i32, i32) {
    %c0_i32 = arith.constant 0 : i32
    %c0_i32_0 = arith.constant 0 : i32
    %c0_i32_1 = arith.constant 0 : i32
    return %c0_i32, %c0_i32_0 : i32, i32
  }
  func.func @transform_9(%arg0: i32) -> (i32, i32) {
    %c0_i32 = arith.constant 0 : i32
    %c0_i32_0 = arith.constant 0 : i32
    %c0_i32_1 = arith.constant 0 : i32
    return %c0_i32, %c0_i32_0 : i32, i32
  }
  func.func @transform_10(%arg0: i32) -> (i32, i32) {
    %c0_i32 = arith.constant 0 : i32
    %c0_i32_0 = arith.constant 0 : i32
    %c0_i32_1 = arith.constant 0 : i32
    return %c0_i32, %c0_i32_0 : i32, i32
  }
  func.func @transform_11(%arg0: i32) -> (i32, i32) {
    %c0_i32 = arith.constant 0 : i32
    %c0_i32_0 = arith.constant 0 : i32
    %c0_i32_1 = arith.constant 0 : i32
    return %c0_i32, %c0_i32_0 : i32, i32
  }
  func.func @transform_12(%arg0: i32) -> (i32, i32) {
    %c0_i32 = arith.constant 0 : i32
    %c0_i32_0 = arith.constant 0 : i32
    %c0_i32_1 = arith.constant 0 : i32
    return %c0_i32, %c0_i32_0 : i32, i32
  }
  func.func @transform_13(%arg0: i32) -> (i32, i32) {
    %c0_i32 = arith.constant 0 : i32
    %c0_i32_0 = arith.constant 0 : i32
    %c0_i32_1 = arith.constant 0 : i32
    return %c0_i32, %c0_i32_0 : i32, i32
  }
  func.func @transform_14(%arg0: i32) -> (i32, i32) {
    %c0_i32 = arith.constant 0 : i32
    %c0_i32_0 = arith.constant 0 : i32
    %c0_i32_1 = arith.constant 0 : i32
    return %c0_i32, %c0_i32_0 : i32, i32
  }
  func.func @transform_15(%arg0: i32) -> (i32, i32) {
    %lt3A = arith.constant 20 : i32
    %lt3A_0 = arith.cmpi slt, %arg0, %lt3A : i32
    %sub3A = arith.constant 20 : i32
    %sub3A_1 = arith.subi %arg0, %sub3A : i32
    %jit3A = arith.constant 0 : i32
    %select_n3A = arith.select %lt3A_0, %jit3A, %sub3A_1 : i32
    %c0_i32 = arith.constant 0 : i32
    %c0_i32_2 = arith.constant 0 : i32
    return %select_n3A, %c0_i32 : i32, i32
  }
  func.func @transform_16(%arg0: i32) -> (i32, i32) {
    %c0_i32 = arith.constant 0 : i32
    %c0_i32_0 = arith.constant 0 : i32
    %c0_i32_1 = arith.constant 0 : i32
    return %c0_i32, %c0_i32_0 : i32, i32
  }
}

module attributes {stable_mosaic.version = 14 : i64} {
  func.func @_layer_body(%arg0: i32, %arg1: memref<512x128xf32, #tpu.memory_space<vmem>>, %arg2: memref<2x512x128xf32, #tpu.memory_space<vmem>>, %arg3: memref<1x1x512xi32, #tpu.memory_space<vmem>>, %arg4: memref<128x256xf32, #tpu.memory_space<vmem>>, %arg5: memref<1x256xf32, #tpu.memory_space<vmem>>, %arg6: memref<256x128xf32, #tpu.memory_space<vmem>>, %arg7: memref<1x128xf32, #tpu.memory_space<vmem>>, %arg8: memref<1x128xf32, #tpu.memory_space<vmem>>, %arg9: memref<1x128xf32, #tpu.memory_space<vmem>>, %arg10: memref<1x1xf32, #tpu.memory_space<vmem>>, %arg11: memref<128x128xf32, #tpu.memory_space<vmem>>, %arg12: memref<128x256xf32, #tpu.memory_space<vmem>>, %arg13: memref<1x256xf32, #tpu.memory_space<vmem>>, %arg14: memref<256x128xf32, #tpu.memory_space<vmem>>, %arg15: memref<1x128xf32, #tpu.memory_space<vmem>>, %arg16: memref<512x128xf32, #tpu.memory_space<vmem>>, %arg17: memref<128x128xf32, #tpu.memory_space<vmem>>, %arg18: memref<10240x128xf32, #tpu.memory_space<vmem>>, %arg19: memref<128x128xf32, #tpu.memory_space<vmem>>, %arg20: memref<128x128xf32, #tpu.memory_space<vmem>>) attributes {dimension_semantics = [#tpu.dimension_semantics<arbitrary>], iteration_bounds = array<i64: 40>, scalar_prefetch = 0 : i64, scratch_operands = 3 : i64, tpu.core_type = #tpu.core_type<tc>, window_params = [{transform_indices = @transform_0, window_bounds = array<i64: 512, 128>}, {transform_indices = @transform_1, window_bounds = array<i64: 2, 512, 128>}, {transform_indices = @transform_2, window_bounds = array<i64: 1, 1, 512>}, {pipeline_mode = #tpu.pipeline_mode<synchronous>, transform_indices = @transform_3, window_bounds = array<i64: 128, 256>}, {pipeline_mode = #tpu.pipeline_mode<synchronous>, transform_indices = @transform_4, window_bounds = array<i64: 1, 256>}, {pipeline_mode = #tpu.pipeline_mode<synchronous>, transform_indices = @transform_5, window_bounds = array<i64: 256, 128>}, {pipeline_mode = #tpu.pipeline_mode<synchronous>, transform_indices = @transform_6, window_bounds = array<i64: 1, 128>}, {pipeline_mode = #tpu.pipeline_mode<synchronous>, transform_indices = @transform_7, window_bounds = array<i64: 1, 128>}, {pipeline_mode = #tpu.pipeline_mode<synchronous>, transform_indices = @transform_8, window_bounds = array<i64: 1, 128>}, {pipeline_mode = #tpu.pipeline_mode<synchronous>, transform_indices = @transform_9, window_bounds = array<i64: 1, 1>}, {pipeline_mode = #tpu.pipeline_mode<synchronous>, transform_indices = @transform_10, window_bounds = array<i64: 128, 128>}, {pipeline_mode = #tpu.pipeline_mode<synchronous>, transform_indices = @transform_11, window_bounds = array<i64: 128, 256>}, {pipeline_mode = #tpu.pipeline_mode<synchronous>, transform_indices = @transform_12, window_bounds = array<i64: 1, 256>}, {pipeline_mode = #tpu.pipeline_mode<synchronous>, transform_indices = @transform_13, window_bounds = array<i64: 256, 128>}, {pipeline_mode = #tpu.pipeline_mode<synchronous>, transform_indices = @transform_14, window_bounds = array<i64: 1, 128>}, {transform_indices = @transform_15, window_bounds = array<i64: 512, 128>}, {pipeline_mode = #tpu.pipeline_mode<synchronous>, transform_indices = @transform_16, window_bounds = array<i64: 128, 128>}]} {
    %lt3A = arith.constant 20 : i32
    %lt3A_0 = arith.cmpi slt, %arg0, %lt3A : i32
    %convert_element_type3A = arith.extui %lt3A_0 : i1 to i32
    %cond3A = arith.constant 0 : i32
    %cond3A_1 = arith.cmpi ne, %convert_element_type3A, %cond3A : i32
    scf.if %cond3A_1 {
      %get3A = arith.constant 0 : index
      %get3A_6 = arith.constant 0 : index
      %get3A_7 = vector.load %arg10[%get3A, %get3A_6] : memref<1x1xf32, #tpu.memory_space<vmem>>, vector<1x1xf32>
      %get3A_8 = vector.extract %get3A_7[0, 0] : f32 from vector<1x1xf32>
      %add3A = arith.constant 1.000000e+00 : f32
      %add3A_9 = arith.addf %add3A, %get3A_8 : f32
      %get3A_10 = arith.constant 0 : index
      %get3A_11 = arith.constant 0 : index
      %get3A_12 = vector.load %arg1[%get3A_10, %get3A_11] : memref<512x128xf32, #tpu.memory_space<vmem>>, vector<512x128xf32>
      %mul3A = vector.broadcast %add3A_9 : f32 to vector<512x128xf32>
      %mul3A_13 = arith.mulf %mul3A, %get3A_12 : vector<512x128xf32>
      %get3A_14 = arith.constant 0 : index
      %get3A_15 = arith.constant 0 : index
      %get3A_16 = arith.constant 0 : index
      %get3A_17 = vector.load %arg2[%get3A_14, %get3A_15, %get3A_16] : memref<2x512x128xf32, #tpu.memory_space<vmem>>, vector<1x512x128xf32>
      %get3A_18 = vector.shape_cast %get3A_17 : vector<1x512x128xf32> to vector<512x128xf32>
      %add3A_19 = arith.addf %mul3A_13, %get3A_18 : vector<512x128xf32>
      %get3A_20 = arith.constant 1 : index
      %get3A_21 = arith.constant 0 : index
      %get3A_22 = arith.constant 0 : index
      %get3A_23 = vector.load %arg2[%get3A_20, %get3A_21, %get3A_22] : memref<2x512x128xf32, #tpu.memory_space<vmem>>, vector<1x512x128xf32>
      %get3A_24 = vector.shape_cast %get3A_23 : vector<1x512x128xf32> to vector<512x128xf32>
      %add3A_25 = arith.addf %add3A_19, %get3A_24 : vector<512x128xf32>
      %convert_element_type3A_26 = arith.truncf %add3A_25 : vector<512x128xf32> to vector<512x128xbf16>
      %get3A_27 = arith.constant 0 : index
      %get3A_28 = arith.constant 0 : index
      %get3A_29 = vector.load %arg4[%get3A_27, %get3A_28] : memref<128x256xf32, #tpu.memory_space<vmem>>, vector<128x256xf32>
      %convert_element_type3A_30 = arith.truncf %get3A_29 : vector<128x256xf32> to vector<128x256xbf16>
      %dot_general3A = arith.constant dense<0.000000e+00> : vector<512x256xf32>
      %dot_general3A_31 = tpu.matmul %convert_element_type3A_26, %convert_element_type3A_30, %dot_general3A {dimension_numbers = #tpu.dot_dimension_numbers<[1], [0], [0], [1], [0, 0, 1, 1], [], []>, transpose_lhs_hint = false} : vector<512x128xbf16>, vector<128x256xbf16>, vector<512x256xf32> -> vector<512x256xf32>
      %get3A_32 = arith.constant 0 : index
      %get3A_33 = arith.constant 0 : index
      %get3A_34 = vector.load %arg5[%get3A_32, %get3A_33] : memref<1x256xf32, #tpu.memory_space<vmem>>, vector<1x256xf32>
      %add3A_35 = vector.broadcast %get3A_34 : vector<1x256xf32> to vector<512x256xf32>
      %add3A_36 = arith.addf %dot_general3A_31, %add3A_35 : vector<512x256xf32>
      %max3A = arith.constant 0.000000e+00 : f32
      %max3A_37 = vector.broadcast %max3A : f32 to vector<512x256xf32>
      %max3A_38 = arith.maximumf %add3A_36, %max3A_37 : vector<512x256xf32>
      %convert_element_type3A_39 = arith.truncf %max3A_38 : vector<512x256xf32> to vector<512x256xbf16>
      %get3A_40 = arith.constant 0 : index
      %get3A_41 = arith.constant 0 : index
      %get3A_42 = vector.load %arg6[%get3A_40, %get3A_41] : memref<256x128xf32, #tpu.memory_space<vmem>>, vector<256x128xf32>
      %convert_element_type3A_43 = arith.truncf %get3A_42 : vector<256x128xf32> to vector<256x128xbf16>
      %dot_general3A_44 = arith.constant dense<0.000000e+00> : vector<512x128xf32>
      %dot_general3A_45 = tpu.matmul %convert_element_type3A_39, %convert_element_type3A_43, %dot_general3A_44 {dimension_numbers = #tpu.dot_dimension_numbers<[1], [0], [0], [1], [0, 0, 1, 1], [], []>, transpose_lhs_hint = false} : vector<512x256xbf16>, vector<256x128xbf16>, vector<512x128xf32> -> vector<512x128xf32>
      %get3A_46 = arith.constant 0 : index
      %get3A_47 = arith.constant 0 : index
      %get3A_48 = vector.load %arg7[%get3A_46, %get3A_47] : memref<1x128xf32, #tpu.memory_space<vmem>>, vector<1x128xf32>
      %add3A_49 = vector.broadcast %get3A_48 : vector<1x128xf32> to vector<512x128xf32>
      %add3A_50 = arith.addf %dot_general3A_45, %add3A_49 : vector<512x128xf32>
      %get3A_51 = arith.constant 0 : index
      %get3A_52 = arith.constant 0 : index
      %get3A_53 = vector.load %arg8[%get3A_51, %get3A_52] : memref<1x128xf32, #tpu.memory_space<vmem>>, vector<1x128xf32>
      %mul3A_54 = vector.broadcast %get3A_53 : vector<1x128xf32> to vector<512x128xf32>
      %mul3A_55 = arith.mulf %mul3A_54, %add3A_50 : vector<512x128xf32>
      %get3A_56 = arith.constant 0 : index
      %get3A_57 = arith.constant 0 : index
      %get3A_58 = vector.load %arg9[%get3A_56, %get3A_57] : memref<1x128xf32, #tpu.memory_space<vmem>>, vector<1x128xf32>
      %add3A_59 = vector.broadcast %get3A_58 : vector<1x128xf32> to vector<512x128xf32>
      %add3A_60 = arith.addf %mul3A_55, %add3A_59 : vector<512x128xf32>
      %max3A_61 = arith.constant 0.000000e+00 : f32
      %max3A_62 = vector.broadcast %max3A_61 : f32 to vector<512x128xf32>
      %max3A_63 = arith.maximumf %add3A_60, %max3A_62 : vector<512x128xf32>
      %mul3A_64 = arith.constant 512 : i32
      %mul3A_65 = arith.muli %arg0, %mul3A_64 : i32
      %swap3A = arith.index_cast %mul3A_65 : i32 to index
      %swap3A_66 = arith.constant 0 : index
      %swap3A_67 = vector.load %arg18[%swap3A, %swap3A_66] : memref<10240x128xf32, #tpu.memory_space<vmem>>, vector<512x128xf32>
      tpu.vector_store %arg18[%swap3A, %swap3A_66], %max3A_63 {strides = array<i32>} : memref<10240x128xf32, #tpu.memory_space<vmem>>, vector<512x128xf32>,
      %get3A_68 = arith.constant 0 : index
      %get3A_69 = arith.constant 0 : index
      %get3A_70 = arith.constant 0 : index
      %get3A_71 = vector.load %arg3[%get3A_68, %get3A_69, %get3A_70] : memref<1x1x512xi32, #tpu.memory_space<vmem>>, vector<1x1x512xi32>
      %get3A_72 = vector.shape_cast %get3A_71 : vector<1x1x512xi32> to vector<512xi32>
      %broadcast_in_dim3A = vector.shape_cast %get3A_72 : vector<512xi32> to vector<512x1xi32>
      %iota3A = tpu.iota {dimensions = array<i32: 1>} : vector<512x128xi32>
      %eq3A = vector.broadcast %broadcast_in_dim3A : vector<512x1xi32> to vector<512x128xi32>
      %eq3A_73 = arith.cmpi eq, %eq3A, %iota3A : vector<512x128xi32>
      %convert_element_type3A_74 = arith.extui %eq3A_73 : vector<512x128xi1> to vector<512x128xi32>
      %convert_element_type3A_75 = arith.sitofp %convert_element_type3A_74 : vector<512x128xi32> to vector<512x128xf32>
      %dot_general3A_76 = arith.constant dense<0.000000e+00> : vector<128x128xf32>
      %dot_general3A_77 = tpu.matmul %convert_element_type3A_75, %max3A_63, %dot_general3A_76 {dimension_numbers = #tpu.dot_dimension_numbers<[0], [0], [1], [1], [0, 1, 1, 1], [], []>, transpose_lhs_hint = false} : vector<512x128xf32>, vector<512x128xf32>, vector<128x128xf32> -> vector<128x128xf32>
      %eq3A_78 = arith.constant 0 : i32
      %eq3A_79 = arith.cmpi eq, %arg0, %eq3A_78 : i32
      %convert_element_type3A_80 = arith.extui %eq3A_79 : i1 to i32
      %cond3A_81 = arith.constant 0 : i32
      %cond3A_82 = arith.cmpi ne, %convert_element_type3A_80, %cond3A_81 : i32
      scf.if %cond3A_82 {
        %broadcast_in_dim3A_95 = arith.constant 0.000000e+00 : f32
        %broadcast_in_dim3A_96 = vector.broadcast %broadcast_in_dim3A_95 : f32 to vector<128x128xf32>
        %swap3A_97 = arith.constant 0 : index
        %swap3A_98 = arith.constant 0 : index
        %swap3A_99 = vector.load %arg19[%swap3A_97, %swap3A_98] : memref<128x128xf32, #tpu.memory_space<vmem>>, vector<128x128xf32>
        tpu.vector_store %arg19[%swap3A_97, %swap3A_98], %broadcast_in_dim3A_96 {strides = array<i32>} : memref<128x128xf32, #tpu.memory_space<vmem>>, vector<128x128xf32>,
      } else {
      }
      %get3A_83 = arith.constant 0 : index
      %get3A_84 = arith.constant 0 : index
      %get3A_85 = vector.load %arg19[%get3A_83, %get3A_84] : memref<128x128xf32, #tpu.memory_space<vmem>>, vector<128x128xf32>
      %add3A_86 = arith.addf %get3A_85, %dot_general3A_77 : vector<128x128xf32>
      %swap3A_87 = arith.constant 0 : index
      %swap3A_88 = arith.constant 0 : index
      %swap3A_89 = vector.load %arg19[%swap3A_87, %swap3A_88] : memref<128x128xf32, #tpu.memory_space<vmem>>, vector<128x128xf32>
      tpu.vector_store %arg19[%swap3A_87, %swap3A_88], %add3A_86 {strides = array<i32>} : memref<128x128xf32, #tpu.memory_space<vmem>>, vector<128x128xf32>,
      %eq3A_90 = arith.constant 19 : i32
      %eq3A_91 = arith.cmpi eq, %arg0, %eq3A_90 : i32
      %convert_element_type3A_92 = arith.extui %eq3A_91 : i1 to i32
      %cond3A_93 = arith.constant 0 : i32
      %cond3A_94 = arith.cmpi ne, %convert_element_type3A_92, %cond3A_93 : i32
      scf.if %cond3A_94 {
        %get3A_95 = arith.constant 0 : index
        %get3A_96 = arith.constant 0 : index
        %get3A_97 = vector.load %arg19[%get3A_95, %get3A_96] : memref<128x128xf32, #tpu.memory_space<vmem>>, vector<128x128xf32>
        %get3A_98 = arith.constant 0 : index
        %get3A_99 = arith.constant 0 : index
        %get3A_100 = vector.load %arg11[%get3A_98, %get3A_99] : memref<128x128xf32, #tpu.memory_space<vmem>>, vector<128x128xf32>
        %add3A_101 = arith.addf %get3A_97, %get3A_100 : vector<128x128xf32>
        %get3A_102 = arith.constant 0 : index
        %get3A_103 = arith.constant 0 : index
        %get3A_104 = vector.load %arg12[%get3A_102, %get3A_103] : memref<128x256xf32, #tpu.memory_space<vmem>>, vector<128x256xf32>
        %dot_general3A_105 = arith.constant dense<0.000000e+00> : vector<128x256xf32>
        %dot_general3A_106 = tpu.matmul %add3A_101, %get3A_104, %dot_general3A_105 {dimension_numbers = #tpu.dot_dimension_numbers<[1], [0], [0], [1], [0, 0, 1, 1], [], []>, transpose_lhs_hint = false} : vector<128x128xf32>, vector<128x256xf32>, vector<128x256xf32> -> vector<128x256xf32>
        %get3A_107 = arith.constant 0 : index
        %get3A_108 = arith.constant 0 : index
        %get3A_109 = vector.load %arg13[%get3A_107, %get3A_108] : memref<1x256xf32, #tpu.memory_space<vmem>>, vector<1x256xf32>
        %add3A_110 = vector.broadcast %get3A_109 : vector<1x256xf32> to vector<128x256xf32>
        %add3A_111 = arith.addf %dot_general3A_106, %add3A_110 : vector<128x256xf32>
        %max3A_112 = arith.constant 0.000000e+00 : f32
        %max3A_113 = vector.broadcast %max3A_112 : f32 to vector<128x256xf32>
        %max3A_114 = arith.maximumf %add3A_111, %max3A_113 : vector<128x256xf32>
        %get3A_115 = arith.constant 0 : index
        %get3A_116 = arith.constant 0 : index
        %get3A_117 = vector.load %arg14[%get3A_115, %get3A_116] : memref<256x128xf32, #tpu.memory_space<vmem>>, vector<256x128xf32>
        %dot_general3A_118 = arith.constant dense<0.000000e+00> : vector<128x128xf32>
        %dot_general3A_119 = tpu.matmul %max3A_114, %get3A_117, %dot_general3A_118 {dimension_numbers = #tpu.dot_dimension_numbers<[1], [0], [0], [1], [0, 0, 1, 1], [], []>, transpose_lhs_hint = false} : vector<128x256xf32>, vector<256x128xf32>, vector<128x128xf32> -> vector<128x128xf32>
        %get3A_120 = arith.constant 0 : index
        %get3A_121 = arith.constant 0 : index
        %get3A_122 = vector.load %arg15[%get3A_120, %get3A_121] : memref<1x128xf32, #tpu.memory_space<vmem>>, vector<1x128xf32>
        %add3A_123 = vector.broadcast %get3A_122 : vector<1x128xf32> to vector<128x128xf32>
        %add3A_124 = arith.addf %dot_general3A_119, %add3A_123 : vector<128x128xf32>
        %max3A_125 = arith.constant 0.000000e+00 : f32
        %max3A_126 = vector.broadcast %max3A_125 : f32 to vector<128x128xf32>
        %max3A_127 = arith.maximumf %add3A_124, %max3A_126 : vector<128x128xf32>
        %swap3A_128 = arith.constant 0 : index
        %swap3A_129 = arith.constant 0 : index
        %swap3A_130 = vector.load %arg20[%swap3A_128, %swap3A_129] : memref<128x128xf32, #tpu.memory_space<vmem>>, vector<128x128xf32>
        tpu.vector_store %arg20[%swap3A_128, %swap3A_129], %max3A_127 {strides = array<i32>} : memref<128x128xf32, #tpu.memory_space<vmem>>, vector<128x128xf32>,
        %swap3A_131 = arith.constant 0 : index
        %swap3A_132 = arith.constant 0 : index
        %swap3A_133 = vector.load %arg17[%swap3A_131, %swap3A_132] : memref<128x128xf32, #tpu.memory_space<vmem>>, vector<128x128xf32>
        tpu.vector_store %arg17[%swap3A_131, %swap3A_132], %max3A_127 {strides = array<i32>} : memref<128x128xf32, #tpu.memory_space<vmem>>, vector<128x128xf32>,
      } else {
      }
    } else {
    }
    %ge3A = arith.constant 20 : i32
    %ge3A_2 = arith.cmpi sge, %arg0, %ge3A : i32
    %convert_element_type3A_3 = arith.extui %ge3A_2 : i1 to i32
    %cond3A_4 = arith.constant 0 : i32
    %cond3A_5 = arith.cmpi ne, %convert_element_type3A_3, %cond3A_4 : i32
    scf.if %cond3A_5 {
      %get3A = arith.constant 0 : index
      %get3A_6 = arith.constant 0 : index
      %get3A_7 = arith.constant 0 : index
      %get3A_8 = vector.load %arg3[%get3A, %get3A_6, %get3A_7] : memref<1x1x512xi32, #tpu.memory_space<vmem>>, vector<1x1x512xi32>
      %get3A_9 = vector.shape_cast %get3A_8 : vector<1x1x512xi32> to vector<512xi32>
      %broadcast_in_dim3A = vector.shape_cast %get3A_9 : vector<512xi32> to vector<512x1xi32>
      %iota3A = tpu.iota {dimensions = array<i32: 1>} : vector<512x128xi32>
      %eq3A = vector.broadcast %broadcast_in_dim3A : vector<512x1xi32> to vector<512x128xi32>
      %eq3A_10 = arith.cmpi eq, %eq3A, %iota3A : vector<512x128xi32>
      %convert_element_type3A_11 = arith.extui %eq3A_10 : vector<512x128xi1> to vector<512x128xi32>
      %convert_element_type3A_12 = arith.sitofp %convert_element_type3A_11 : vector<512x128xi32> to vector<512x128xf32>
      %sub3A = arith.constant 20 : i32
      %sub3A_13 = arith.subi %arg0, %sub3A : i32
      %mul3A = arith.constant 512 : i32
      %mul3A_14 = arith.muli %sub3A_13, %mul3A : i32
      %get3A_15 = arith.index_cast %mul3A_14 : i32 to index
      %get3A_16 = arith.constant 0 : index
      %get3A_17 = vector.load %arg18[%get3A_15, %get3A_16] : memref<10240x128xf32, #tpu.memory_space<vmem>>, vector<512x128xf32>
      %get3A_18 = arith.constant 0 : index
      %get3A_19 = arith.constant 0 : index
      %get3A_20 = vector.load %arg20[%get3A_18, %get3A_19] : memref<128x128xf32, #tpu.memory_space<vmem>>, vector<128x128xf32>
      %dot_general3A = arith.constant dense<0.000000e+00> : vector<512x128xf32>
      %dot_general3A_21 = tpu.matmul %convert_element_type3A_12, %get3A_20, %dot_general3A {dimension_numbers = #tpu.dot_dimension_numbers<[1], [0], [0], [1], [0, 0, 1, 1], [], []>, transpose_lhs_hint = false} : vector<512x128xf32>, vector<128x128xf32>, vector<512x128xf32> -> vector<512x128xf32>
      %add3A = arith.addf %get3A_17, %dot_general3A_21 : vector<512x128xf32>
      %swap3A = arith.constant 0 : index
      %swap3A_22 = arith.constant 0 : index
      %swap3A_23 = vector.load %arg16[%swap3A, %swap3A_22] : memref<512x128xf32, #tpu.memory_space<vmem>>, vector<512x128xf32>
      tpu.vector_store %arg16[%swap3A, %swap3A_22], %add3A {strides = array<i32>} : memref<512x128xf32, #tpu.memory_space<vmem>>, vector<512x128xf32>,
    } else {
    }
    return
  }
  func.func @transform_0(%arg0: i32) -> (i32, i32) {
    %min3A = arith.constant 19 : i32
    %min3A_0 = arith.minsi %arg0, %min3A : i32
    %c0_i32 = arith.constant 0 : i32
    %c0_i32_1 = arith.constant 0 : i32
    return %min3A_0, %c0_i32 : i32, i32
  }
  func.func @transform_1(%arg0: i32) -> (i32, i32, i32) {
    %min3A = arith.constant 19 : i32
    %min3A_0 = arith.minsi %arg0, %min3A : i32
    %c0_i32 = arith.constant 0 : i32
    %c0_i32_1 = arith.constant 0 : i32
    %c0_i32_2 = arith.constant 0 : i32
    return %c0_i32, %min3A_0, %c0_i32_1 : i32, i32, i32
  }
  func.func @transform_2(%arg0: i32) -> (i32, i32, i32) {
    %lt3A = arith.constant 20 : i32
    %lt3A_0 = arith.cmpi slt, %arg0, %lt3A : i32
    %sub3A = arith.constant 20 : i32
    %sub3A_1 = arith.subi %arg0, %sub3A : i32
    %select_n3A = arith.select %lt3A_0, %arg0, %sub3A_1 : i32
    %c0_i32 = arith.constant 0 : i32
    %c0_i32_2 = arith.constant 0 : i32
    %c0_i32_3 = arith.constant 0 : i32
    return %select_n3A, %c0_i32, %c0_i32_2 : i32, i32, i32
  }
  func.func @transform_3(%arg0: i32) -> (i32, i32) {
    %c0_i32 = arith.constant 0 : i32
    %c0_i32_0 = arith.constant 0 : i32
    %c0_i32_1 = arith.constant 0 : i32
    return %c0_i32, %c0_i32_0 : i32, i32
  }
  func.func @transform_4(%arg0: i32) -> (i32, i32) {
    %c0_i32 = arith.constant 0 : i32
    %c0_i32_0 = arith.constant 0 : i32
    %c0_i32_1 = arith.constant 0 : i32
    return %c0_i32, %c0_i32_0 : i32, i32
  }
  func.func @transform_5(%arg0: i32) -> (i32, i32) {
    %c0_i32 = arith.constant 0 : i32
    %c0_i32_0 = arith.constant 0 : i32
    %c0_i32_1 = arith.constant 0 : i32
    return %c0_i32, %c0_i32_0 : i32, i32
  }
  func.func @transform_6(%arg0: i32) -> (i32, i32) {
    %c0_i32 = arith.constant 0 : i32
    %c0_i32_0 = arith.constant 0 : i32
    %c0_i32_1 = arith.constant 0 : i32
    return %c0_i32, %c0_i32_0 : i32, i32
  }
  func.func @transform_7(%arg0: i32) -> (i32, i32) {
    %c0_i32 = arith.constant 0 : i32
    %c0_i32_0 = arith.constant 0 : i32
    %c0_i32_1 = arith.constant 0 : i32
    return %c0_i32, %c0_i32_0 : i32, i32
  }
  func.func @transform_8(%arg0: i32) -> (i32, i32) {
    %c0_i32 = arith.constant 0 : i32
    %c0_i32_0 = arith.constant 0 : i32
    %c0_i32_1 = arith.constant 0 : i32
    return %c0_i32, %c0_i32_0 : i32, i32
  }
  func.func @transform_9(%arg0: i32) -> (i32, i32) {
    %c0_i32 = arith.constant 0 : i32
    %c0_i32_0 = arith.constant 0 : i32
    %c0_i32_1 = arith.constant 0 : i32
    return %c0_i32, %c0_i32_0 : i32, i32
  }
  func.func @transform_10(%arg0: i32) -> (i32, i32) {
    %c0_i32 = arith.constant 0 : i32
    %c0_i32_0 = arith.constant 0 : i32
    %c0_i32_1 = arith.constant 0 : i32
    return %c0_i32, %c0_i32_0 : i32, i32
  }
  func.func @transform_11(%arg0: i32) -> (i32, i32) {
    %c0_i32 = arith.constant 0 : i32
    %c0_i32_0 = arith.constant 0 : i32
    %c0_i32_1 = arith.constant 0 : i32
    return %c0_i32, %c0_i32_0 : i32, i32
  }
  func.func @transform_12(%arg0: i32) -> (i32, i32) {
    %c0_i32 = arith.constant 0 : i32
    %c0_i32_0 = arith.constant 0 : i32
    %c0_i32_1 = arith.constant 0 : i32
    return %c0_i32, %c0_i32_0 : i32, i32
  }
  func.func @transform_13(%arg0: i32) -> (i32, i32) {
    %c0_i32 = arith.constant 0 : i32
    %c0_i32_0 = arith.constant 0 : i32
    %c0_i32_1 = arith.constant 0 : i32
    return %c0_i32, %c0_i32_0 : i32, i32
  }
  func.func @transform_14(%arg0: i32) -> (i32, i32) {
    %c0_i32 = arith.constant 0 : i32
    %c0_i32_0 = arith.constant 0 : i32
    %c0_i32_1 = arith.constant 0 : i32
    return %c0_i32, %c0_i32_0 : i32, i32
  }
  func.func @transform_15(%arg0: i32) -> (i32, i32) {
    %lt3A = arith.constant 20 : i32
    %lt3A_0 = arith.cmpi slt, %arg0, %lt3A : i32
    %sub3A = arith.constant 20 : i32
    %sub3A_1 = arith.subi %arg0, %sub3A : i32
    %jit3A = arith.constant 0 : i32
    %select_n3A = arith.select %lt3A_0, %jit3A, %sub3A_1 : i32
    %c0_i32 = arith.constant 0 : i32
    %c0_i32_2 = arith.constant 0 : i32
    return %select_n3A, %c0_i32 : i32, i32
  }
  func.func @transform_16(%arg0: i32) -> (i32, i32) {
    %c0_i32 = arith.constant 0 : i32
    %c0_i32_0 = arith.constant 0 : i32
    %c0_i32_1 = arith.constant 0 : i32
    return %c0_i32, %c0_i32_0 : i32, i32
  }
}

module attributes {stable_mosaic.version = 14 : i64} {
  func.func @_mlp_seg_body(%arg0: i32, %arg1: memref<512x128xf32, #tpu.memory_space<vmem>>, %arg2: memref<2x512x128xf32, #tpu.memory_space<vmem>>, %arg3: memref<1x1x512xi32, #tpu.memory_space<vmem>>, %arg4: memref<128x256xf32, #tpu.memory_space<vmem>>, %arg5: memref<1x256xf32, #tpu.memory_space<vmem>>, %arg6: memref<256x128xf32, #tpu.memory_space<vmem>>, %arg7: memref<1x128xf32, #tpu.memory_space<vmem>>, %arg8: memref<1x128xf32, #tpu.memory_space<vmem>>, %arg9: memref<1x128xf32, #tpu.memory_space<vmem>>, %arg10: memref<1x1xf32, #tpu.memory_space<vmem>>, %arg11: memref<128x10xf32, #tpu.memory_space<vmem>>, %arg12: memref<1x10xf32, #tpu.memory_space<vmem>>, %arg13: memref<512x128xf32, #tpu.memory_space<vmem>>, %arg14: memref<128x10xf32, #tpu.memory_space<vmem>>, %arg15: memref<128x128xf32, #tpu.memory_space<vmem>>, %arg16: memref<1x128xf32, #tpu.memory_space<vmem>>) attributes {dimension_semantics = [#tpu.dimension_semantics<arbitrary>], iteration_bounds = array<i64: 20>, scalar_prefetch = 0 : i64, scratch_operands = 2 : i64, tpu.core_type = #tpu.core_type<tc>, window_params = [{transform_indices = @transform_0, window_bounds = array<i64: 512, 128>}, {transform_indices = @transform_1, window_bounds = array<i64: 2, 512, 128>}, {transform_indices = @transform_2, window_bounds = array<i64: 1, 1, 512>}, {pipeline_mode = #tpu.pipeline_mode<synchronous>, transform_indices = @transform_3, window_bounds = array<i64: 128, 256>}, {pipeline_mode = #tpu.pipeline_mode<synchronous>, transform_indices = @transform_4, window_bounds = array<i64: 1, 256>}, {pipeline_mode = #tpu.pipeline_mode<synchronous>, transform_indices = @transform_5, window_bounds = array<i64: 256, 128>}, {pipeline_mode = #tpu.pipeline_mode<synchronous>, transform_indices = @transform_6, window_bounds = array<i64: 1, 128>}, {pipeline_mode = #tpu.pipeline_mode<synchronous>, transform_indices = @transform_7, window_bounds = array<i64: 1, 128>}, {pipeline_mode = #tpu.pipeline_mode<synchronous>, transform_indices = @transform_8, window_bounds = array<i64: 1, 128>}, {pipeline_mode = #tpu.pipeline_mode<synchronous>, transform_indices = @transform_9, window_bounds = array<i64: 1, 1>}, {pipeline_mode = #tpu.pipeline_mode<synchronous>, transform_indices = @transform_10, window_bounds = array<i64: 128, 10>}, {pipeline_mode = #tpu.pipeline_mode<synchronous>, transform_indices = @transform_11, window_bounds = array<i64: 1, 10>}, {transform_indices = @transform_12, window_bounds = array<i64: 512, 128>}, {pipeline_mode = #tpu.pipeline_mode<synchronous>, transform_indices = @transform_13, window_bounds = array<i64: 128, 10>}]} {
    %get3A = arith.constant 0 : index
    %get3A_0 = arith.constant 0 : index
    %get3A_1 = vector.load %arg10[%get3A, %get3A_0] : memref<1x1xf32, #tpu.memory_space<vmem>>, vector<1x1xf32>
    %get3A_2 = vector.extract %get3A_1[0, 0] : f32 from vector<1x1xf32>
    %add3A = arith.constant 1.000000e+00 : f32
    %add3A_3 = arith.addf %add3A, %get3A_2 : f32
    %get3A_4 = arith.constant 0 : index
    %get3A_5 = arith.constant 0 : index
    %get3A_6 = vector.load %arg1[%get3A_4, %get3A_5] : memref<512x128xf32, #tpu.memory_space<vmem>>, vector<512x128xf32>
    %mul3A = vector.broadcast %add3A_3 : f32 to vector<512x128xf32>
    %mul3A_7 = arith.mulf %mul3A, %get3A_6 : vector<512x128xf32>
    %get3A_8 = arith.constant 0 : index
    %get3A_9 = arith.constant 0 : index
    %get3A_10 = arith.constant 0 : index
    %get3A_11 = vector.load %arg2[%get3A_8, %get3A_9, %get3A_10] : memref<2x512x128xf32, #tpu.memory_space<vmem>>, vector<1x512x128xf32>
    %get3A_12 = vector.shape_cast %get3A_11 : vector<1x512x128xf32> to vector<512x128xf32>
    %add3A_13 = arith.addf %mul3A_7, %get3A_12 : vector<512x128xf32>
    %get3A_14 = arith.constant 1 : index
    %get3A_15 = arith.constant 0 : index
    %get3A_16 = arith.constant 0 : index
    %get3A_17 = vector.load %arg2[%get3A_14, %get3A_15, %get3A_16] : memref<2x512x128xf32, #tpu.memory_space<vmem>>, vector<1x512x128xf32>
    %get3A_18 = vector.shape_cast %get3A_17 : vector<1x512x128xf32> to vector<512x128xf32>
    %add3A_19 = arith.addf %add3A_13, %get3A_18 : vector<512x128xf32>
    %convert_element_type3A = arith.truncf %add3A_19 : vector<512x128xf32> to vector<512x128xbf16>
    %get3A_20 = arith.constant 0 : index
    %get3A_21 = arith.constant 0 : index
    %get3A_22 = vector.load %arg4[%get3A_20, %get3A_21] : memref<128x256xf32, #tpu.memory_space<vmem>>, vector<128x256xf32>
    %convert_element_type3A_23 = arith.truncf %get3A_22 : vector<128x256xf32> to vector<128x256xbf16>
    %dot_general3A = arith.constant dense<0.000000e+00> : vector<512x256xf32>
    %dot_general3A_24 = tpu.matmul %convert_element_type3A, %convert_element_type3A_23, %dot_general3A {dimension_numbers = #tpu.dot_dimension_numbers<[1], [0], [0], [1], [0, 0, 1, 1], [], []>, transpose_lhs_hint = false} : vector<512x128xbf16>, vector<128x256xbf16>, vector<512x256xf32> -> vector<512x256xf32>
    %get3A_25 = arith.constant 0 : index
    %get3A_26 = arith.constant 0 : index
    %get3A_27 = vector.load %arg5[%get3A_25, %get3A_26] : memref<1x256xf32, #tpu.memory_space<vmem>>, vector<1x256xf32>
    %add3A_28 = vector.broadcast %get3A_27 : vector<1x256xf32> to vector<512x256xf32>
    %add3A_29 = arith.addf %dot_general3A_24, %add3A_28 : vector<512x256xf32>
    %max3A = arith.constant 0.000000e+00 : f32
    %max3A_30 = vector.broadcast %max3A : f32 to vector<512x256xf32>
    %max3A_31 = arith.maximumf %add3A_29, %max3A_30 : vector<512x256xf32>
    %convert_element_type3A_32 = arith.truncf %max3A_31 : vector<512x256xf32> to vector<512x256xbf16>
    %get3A_33 = arith.constant 0 : index
    %get3A_34 = arith.constant 0 : index
    %get3A_35 = vector.load %arg6[%get3A_33, %get3A_34] : memref<256x128xf32, #tpu.memory_space<vmem>>, vector<256x128xf32>
    %convert_element_type3A_36 = arith.truncf %get3A_35 : vector<256x128xf32> to vector<256x128xbf16>
    %dot_general3A_37 = arith.constant dense<0.000000e+00> : vector<512x128xf32>
    %dot_general3A_38 = tpu.matmul %convert_element_type3A_32, %convert_element_type3A_36, %dot_general3A_37 {dimension_numbers = #tpu.dot_dimension_numbers<[1], [0], [0], [1], [0, 0, 1, 1], [], []>, transpose_lhs_hint = false} : vector<512x256xbf16>, vector<256x128xbf16>, vector<512x128xf32> -> vector<512x128xf32>
    %get3A_39 = arith.constant 0 : index
    %get3A_40 = arith.constant 0 : index
    %get3A_41 = vector.load %arg7[%get3A_39, %get3A_40] : memref<1x128xf32, #tpu.memory_space<vmem>>, vector<1x128xf32>
    %add3A_42 = vector.broadcast %get3A_41 : vector<1x128xf32> to vector<512x128xf32>
    %add3A_43 = arith.addf %dot_general3A_38, %add3A_42 : vector<512x128xf32>
    %get3A_44 = arith.constant 0 : index
    %get3A_45 = arith.constant 0 : index
    %get3A_46 = vector.load %arg8[%get3A_44, %get3A_45] : memref<1x128xf32, #tpu.memory_space<vmem>>, vector<1x128xf32>
    %mul3A_47 = vector.broadcast %get3A_46 : vector<1x128xf32> to vector<512x128xf32>
    %mul3A_48 = arith.mulf %mul3A_47, %add3A_43 : vector<512x128xf32>
    %get3A_49 = arith.constant 0 : index
    %get3A_50 = arith.constant 0 : index
    %get3A_51 = vector.load %arg9[%get3A_49, %get3A_50] : memref<1x128xf32, #tpu.memory_space<vmem>>, vector<1x128xf32>
    %add3A_52 = vector.broadcast %get3A_51 : vector<1x128xf32> to vector<512x128xf32>
    %add3A_53 = arith.addf %mul3A_48, %add3A_52 : vector<512x128xf32>
    %get3A_54 = arith.constant 0 : index
    %get3A_55 = arith.constant 0 : index
    %get3A_56 = arith.constant 0 : index
    %get3A_57 = vector.load %arg3[%get3A_54, %get3A_55, %get3A_56] : memref<1x1x512xi32, #tpu.memory_space<vmem>>, vector<1x1x512xi32>
    %get3A_58 = vector.shape_cast %get3A_57 : vector<1x1x512xi32> to vector<512xi32>
    %broadcast_in_dim3A = vector.shape_cast %get3A_58 : vector<512xi32> to vector<512x1xi32>
    %iota3A = tpu.iota {dimensions = array<i32: 1>} : vector<512x128xi32>
    %eq3A = vector.broadcast %broadcast_in_dim3A : vector<512x1xi32> to vector<512x128xi32>
    %eq3A_59 = arith.cmpi eq, %eq3A, %iota3A : vector<512x128xi32>
    %convert_element_type3A_60 = arith.extui %eq3A_59 : vector<512x128xi1> to vector<512x128xi32>
    %convert_element_type3A_61 = arith.sitofp %convert_element_type3A_60 : vector<512x128xi32> to vector<512x128xf32>
    %dot_general3A_62 = arith.constant dense<0.000000e+00> : vector<128x128xf32>
    %dot_general3A_63 = tpu.matmul %convert_element_type3A_61, %add3A_53, %dot_general3A_62 {dimension_numbers = #tpu.dot_dimension_numbers<[0], [0], [1], [1], [0, 1, 1, 1], [], []>, transpose_lhs_hint = false} : vector<512x128xf32>, vector<512x128xf32>, vector<128x128xf32> -> vector<128x128xf32>
    %swap3A = arith.constant 0 : index
    %swap3A_64 = arith.constant 0 : index
    %swap3A_65 = vector.load %arg13[%swap3A, %swap3A_64] : memref<512x128xf32, #tpu.memory_space<vmem>>, vector<512x128xf32>
    tpu.vector_store %arg13[%swap3A, %swap3A_64], %add3A_53 {strides = array<i32>} : memref<512x128xf32, #tpu.memory_space<vmem>>, vector<512x128xf32>,
    %eq3A_66 = arith.constant 0 : i32
    %eq3A_67 = arith.cmpi eq, %arg0, %eq3A_66 : i32
    %convert_element_type3A_68 = arith.extui %eq3A_67 : i1 to i32
    %cond3A = arith.constant 0 : i32
    %cond3A_69 = arith.cmpi ne, %convert_element_type3A_68, %cond3A : i32
    scf.if %cond3A_69 {
      %broadcast_in_dim3A_91 = arith.constant 0.000000e+00 : f32
      %broadcast_in_dim3A_92 = vector.broadcast %broadcast_in_dim3A_91 : f32 to vector<128x128xf32>
      %swap3A_93 = arith.constant 0 : index
      %swap3A_94 = arith.constant 0 : index
      %swap3A_95 = vector.load %arg15[%swap3A_93, %swap3A_94] : memref<128x128xf32, #tpu.memory_space<vmem>>, vector<128x128xf32>
      tpu.vector_store %arg15[%swap3A_93, %swap3A_94], %broadcast_in_dim3A_92 {strides = array<i32>} : memref<128x128xf32, #tpu.memory_space<vmem>>, vector<128x128xf32>,
      %broadcast_in_dim3A_96 = arith.constant 0.000000e+00 : f32
      %broadcast_in_dim3A_97 = vector.broadcast %broadcast_in_dim3A_96 : f32 to vector<1x128xf32>
      %swap3A_98 = arith.constant 0 : index
      %swap3A_99 = arith.constant 0 : index
      %swap3A_100 = vector.load %arg16[%swap3A_98, %swap3A_99] : memref<1x128xf32, #tpu.memory_space<vmem>>, vector<1x128xf32>
      tpu.vector_store %arg16[%swap3A_98, %swap3A_99], %broadcast_in_dim3A_97 {strides = array<i32>} : memref<1x128xf32, #tpu.memory_space<vmem>>, vector<1x128xf32>,
    } else {
    }
    %get3A_70 = arith.constant 0 : index
    %get3A_71 = arith.constant 0 : index
    %get3A_72 = vector.load %arg15[%get3A_70, %get3A_71] : memref<128x128xf32, #tpu.memory_space<vmem>>, vector<128x128xf32>
    %add3A_73 = arith.addf %get3A_72, %dot_general3A_63 : vector<128x128xf32>
    %swap3A_74 = arith.constant 0 : index
    %swap3A_75 = arith.constant 0 : index
    %swap3A_76 = vector.load %arg15[%swap3A_74, %swap3A_75] : memref<128x128xf32, #tpu.memory_space<vmem>>, vector<128x128xf32>
    tpu.vector_store %arg15[%swap3A_74, %swap3A_75], %add3A_73 {strides = array<i32>} : memref<128x128xf32, #tpu.memory_space<vmem>>, vector<128x128xf32>,
    %get3A_77 = arith.constant 0 : index
    %get3A_78 = arith.constant 0 : index
    %get3A_79 = vector.load %arg16[%get3A_77, %get3A_78] : memref<1x128xf32, #tpu.memory_space<vmem>>, vector<1x128xf32>
    %reduce_sum3A = arith.constant dense<0.000000e+00> : vector<128xf32>
    %reduce_sum3A_80 = vector.multi_reduction <add>, %convert_element_type3A_61, %reduce_sum3A [0] : vector<512x128xf32> to vector<128xf32>
    %broadcast_in_dim3A_81 = vector.shape_cast %reduce_sum3A_80 : vector<128xf32> to vector<1x128xf32>
    %add3A_82 = arith.addf %get3A_79, %broadcast_in_dim3A_81 : vector<1x128xf32>
    %swap3A_83 = arith.constant 0 : index
    %swap3A_84 = arith.constant 0 : index
    %swap3A_85 = vector.load %arg16[%swap3A_83, %swap3A_84] : memref<1x128xf32, #tpu.memory_space<vmem>>, vector<1x128xf32>
    tpu.vector_store %arg16[%swap3A_83, %swap3A_84], %add3A_82 {strides = array<i32>} : memref<1x128xf32, #tpu.memory_space<vmem>>, vector<1x128xf32>,
    %eq3A_86 = arith.constant 19 : i32
    %eq3A_87 = arith.cmpi eq, %arg0, %eq3A_86 : i32
    %convert_element_type3A_88 = arith.extui %eq3A_87 : i1 to i32
    %cond3A_89 = arith.constant 0 : i32
    %cond3A_90 = arith.cmpi ne, %convert_element_type3A_88, %cond3A_89 : i32
    scf.if %cond3A_90 {
      %get3A_91 = arith.constant 0 : index
      %get3A_92 = arith.constant 0 : index
      %get3A_93 = vector.load %arg16[%get3A_91, %get3A_92] : memref<1x128xf32, #tpu.memory_space<vmem>>, vector<1x128xf32>
      %get3A_94 = vector.shape_cast %get3A_93 : vector<1x128xf32> to vector<128xf32>
      %max3A_95 = arith.constant 1.000000e+00 : f32
      %max3A_96 = vector.broadcast %max3A_95 : f32 to vector<128xf32>
      %max3A_97 = arith.maximumf %get3A_94, %max3A_96 : vector<128xf32>
      %get3A_98 = arith.constant 0 : index
      %get3A_99 = arith.constant 0 : index
      %get3A_100 = vector.load %arg15[%get3A_98, %get3A_99] : memref<128x128xf32, #tpu.memory_space<vmem>>, vector<128x128xf32>
      %div3A = arith.constant 1.000000e+00 : f32
      %div3A_101 = vector.broadcast %div3A : f32 to vector<128xf32>
      %div3A_102 = arith.divf %div3A_101, %max3A_97 : vector<128xf32>
      %broadcast_in_dim3A_103 = vector.shape_cast %div3A_102 : vector<128xf32> to vector<128x1xf32>
      %mul3A_104 = vector.broadcast %broadcast_in_dim3A_103 : vector<128x1xf32> to vector<128x128xf32>
      %mul3A_105 = arith.mulf %get3A_100, %mul3A_104 : vector<128x128xf32>
      %get3A_106 = arith.constant 0 : index
      %get3A_107 = arith.constant 0 : index
      %get3A_108 = vector.load %arg11[%get3A_106, %get3A_107] : memref<128x10xf32, #tpu.memory_space<vmem>>, vector<128x10xf32>
      %dot_general3A_109 = arith.constant dense<0.000000e+00> : vector<128x10xf32>
      %dot_general3A_110 = tpu.matmul %mul3A_105, %get3A_108, %dot_general3A_109 {dimension_numbers = #tpu.dot_dimension_numbers<[1], [0], [0], [1], [0, 0, 1, 1], [], []>, transpose_lhs_hint = false} : vector<128x128xf32>, vector<128x10xf32>, vector<128x10xf32> -> vector<128x10xf32>
      %get3A_111 = arith.constant 0 : index
      %get3A_112 = arith.constant 0 : index
      %get3A_113 = vector.load %arg12[%get3A_111, %get3A_112] : memref<1x10xf32, #tpu.memory_space<vmem>>, vector<1x10xf32>
      %add3A_114 = vector.broadcast %get3A_113 : vector<1x10xf32> to vector<128x10xf32>
      %add3A_115 = arith.addf %dot_general3A_110, %add3A_114 : vector<128x10xf32>
      %swap3A_116 = arith.constant 0 : index
      %swap3A_117 = arith.constant 0 : index
      %swap3A_118 = vector.load %arg14[%swap3A_116, %swap3A_117] : memref<128x10xf32, #tpu.memory_space<vmem>>, vector<128x10xf32>
      tpu.vector_store %arg14[%swap3A_116, %swap3A_117], %add3A_115 {strides = array<i32>} : memref<128x10xf32, #tpu.memory_space<vmem>>, vector<128x10xf32>,
    } else {
    }
    return
  }
  func.func @transform_0(%arg0: i32) -> (i32, i32) {
    %c0_i32 = arith.constant 0 : i32
    %c0_i32_0 = arith.constant 0 : i32
    return %arg0, %c0_i32 : i32, i32
  }
  func.func @transform_1(%arg0: i32) -> (i32, i32, i32) {
    %c0_i32 = arith.constant 0 : i32
    %c0_i32_0 = arith.constant 0 : i32
    %c0_i32_1 = arith.constant 0 : i32
    return %c0_i32, %arg0, %c0_i32_0 : i32, i32, i32
  }
  func.func @transform_2(%arg0: i32) -> (i32, i32, i32) {
    %c0_i32 = arith.constant 0 : i32
    %c0_i32_0 = arith.constant 0 : i32
    %c0_i32_1 = arith.constant 0 : i32
    return %arg0, %c0_i32, %c0_i32_0 : i32, i32, i32
  }
  func.func @transform_3(%arg0: i32) -> (i32, i32) {
    %c0_i32 = arith.constant 0 : i32
    %c0_i32_0 = arith.constant 0 : i32
    %c0_i32_1 = arith.constant 0 : i32
    return %c0_i32, %c0_i32_0 : i32, i32
  }
  func.func @transform_4(%arg0: i32) -> (i32, i32) {
    %c0_i32 = arith.constant 0 : i32
    %c0_i32_0 = arith.constant 0 : i32
    %c0_i32_1 = arith.constant 0 : i32
    return %c0_i32, %c0_i32_0 : i32, i32
  }
  func.func @transform_5(%arg0: i32) -> (i32, i32) {
    %c0_i32 = arith.constant 0 : i32
    %c0_i32_0 = arith.constant 0 : i32
    %c0_i32_1 = arith.constant 0 : i32
    return %c0_i32, %c0_i32_0 : i32, i32
  }
  func.func @transform_6(%arg0: i32) -> (i32, i32) {
    %c0_i32 = arith.constant 0 : i32
    %c0_i32_0 = arith.constant 0 : i32
    %c0_i32_1 = arith.constant 0 : i32
    return %c0_i32, %c0_i32_0 : i32, i32
  }
  func.func @transform_7(%arg0: i32) -> (i32, i32) {
    %c0_i32 = arith.constant 0 : i32
    %c0_i32_0 = arith.constant 0 : i32
    %c0_i32_1 = arith.constant 0 : i32
    return %c0_i32, %c0_i32_0 : i32, i32
  }
  func.func @transform_8(%arg0: i32) -> (i32, i32) {
    %c0_i32 = arith.constant 0 : i32
    %c0_i32_0 = arith.constant 0 : i32
    %c0_i32_1 = arith.constant 0 : i32
    return %c0_i32, %c0_i32_0 : i32, i32
  }
  func.func @transform_9(%arg0: i32) -> (i32, i32) {
    %c0_i32 = arith.constant 0 : i32
    %c0_i32_0 = arith.constant 0 : i32
    %c0_i32_1 = arith.constant 0 : i32
    return %c0_i32, %c0_i32_0 : i32, i32
  }
  func.func @transform_10(%arg0: i32) -> (i32, i32) {
    %c0_i32 = arith.constant 0 : i32
    %c0_i32_0 = arith.constant 0 : i32
    %c0_i32_1 = arith.constant 0 : i32
    return %c0_i32, %c0_i32_0 : i32, i32
  }
  func.func @transform_11(%arg0: i32) -> (i32, i32) {
    %c0_i32 = arith.constant 0 : i32
    %c0_i32_0 = arith.constant 0 : i32
    %c0_i32_1 = arith.constant 0 : i32
    return %c0_i32, %c0_i32_0 : i32, i32
  }
  func.func @transform_12(%arg0: i32) -> (i32, i32) {
    %c0_i32 = arith.constant 0 : i32
    %c0_i32_0 = arith.constant 0 : i32
    return %arg0, %c0_i32 : i32, i32
  }
  func.func @transform_13(%arg0: i32) -> (i32, i32) {
    %c0_i32 = arith.constant 0 : i32
    %c0_i32_0 = arith.constant 0 : i32
    %c0_i32_1 = arith.constant 0 : i32
    return %c0_i32, %c0_i32_0 : i32, i32
  }
}

</mosaic_0001>

<sc_bundles>
// kernel: kernel.12.cloned.1.call-start
scs
__scs_entry_jumppad:
0x0: {  	(pc) =	sbr.rel $0x88, $3  }
0x1: {  	(tag) =	ssettag $0x0;
	lr =	simm.s32 $0x1  }
0x2: {  	[smem:$0x3F91] =	sst lr;
	_ =	strace $0xD0000000  }
0x3: {  	_ = 	snop  }
0x4: {  	_ = 	snop  }
0x5: {  	_ = 	snop  }
0x6: {  	_ = 	snop  }
0x7: {  	_ = 	snop  }
__scs_overlays_trampoline_lowered:
0x8: {  	[smem:$0x3FA0] =	sst s0  }
0x9: {  	[smem:$0x3FA1] =	sst s1  }
0xa: {  	[smem:$0x3FA2] =	sst s2  }
0xb: {  	[smem:$0x3FA3] =	sst s3  }
0xc: {  	[smem:$0x3FA4] =	sst s4  }
0xd: {  	[smem:$0x3FA5] =	sst s5  }
0xe: {  	[smem:$0x3FA6] =	sst s6  }
0xf: {  	[smem:$0x3FA7] =	sst s7  }
0x10: {  	[smem:$0x3FA8] =	sst s8  }
0x11: {  	[smem:$0x3FA9] =	sst s9;
	s0 =	simm.s32 @!p0 $0x0  }
0x12: {  	s1 =	sld [smem:$0x3F8F];
	s0 =	simm.s32 @p0 $0x1  }
0x13: {  	[smem:$0x3FAA] =	sst s0;
	s0 =	simm.s32 @!p1 $0x0  }
0x14: {  	s2 =	sld [smem:$0x3F8E];
	s0 =	simm.s32 @p1 $0x1  }
0x15: {  	[smem:$0x3FAB] =	sst s0;
	s0 =	simm.s32 @!p2 $0x0  }
0x16: {  	s3 =	sld [smem:$0x3FDB];
	s0 =	simm.s32 @p2 $0x1  }
0x17: {  	s4 =	simm.s32 $0x1BF5;
	[smem:$0x3FAD] =	sst s0  }
0x18: {  	s0 =	sld [smem:$0x3F90];
	_ =	swait.ge [sflag:s4], $0x0  }
0x19: {  	s7 =	sld [smem:$0x3F91]  }
0x1a: {  	s8 =	sadd.s32 $0xFFFFE003, lr  }
0x1b: {  	s9 =	sadd.s32 $0xFFFFFEF7, lr;
	s5 =	simm.s32 $0xFFFFFFFF;
	p2 =	slt.u32 s8, $0xFFFFF086  }
0x1c: {  	p1 =	slt.u32 s9, $0xF7A;
	s5 =	simm.s32 @!p2 $0x0  }
0x1d: {  	s5 =	simm.s32 @p1 $0x1;
	p0 =	seq.s32 s7, s2  }
0x1e: {  	s7 =	smul.u32 @!p0 $0xF7A, s2;
	p2 =	seq.s32 @!p0 s5, $0x0  }
0x1f: {  	s9 =	smul.u32 $0xF7A, s1;
	s8 =	simm.s32 @!p0 $0x1BF5;
	p2 =	por !p2, p0  }
0x20: {  	[sflag:s8] =	ssyncset.s32 @!p0 $0xFFFFF086;
	s6 =	sadd.s32 @!p0 s3, s7;
	s7 =	simm.s32 @!p0 $0x108  }
0x21: {  	s3 =	sadd.s32 s3, s9;
	s6 =	sadd.s32 @!p0 $0x88, s6;
	s7 =	simm.s32 @p2 $0x1082  }
0x22: {  	[simem:s7], [sflag:s8] =	dma.local @!p0 [hbm:s6], $0xF7A  }
0x23: {  	s9 =	sor.u32 $0xD0000000, s2;
	s6 =	simm.s32 $0x108;
	_ =	swait.ge @!p0 [sflag:s8], $0x0  }
0x24: {  	s3 =	sadd.s32 $0x88, s3;
	s6 =	simm.s32 @!p1 $0x1082;
	[sflag:s4] =	ssyncset.s32 $0xFFFFF086  }
0x25: {  	[simem:s6], [sflag:s4] =	dma.local [hbm:s3], $0xF7A  }
0x26: {  	[smem:$0x3F91] =	sst s1;
	(tag) =	ssettag s2;
	_ =	strace s9  }
0x27: {  	s1 =	sld [smem:$0x3FA1]  }
0x28: {  	s2 =	sld [smem:$0x3FA2]  }
0x29: {  	s4 =	sld [smem:$0x3FA4]  }
0x2a: {  	p0 =	seq.s32 s5, $0x0;
	s5 =	sld [smem:$0x3FA5]  }
0x2b: {  	s6 =	sld [smem:$0x3FA6]  }
0x2c: {  	s7 =	sld [smem:$0x3FA7]  }
0x2d: {  	s3 =	simm.s32 $0x108;
	s8 =	sld [smem:$0x3FA8]  }
0x2e: {  	s3 =	simm.s32 @!p0 $0x1082;
	s9 =	sld [smem:$0x3FA9]  }
0x2f: {  	lr =	sadd.s32 s0, s3;
	s0 =	sld [smem:$0x3FA0]  }
0x30: {  	s3 =	sld [smem:$0x3FA3]  }
0x31: {  	[smem:$0x3FAC] =	sst s10  }
0x32: {  	s10 =	sld [smem:$0x3FAA];
	_ =	sdelay $0x3  }
0x33: {  	p0 =	seq.s32 s10, $0x1;
	s10 =	sld [smem:$0x3FAC];
	_ =	sdelay $0x3  }
0x34: {  	[smem:$0x3FAC] =	sst s10  }
0x35: {  	s10 =	sld [smem:$0x3FAB];
	_ =	sdelay $0x3  }
0x36: {  	p1 =	seq.s32 s10, $0x1;
	s10 =	sld [smem:$0x3FAC];
	_ =	sdelay $0x3  }
0x37: {  	[smem:$0x3FAC] =	sst s10  }
0x38: {  	s10 =	sld [smem:$0x3FAD]  }
0x39: {  	_ = 	snop;
	(pc) =	sbr.ind lr, $3  }
0x3a: {  	_ = 	snop  }
0x3b: {  	_ = 	snop  }
0x3c: {  	p2 =	seq.s32 s10, $0x1;
	s10 =	sld [smem:$0x3FAC]  }
0x3d: {  	_ =	shalt  }
0x3e: {  	_ =	shalt  }
0x3f: {  	_ =	shalt  }
0x40: {  	_ =	shalt  }
0x41: {  	_ =	shalt  }
0x42: {  	_ =	shalt  }
0x43: {  	_ =	shalt  }
0x44: {  	_ =	shalt  }
0x45: {  	_ =	shalt  }
0x46: {  	_ =	shalt  }
0x47: {  	_ =	shalt  }
0x48: {  	_ =	shalt  }
0x49: {  	_ =	shalt  }
0x4a: {  	_ =	shalt  }
0x4b: {  	_ =	shalt  }
0x4c: {  	_ =	shalt  }
0x4d: {  	_ =	shalt  }
0x4e: {  	_ =	shalt  }
0x4f: {  	_ =	shalt  }
0x50: {  	_ =	shalt  }
0x51: {  	_ =	shalt  }
0x52: {  	_ =	shalt  }
0x53: {  	_ =	shalt  }
0x54: {  	_ =	shalt  }
0x55: {  	_ =	shalt  }
0x56: {  	_ =	shalt  }
0x57: {  	_ =	shalt  }
0x58: {  	_ =	shalt  }
0x59: {  	_ =	shalt  }
0x5a: {  	_ =	shalt  }
0x5b: {  	_ =	shalt  }
0x5c: {  	_ =	shalt  }
0x5d: {  	_ =	shalt  }
0x5e: {  	_ =	shalt  }
0x5f: {  	_ =	shalt  }
0x60: {  	_ =	shalt  }
0x61: {  	_ =	shalt  }
0x62: {  	_ =	shalt  }
0x63: {  	_ =	shalt  }
0x64: {  	_ =	shalt  }
0x65: {  	_ =	shalt  }
0x66: {  	_ =	shalt  }
0x67: {  	_ =	shalt  }
0x68: {  	_ =	shalt  }
0x69: {  	_ =	shalt  }
0x6a: {  	_ =	shalt  }
0x6b: {  	_ =	shalt  }
0x6c: {  	_ =	shalt  }
0x6d: {  	_ =	shalt  }
0x6e: {  	_ =	shalt  }
0x6f: {  	_ =	shalt  }
0x70: {  	_ =	shalt  }
0x71: {  	_ =	shalt  }
0x72: {  	_ =	shalt  }
0x73: {  	_ =	shalt  }
0x74: {  	_ =	shalt  }
0x75: {  	_ =	shalt  }
0x76: {  	_ =	shalt  }
0x77: {  	_ =	shalt  }
0x78: {  	_ =	shalt  }
0x79: {  	_ =	shalt  }
0x7a: {  	_ =	shalt  }
0x7b: {  	_ =	shalt  }
0x7c: {  	_ =	shalt  }
0x7d: {  	_ =	shalt  }
0x7e: {  	_ =	shalt  }
0x7f: {  	_ =	shalt  }
0x80: {  	_ =	shalt  }
0x81: {  	_ =	shalt  }
0x82: {  	_ =	shalt  }
0x83: {  	_ =	shalt  }
0x84: {  	_ =	shalt  }
0x85: {  	_ =	shalt  }
0x86: {  	_ =	shalt  }
0x87: {  	_ =	shalt  }
.Lfunc_end0:
.L_simem_size_0:
called_computation_lowered:
.L_overlay_start_0:
0x88: {  	s2 =	sld [smem:$0x3FD9]  }
0x89: {  	s3 =	sld [smem:$0x3FFE];
	_ =	sdelay $0x1  }
0x8a: {  	s1 =	srdreg.scid  }
0x8b: {  	s0 =	sand.u32 $0x1, s1  }
0x8c: {  	s16 =	sshll.u32 s0, $0xA;
	s2 =	sadd.s32 s3, s2  }
0x8d: {  	s2 =	sadd.s32 s2, s16  }
0x8e: {  	[smem:$0x3FB8] =	sst s2  }
0x8f: {  	_ = 	snop  }
0x90: {  	(tm) =	ssettm $0x1  }
0x91: {  	s17 =	sld [smem:$0x3FFB];
	_ =	sdelay $0x3  }
0x92: {  	_ =	strace s17  }
0x93: {  	s2 =	sld [smem:$0x3FFC];
	_ =	sdelay $0x3  }
0x94: {  	_ =	strace s2  }
0x95: {  	s2 =	sld [smem:$0x3FFD];
	_ =	sdelay $0x3  }
0x96: {  	_ =	strace s2  }
0x97: {  	_ =	strace $0x8FFFFFFF  }
0x98: {  	s18 =	sld [smem:$0x3FDB];
	_ =	sdelay $0x1  }
0x99: {  	s19 =	simm.s32 $_scs_section_size  }
0x9a: {  	s4 =	simm.s32 $_size__tile_overlayer_lowered;
	s5 =	simm.s32 $_tile_overlayer_lowered  }
0x9b: {  	s22 =	simm.s32 $0x1BFF;
	s21 =	sshll.u32 s5, $0x1;
	s2 =	sadd.s32 s19, s18  }
0x9c: {  	s6 =	simm.s32 $0x0;
	s20 =	sshll.u32 s4, $0x1;
	s4 =	sadd.s32 s21, s2  }
0x9d: {  	[timem:s6], [sflag:s22] =	dma.local [hbm:s4], s20  }
0x9e: {  	_ =	swait.ge [sflag:s22], s20  }
0x9f: {  	s3 =	ssub.s32 $0x0, s20;
	[sflag:s22] =	ssyncset.done $0x0  }
0xa0: {  	[sflag:s22] =	ssyncadd.s32 s3;
	_ =	sdelay $0x1  }
0xa1: {  	s23 =	simm.s32 $0x1B8B  }
0xa2: {  	_ =	swait.ge [sflag:s23], $0x1  }
0xa3: {  	[sflag:s23] =	ssyncset.done $0x0  }
0xa4: {  	s25 =	simm.s32 $0x1B8E;
	s24 =	sld [smem:$0x3FFE];
	[sflag:s23] =	ssyncadd.s32 $0xFFFFFFFF  }
0xa5: {  	s26 =	simm.s32 $execute0_lowered;
	[smem:$0x3FD2] =	sst s25  }
0xa6: {  	s4 =	sshll.u32 s26, $0x1;
	_ =	strace $0x80000046;
	[dreg:$0x1] =	wrdreg $0xFFFFFFFF  }
0xa7: {  	s28 =	simm.s32 $_size_execute0_lowered;
	s2 =	sadd.s32 s2, s4;
	[dreg:$0x0] =	wrdreg $0x0  }
0xa8: {  	s4 =	sshll.u32 s28, $0x1;
	[dreg:$0x2] =	wrdreg s2  }
0xa9: {  	[dreg:$0x3] =	wrdreg s4  }
0xaa: {  	[dreg:$0x4] =	wrdreg $0xC0  }
0xab: {  	_ =	task [dreg:s6], $0x5FFFF  }
0xac: {  	[dreg:$0x1] =	wrdreg $0xFFFFFFFF  }
0xad: {  	[dreg:$0x0] =	wrdreg $0x60  }
0xae: {  	[dreg:$0x2] =	wrdreg s24  }
0xaf: {  	[dreg:$0x3] =	wrdreg $0x84000  }
0xb0: {  	[dreg:$0x4] =	wrdreg $0x9  }
0xb1: {  	_ =	task.clear_ibuf [dreg:s6], $0x5FFFF;
	_ =	strace $0x90000046  }
0xb2: {  	s29 =	simm.s32 $0x9;
	_ =	strace $0x80000048  }
0xb3: {  	_ =	swait.ge [sflag:s29], $0x1  }
0xb4: {  	[sflag:s29] =	ssyncadd.s32 $0xFFFFFFFF  }
0xb5: {  	_ =	strace $0x90000048  }
0xb6: {  	_ =	sfence  }
0xb7: {  	s30 =	sld [smem:$0x0];
	_ =	sdelay $0x2  }
0xb8: {  	s31 =	sshll.u32 s1, $0xD;
	s1 =	sshrl.u32 s1, $0x2  }
0xb9: {  	s3 =	sand.u32 $0x4000, s31;
	s1 =	sadd.s32 s1, s30  }
0xba: {  	s0 =	sor.u32 s3, s0;
	s1 =	sshll.u32 s1, $0x11  }
0xbb: {  	s0 =	sor.u32 s1, s0  }
0xbc: {  	s0 =	sadd.s32 $0x8F2B, s0  }
0xbd: {  	[sflag:s0] =	ssyncadd.remote.s32 $0x1  }
0xbe: {  	_ =	sfence.sel $0xFFFF  }
0xbf: {  	[dreg:$0x0] =	wrdreg $0xFFFFFFFF;
	(pc) =	sbr.abs _section_cstart, $3  }
0xc0: {  	[dreg:$0x1] =	wrdreg $0xFFFFFFFF  }
0xc1: {  	_ =	task.clear_ibuf [dreg:s6], $0x2FFFF;
	_ =	strace $0x9FFFFFFF  }
0xc2: {  	(tm) =	ssettm $0x7FFFFFFF  }
0xc3: {  	_ =	shalt  }
tec
execute0_lowered:
.L_overlay_start_1:
0x0: {  	(tag) =	ssettag $0x1  }
0x1: {  	s0 =	rddreg [dreg:$0x0]  }
0x2: {  	s1 =	rddreg [dreg:$0x1];
	s3 =	simm.s32 $0x0  }
0x3: {  	s2 =	srdreg.scid;
	s8 =	stileid.u32;
	s28 =	simm.s32 $0x3  }
0x4: {  	s29 =	simm.s32 $0x2;
	s30 =	simm.s32 $0x4;
	s31 =	simm.s32 $0x280  }
0x5: {  	[smem:$0x7FF] =	sst s3;
	s2 =	sand.u32 $0x1, s2;
	s6 =	smul.u32 $0x14000, s8  }
0x6: {  	s4 =	sadd.s32 $0x1A200, s0;
	s17 =	sadd.s32 $0x6200, s0;
	s10 =	smul.u32 $0x50000, s8  }
0x7: {  	s16 =	sadd.s32 $0x10200, s0;
	s7 =	sshll.u32 s8, $0x1;
	s11 =	smul.u32 $0x5000, s8  }
0x8: {  	s9 =	sadd.s32 $0x42200, s0;
	s12 =	sshll.u32 s8, $0x6;
	s5 =	smul.u32 $0x140000, s2  }
0x9: {  	_ =	strace $0x80000047;
	[dreg:$0x3] =	wrdreg s9;
	s18 =	ssub.s32 $0x2, s2  }
0xa: {  	s15 =	sor.u32 s2, s7;
	s2 =	smul.u32 $0x2800, s2;
	s19 =	sshrl.u32 s18, $0x1  }
0xb: {  	s24 =	sshrl.u32 s10, $0x2;
	s5 =	sadd.s32 s6, s5;
	s6 =	smul.u32 $0x2800, s15  }
0xc: {  	s2 =	sadd.s32 s2, s11;
	s11 =	sor.u32 $0x1C05, s12;
	s5 =	sshrl.u32 s5, $0x3  }
0xd: {  	s25 =	sor.u32 $0x300, s2;
	s2 =	sor.u32 $0x200, s2;
	s0 =	sadd.s32 s5, s0  }
0xe: {  	s5 =	ssub.s32 s18, s19;
	s6 =	sshrl.u32 s6, $0x3;
	s26 =	sshrl.u32 s25, $0x3  }
0xf: {  	s2 =	sshrl.u32 s2, $0x3;
	s18 =	simm.s32 $0x200;
	s19 =	simm.s32 $0x100  }
0x10: {  	s25 =	simm.s32 $0x80;
	s20 =	sadd.s32 s17, s6;
	s21 =	sor.u32 $0x20, s6  }
0x11: {  	s6 =	sadd.s32 s16, s6;
	s12 =	sadd.s32 $0x44A00, s0;
	s13 =	smax.u32 s5, $0x1  }
0x12: {  	s14 =	sadd.s32 s26, s16;
	s15 =	sadd.s32 s26, s17;
	[dreg:$0x4] =	wrdreg s20  }
0x13: {  	s26 =	simm.s32 $0x4400;
	s0 =	simm.s32 $0x380;
	[dreg:$0x5] =	wrdreg s6  }
.Ltmp0:
0x14: {  	s22 =	sadd.s32 s17, s21;
	s23 =	sadd.s32 s16, s21;
	(pc) =	sbr.rel .LBB2_1-.Ltmp0, $4  }
0x15: {  	s6 =	sadd.s32 s24, s1;
	s16 =	sadd.s32 s2, s16;
	s17 =	sadd.s32 s2, s17  }
0x16: {  	s20 =	simm.s32 $0x300;
	s21 =	simm.s32 $0x5;
	[dreg:$0x6] =	wrdreg s22  }
0x17: {  	s24 =	simm.s32 $0x400;
	s2 =	simm.s32 $0x0;
	[dreg:$0x7] =	wrdreg s23  }
0x18: {  	[dreg:$0x8] =	wrdreg s6;
	s22 =	simm.s32 $0x1;
	s23 =	simm.s32 $0x7D  }
.LBB2_4:
0x19: {  	s2 =	sadd.s32 $0x1, s2  }
0x1a: {  	p0 =	sne.s32 s2, s13  }
.Ltmp1:
0x1b: {  	[bflag:$0x0] =	sbarrier.arrive $0xFFFF;
	(pc) =	sbr.rel @!p0 .LBB2_5-.Ltmp1, $4  }
0x1c: {  	[hbm:s12], [sflag:s11] =	dma.local [spmem:s5], $0x2800  }
0x1d: {  	_ =	swait.ge [sflag:s21], $0x2800  }
0x1e: {  	[sflag:s21] =	ssyncset.done $0x0  }
0x1f: {  	[sflag:s21] =	ssyncadd.s32 $0xFFFFD800  }
.LBB2_1:
0x20: {  	s5 =	rddreg [dreg:$0x4]  }
0x21: {  	s7 =	rddreg [dreg:$0x5]  }
0x22: {  	s8 =	rddreg [dreg:$0x6]  }
0x23: {  	[tilespmem:s3], [sflag:$0x1] =	stream.linear.gather [hbm4b:s5+s3], $0x100, $0x38;
	[tilespmem:$0x1C400] =	vst v63  }
0x24: {  	s9 =	rddreg [dreg:$0x7]  }
0x25: {  	[tilespmem:s18], [sflag:$0x1] =	stream.linear.gather [hbm4b:s7+s3], $0x100, $0x38;
	[tilespmem:$0x1C400] =	vst v63  }
0x26: {  	s10 =	rddreg [dreg:$0x8]  }
0x27: {  	[tilespmem:s19], [sflag:$0x2] =	stream.linear.gather [hbm4b:s8+s3], $0x100, $0x38;
	[tilespmem:$0x1C400] =	vst v63  }
0x28: {  	s6 =	rddreg [dreg:$0x3];
	s5 =	sshrl.u32 s10, $0x3  }
0x29: {  	[tilespmem:s20], [sflag:$0x2] =	stream.linear.gather [hbm4b:s9+s3], $0x100, $0x38;
	[tilespmem:$0x1C400] =	vst v63  }
0x2a: {  	[spmem:s5], [sflag:s11] =	dma.local [hbm:s6], $0x2800  }
0x2b: {  	_ =	swait.ge [sflag:s21], $0x2800  }
0x2c: {  	[sflag:s21] =	ssyncset.done $0x0  }
0x2d: {  	[sflag:s21] =	ssyncadd.s32 $0xFFFFD800  }
0x2e: {  	[bflag:$0x0] =	sbarrier.arrive $0xFFFF  }
0x2f: {  	_ =	swait.ge [sflag:s22], $0x100  }
0x30: {  	[sflag:s22] =	ssyncset.done $0x0  }
0x31: {  	[sflag:s22] =	ssyncadd.s32 $0xFFFFFF00  }
0x32: {  	_ =	swait.ge [sflag:s22], $0x100  }
0x33: {  	[sflag:s22] =	ssyncset.done $0x0  }
0x34: {  	s6 =	simm.s32 $0x0;
	[sflag:s22] =	ssyncadd.s32 $0xFFFFFF00  }
0x35: {  	[tilespmem:s24], [sflag:$0x3] =	stream.indirect.gather [hbm4b:s4+s23], $0x80, s3, s23, $0xb8;
	[tilespmem:$0x1C400] =	vst v63  }
.LBB2_2:
0x36: {  	[tilespmem:s26], [sflag:$0x4] =	stream.indirect.gather [hbm4b:s4+s23], $0x80, s25, s23, $0xb8;
	[tilespmem:$0x1C400] =	vst v63  }
0x37: {  	_ =	swait.ge [sflag:s28], $0x3E80  }
0x38: {  	[sflag:s28] =	ssyncset.done $0x0  }
0x39: {  	[sflag:s28] =	ssyncadd.s32 $0xFFFFC180  }
0x3a: {  	[spmem:s1] =	stream.indirect.scatter.add.f32 [tilespmem:s24], [sflag:$0x5], $0x80, s18, s23, $0xb8;
	[tilespmem:$0x1C400] =	vst v63  }
0x3b: {  	_ =	swait.ge [sflag:s21], $0x3E80  }
0x3c: {  	[sflag:s21] =	ssyncset.done $0x0  }
0x3d: {  	[sflag:s21] =	ssyncadd.s32 $0xFFFFC180  }
0x3e: {  	_ =	swait.ge [sflag:s29], $0x100  }
0x3f: {  	[sflag:s29] =	ssyncset.done $0x0  }
0x40: {  	[sflag:s29] =	ssyncadd.s32 $0xFFFFFF00  }
0x41: {  	_ =	swait.ge [sflag:s29], $0x100  }
0x42: {  	[sflag:s29] =	ssyncset.done $0x0  }
0x43: {  	[sflag:s29] =	ssyncadd.s32 $0xFFFFFF00  }
0x44: {  	[tilespmem:s24], [sflag:$0x3] =	stream.indirect.gather [hbm4b:s4+s23], $0x80, s19, s23, $0xb8;
	[tilespmem:$0x1C400] =	vst v63  }
0x45: {  	_ =	swait.ge [sflag:s30], $0x3E80  }
0x46: {  	[sflag:s30] =	ssyncset.done $0x0  }
0x47: {  	[sflag:s30] =	ssyncadd.s32 $0xFFFFC180  }
0x48: {  	[spmem:s1] =	stream.indirect.scatter.add.f32 [tilespmem:s26], [sflag:$0x5], $0x80, s31, s23, $0xb8;
	[tilespmem:$0x1C400] =	vst v63  }
0x49: {  	p0 =	seq.s32 s6, $0x4C0;
	_ =	swait.ge [sflag:s21], $0x3E80  }
0x4a: {  	s7 =	simm.s32 @p0 $0x7D;
	[sflag:s21] =	ssyncset.done $0x0  }
0x4b: {  	s8 =	simm.s32 @p0 $0x180;
	s9 =	simm.s32 @p0 $0x4400;
	[sflag:s21] =	ssyncadd.s32 $0xFFFFC180  }
0x4c: {  	[tilespmem:s9], [sflag:$0x4] =	stream.indirect.gather @p0 [hbm4b:s4+s7], $0x80, s8, s7, $0xb8;
	[tilespmem:$0x1C400] =	vst v63  }
0x4d: {  	s8 =	simm.s32 @p0 $0x3  }
0x4e: {  	_ =	swait.ge @p0 [sflag:s8], $0x3E80  }
0x4f: {  	[sflag:s8] =	ssyncset.done @p0 $0x0  }
0x50: {  	s9 =	simm.s32 @p0 $0x400;
	[sflag:s8] =	ssyncadd.s32 @p0 $0xFFFFC180;
	s8 =	simm.s32 @p0 $0x300  }
0x51: {  	[spmem:s1] =	stream.indirect.scatter.add.f32 @p0 [tilespmem:s9], [sflag:$0x5], $0x80, s8, s7, $0xb8;
	[tilespmem:$0x1C400] =	vst v63  }
0x52: {  	s7 =	simm.s32 @p0 $0x5  }
0x53: {  	_ =	swait.ge @p0 [sflag:s7], $0x3E80  }
0x54: {  	[sflag:s7] =	ssyncset.done @p0 $0x0  }
0x55: {  	s8 =	simm.s32 @!p0 $0x0;
	[sflag:s7] =	ssyncadd.s32 @p0 $0xFFFFC180;
	s7 =	sadd.s32 @!p0 s6, s17  }
0x56: {  	[tilespmem:s8], [sflag:$0x1] =	stream.linear.gather @!p0 [hbm4b:s7+s8], $0x100, $0x38;
	[tilespmem:$0x1C400] =	vst v63  }
0x57: {  	s9 =	simm.s32 @!p0 $0x200;
	s7 =	sadd.s32 @!p0 s6, s16  }
0x58: {  	[tilespmem:s9], [sflag:$0x1] =	stream.linear.gather @!p0 [hbm4b:s7+s8], $0x100, $0x38;
	[tilespmem:$0x1C400] =	vst v63  }
0x59: {  	s10 =	simm.s32 @!p0 $0x4400;
	s7 =	simm.s32 @!p0 $0x7D;
	s9 =	simm.s32 @!p0 $0x180  }
0x5a: {  	[tilespmem:s10], [sflag:$0x4] =	stream.indirect.gather @!p0 [hbm4b:s4+s7], $0x80, s9, s7, $0xb8;
	[tilespmem:$0x1C400] =	vst v63  }
0x5b: {  	s9 =	simm.s32 @!p0 $0x3  }
0x5c: {  	_ =	swait.ge @!p0 [sflag:s9], $0x3E80  }
0x5d: {  	[sflag:s9] =	ssyncset.done @!p0 $0x0  }
0x5e: {  	s10 =	simm.s32 @!p0 $0x400;
	[sflag:s9] =	ssyncadd.s32 @!p0 $0xFFFFC180;
	s9 =	simm.s32 @!p0 $0x300  }
0x5f: {  	[spmem:s1] =	stream.indirect.scatter.add.f32 @!p0 [tilespmem:s10], [sflag:$0x5], $0x80, s9, s7, $0xb8;
	[tilespmem:$0x1C400] =	vst v63  }
0x60: {  	s9 =	simm.s32 @!p0 $0x5  }
0x61: {  	_ =	swait.ge @!p0 [sflag:s9], $0x3E80  }
0x62: {  	[sflag:s9] =	ssyncset.done @!p0 $0x0  }
0x63: {  	[sflag:s9] =	ssyncadd.s32 @!p0 $0xFFFFC180;
	s9 =	simm.s32 @!p0 $0x1  }
0x64: {  	_ =	swait.ge @!p0 [sflag:s9], $0x100  }
0x65: {  	[sflag:s9] =	ssyncset.done @!p0 $0x0  }
0x66: {  	[sflag:s9] =	ssyncadd.s32 @!p0 $0xFFFFFF00  }
0x67: {  	_ =	swait.ge @!p0 [sflag:s9], $0x100  }
0x68: {  	[sflag:s9] =	ssyncset.done @!p0 $0x0  }
0x69: {  	[sflag:s9] =	ssyncadd.s32 @!p0 $0xFFFFFF00  }
0x6a: {  	[tilespmem:s10], [sflag:$0x3] =	stream.indirect.gather @!p0 [hbm4b:s4+s7], $0x80, s8, s7, $0xb8;
	[tilespmem:$0x1C400] =	vst v63  }
0x6b: {  	_ =	swait.ge [sflag:s30], $0x3E80  }
0x6c: {  	[sflag:s30] =	ssyncset.done $0x0  }
.Ltmp2:
0x6d: {  	[sflag:s30] =	ssyncadd.s32 $0xFFFFC180;
	(pc) =	sbr.rel @p0 .LBB2_4-.Ltmp2, $4  }
0x6e: {  	[spmem:s1] =	stream.indirect.scatter.add.f32 [tilespmem:s26], [sflag:$0x5], $0x80, s0, s23, $0xb8;
	[tilespmem:$0x1C400] =	vst v63  }
0x6f: {  	_ =	swait.ge [sflag:s21], $0x3E80  }
0x70: {  	[sflag:s21] =	ssyncset.done $0x0  }
0x71: {  	[sflag:s21] =	ssyncadd.s32 $0xFFFFC180  }
.Ltmp3:
0x72: {  	(pc) =	sbr.rel .LBB2_2-.Ltmp3, $4  }
0x73: {  	s7 =	sadd.s32 s6, s15  }
0x74: {  	[tilespmem:s19], [sflag:$0x2] =	stream.linear.gather [hbm4b:s7+s3], $0x100, $0x38;
	[tilespmem:$0x1C400] =	vst v63  }
0x75: {  	s10 =	sadd.s32 s6, s14;
	s6 =	sadd.s32 $0x40, s6  }
0x76: {  	[tilespmem:s20], [sflag:$0x2] =	stream.linear.gather [hbm4b:s10+s3], $0x100, $0x38;
	[tilespmem:$0x1C400] =	vst v63  }
.LBB2_5:
0x77: {  	_ =	sfence.sel $0x180000  }
0x78: {  	[bflag:$0x0] =	sbarrier.arrive $0xFFFF  }
0x79: {  	_ =	strace $0x90000047  }
0x7a: {  	s0 =	stileid.u32;
	[bflag:$0x2] =	sbarrier.arrive $0xFFFF  }
0x7b: {  	p0 =	sne.s32 s0, $0x0;
	s0 =	rddreg [dreg:$0x2]  }
0x7c: {  	s0 =	sadd.s32 @!p0 $0x100000, s0  }
0x7d: {  	[sflag:s0] =	ssyncadd.tile.s32 @!p0 $0x1;
	_ =	shalt  }
.Lfunc_end2:
_tile_overlayer_lowered:
.L_overlay_start_2:
0x7e: {  	(tag) =	ssettag $0x2  }
0x7f: {  	s0 =	rddreg [dreg:$0x0];
	s2 =	stileid.u32  }
0x80: {  	s1 =	rddreg [dreg:$0x1];
	p0 =	sne.s32 s2, $0x0  }
0x81: {  	s3 =	rddreg [dreg:$0x2];
	[bflag:$0x3] =	sbarrier.arrive $0xFFFF;
	s2 =	simm.s32 @!p0 $0x1C05  }
0x82: {  	[timem:s3], [sflag:s2] =	dma.local @!p0 [hbm:s0], s1  }
0x83: {  	s0 =	simm.s32 @!p0 $0x5  }
0x84: {  	_ =	swait.ge @!p0 [sflag:s0], s1  }
0x85: {  	s1 =	ssub.s32 @!p0 $0x0, s1;
	[sflag:s0] =	ssyncset.done @!p0 $0x0  }
0x86: {  	[sflag:s0] =	ssyncadd.s32 @!p0 s1  }
0x87: {  	[bflag:$0x3] =	sbarrier.arrive $0xFFFF  }
0x88: {  	_ =	shalt  }

// kernel: kernel.15.cloned.1.call-start
scs
__scs_entry_jumppad:
0x0: {  	(pc) =	sbr.rel $0x88, $3  }
0x1: {  	(tag) =	ssettag $0x0;
	lr =	simm.s32 $0x1  }
0x2: {  	[smem:$0x3F91] =	sst lr;
	_ =	strace $0xD0000000  }
0x3: {  	_ = 	snop  }
0x4: {  	_ = 	snop  }
0x5: {  	_ = 	snop  }
0x6: {  	_ = 	snop  }
0x7: {  	_ = 	snop  }
__scs_overlays_trampoline_lowered:
0x8: {  	[smem:$0x3FA0] =	sst s0  }
0x9: {  	[smem:$0x3FA1] =	sst s1  }
0xa: {  	[smem:$0x3FA2] =	sst s2  }
0xb: {  	[smem:$0x3FA3] =	sst s3  }
0xc: {  	[smem:$0x3FA4] =	sst s4  }
0xd: {  	[smem:$0x3FA5] =	sst s5  }
0xe: {  	[smem:$0x3FA6] =	sst s6  }
0xf: {  	[smem:$0x3FA7] =	sst s7  }
0x10: {  	[smem:$0x3FA8] =	sst s8  }
0x11: {  	[smem:$0x3FA9] =	sst s9;
	s0 =	simm.s32 @!p0 $0x0  }
0x12: {  	s1 =	sld [smem:$0x3F8F];
	s0 =	simm.s32 @p0 $0x1  }
0x13: {  	[smem:$0x3FAA] =	sst s0;
	s0 =	simm.s32 @!p1 $0x0  }
0x14: {  	s2 =	sld [smem:$0x3F8E];
	s0 =	simm.s32 @p1 $0x1  }
0x15: {  	[smem:$0x3FAB] =	sst s0;
	s0 =	simm.s32 @!p2 $0x0  }
0x16: {  	s3 =	sld [smem:$0x3FDB];
	s0 =	simm.s32 @p2 $0x1  }
0x17: {  	s4 =	simm.s32 $0x1BF5;
	[smem:$0x3FAD] =	sst s0  }
0x18: {  	s0 =	sld [smem:$0x3F90];
	_ =	swait.ge [sflag:s4], $0x0  }
0x19: {  	s7 =	sld [smem:$0x3F91]  }
0x1a: {  	s8 =	sadd.s32 $0xFFFFE003, lr  }
0x1b: {  	s9 =	sadd.s32 $0xFFFFFEF7, lr;
	s5 =	simm.s32 $0xFFFFFFFF;
	p2 =	slt.u32 s8, $0xFFFFF086  }
0x1c: {  	p1 =	slt.u32 s9, $0xF7A;
	s5 =	simm.s32 @!p2 $0x0  }
0x1d: {  	s5 =	simm.s32 @p1 $0x1;
	p0 =	seq.s32 s7, s2  }
0x1e: {  	s7 =	smul.u32 @!p0 $0xF7A, s2;
	p2 =	seq.s32 @!p0 s5, $0x0  }
0x1f: {  	s9 =	smul.u32 $0xF7A, s1;
	s8 =	simm.s32 @!p0 $0x1BF5;
	p2 =	por !p2, p0  }
0x20: {  	[sflag:s8] =	ssyncset.s32 @!p0 $0xFFFFF086;
	s6 =	sadd.s32 @!p0 s3, s7;
	s7 =	simm.s32 @!p0 $0x108  }
0x21: {  	s3 =	sadd.s32 s3, s9;
	s6 =	sadd.s32 @!p0 $0x88, s6;
	s7 =	simm.s32 @p2 $0x1082  }
0x22: {  	[simem:s7], [sflag:s8] =	dma.local @!p0 [hbm:s6], $0xF7A  }
0x23: {  	s9 =	sor.u32 $0xD0000000, s2;
	s6 =	simm.s32 $0x108;
	_ =	swait.ge @!p0 [sflag:s8], $0x0  }
0x24: {  	s3 =	sadd.s32 $0x88, s3;
	s6 =	simm.s32 @!p1 $0x1082;
	[sflag:s4] =	ssyncset.s32 $0xFFFFF086  }
0x25: {  	[simem:s6], [sflag:s4] =	dma.local [hbm:s3], $0xF7A  }
0x26: {  	[smem:$0x3F91] =	sst s1;
	(tag) =	ssettag s2;
	_ =	strace s9  }
0x27: {  	s1 =	sld [smem:$0x3FA1]  }
0x28: {  	s2 =	sld [smem:$0x3FA2]  }
0x29: {  	s4 =	sld [smem:$0x3FA4]  }
0x2a: {  	p0 =	seq.s32 s5, $0x0;
	s5 =	sld [smem:$0x3FA5]  }
0x2b: {  	s6 =	sld [smem:$0x3FA6]  }
0x2c: {  	s7 =	sld [smem:$0x3FA7]  }
0x2d: {  	s3 =	simm.s32 $0x108;
	s8 =	sld [smem:$0x3FA8]  }
0x2e: {  	s3 =	simm.s32 @!p0 $0x1082;
	s9 =	sld [smem:$0x3FA9]  }
0x2f: {  	lr =	sadd.s32 s0, s3;
	s0 =	sld [smem:$0x3FA0]  }
0x30: {  	s3 =	sld [smem:$0x3FA3]  }
0x31: {  	[smem:$0x3FAC] =	sst s10  }
0x32: {  	s10 =	sld [smem:$0x3FAA];
	_ =	sdelay $0x3  }
0x33: {  	p0 =	seq.s32 s10, $0x1;
	s10 =	sld [smem:$0x3FAC];
	_ =	sdelay $0x3  }
0x34: {  	[smem:$0x3FAC] =	sst s10  }
0x35: {  	s10 =	sld [smem:$0x3FAB];
	_ =	sdelay $0x3  }
0x36: {  	p1 =	seq.s32 s10, $0x1;
	s10 =	sld [smem:$0x3FAC];
	_ =	sdelay $0x3  }
0x37: {  	[smem:$0x3FAC] =	sst s10  }
0x38: {  	s10 =	sld [smem:$0x3FAD]  }
0x39: {  	_ = 	snop;
	(pc) =	sbr.ind lr, $3  }
0x3a: {  	_ = 	snop  }
0x3b: {  	_ = 	snop  }
0x3c: {  	p2 =	seq.s32 s10, $0x1;
	s10 =	sld [smem:$0x3FAC]  }
0x3d: {  	_ =	shalt  }
0x3e: {  	_ =	shalt  }
0x3f: {  	_ =	shalt  }
0x40: {  	_ =	shalt  }
0x41: {  	_ =	shalt  }
0x42: {  	_ =	shalt  }
0x43: {  	_ =	shalt  }
0x44: {  	_ =	shalt  }
0x45: {  	_ =	shalt  }
0x46: {  	_ =	shalt  }
0x47: {  	_ =	shalt  }
0x48: {  	_ =	shalt  }
0x49: {  	_ =	shalt  }
0x4a: {  	_ =	shalt  }
0x4b: {  	_ =	shalt  }
0x4c: {  	_ =	shalt  }
0x4d: {  	_ =	shalt  }
0x4e: {  	_ =	shalt  }
0x4f: {  	_ =	shalt  }
0x50: {  	_ =	shalt  }
0x51: {  	_ =	shalt  }
0x52: {  	_ =	shalt  }
0x53: {  	_ =	shalt  }
0x54: {  	_ =	shalt  }
0x55: {  	_ =	shalt  }
0x56: {  	_ =	shalt  }
0x57: {  	_ =	shalt  }
0x58: {  	_ =	shalt  }
0x59: {  	_ =	shalt  }
0x5a: {  	_ =	shalt  }
0x5b: {  	_ =	shalt  }
0x5c: {  	_ =	shalt  }
0x5d: {  	_ =	shalt  }
0x5e: {  	_ =	shalt  }
0x5f: {  	_ =	shalt  }
0x60: {  	_ =	shalt  }
0x61: {  	_ =	shalt  }
0x62: {  	_ =	shalt  }
0x63: {  	_ =	shalt  }
0x64: {  	_ =	shalt  }
0x65: {  	_ =	shalt  }
0x66: {  	_ =	shalt  }
0x67: {  	_ =	shalt  }
0x68: {  	_ =	shalt  }
0x69: {  	_ =	shalt  }
0x6a: {  	_ =	shalt  }
0x6b: {  	_ =	shalt  }
0x6c: {  	_ =	shalt  }
0x6d: {  	_ =	shalt  }
0x6e: {  	_ =	shalt  }
0x6f: {  	_ =	shalt  }
0x70: {  	_ =	shalt  }
0x71: {  	_ =	shalt  }
0x72: {  	_ =	shalt  }
0x73: {  	_ =	shalt  }
0x74: {  	_ =	shalt  }
0x75: {  	_ =	shalt  }
0x76: {  	_ =	shalt  }
0x77: {  	_ =	shalt  }
0x78: {  	_ =	shalt  }
0x79: {  	_ =	shalt  }
0x7a: {  	_ =	shalt  }
0x7b: {  	_ =	shalt  }
0x7c: {  	_ =	shalt  }
0x7d: {  	_ =	shalt  }
0x7e: {  	_ =	shalt  }
0x7f: {  	_ =	shalt  }
0x80: {  	_ =	shalt  }
0x81: {  	_ =	shalt  }
0x82: {  	_ =	shalt  }
0x83: {  	_ =	shalt  }
0x84: {  	_ =	shalt  }
0x85: {  	_ =	shalt  }
0x86: {  	_ =	shalt  }
0x87: {  	_ =	shalt  }
.Lfunc_end0:
.L_simem_size_0:
called_computation.1_lowered:
.L_overlay_start_0:
0x88: {  	s2 =	sld [smem:$0x3FD9]  }
0x89: {  	s3 =	sld [smem:$0x3FFE];
	_ =	sdelay $0x1  }
0x8a: {  	s1 =	srdreg.scid  }
0x8b: {  	s0 =	sand.u32 $0x1, s1  }
0x8c: {  	s16 =	sshll.u32 s0, $0xA;
	s2 =	sadd.s32 s3, s2  }
0x8d: {  	s2 =	sadd.s32 s2, s16  }
0x8e: {  	[smem:$0x3FB8] =	sst s2  }
0x8f: {  	_ = 	snop  }
0x90: {  	(tm) =	ssettm $0x1  }
0x91: {  	s17 =	sld [smem:$0x3FFB];
	_ =	sdelay $0x3  }
0x92: {  	_ =	strace s17  }
0x93: {  	s2 =	sld [smem:$0x3FFC];
	_ =	sdelay $0x3  }
0x94: {  	_ =	strace s2  }
0x95: {  	s2 =	sld [smem:$0x3FFD];
	_ =	sdelay $0x3  }
0x96: {  	_ =	strace s2  }
0x97: {  	_ =	strace $0x8FFFFFFF  }
0x98: {  	s18 =	sld [smem:$0x3FDB];
	_ =	sdelay $0x1  }
0x99: {  	s19 =	simm.s32 $_scs_section_size  }
0x9a: {  	s4 =	simm.s32 $_size__tile_overlayer_lowered;
	s5 =	simm.s32 $_tile_overlayer_lowered  }
0x9b: {  	s22 =	simm.s32 $0x1BFF;
	s21 =	sshll.u32 s5, $0x1;
	s2 =	sadd.s32 s19, s18  }
0x9c: {  	s6 =	simm.s32 $0x0;
	s20 =	sshll.u32 s4, $0x1;
	s4 =	sadd.s32 s21, s2  }
0x9d: {  	[timem:s6], [sflag:s22] =	dma.local [hbm:s4], s20  }
0x9e: {  	_ =	swait.ge [sflag:s22], s20  }
0x9f: {  	s3 =	ssub.s32 $0x0, s20;
	[sflag:s22] =	ssyncset.done $0x0  }
0xa0: {  	[sflag:s22] =	ssyncadd.s32 s3;
	_ =	sdelay $0x1  }
0xa1: {  	s23 =	simm.s32 $0x1B8B  }
0xa2: {  	_ =	swait.ge [sflag:s23], $0x1  }
0xa3: {  	[sflag:s23] =	ssyncset.done $0x0  }
0xa4: {  	s25 =	simm.s32 $0x1B8E;
	s24 =	sld [smem:$0x3FFE];
	[sflag:s23] =	ssyncadd.s32 $0xFFFFFFFF  }
0xa5: {  	s26 =	simm.s32 $execute0_lowered;
	[smem:$0x3FD2] =	sst s25  }
0xa6: {  	s4 =	sshll.u32 s26, $0x1;
	_ =	strace $0x80000049;
	[dreg:$0x1] =	wrdreg $0xFFFFFFFF  }
0xa7: {  	s28 =	simm.s32 $_size_execute0_lowered;
	s2 =	sadd.s32 s2, s4;
	[dreg:$0x0] =	wrdreg $0x0  }
0xa8: {  	s4 =	sshll.u32 s28, $0x1;
	[dreg:$0x2] =	wrdreg s2  }
0xa9: {  	[dreg:$0x3] =	wrdreg s4  }
0xaa: {  	[dreg:$0x4] =	wrdreg $0xC0  }
0xab: {  	_ =	task [dreg:s6], $0x5FFFF  }
0xac: {  	[dreg:$0x1] =	wrdreg $0xFFFFFFFF  }
0xad: {  	[dreg:$0x0] =	wrdreg $0x60  }
0xae: {  	[dreg:$0x2] =	wrdreg s24  }
0xaf: {  	[dreg:$0x3] =	wrdreg $0x84000  }
0xb0: {  	[dreg:$0x4] =	wrdreg $0x9  }
0xb1: {  	_ =	task.clear_ibuf [dreg:s6], $0x5FFFF;
	_ =	strace $0x90000049  }
0xb2: {  	s29 =	simm.s32 $0x9;
	_ =	strace $0x8000004B  }
0xb3: {  	_ =	swait.ge [sflag:s29], $0x1  }
0xb4: {  	[sflag:s29] =	ssyncadd.s32 $0xFFFFFFFF  }
0xb5: {  	_ =	strace $0x9000004B  }
0xb6: {  	_ =	sfence  }
0xb7: {  	s30 =	sld [smem:$0x0];
	_ =	sdelay $0x2  }
0xb8: {  	s31 =	sshll.u32 s1, $0xD;
	s1 =	sshrl.u32 s1, $0x2  }
0xb9: {  	s3 =	sand.u32 $0x4000, s31;
	s1 =	sadd.s32 s1, s30  }
0xba: {  	s0 =	sor.u32 s3, s0;
	s1 =	sshll.u32 s1, $0x11  }
0xbb: {  	s0 =	sor.u32 s1, s0  }
0xbc: {  	s0 =	sadd.s32 $0x8F2B, s0  }
0xbd: {  	[sflag:s0] =	ssyncadd.remote.s32 $0x1  }
0xbe: {  	_ =	sfence.sel $0xFFFF  }
0xbf: {  	[dreg:$0x0] =	wrdreg $0xFFFFFFFF;
	(pc) =	sbr.abs _section_cstart, $3  }
0xc0: {  	[dreg:$0x1] =	wrdreg $0xFFFFFFFF  }
0xc1: {  	_ =	task.clear_ibuf [dreg:s6], $0x2FFFF;
	_ =	strace $0x9FFFFFFF  }
0xc2: {  	(tm) =	ssettm $0x7FFFFFFF  }
0xc3: {  	_ =	shalt  }
tec
execute0_lowered:
.L_overlay_start_1:
0x0: {  	(tag) =	ssettag $0x1  }
0x1: {  	s0 =	rddreg [dreg:$0x0]  }
0x2: {  	s1 =	rddreg [dreg:$0x1];
	s3 =	simm.s32 $0x0  }
0x3: {  	s2 =	srdreg.scid;
	s8 =	stileid.u32;
	s28 =	simm.s32 $0x3  }
0x4: {  	s29 =	simm.s32 $0x2;
	s30 =	simm.s32 $0x4;
	s31 =	simm.s32 $0x280  }
0x5: {  	[smem:$0x7FF] =	sst s3;
	s2 =	sand.u32 $0x1, s2;
	s6 =	smul.u32 $0x14000, s8  }
0x6: {  	s4 =	sadd.s32 $0x1A200, s0;
	s17 =	sadd.s32 $0x6200, s0;
	s10 =	smul.u32 $0x50000, s8  }
0x7: {  	s16 =	sadd.s32 $0x10200, s0;
	s7 =	sshll.u32 s8, $0x1;
	s11 =	smul.u32 $0x5000, s8  }
0x8: {  	s9 =	sadd.s32 $0x42200, s0;
	s12 =	sshll.u32 s8, $0x6;
	s5 =	smul.u32 $0x140000, s2  }
0x9: {  	_ =	strace $0x8000004A;
	[dreg:$0x3] =	wrdreg s9;
	s18 =	ssub.s32 $0x2, s2  }
0xa: {  	s15 =	sor.u32 s2, s7;
	s2 =	smul.u32 $0x2800, s2;
	s19 =	sshrl.u32 s18, $0x1  }
0xb: {  	s24 =	sshrl.u32 s10, $0x2;
	s5 =	sadd.s32 s6, s5;
	s6 =	smul.u32 $0x2800, s15  }
0xc: {  	s2 =	sadd.s32 s2, s11;
	s11 =	sor.u32 $0x1C05, s12;
	s5 =	sshrl.u32 s5, $0x3  }
0xd: {  	s25 =	sor.u32 $0x300, s2;
	s2 =	sor.u32 $0x200, s2;
	s0 =	sadd.s32 s5, s0  }
0xe: {  	s5 =	ssub.s32 s18, s19;
	s6 =	sshrl.u32 s6, $0x3;
	s26 =	sshrl.u32 s25, $0x3  }
0xf: {  	s2 =	sshrl.u32 s2, $0x3;
	s18 =	simm.s32 $0x200;
	s19 =	simm.s32 $0x100  }
0x10: {  	s25 =	simm.s32 $0x80;
	s20 =	sadd.s32 s17, s6;
	s21 =	sor.u32 $0x20, s6  }
0x11: {  	s6 =	sadd.s32 s16, s6;
	s12 =	sadd.s32 $0x44A00, s0;
	s13 =	smax.u32 s5, $0x1  }
0x12: {  	s14 =	sadd.s32 s26, s16;
	s15 =	sadd.s32 s26, s17;
	[dreg:$0x4] =	wrdreg s20  }
0x13: {  	s26 =	simm.s32 $0x4400;
	s0 =	simm.s32 $0x380;
	[dreg:$0x5] =	wrdreg s6  }
.Ltmp0:
0x14: {  	s22 =	sadd.s32 s17, s21;
	s23 =	sadd.s32 s16, s21;
	(pc) =	sbr.rel .LBB2_1-.Ltmp0, $4  }
0x15: {  	s6 =	sadd.s32 s24, s1;
	s16 =	sadd.s32 s2, s16;
	s17 =	sadd.s32 s2, s17  }
0x16: {  	s20 =	simm.s32 $0x300;
	s21 =	simm.s32 $0x5;
	[dreg:$0x6] =	wrdreg s22  }
0x17: {  	s24 =	simm.s32 $0x400;
	s2 =	simm.s32 $0x0;
	[dreg:$0x7] =	wrdreg s23  }
0x18: {  	[dreg:$0x8] =	wrdreg s6;
	s22 =	simm.s32 $0x1;
	s23 =	simm.s32 $0x7D  }
.LBB2_4:
0x19: {  	s2 =	sadd.s32 $0x1, s2  }
0x1a: {  	p0 =	sne.s32 s2, s13  }
.Ltmp1:
0x1b: {  	[bflag:$0x0] =	sbarrier.arrive $0xFFFF;
	(pc) =	sbr.rel @!p0 .LBB2_5-.Ltmp1, $4  }
0x1c: {  	[hbm:s12], [sflag:s11] =	dma.local [spmem:s5], $0x2800  }
0x1d: {  	_ =	swait.ge [sflag:s21], $0x2800  }
0x1e: {  	[sflag:s21] =	ssyncset.done $0x0  }
0x1f: {  	[sflag:s21] =	ssyncadd.s32 $0xFFFFD800  }
.LBB2_1:
0x20: {  	s5 =	rddreg [dreg:$0x4]  }
0x21: {  	s7 =	rddreg [dreg:$0x5]  }
0x22: {  	s8 =	rddreg [dreg:$0x6]  }
0x23: {  	[tilespmem:s3], [sflag:$0x1] =	stream.linear.gather [hbm4b:s5+s3], $0x100, $0x38;
	[tilespmem:$0x1C400] =	vst v63  }
0x24: {  	s9 =	rddreg [dreg:$0x7]  }
0x25: {  	[tilespmem:s18], [sflag:$0x1] =	stream.linear.gather [hbm4b:s7+s3], $0x100, $0x38;
	[tilespmem:$0x1C400] =	vst v63  }
0x26: {  	s10 =	rddreg [dreg:$0x8]  }
0x27: {  	[tilespmem:s19], [sflag:$0x2] =	stream.linear.gather [hbm4b:s8+s3], $0x100, $0x38;
	[tilespmem:$0x1C400] =	vst v63  }
0x28: {  	s6 =	rddreg [dreg:$0x3];
	s5 =	sshrl.u32 s10, $0x3  }
0x29: {  	[tilespmem:s20], [sflag:$0x2] =	stream.linear.gather [hbm4b:s9+s3], $0x100, $0x38;
	[tilespmem:$0x1C400] =	vst v63  }
0x2a: {  	[spmem:s5], [sflag:s11] =	dma.local [hbm:s6], $0x2800  }
0x2b: {  	_ =	swait.ge [sflag:s21], $0x2800  }
0x2c: {  	[sflag:s21] =	ssyncset.done $0x0  }
0x2d: {  	[sflag:s21] =	ssyncadd.s32 $0xFFFFD800  }
0x2e: {  	[bflag:$0x0] =	sbarrier.arrive $0xFFFF  }
0x2f: {  	_ =	swait.ge [sflag:s22], $0x100  }
0x30: {  	[sflag:s22] =	ssyncset.done $0x0  }
0x31: {  	[sflag:s22] =	ssyncadd.s32 $0xFFFFFF00  }
0x32: {  	_ =	swait.ge [sflag:s22], $0x100  }
0x33: {  	[sflag:s22] =	ssyncset.done $0x0  }
0x34: {  	s6 =	simm.s32 $0x0;
	[sflag:s22] =	ssyncadd.s32 $0xFFFFFF00  }
0x35: {  	[tilespmem:s24], [sflag:$0x3] =	stream.indirect.gather [hbm4b:s4+s23], $0x80, s3, s23, $0xb8;
	[tilespmem:$0x1C400] =	vst v63  }
.LBB2_2:
0x36: {  	[tilespmem:s26], [sflag:$0x4] =	stream.indirect.gather [hbm4b:s4+s23], $0x80, s25, s23, $0xb8;
	[tilespmem:$0x1C400] =	vst v63  }
0x37: {  	_ =	swait.ge [sflag:s28], $0x3E80  }
0x38: {  	[sflag:s28] =	ssyncset.done $0x0  }
0x39: {  	[sflag:s28] =	ssyncadd.s32 $0xFFFFC180  }
0x3a: {  	[spmem:s1] =	stream.indirect.scatter.add.f32 [tilespmem:s24], [sflag:$0x5], $0x80, s18, s23, $0xb8;
	[tilespmem:$0x1C400] =	vst v63  }
0x3b: {  	_ =	swait.ge [sflag:s21], $0x3E80  }
0x3c: {  	[sflag:s21] =	ssyncset.done $0x0  }
0x3d: {  	[sflag:s21] =	ssyncadd.s32 $0xFFFFC180  }
0x3e: {  	_ =	swait.ge [sflag:s29], $0x100  }
0x3f: {  	[sflag:s29] =	ssyncset.done $0x0  }
0x40: {  	[sflag:s29] =	ssyncadd.s32 $0xFFFFFF00  }
0x41: {  	_ =	swait.ge [sflag:s29], $0x100  }
0x42: {  	[sflag:s29] =	ssyncset.done $0x0  }
0x43: {  	[sflag:s29] =	ssyncadd.s32 $0xFFFFFF00  }
0x44: {  	[tilespmem:s24], [sflag:$0x3] =	stream.indirect.gather [hbm4b:s4+s23], $0x80, s19, s23, $0xb8;
	[tilespmem:$0x1C400] =	vst v63  }
0x45: {  	_ =	swait.ge [sflag:s30], $0x3E80  }
0x46: {  	[sflag:s30] =	ssyncset.done $0x0  }
0x47: {  	[sflag:s30] =	ssyncadd.s32 $0xFFFFC180  }
0x48: {  	[spmem:s1] =	stream.indirect.scatter.add.f32 [tilespmem:s26], [sflag:$0x5], $0x80, s31, s23, $0xb8;
	[tilespmem:$0x1C400] =	vst v63  }
0x49: {  	p0 =	seq.s32 s6, $0x4C0;
	_ =	swait.ge [sflag:s21], $0x3E80  }
0x4a: {  	s7 =	simm.s32 @p0 $0x7D;
	[sflag:s21] =	ssyncset.done $0x0  }
0x4b: {  	s8 =	simm.s32 @p0 $0x180;
	s9 =	simm.s32 @p0 $0x4400;
	[sflag:s21] =	ssyncadd.s32 $0xFFFFC180  }
0x4c: {  	[tilespmem:s9], [sflag:$0x4] =	stream.indirect.gather @p0 [hbm4b:s4+s7], $0x80, s8, s7, $0xb8;
	[tilespmem:$0x1C400] =	vst v63  }
0x4d: {  	s8 =	simm.s32 @p0 $0x3  }
0x4e: {  	_ =	swait.ge @p0 [sflag:s8], $0x3E80  }
0x4f: {  	[sflag:s8] =	ssyncset.done @p0 $0x0  }
0x50: {  	s9 =	simm.s32 @p0 $0x400;
	[sflag:s8] =	ssyncadd.s32 @p0 $0xFFFFC180;
	s8 =	simm.s32 @p0 $0x300  }
0x51: {  	[spmem:s1] =	stream.indirect.scatter.add.f32 @p0 [tilespmem:s9], [sflag:$0x5], $0x80, s8, s7, $0xb8;
	[tilespmem:$0x1C400] =	vst v63  }
0x52: {  	s7 =	simm.s32 @p0 $0x5  }
0x53: {  	_ =	swait.ge @p0 [sflag:s7], $0x3E80  }
0x54: {  	[sflag:s7] =	ssyncset.done @p0 $0x0  }
0x55: {  	s8 =	simm.s32 @!p0 $0x0;
	[sflag:s7] =	ssyncadd.s32 @p0 $0xFFFFC180;
	s7 =	sadd.s32 @!p0 s6, s17  }
0x56: {  	[tilespmem:s8], [sflag:$0x1] =	stream.linear.gather @!p0 [hbm4b:s7+s8], $0x100, $0x38;
	[tilespmem:$0x1C400] =	vst v63  }
0x57: {  	s9 =	simm.s32 @!p0 $0x200;
	s7 =	sadd.s32 @!p0 s6, s16  }
0x58: {  	[tilespmem:s9], [sflag:$0x1] =	stream.linear.gather @!p0 [hbm4b:s7+s8], $0x100, $0x38;
	[tilespmem:$0x1C400] =	vst v63  }
0x59: {  	s10 =	simm.s32 @!p0 $0x4400;
	s7 =	simm.s32 @!p0 $0x7D;
	s9 =	simm.s32 @!p0 $0x180  }
0x5a: {  	[tilespmem:s10], [sflag:$0x4] =	stream.indirect.gather @!p0 [hbm4b:s4+s7], $0x80, s9, s7, $0xb8;
	[tilespmem:$0x1C400] =	vst v63  }
0x5b: {  	s9 =	simm.s32 @!p0 $0x3  }
0x5c: {  	_ =	swait.ge @!p0 [sflag:s9], $0x3E80  }
0x5d: {  	[sflag:s9] =	ssyncset.done @!p0 $0x0  }
0x5e: {  	s10 =	simm.s32 @!p0 $0x400;
	[sflag:s9] =	ssyncadd.s32 @!p0 $0xFFFFC180;
	s9 =	simm.s32 @!p0 $0x300  }
0x5f: {  	[spmem:s1] =	stream.indirect.scatter.add.f32 @!p0 [tilespmem:s10], [sflag:$0x5], $0x80, s9, s7, $0xb8;
	[tilespmem:$0x1C400] =	vst v63  }
0x60: {  	s9 =	simm.s32 @!p0 $0x5  }
0x61: {  	_ =	swait.ge @!p0 [sflag:s9], $0x3E80  }
0x62: {  	[sflag:s9] =	ssyncset.done @!p0 $0x0  }
0x63: {  	[sflag:s9] =	ssyncadd.s32 @!p0 $0xFFFFC180;
	s9 =	simm.s32 @!p0 $0x1  }
0x64: {  	_ =	swait.ge @!p0 [sflag:s9], $0x100  }
0x65: {  	[sflag:s9] =	ssyncset.done @!p0 $0x0  }
0x66: {  	[sflag:s9] =	ssyncadd.s32 @!p0 $0xFFFFFF00  }
0x67: {  	_ =	swait.ge @!p0 [sflag:s9], $0x100  }
0x68: {  	[sflag:s9] =	ssyncset.done @!p0 $0x0  }
0x69: {  	[sflag:s9] =	ssyncadd.s32 @!p0 $0xFFFFFF00  }
0x6a: {  	[tilespmem:s10], [sflag:$0x3] =	stream.indirect.gather @!p0 [hbm4b:s4+s7], $0x80, s8, s7, $0xb8;
	[tilespmem:$0x1C400] =	vst v63  }
0x6b: {  	_ =	swait.ge [sflag:s30], $0x3E80  }
0x6c: {  	[sflag:s30] =	ssyncset.done $0x0  }
.Ltmp2:
0x6d: {  	[sflag:s30] =	ssyncadd.s32 $0xFFFFC180;
	(pc) =	sbr.rel @p0 .LBB2_4-.Ltmp2, $4  }
0x6e: {  	[spmem:s1] =	stream.indirect.scatter.add.f32 [tilespmem:s26], [sflag:$0x5], $0x80, s0, s23, $0xb8;
	[tilespmem:$0x1C400] =	vst v63  }
0x6f: {  	_ =	swait.ge [sflag:s21], $0x3E80  }
0x70: {  	[sflag:s21] =	ssyncset.done $0x0  }
0x71: {  	[sflag:s21] =	ssyncadd.s32 $0xFFFFC180  }
.Ltmp3:
0x72: {  	(pc) =	sbr.rel .LBB2_2-.Ltmp3, $4  }
0x73: {  	s7 =	sadd.s32 s6, s15  }
0x74: {  	[tilespmem:s19], [sflag:$0x2] =	stream.linear.gather [hbm4b:s7+s3], $0x100, $0x38;
	[tilespmem:$0x1C400] =	vst v63  }
0x75: {  	s10 =	sadd.s32 s6, s14;
	s6 =	sadd.s32 $0x40, s6  }
0x76: {  	[tilespmem:s20], [sflag:$0x2] =	stream.linear.gather [hbm4b:s10+s3], $0x100, $0x38;
	[tilespmem:$0x1C400] =	vst v63  }
.LBB2_5:
0x77: {  	_ =	sfence.sel $0x180000  }
0x78: {  	[bflag:$0x0] =	sbarrier.arrive $0xFFFF  }
0x79: {  	_ =	strace $0x9000004A  }
0x7a: {  	s0 =	stileid.u32;
	[bflag:$0x2] =	sbarrier.arrive $0xFFFF  }
0x7b: {  	p0 =	sne.s32 s0, $0x0;
	s0 =	rddreg [dreg:$0x2]  }
0x7c: {  	s0 =	sadd.s32 @!p0 $0x100000, s0  }
0x7d: {  	[sflag:s0] =	ssyncadd.tile.s32 @!p0 $0x1;
	_ =	shalt  }
.Lfunc_end2:
_tile_overlayer_lowered:
.L_overlay_start_2:
0x7e: {  	(tag) =	ssettag $0x2  }
0x7f: {  	s0 =	rddreg [dreg:$0x0];
	s2 =	stileid.u32  }
0x80: {  	s1 =	rddreg [dreg:$0x1];
	p0 =	sne.s32 s2, $0x0  }
0x81: {  	s3 =	rddreg [dreg:$0x2];
	[bflag:$0x3] =	sbarrier.arrive $0xFFFF;
	s2 =	simm.s32 @!p0 $0x1C05  }
0x82: {  	[timem:s3], [sflag:s2] =	dma.local @!p0 [hbm:s0], s1  }
0x83: {  	s0 =	simm.s32 @!p0 $0x5  }
0x84: {  	_ =	swait.ge @!p0 [sflag:s0], s1  }
0x85: {  	s1 =	ssub.s32 @!p0 $0x0, s1;
	[sflag:s0] =	ssyncset.done @!p0 $0x0  }
0x86: {  	[sflag:s0] =	ssyncadd.s32 @!p0 s1  }
0x87: {  	[bflag:$0x3] =	sbarrier.arrive $0xFFFF  }
0x88: {  	_ =	shalt  }

// kernel: kernel.18.cloned.1.call-start
scs
__scs_entry_jumppad:
0x0: {  	(pc) =	sbr.rel $0x88, $3  }
0x1: {  	(tag) =	ssettag $0x0;
	lr =	simm.s32 $0x1  }
0x2: {  	[smem:$0x3F91] =	sst lr;
	_ =	strace $0xD0000000  }
0x3: {  	_ = 	snop  }
0x4: {  	_ = 	snop  }
0x5: {  	_ = 	snop  }
0x6: {  	_ = 	snop  }
0x7: {  	_ = 	snop  }
__scs_overlays_trampoline_lowered:
0x8: {  	[smem:$0x3FA0] =	sst s0  }
0x9: {  	[smem:$0x3FA1] =	sst s1  }
0xa: {  	[smem:$0x3FA2] =	sst s2  }
0xb: {  	[smem:$0x3FA3] =	sst s3  }
0xc: {  	[smem:$0x3FA4] =	sst s4  }
0xd: {  	[smem:$0x3FA5] =	sst s5  }
0xe: {  	[smem:$0x3FA6] =	sst s6  }
0xf: {  	[smem:$0x3FA7] =	sst s7  }
0x10: {  	[smem:$0x3FA8] =	sst s8  }
0x11: {  	[smem:$0x3FA9] =	sst s9;
	s0 =	simm.s32 @!p0 $0x0  }
0x12: {  	s1 =	sld [smem:$0x3F8F];
	s0 =	simm.s32 @p0 $0x1  }
0x13: {  	[smem:$0x3FAA] =	sst s0;
	s0 =	simm.s32 @!p1 $0x0  }
0x14: {  	s2 =	sld [smem:$0x3F8E];
	s0 =	simm.s32 @p1 $0x1  }
0x15: {  	[smem:$0x3FAB] =	sst s0;
	s0 =	simm.s32 @!p2 $0x0  }
0x16: {  	s3 =	sld [smem:$0x3FDB];
	s0 =	simm.s32 @p2 $0x1  }
0x17: {  	s4 =	simm.s32 $0x1BF5;
	[smem:$0x3FAD] =	sst s0  }
0x18: {  	s0 =	sld [smem:$0x3F90];
	_ =	swait.ge [sflag:s4], $0x0  }
0x19: {  	s7 =	sld [smem:$0x3F91]  }
0x1a: {  	s8 =	sadd.s32 $0xFFFFE003, lr  }
0x1b: {  	s9 =	sadd.s32 $0xFFFFFEF7, lr;
	s5 =	simm.s32 $0xFFFFFFFF;
	p2 =	slt.u32 s8, $0xFFFFF086  }
0x1c: {  	p1 =	slt.u32 s9, $0xF7A;
	s5 =	simm.s32 @!p2 $0x0  }
0x1d: {  	s5 =	simm.s32 @p1 $0x1;
	p0 =	seq.s32 s7, s2  }
0x1e: {  	s7 =	smul.u32 @!p0 $0xF7A, s2;
	p2 =	seq.s32 @!p0 s5, $0x0  }
0x1f: {  	s9 =	smul.u32 $0xF7A, s1;
	s8 =	simm.s32 @!p0 $0x1BF5;
	p2 =	por !p2, p0  }
0x20: {  	[sflag:s8] =	ssyncset.s32 @!p0 $0xFFFFF086;
	s6 =	sadd.s32 @!p0 s3, s7;
	s7 =	simm.s32 @!p0 $0x108  }
0x21: {  	s3 =	sadd.s32 s3, s9;
	s6 =	sadd.s32 @!p0 $0x88, s6;
	s7 =	simm.s32 @p2 $0x1082  }
0x22: {  	[simem:s7], [sflag:s8] =	dma.local @!p0 [hbm:s6], $0xF7A  }
0x23: {  	s9 =	sor.u32 $0xD0000000, s2;
	s6 =	simm.s32 $0x108;
	_ =	swait.ge @!p0 [sflag:s8], $0x0  }
0x24: {  	s3 =	sadd.s32 $0x88, s3;
	s6 =	simm.s32 @!p1 $0x1082;
	[sflag:s4] =	ssyncset.s32 $0xFFFFF086  }
0x25: {  	[simem:s6], [sflag:s4] =	dma.local [hbm:s3], $0xF7A  }
0x26: {  	[smem:$0x3F91] =	sst s1;
	(tag) =	ssettag s2;
	_ =	strace s9  }
0x27: {  	s1 =	sld [smem:$0x3FA1]  }
0x28: {  	s2 =	sld [smem:$0x3FA2]  }
0x29: {  	s4 =	sld [smem:$0x3FA4]  }
0x2a: {  	p0 =	seq.s32 s5, $0x0;
	s5 =	sld [smem:$0x3FA5]  }
0x2b: {  	s6 =	sld [smem:$0x3FA6]  }
0x2c: {  	s7 =	sld [smem:$0x3FA7]  }
0x2d: {  	s3 =	simm.s32 $0x108;
	s8 =	sld [smem:$0x3FA8]  }
0x2e: {  	s3 =	simm.s32 @!p0 $0x1082;
	s9 =	sld [smem:$0x3FA9]  }
0x2f: {  	lr =	sadd.s32 s0, s3;
	s0 =	sld [smem:$0x3FA0]  }
0x30: {  	s3 =	sld [smem:$0x3FA3]  }
0x31: {  	[smem:$0x3FAC] =	sst s10  }
0x32: {  	s10 =	sld [smem:$0x3FAA];
	_ =	sdelay $0x3  }
0x33: {  	p0 =	seq.s32 s10, $0x1;
	s10 =	sld [smem:$0x3FAC];
	_ =	sdelay $0x3  }
0x34: {  	[smem:$0x3FAC] =	sst s10  }
0x35: {  	s10 =	sld [smem:$0x3FAB];
	_ =	sdelay $0x3  }
0x36: {  	p1 =	seq.s32 s10, $0x1;
	s10 =	sld [smem:$0x3FAC];
	_ =	sdelay $0x3  }
0x37: {  	[smem:$0x3FAC] =	sst s10  }
0x38: {  	s10 =	sld [smem:$0x3FAD]  }
0x39: {  	_ = 	snop;
	(pc) =	sbr.ind lr, $3  }
0x3a: {  	_ = 	snop  }
0x3b: {  	_ = 	snop  }
0x3c: {  	p2 =	seq.s32 s10, $0x1;
	s10 =	sld [smem:$0x3FAC]  }
0x3d: {  	_ =	shalt  }
0x3e: {  	_ =	shalt  }
0x3f: {  	_ =	shalt  }
0x40: {  	_ =	shalt  }
0x41: {  	_ =	shalt  }
0x42: {  	_ =	shalt  }
0x43: {  	_ =	shalt  }
0x44: {  	_ =	shalt  }
0x45: {  	_ =	shalt  }
0x46: {  	_ =	shalt  }
0x47: {  	_ =	shalt  }
0x48: {  	_ =	shalt  }
0x49: {  	_ =	shalt  }
0x4a: {  	_ =	shalt  }
0x4b: {  	_ =	shalt  }
0x4c: {  	_ =	shalt  }
0x4d: {  	_ =	shalt  }
0x4e: {  	_ =	shalt  }
0x4f: {  	_ =	shalt  }
0x50: {  	_ =	shalt  }
0x51: {  	_ =	shalt  }
0x52: {  	_ =	shalt  }
0x53: {  	_ =	shalt  }
0x54: {  	_ =	shalt  }
0x55: {  	_ =	shalt  }
0x56: {  	_ =	shalt  }
0x57: {  	_ =	shalt  }
0x58: {  	_ =	shalt  }
0x59: {  	_ =	shalt  }
0x5a: {  	_ =	shalt  }
0x5b: {  	_ =	shalt  }
0x5c: {  	_ =	shalt  }
0x5d: {  	_ =	shalt  }
0x5e: {  	_ =	shalt  }
0x5f: {  	_ =	shalt  }
0x60: {  	_ =	shalt  }
0x61: {  	_ =	shalt  }
0x62: {  	_ =	shalt  }
0x63: {  	_ =	shalt  }
0x64: {  	_ =	shalt  }
0x65: {  	_ =	shalt  }
0x66: {  	_ =	shalt  }
0x67: {  	_ =	shalt  }
0x68: {  	_ =	shalt  }
0x69: {  	_ =	shalt  }
0x6a: {  	_ =	shalt  }
0x6b: {  	_ =	shalt  }
0x6c: {  	_ =	shalt  }
0x6d: {  	_ =	shalt  }
0x6e: {  	_ =	shalt  }
0x6f: {  	_ =	shalt  }
0x70: {  	_ =	shalt  }
0x71: {  	_ =	shalt  }
0x72: {  	_ =	shalt  }
0x73: {  	_ =	shalt  }
0x74: {  	_ =	shalt  }
0x75: {  	_ =	shalt  }
0x76: {  	_ =	shalt  }
0x77: {  	_ =	shalt  }
0x78: {  	_ =	shalt  }
0x79: {  	_ =	shalt  }
0x7a: {  	_ =	shalt  }
0x7b: {  	_ =	shalt  }
0x7c: {  	_ =	shalt  }
0x7d: {  	_ =	shalt  }
0x7e: {  	_ =	shalt  }
0x7f: {  	_ =	shalt  }
0x80: {  	_ =	shalt  }
0x81: {  	_ =	shalt  }
0x82: {  	_ =	shalt  }
0x83: {  	_ =	shalt  }
0x84: {  	_ =	shalt  }
0x85: {  	_ =	shalt  }
0x86: {  	_ =	shalt  }
0x87: {  	_ =	shalt  }
.Lfunc_end0:
.L_simem_size_0:
called_computation.2_lowered:
.L_overlay_start_0:
0x88: {  	s2 =	sld [smem:$0x3FD9]  }
0x89: {  	s3 =	sld [smem:$0x3FFE];
	_ =	sdelay $0x1  }
0x8a: {  	s1 =	srdreg.scid  }
0x8b: {  	s0 =	sand.u32 $0x1, s1  }
0x8c: {  	s16 =	sshll.u32 s0, $0xA;
	s2 =	sadd.s32 s3, s2  }
0x8d: {  	s2 =	sadd.s32 s2, s16  }
0x8e: {  	[smem:$0x3FB8] =	sst s2  }
0x8f: {  	_ = 	snop  }
0x90: {  	(tm) =	ssettm $0x1  }
0x91: {  	s17 =	sld [smem:$0x3FFB];
	_ =	sdelay $0x3  }
0x92: {  	_ =	strace s17  }
0x93: {  	s2 =	sld [smem:$0x3FFC];
	_ =	sdelay $0x3  }
0x94: {  	_ =	strace s2  }
0x95: {  	s2 =	sld [smem:$0x3FFD];
	_ =	sdelay $0x3  }
0x96: {  	_ =	strace s2  }
0x97: {  	_ =	strace $0x8FFFFFFF  }
0x98: {  	s18 =	sld [smem:$0x3FDB];
	_ =	sdelay $0x1  }
0x99: {  	s19 =	simm.s32 $_scs_section_size  }
0x9a: {  	s4 =	simm.s32 $_size__tile_overlayer_lowered;
	s5 =	simm.s32 $_tile_overlayer_lowered  }
0x9b: {  	s22 =	simm.s32 $0x1BFF;
	s21 =	sshll.u32 s5, $0x1;
	s2 =	sadd.s32 s19, s18  }
0x9c: {  	s6 =	simm.s32 $0x0;
	s20 =	sshll.u32 s4, $0x1;
	s4 =	sadd.s32 s21, s2  }
0x9d: {  	[timem:s6], [sflag:s22] =	dma.local [hbm:s4], s20  }
0x9e: {  	_ =	swait.ge [sflag:s22], s20  }
0x9f: {  	s3 =	ssub.s32 $0x0, s20;
	[sflag:s22] =	ssyncset.done $0x0  }
0xa0: {  	[sflag:s22] =	ssyncadd.s32 s3;
	_ =	sdelay $0x1  }
0xa1: {  	s23 =	simm.s32 $0x1B8B  }
0xa2: {  	_ =	swait.ge [sflag:s23], $0x1  }
0xa3: {  	[sflag:s23] =	ssyncset.done $0x0  }
0xa4: {  	s25 =	simm.s32 $0x1B8E;
	s24 =	sld [smem:$0x3FFE];
	[sflag:s23] =	ssyncadd.s32 $0xFFFFFFFF  }
0xa5: {  	s26 =	simm.s32 $execute0_lowered;
	[smem:$0x3FD2] =	sst s25  }
0xa6: {  	s4 =	sshll.u32 s26, $0x1;
	_ =	strace $0x8000004C;
	[dreg:$0x1] =	wrdreg $0xFFFFFFFF  }
0xa7: {  	s28 =	simm.s32 $_size_execute0_lowered;
	s2 =	sadd.s32 s2, s4;
	[dreg:$0x0] =	wrdreg $0x0  }
0xa8: {  	s4 =	sshll.u32 s28, $0x1;
	[dreg:$0x2] =	wrdreg s2  }
0xa9: {  	[dreg:$0x3] =	wrdreg s4  }
0xaa: {  	[dreg:$0x4] =	wrdreg $0xC0  }
0xab: {  	_ =	task [dreg:s6], $0x5FFFF  }
0xac: {  	[dreg:$0x1] =	wrdreg $0xFFFFFFFF  }
0xad: {  	[dreg:$0x0] =	wrdreg $0x60  }
0xae: {  	[dreg:$0x2] =	wrdreg s24  }
0xaf: {  	[dreg:$0x3] =	wrdreg $0x84000  }
0xb0: {  	[dreg:$0x4] =	wrdreg $0x9  }
0xb1: {  	_ =	task.clear_ibuf [dreg:s6], $0x5FFFF;
	_ =	strace $0x9000004C  }
0xb2: {  	s29 =	simm.s32 $0x9;
	_ =	strace $0x8000004E  }
0xb3: {  	_ =	swait.ge [sflag:s29], $0x1  }
0xb4: {  	[sflag:s29] =	ssyncadd.s32 $0xFFFFFFFF  }
0xb5: {  	_ =	strace $0x9000004E  }
0xb6: {  	_ =	sfence  }
0xb7: {  	s30 =	sld [smem:$0x0];
	_ =	sdelay $0x2  }
0xb8: {  	s31 =	sshll.u32 s1, $0xD;
	s1 =	sshrl.u32 s1, $0x2  }
0xb9: {  	s3 =	sand.u32 $0x4000, s31;
	s1 =	sadd.s32 s1, s30  }
0xba: {  	s0 =	sor.u32 s3, s0;
	s1 =	sshll.u32 s1, $0x11  }
0xbb: {  	s0 =	sor.u32 s1, s0  }
0xbc: {  	s0 =	sadd.s32 $0x8F2B, s0  }
0xbd: {  	[sflag:s0] =	ssyncadd.remote.s32 $0x1  }
0xbe: {  	_ =	sfence.sel $0xFFFF  }
0xbf: {  	[dreg:$0x0] =	wrdreg $0xFFFFFFFF;
	(pc) =	sbr.abs _section_cstart, $3  }
0xc0: {  	[dreg:$0x1] =	wrdreg $0xFFFFFFFF  }
0xc1: {  	_ =	task.clear_ibuf [dreg:s6], $0x2FFFF;
	_ =	strace $0x9FFFFFFF  }
0xc2: {  	(tm) =	ssettm $0x7FFFFFFF  }
0xc3: {  	_ =	shalt  }
tec
execute0_lowered:
.L_overlay_start_1:
0x0: {  	(tag) =	ssettag $0x1  }
0x1: {  	s0 =	rddreg [dreg:$0x0]  }
0x2: {  	s1 =	rddreg [dreg:$0x1];
	s3 =	simm.s32 $0x0  }
0x3: {  	s2 =	srdreg.scid;
	s8 =	stileid.u32;
	s28 =	simm.s32 $0x3  }
0x4: {  	s29 =	simm.s32 $0x2;
	s30 =	simm.s32 $0x4;
	s31 =	simm.s32 $0x280  }
0x5: {  	[smem:$0x7FF] =	sst s3;
	s2 =	sand.u32 $0x1, s2;
	s6 =	smul.u32 $0x14000, s8  }
0x6: {  	s4 =	sadd.s32 $0x1A200, s0;
	s17 =	sadd.s32 $0x6200, s0;
	s10 =	smul.u32 $0x50000, s8  }
0x7: {  	s16 =	sadd.s32 $0x10200, s0;
	s7 =	sshll.u32 s8, $0x1;
	s11 =	smul.u32 $0x5000, s8  }
0x8: {  	s9 =	sadd.s32 $0x42200, s0;
	s12 =	sshll.u32 s8, $0x6;
	s5 =	smul.u32 $0x140000, s2  }
0x9: {  	_ =	strace $0x8000004D;
	[dreg:$0x3] =	wrdreg s9;
	s18 =	ssub.s32 $0x2, s2  }
0xa: {  	s15 =	sor.u32 s2, s7;
	s2 =	smul.u32 $0x2800, s2;
	s19 =	sshrl.u32 s18, $0x1  }
0xb: {  	s24 =	sshrl.u32 s10, $0x2;
	s5 =	sadd.s32 s6, s5;
	s6 =	smul.u32 $0x2800, s15  }
0xc: {  	s2 =	sadd.s32 s2, s11;
	s11 =	sor.u32 $0x1C05, s12;
	s5 =	sshrl.u32 s5, $0x3  }
0xd: {  	s25 =	sor.u32 $0x300, s2;
	s2 =	sor.u32 $0x200, s2;
	s0 =	sadd.s32 s5, s0  }
0xe: {  	s5 =	ssub.s32 s18, s19;
	s6 =	sshrl.u32 s6, $0x3;
	s26 =	sshrl.u32 s25, $0x3  }
0xf: {  	s2 =	sshrl.u32 s2, $0x3;
	s18 =	simm.s32 $0x200;
	s19 =	simm.s32 $0x100  }
0x10: {  	s25 =	simm.s32 $0x80;
	s20 =	sadd.s32 s17, s6;
	s21 =	sor.u32 $0x20, s6  }
0x11: {  	s6 =	sadd.s32 s16, s6;
	s12 =	sadd.s32 $0x44A00, s0;
	s13 =	smax.u32 s5, $0x1  }
0x12: {  	s14 =	sadd.s32 s26, s16;
	s15 =	sadd.s32 s26, s17;
	[dreg:$0x4] =	wrdreg s20  }
0x13: {  	s26 =	simm.s32 $0x4400;
	s0 =	simm.s32 $0x380;
	[dreg:$0x5] =	wrdreg s6  }
.Ltmp0:
0x14: {  	s22 =	sadd.s32 s17, s21;
	s23 =	sadd.s32 s16, s21;
	(pc) =	sbr.rel .LBB2_1-.Ltmp0, $4  }
0x15: {  	s6 =	sadd.s32 s24, s1;
	s16 =	sadd.s32 s2, s16;
	s17 =	sadd.s32 s2, s17  }
0x16: {  	s20 =	simm.s32 $0x300;
	s21 =	simm.s32 $0x5;
	[dreg:$0x6] =	wrdreg s22  }
0x17: {  	s24 =	simm.s32 $0x400;
	s2 =	simm.s32 $0x0;
	[dreg:$0x7] =	wrdreg s23  }
0x18: {  	[dreg:$0x8] =	wrdreg s6;
	s22 =	simm.s32 $0x1;
	s23 =	simm.s32 $0x7D  }
.LBB2_4:
0x19: {  	s2 =	sadd.s32 $0x1, s2  }
0x1a: {  	p0 =	sne.s32 s2, s13  }
.Ltmp1:
0x1b: {  	[bflag:$0x0] =	sbarrier.arrive $0xFFFF;
	(pc) =	sbr.rel @!p0 .LBB2_5-.Ltmp1, $4  }
0x1c: {  	[hbm:s12], [sflag:s11] =	dma.local [spmem:s5], $0x2800  }
0x1d: {  	_ =	swait.ge [sflag:s21], $0x2800  }
0x1e: {  	[sflag:s21] =	ssyncset.done $0x0  }
0x1f: {  	[sflag:s21] =	ssyncadd.s32 $0xFFFFD800  }
.LBB2_1:
0x20: {  	s5 =	rddreg [dreg:$0x4]  }
0x21: {  	s7 =	rddreg [dreg:$0x5]  }
0x22: {  	s8 =	rddreg [dreg:$0x6]  }
0x23: {  	[tilespmem:s3], [sflag:$0x1] =	stream.linear.gather [hbm4b:s5+s3], $0x100, $0x38;
	[tilespmem:$0x1C400] =	vst v63  }
0x24: {  	s9 =	rddreg [dreg:$0x7]  }
0x25: {  	[tilespmem:s18], [sflag:$0x1] =	stream.linear.gather [hbm4b:s7+s3], $0x100, $0x38;
	[tilespmem:$0x1C400] =	vst v63  }
0x26: {  	s10 =	rddreg [dreg:$0x8]  }
0x27: {  	[tilespmem:s19], [sflag:$0x2] =	stream.linear.gather [hbm4b:s8+s3], $0x100, $0x38;
	[tilespmem:$0x1C400] =	vst v63  }
0x28: {  	s6 =	rddreg [dreg:$0x3];
	s5 =	sshrl.u32 s10, $0x3  }
0x29: {  	[tilespmem:s20], [sflag:$0x2] =	stream.linear.gather [hbm4b:s9+s3], $0x100, $0x38;
	[tilespmem:$0x1C400] =	vst v63  }
0x2a: {  	[spmem:s5], [sflag:s11] =	dma.local [hbm:s6], $0x2800  }
0x2b: {  	_ =	swait.ge [sflag:s21], $0x2800  }
0x2c: {  	[sflag:s21] =	ssyncset.done $0x0  }
0x2d: {  	[sflag:s21] =	ssyncadd.s32 $0xFFFFD800  }
0x2e: {  	[bflag:$0x0] =	sbarrier.arrive $0xFFFF  }
0x2f: {  	_ =	swait.ge [sflag:s22], $0x100  }
0x30: {  	[sflag:s22] =	ssyncset.done $0x0  }
0x31: {  	[sflag:s22] =	ssyncadd.s32 $0xFFFFFF00  }
0x32: {  	_ =	swait.ge [sflag:s22], $0x100  }
0x33: {  	[sflag:s22] =	ssyncset.done $0x0  }
0x34: {  	s6 =	simm.s32 $0x0;
	[sflag:s22] =	ssyncadd.s32 $0xFFFFFF00  }
0x35: {  	[tilespmem:s24], [sflag:$0x3] =	stream.indirect.gather [hbm4b:s4+s23], $0x80, s3, s23, $0xb8;
	[tilespmem:$0x1C400] =	vst v63  }
.LBB2_2:
0x36: {  	[tilespmem:s26], [sflag:$0x4] =	stream.indirect.gather [hbm4b:s4+s23], $0x80, s25, s23, $0xb8;
	[tilespmem:$0x1C400] =	vst v63  }
0x37: {  	_ =	swait.ge [sflag:s28], $0x3E80  }
0x38: {  	[sflag:s28] =	ssyncset.done $0x0  }
0x39: {  	[sflag:s28] =	ssyncadd.s32 $0xFFFFC180  }
0x3a: {  	[spmem:s1] =	stream.indirect.scatter.add.f32 [tilespmem:s24], [sflag:$0x5], $0x80, s18, s23, $0xb8;
	[tilespmem:$0x1C400] =	vst v63  }
0x3b: {  	_ =	swait.ge [sflag:s21], $0x3E80  }
0x3c: {  	[sflag:s21] =	ssyncset.done $0x0  }
0x3d: {  	[sflag:s21] =	ssyncadd.s32 $0xFFFFC180  }
0x3e: {  	_ =	swait.ge [sflag:s29], $0x100  }
0x3f: {  	[sflag:s29] =	ssyncset.done $0x0  }
0x40: {  	[sflag:s29] =	ssyncadd.s32 $0xFFFFFF00  }
0x41: {  	_ =	swait.ge [sflag:s29], $0x100  }
0x42: {  	[sflag:s29] =	ssyncset.done $0x0  }
0x43: {  	[sflag:s29] =	ssyncadd.s32 $0xFFFFFF00  }
0x44: {  	[tilespmem:s24], [sflag:$0x3] =	stream.indirect.gather [hbm4b:s4+s23], $0x80, s19, s23, $0xb8;
	[tilespmem:$0x1C400] =	vst v63  }
0x45: {  	_ =	swait.ge [sflag:s30], $0x3E80  }
0x46: {  	[sflag:s30] =	ssyncset.done $0x0  }
0x47: {  	[sflag:s30] =	ssyncadd.s32 $0xFFFFC180  }
0x48: {  	[spmem:s1] =	stream.indirect.scatter.add.f32 [tilespmem:s26], [sflag:$0x5], $0x80, s31, s23, $0xb8;
	[tilespmem:$0x1C400] =	vst v63  }
0x49: {  	p0 =	seq.s32 s6, $0x4C0;
	_ =	swait.ge [sflag:s21], $0x3E80  }
0x4a: {  	s7 =	simm.s32 @p0 $0x7D;
	[sflag:s21] =	ssyncset.done $0x0  }
0x4b: {  	s8 =	simm.s32 @p0 $0x180;
	s9 =	simm.s32 @p0 $0x4400;
	[sflag:s21] =	ssyncadd.s32 $0xFFFFC180  }
0x4c: {  	[tilespmem:s9], [sflag:$0x4] =	stream.indirect.gather @p0 [hbm4b:s4+s7], $0x80, s8, s7, $0xb8;
	[tilespmem:$0x1C400] =	vst v63  }
0x4d: {  	s8 =	simm.s32 @p0 $0x3  }
0x4e: {  	_ =	swait.ge @p0 [sflag:s8], $0x3E80  }
0x4f: {  	[sflag:s8] =	ssyncset.done @p0 $0x0  }
0x50: {  	s9 =	simm.s32 @p0 $0x400;
	[sflag:s8] =	ssyncadd.s32 @p0 $0xFFFFC180;
	s8 =	simm.s32 @p0 $0x300  }
0x51: {  	[spmem:s1] =	stream.indirect.scatter.add.f32 @p0 [tilespmem:s9], [sflag:$0x5], $0x80, s8, s7, $0xb8;
	[tilespmem:$0x1C400] =	vst v63  }
0x52: {  	s7 =	simm.s32 @p0 $0x5  }
0x53: {  	_ =	swait.ge @p0 [sflag:s7], $0x3E80  }
0x54: {  	[sflag:s7] =	ssyncset.done @p0 $0x0  }
0x55: {  	s8 =	simm.s32 @!p0 $0x0;
	[sflag:s7] =	ssyncadd.s32 @p0 $0xFFFFC180;
	s7 =	sadd.s32 @!p0 s6, s17  }
0x56: {  	[tilespmem:s8], [sflag:$0x1] =	stream.linear.gather @!p0 [hbm4b:s7+s8], $0x100, $0x38;
	[tilespmem:$0x1C400] =	vst v63  }
0x57: {  	s9 =	simm.s32 @!p0 $0x200;
	s7 =	sadd.s32 @!p0 s6, s16  }
0x58: {  	[tilespmem:s9], [sflag:$0x1] =	stream.linear.gather @!p0 [hbm4b:s7+s8], $0x100, $0x38;
	[tilespmem:$0x1C400] =	vst v63  }
0x59: {  	s10 =	simm.s32 @!p0 $0x4400;
	s7 =	simm.s32 @!p0 $0x7D;
	s9 =	simm.s32 @!p0 $0x180  }
0x5a: {  	[tilespmem:s10], [sflag:$0x4] =	stream.indirect.gather @!p0 [hbm4b:s4+s7], $0x80, s9, s7, $0xb8;
	[tilespmem:$0x1C400] =	vst v63  }
0x5b: {  	s9 =	simm.s32 @!p0 $0x3  }
0x5c: {  	_ =	swait.ge @!p0 [sflag:s9], $0x3E80  }
0x5d: {  	[sflag:s9] =	ssyncset.done @!p0 $0x0  }
0x5e: {  	s10 =	simm.s32 @!p0 $0x400;
	[sflag:s9] =	ssyncadd.s32 @!p0 $0xFFFFC180;
	s9 =	simm.s32 @!p0 $0x300  }
0x5f: {  	[spmem:s1] =	stream.indirect.scatter.add.f32 @!p0 [tilespmem:s10], [sflag:$0x5], $0x80, s9, s7, $0xb8;
	[tilespmem:$0x1C400] =	vst v63  }
0x60: {  	s9 =	simm.s32 @!p0 $0x5  }
0x61: {  	_ =	swait.ge @!p0 [sflag:s9], $0x3E80  }
0x62: {  	[sflag:s9] =	ssyncset.done @!p0 $0x0  }
0x63: {  	[sflag:s9] =	ssyncadd.s32 @!p0 $0xFFFFC180;
	s9 =	simm.s32 @!p0 $0x1  }
0x64: {  	_ =	swait.ge @!p0 [sflag:s9], $0x100  }
0x65: {  	[sflag:s9] =	ssyncset.done @!p0 $0x0  }
0x66: {  	[sflag:s9] =	ssyncadd.s32 @!p0 $0xFFFFFF00  }
0x67: {  	_ =	swait.ge @!p0 [sflag:s9], $0x100  }
0x68: {  	[sflag:s9] =	ssyncset.done @!p0 $0x0  }
0x69: {  	[sflag:s9] =	ssyncadd.s32 @!p0 $0xFFFFFF00  }
0x6a: {  	[tilespmem:s10], [sflag:$0x3] =	stream.indirect.gather @!p0 [hbm4b:s4+s7], $0x80, s8, s7, $0xb8;
	[tilespmem:$0x1C400] =	vst v63  }
0x6b: {  	_ =	swait.ge [sflag:s30], $0x3E80  }
0x6c: {  	[sflag:s30] =	ssyncset.done $0x0  }
.Ltmp2:
0x6d: {  	[sflag:s30] =	ssyncadd.s32 $0xFFFFC180;
	(pc) =	sbr.rel @p0 .LBB2_4-.Ltmp2, $4  }
0x6e: {  	[spmem:s1] =	stream.indirect.scatter.add.f32 [tilespmem:s26], [sflag:$0x5], $0x80, s0, s23, $0xb8;
	[tilespmem:$0x1C400] =	vst v63  }
0x6f: {  	_ =	swait.ge [sflag:s21], $0x3E80  }
0x70: {  	[sflag:s21] =	ssyncset.done $0x0  }
0x71: {  	[sflag:s21] =	ssyncadd.s32 $0xFFFFC180  }
.Ltmp3:
0x72: {  	(pc) =	sbr.rel .LBB2_2-.Ltmp3, $4  }
0x73: {  	s7 =	sadd.s32 s6, s15  }
0x74: {  	[tilespmem:s19], [sflag:$0x2] =	stream.linear.gather [hbm4b:s7+s3], $0x100, $0x38;
	[tilespmem:$0x1C400] =	vst v63  }
0x75: {  	s10 =	sadd.s32 s6, s14;
	s6 =	sadd.s32 $0x40, s6  }
0x76: {  	[tilespmem:s20], [sflag:$0x2] =	stream.linear.gather [hbm4b:s10+s3], $0x100, $0x38;
	[tilespmem:$0x1C400] =	vst v63  }
.LBB2_5:
0x77: {  	_ =	sfence.sel $0x180000  }
0x78: {  	[bflag:$0x0] =	sbarrier.arrive $0xFFFF  }
0x79: {  	_ =	strace $0x9000004D  }
0x7a: {  	s0 =	stileid.u32;
	[bflag:$0x2] =	sbarrier.arrive $0xFFFF  }
0x7b: {  	p0 =	sne.s32 s0, $0x0;
	s0 =	rddreg [dreg:$0x2]  }
0x7c: {  	s0 =	sadd.s32 @!p0 $0x100000, s0  }
0x7d: {  	[sflag:s0] =	ssyncadd.tile.s32 @!p0 $0x1;
	_ =	shalt  }
.Lfunc_end2:
_tile_overlayer_lowered:
.L_overlay_start_2:
0x7e: {  	(tag) =	ssettag $0x2  }
0x7f: {  	s0 =	rddreg [dreg:$0x0];
	s2 =	stileid.u32  }
0x80: {  	s1 =	rddreg [dreg:$0x1];
	p0 =	sne.s32 s2, $0x0  }
0x81: {  	s3 =	rddreg [dreg:$0x2];
	[bflag:$0x3] =	sbarrier.arrive $0xFFFF;
	s2 =	simm.s32 @!p0 $0x1C05  }
0x82: {  	[timem:s3], [sflag:s2] =	dma.local @!p0 [hbm:s0], s1  }
0x83: {  	s0 =	simm.s32 @!p0 $0x5  }
0x84: {  	_ =	swait.ge @!p0 [sflag:s0], s1  }
0x85: {  	s1 =	ssub.s32 @!p0 $0x0, s1;
	[sflag:s0] =	ssyncset.done @!p0 $0x0  }
0x86: {  	[sflag:s0] =	ssyncadd.s32 @!p0 s1  }
0x87: {  	[bflag:$0x3] =	sbarrier.arrive $0xFFFF  }
0x88: {  	_ =	shalt  }

// kernel: kernel.21.cloned.1.call-start
scs
__scs_entry_jumppad:
0x0: {  	(pc) =	sbr.rel $0x88, $3  }
0x1: {  	(tag) =	ssettag $0x0;
	lr =	simm.s32 $0x1  }
0x2: {  	[smem:$0x3F91] =	sst lr;
	_ =	strace $0xD0000000  }
0x3: {  	_ = 	snop  }
0x4: {  	_ = 	snop  }
0x5: {  	_ = 	snop  }
0x6: {  	_ = 	snop  }
0x7: {  	_ = 	snop  }
__scs_overlays_trampoline_lowered:
0x8: {  	[smem:$0x3FA0] =	sst s0  }
0x9: {  	[smem:$0x3FA1] =	sst s1  }
0xa: {  	[smem:$0x3FA2] =	sst s2  }
0xb: {  	[smem:$0x3FA3] =	sst s3  }
0xc: {  	[smem:$0x3FA4] =	sst s4  }
0xd: {  	[smem:$0x3FA5] =	sst s5  }
0xe: {  	[smem:$0x3FA6] =	sst s6  }
0xf: {  	[smem:$0x3FA7] =	sst s7  }
0x10: {  	[smem:$0x3FA8] =	sst s8  }
0x11: {  	[smem:$0x3FA9] =	sst s9;
	s0 =	simm.s32 @!p0 $0x0  }
0x12: {  	s1 =	sld [smem:$0x3F8F];
	s0 =	simm.s32 @p0 $0x1  }
0x13: {  	[smem:$0x3FAA] =	sst s0;
	s0 =	simm.s32 @!p1 $0x0  }
0x14: {  	s2 =	sld [smem:$0x3F8E];
	s0 =	simm.s32 @p1 $0x1  }
0x15: {  	[smem:$0x3FAB] =	sst s0;
	s0 =	simm.s32 @!p2 $0x0  }
0x16: {  	s3 =	sld [smem:$0x3FDB];
	s0 =	simm.s32 @p2 $0x1  }
0x17: {  	s4 =	simm.s32 $0x1BF5;
	[smem:$0x3FAD] =	sst s0  }
0x18: {  	s0 =	sld [smem:$0x3F90];
	_ =	swait.ge [sflag:s4], $0x0  }
0x19: {  	s7 =	sld [smem:$0x3F91]  }
0x1a: {  	s8 =	sadd.s32 $0xFFFFE003, lr  }
0x1b: {  	s9 =	sadd.s32 $0xFFFFFEF7, lr;
	s5 =	simm.s32 $0xFFFFFFFF;
	p2 =	slt.u32 s8, $0xFFFFF086  }
0x1c: {  	p1 =	slt.u32 s9, $0xF7A;
	s5 =	simm.s32 @!p2 $0x0  }
0x1d: {  	s5 =	simm.s32 @p1 $0x1;
	p0 =	seq.s32 s7, s2  }
0x1e: {  	s7 =	smul.u32 @!p0 $0xF7A, s2;
	p2 =	seq.s32 @!p0 s5, $0x0  }
0x1f: {  	s9 =	smul.u32 $0xF7A, s1;
	s8 =	simm.s32 @!p0 $0x1BF5;
	p2 =	por !p2, p0  }
0x20: {  	[sflag:s8] =	ssyncset.s32 @!p0 $0xFFFFF086;
	s6 =	sadd.s32 @!p0 s3, s7;
	s7 =	simm.s32 @!p0 $0x108  }
0x21: {  	s3 =	sadd.s32 s3, s9;
	s6 =	sadd.s32 @!p0 $0x88, s6;
	s7 =	simm.s32 @p2 $0x1082  }
0x22: {  	[simem:s7], [sflag:s8] =	dma.local @!p0 [hbm:s6], $0xF7A  }
0x23: {  	s9 =	sor.u32 $0xD0000000, s2;
	s6 =	simm.s32 $0x108;
	_ =	swait.ge @!p0 [sflag:s8], $0x0  }
0x24: {  	s3 =	sadd.s32 $0x88, s3;
	s6 =	simm.s32 @!p1 $0x1082;
	[sflag:s4] =	ssyncset.s32 $0xFFFFF086  }
0x25: {  	[simem:s6], [sflag:s4] =	dma.local [hbm:s3], $0xF7A  }
0x26: {  	[smem:$0x3F91] =	sst s1;
	(tag) =	ssettag s2;
	_ =	strace s9  }
0x27: {  	s1 =	sld [smem:$0x3FA1]  }
0x28: {  	s2 =	sld [smem:$0x3FA2]  }
0x29: {  	s4 =	sld [smem:$0x3FA4]  }
0x2a: {  	p0 =	seq.s32 s5, $0x0;
	s5 =	sld [smem:$0x3FA5]  }
0x2b: {  	s6 =	sld [smem:$0x3FA6]  }
0x2c: {  	s7 =	sld [smem:$0x3FA7]  }
0x2d: {  	s3 =	simm.s32 $0x108;
	s8 =	sld [smem:$0x3FA8]  }
0x2e: {  	s3 =	simm.s32 @!p0 $0x1082;
	s9 =	sld [smem:$0x3FA9]  }
0x2f: {  	lr =	sadd.s32 s0, s3;
	s0 =	sld [smem:$0x3FA0]  }
0x30: {  	s3 =	sld [smem:$0x3FA3]  }
0x31: {  	[smem:$0x3FAC] =	sst s10  }
0x32: {  	s10 =	sld [smem:$0x3FAA];
	_ =	sdelay $0x3  }
0x33: {  	p0 =	seq.s32 s10, $0x1;
	s10 =	sld [smem:$0x3FAC];
	_ =	sdelay $0x3  }
0x34: {  	[smem:$0x3FAC] =	sst s10  }
0x35: {  	s10 =	sld [smem:$0x3FAB];
	_ =	sdelay $0x3  }
0x36: {  	p1 =	seq.s32 s10, $0x1;
	s10 =	sld [smem:$0x3FAC];
	_ =	sdelay $0x3  }
0x37: {  	[smem:$0x3FAC] =	sst s10  }
0x38: {  	s10 =	sld [smem:$0x3FAD]  }
0x39: {  	_ = 	snop;
	(pc) =	sbr.ind lr, $3  }
0x3a: {  	_ = 	snop  }
0x3b: {  	_ = 	snop  }
0x3c: {  	p2 =	seq.s32 s10, $0x1;
	s10 =	sld [smem:$0x3FAC]  }
0x3d: {  	_ =	shalt  }
0x3e: {  	_ =	shalt  }
0x3f: {  	_ =	shalt  }
0x40: {  	_ =	shalt  }
0x41: {  	_ =	shalt  }
0x42: {  	_ =	shalt  }
0x43: {  	_ =	shalt  }
0x44: {  	_ =	shalt  }
0x45: {  	_ =	shalt  }
0x46: {  	_ =	shalt  }
0x47: {  	_ =	shalt  }
0x48: {  	_ =	shalt  }
0x49: {  	_ =	shalt  }
0x4a: {  	_ =	shalt  }
0x4b: {  	_ =	shalt  }
0x4c: {  	_ =	shalt  }
0x4d: {  	_ =	shalt  }
0x4e: {  	_ =	shalt  }
0x4f: {  	_ =	shalt  }
0x50: {  	_ =	shalt  }
0x51: {  	_ =	shalt  }
0x52: {  	_ =	shalt  }
0x53: {  	_ =	shalt  }
0x54: {  	_ =	shalt  }
0x55: {  	_ =	shalt  }
0x56: {  	_ =	shalt  }
0x57: {  	_ =	shalt  }
0x58: {  	_ =	shalt  }
0x59: {  	_ =	shalt  }
0x5a: {  	_ =	shalt  }
0x5b: {  	_ =	shalt  }
0x5c: {  	_ =	shalt  }
0x5d: {  	_ =	shalt  }
0x5e: {  	_ =	shalt  }
0x5f: {  	_ =	shalt  }
0x60: {  	_ =	shalt  }
0x61: {  	_ =	shalt  }
0x62: {  	_ =	shalt  }
0x63: {  	_ =	shalt  }
0x64: {  	_ =	shalt  }
0x65: {  	_ =	shalt  }
0x66: {  	_ =	shalt  }
0x67: {  	_ =	shalt  }
0x68: {  	_ =	shalt  }
0x69: {  	_ =	shalt  }
0x6a: {  	_ =	shalt  }
0x6b: {  	_ =	shalt  }
0x6c: {  	_ =	shalt  }
0x6d: {  	_ =	shalt  }
0x6e: {  	_ =	shalt  }
0x6f: {  	_ =	shalt  }
0x70: {  	_ =	shalt  }
0x71: {  	_ =	shalt  }
0x72: {  	_ =	shalt  }
0x73: {  	_ =	shalt  }
0x74: {  	_ =	shalt  }
0x75: {  	_ =	shalt  }
0x76: {  	_ =	shalt  }
0x77: {  	_ =	shalt  }
0x78: {  	_ =	shalt  }
0x79: {  	_ =	shalt  }
0x7a: {  	_ =	shalt  }
0x7b: {  	_ =	shalt  }
0x7c: {  	_ =	shalt  }
0x7d: {  	_ =	shalt  }
0x7e: {  	_ =	shalt  }
0x7f: {  	_ =	shalt  }
0x80: {  	_ =	shalt  }
0x81: {  	_ =	shalt  }
0x82: {  	_ =	shalt  }
0x83: {  	_ =	shalt  }
0x84: {  	_ =	shalt  }
0x85: {  	_ =	shalt  }
0x86: {  	_ =	shalt  }
0x87: {  	_ =	shalt  }
.Lfunc_end0:
.L_simem_size_0:
called_computation.3_lowered:
.L_overlay_start_0:
0x88: {  	s2 =	sld [smem:$0x3FD9]  }
0x89: {  	s3 =	sld [smem:$0x3FFE];
	_ =	sdelay $0x1  }
0x8a: {  	s1 =	srdreg.scid  }
0x8b: {  	s0 =	sand.u32 $0x1, s1  }
0x8c: {  	s16 =	sshll.u32 s0, $0xA;
	s2 =	sadd.s32 s3, s2  }
0x8d: {  	s2 =	sadd.s32 s2, s16  }
0x8e: {  	[smem:$0x3FB8] =	sst s2  }
0x8f: {  	_ = 	snop  }
0x90: {  	(tm) =	ssettm $0x1  }
0x91: {  	s17 =	sld [smem:$0x3FFB];
	_ =	sdelay $0x3  }
0x92: {  	_ =	strace s17  }
0x93: {  	s2 =	sld [smem:$0x3FFC];
	_ =	sdelay $0x3  }
0x94: {  	_ =	strace s2  }
0x95: {  	s2 =	sld [smem:$0x3FFD];
	_ =	sdelay $0x3  }
0x96: {  	_ =	strace s2  }
0x97: {  	_ =	strace $0x8FFFFFFF  }
0x98: {  	s18 =	sld [smem:$0x3FDB];
	_ =	sdelay $0x1  }
0x99: {  	s19 =	simm.s32 $_scs_section_size  }
0x9a: {  	s4 =	simm.s32 $_size__tile_overlayer_lowered;
	s5 =	simm.s32 $_tile_overlayer_lowered  }
0x9b: {  	s22 =	simm.s32 $0x1BFF;
	s21 =	sshll.u32 s5, $0x1;
	s2 =	sadd.s32 s19, s18  }
0x9c: {  	s6 =	simm.s32 $0x0;
	s20 =	sshll.u32 s4, $0x1;
	s4 =	sadd.s32 s21, s2  }
0x9d: {  	[timem:s6], [sflag:s22] =	dma.local [hbm:s4], s20  }
0x9e: {  	_ =	swait.ge [sflag:s22], s20  }
0x9f: {  	s3 =	ssub.s32 $0x0, s20;
	[sflag:s22] =	ssyncset.done $0x0  }
0xa0: {  	[sflag:s22] =	ssyncadd.s32 s3;
	_ =	sdelay $0x1  }
0xa1: {  	s23 =	simm.s32 $0x1B8B  }
0xa2: {  	_ =	swait.ge [sflag:s23], $0x1  }
0xa3: {  	[sflag:s23] =	ssyncset.done $0x0  }
0xa4: {  	s25 =	simm.s32 $0x1B8E;
	s24 =	sld [smem:$0x3FFE];
	[sflag:s23] =	ssyncadd.s32 $0xFFFFFFFF  }
0xa5: {  	s26 =	simm.s32 $execute0_lowered;
	[smem:$0x3FD2] =	sst s25  }
0xa6: {  	s4 =	sshll.u32 s26, $0x1;
	_ =	strace $0x8000004F;
	[dreg:$0x1] =	wrdreg $0xFFFFFFFF  }
0xa7: {  	s28 =	simm.s32 $_size_execute0_lowered;
	s2 =	sadd.s32 s2, s4;
	[dreg:$0x0] =	wrdreg $0x0  }
0xa8: {  	s4 =	sshll.u32 s28, $0x1;
	[dreg:$0x2] =	wrdreg s2  }
0xa9: {  	[dreg:$0x3] =	wrdreg s4  }
0xaa: {  	[dreg:$0x4] =	wrdreg $0xC0  }
0xab: {  	_ =	task [dreg:s6], $0x5FFFF  }
0xac: {  	[dreg:$0x1] =	wrdreg $0xFFFFFFFF  }
0xad: {  	[dreg:$0x0] =	wrdreg $0x60  }
0xae: {  	[dreg:$0x2] =	wrdreg s24  }
0xaf: {  	[dreg:$0x3] =	wrdreg $0x84000  }
0xb0: {  	[dreg:$0x4] =	wrdreg $0x9  }
0xb1: {  	_ =	task.clear_ibuf [dreg:s6], $0x5FFFF;
	_ =	strace $0x9000004F  }
0xb2: {  	s29 =	simm.s32 $0x9;
	_ =	strace $0x80000051  }
0xb3: {  	_ =	swait.ge [sflag:s29], $0x1  }
0xb4: {  	[sflag:s29] =	ssyncadd.s32 $0xFFFFFFFF  }
0xb5: {  	_ =	strace $0x90000051  }
0xb6: {  	_ =	sfence  }
0xb7: {  	s30 =	sld [smem:$0x0];
	_ =	sdelay $0x2  }
0xb8: {  	s31 =	sshll.u32 s1, $0xD;
	s1 =	sshrl.u32 s1, $0x2  }
0xb9: {  	s3 =	sand.u32 $0x4000, s31;
	s1 =	sadd.s32 s1, s30  }
0xba: {  	s0 =	sor.u32 s3, s0;
	s1 =	sshll.u32 s1, $0x11  }
0xbb: {  	s0 =	sor.u32 s1, s0  }
0xbc: {  	s0 =	sadd.s32 $0x8F2B, s0  }
0xbd: {  	[sflag:s0] =	ssyncadd.remote.s32 $0x1  }
0xbe: {  	_ =	sfence.sel $0xFFFF  }
0xbf: {  	[dreg:$0x0] =	wrdreg $0xFFFFFFFF;
	(pc) =	sbr.abs _section_cstart, $3  }
0xc0: {  	[dreg:$0x1] =	wrdreg $0xFFFFFFFF  }
0xc1: {  	_ =	task.clear_ibuf [dreg:s6], $0x2FFFF;
	_ =	strace $0x9FFFFFFF  }
0xc2: {  	(tm) =	ssettm $0x7FFFFFFF  }
0xc3: {  	_ =	shalt  }
tec
execute0_lowered:
.L_overlay_start_1:
0x0: {  	(tag) =	ssettag $0x1  }
0x1: {  	s0 =	rddreg [dreg:$0x0]  }
0x2: {  	s1 =	rddreg [dreg:$0x1];
	s3 =	simm.s32 $0x0  }
0x3: {  	s2 =	srdreg.scid;
	s8 =	stileid.u32;
	s28 =	simm.s32 $0x3  }
0x4: {  	s29 =	simm.s32 $0x2;
	s30 =	simm.s32 $0x4;
	s31 =	simm.s32 $0x280  }
0x5: {  	[smem:$0x7FF] =	sst s3;
	s2 =	sand.u32 $0x1, s2;
	s6 =	smul.u32 $0x14000, s8  }
0x6: {  	s4 =	sadd.s32 $0x1A200, s0;
	s17 =	sadd.s32 $0x6200, s0;
	s10 =	smul.u32 $0x50000, s8  }
0x7: {  	s16 =	sadd.s32 $0x10200, s0;
	s7 =	sshll.u32 s8, $0x1;
	s11 =	smul.u32 $0x5000, s8  }
0x8: {  	s9 =	sadd.s32 $0x42200, s0;
	s12 =	sshll.u32 s8, $0x6;
	s5 =	smul.u32 $0x140000, s2  }
0x9: {  	_ =	strace $0x80000050;
	[dreg:$0x3] =	wrdreg s9;
	s18 =	ssub.s32 $0x2, s2  }
0xa: {  	s15 =	sor.u32 s2, s7;
	s2 =	smul.u32 $0x2800, s2;
	s19 =	sshrl.u32 s18, $0x1  }
0xb: {  	s24 =	sshrl.u32 s10, $0x2;
	s5 =	sadd.s32 s6, s5;
	s6 =	smul.u32 $0x2800, s15  }
0xc: {  	s2 =	sadd.s32 s2, s11;
	s11 =	sor.u32 $0x1C05, s12;
	s5 =	sshrl.u32 s5, $0x3  }
0xd: {  	s25 =	sor.u32 $0x300, s2;
	s2 =	sor.u32 $0x200, s2;
	s0 =	sadd.s32 s5, s0  }
0xe: {  	s5 =	ssub.s32 s18, s19;
	s6 =	sshrl.u32 s6, $0x3;
	s26 =	sshrl.u32 s25, $0x3  }
0xf: {  	s2 =	sshrl.u32 s2, $0x3;
	s18 =	simm.s32 $0x200;
	s19 =	simm.s32 $0x100  }
0x10: {  	s25 =	simm.s32 $0x80;
	s20 =	sadd.s32 s17, s6;
	s21 =	sor.u32 $0x20, s6  }
0x11: {  	s6 =	sadd.s32 s16, s6;
	s12 =	sadd.s32 $0x44A00, s0;
	s13 =	smax.u32 s5, $0x1  }
0x12: {  	s14 =	sadd.s32 s26, s16;
	s15 =	sadd.s32 s26, s17;
	[dreg:$0x4] =	wrdreg s20  }
0x13: {  	s26 =	simm.s32 $0x4400;
	s0 =	simm.s32 $0x380;
	[dreg:$0x5] =	wrdreg s6  }
.Ltmp0:
0x14: {  	s22 =	sadd.s32 s17, s21;
	s23 =	sadd.s32 s16, s21;
	(pc) =	sbr.rel .LBB2_1-.Ltmp0, $4  }
0x15: {  	s6 =	sadd.s32 s24, s1;
	s16 =	sadd.s32 s2, s16;
	s17 =	sadd.s32 s2, s17  }
0x16: {  	s20 =	simm.s32 $0x300;
	s21 =	simm.s32 $0x5;
	[dreg:$0x6] =	wrdreg s22  }
0x17: {  	s24 =	simm.s32 $0x400;
	s2 =	simm.s32 $0x0;
	[dreg:$0x7] =	wrdreg s23  }
0x18: {  	[dreg:$0x8] =	wrdreg s6;
	s22 =	simm.s32 $0x1;
	s23 =	simm.s32 $0x7D  }
.LBB2_4:
0x19: {  	s2 =	sadd.s32 $0x1, s2  }
0x1a: {  	p0 =	sne.s32 s2, s13  }
.Ltmp1:
0x1b: {  	[bflag:$0x0] =	sbarrier.arrive $0xFFFF;
	(pc) =	sbr.rel @!p0 .LBB2_5-.Ltmp1, $4  }
0x1c: {  	[hbm:s12], [sflag:s11] =	dma.local [spmem:s5], $0x2800  }
0x1d: {  	_ =	swait.ge [sflag:s21], $0x2800  }
0x1e: {  	[sflag:s21] =	ssyncset.done $0x0  }
0x1f: {  	[sflag:s21] =	ssyncadd.s32 $0xFFFFD800  }
.LBB2_1:
0x20: {  	s5 =	rddreg [dreg:$0x4]  }
0x21: {  	s7 =	rddreg [dreg:$0x5]  }
0x22: {  	s8 =	rddreg [dreg:$0x6]  }
0x23: {  	[tilespmem:s3], [sflag:$0x1] =	stream.linear.gather [hbm4b:s5+s3], $0x100, $0x38;
	[tilespmem:$0x1C400] =	vst v63  }
0x24: {  	s9 =	rddreg [dreg:$0x7]  }
0x25: {  	[tilespmem:s18], [sflag:$0x1] =	stream.linear.gather [hbm4b:s7+s3], $0x100, $0x38;
	[tilespmem:$0x1C400] =	vst v63  }
0x26: {  	s10 =	rddreg [dreg:$0x8]  }
0x27: {  	[tilespmem:s19], [sflag:$0x2] =	stream.linear.gather [hbm4b:s8+s3], $0x100, $0x38;
	[tilespmem:$0x1C400] =	vst v63  }
0x28: {  	s6 =	rddreg [dreg:$0x3];
	s5 =	sshrl.u32 s10, $0x3  }
0x29: {  	[tilespmem:s20], [sflag:$0x2] =	stream.linear.gather [hbm4b:s9+s3], $0x100, $0x38;
	[tilespmem:$0x1C400] =	vst v63  }
0x2a: {  	[spmem:s5], [sflag:s11] =	dma.local [hbm:s6], $0x2800  }
0x2b: {  	_ =	swait.ge [sflag:s21], $0x2800  }
0x2c: {  	[sflag:s21] =	ssyncset.done $0x0  }
0x2d: {  	[sflag:s21] =	ssyncadd.s32 $0xFFFFD800  }
0x2e: {  	[bflag:$0x0] =	sbarrier.arrive $0xFFFF  }
0x2f: {  	_ =	swait.ge [sflag:s22], $0x100  }
0x30: {  	[sflag:s22] =	ssyncset.done $0x0  }
0x31: {  	[sflag:s22] =	ssyncadd.s32 $0xFFFFFF00  }
0x32: {  	_ =	swait.ge [sflag:s22], $0x100  }
0x33: {  	[sflag:s22] =	ssyncset.done $0x0  }
0x34: {  	s6 =	simm.s32 $0x0;
	[sflag:s22] =	ssyncadd.s32 $0xFFFFFF00  }
0x35: {  	[tilespmem:s24], [sflag:$0x3] =	stream.indirect.gather [hbm4b:s4+s23], $0x80, s3, s23, $0xb8;
	[tilespmem:$0x1C400] =	vst v63  }
.LBB2_2:
0x36: {  	[tilespmem:s26], [sflag:$0x4] =	stream.indirect.gather [hbm4b:s4+s23], $0x80, s25, s23, $0xb8;
	[tilespmem:$0x1C400] =	vst v63  }
0x37: {  	_ =	swait.ge [sflag:s28], $0x3E80  }
0x38: {  	[sflag:s28] =	ssyncset.done $0x0  }
0x39: {  	[sflag:s28] =	ssyncadd.s32 $0xFFFFC180  }
0x3a: {  	[spmem:s1] =	stream.indirect.scatter.add.f32 [tilespmem:s24], [sflag:$0x5], $0x80, s18, s23, $0xb8;
	[tilespmem:$0x1C400] =	vst v63  }
0x3b: {  	_ =	swait.ge [sflag:s21], $0x3E80  }
0x3c: {  	[sflag:s21] =	ssyncset.done $0x0  }
0x3d: {  	[sflag:s21] =	ssyncadd.s32 $0xFFFFC180  }
0x3e: {  	_ =	swait.ge [sflag:s29], $0x100  }
0x3f: {  	[sflag:s29] =	ssyncset.done $0x0  }
0x40: {  	[sflag:s29] =	ssyncadd.s32 $0xFFFFFF00  }
0x41: {  	_ =	swait.ge [sflag:s29], $0x100  }
0x42: {  	[sflag:s29] =	ssyncset.done $0x0  }
0x43: {  	[sflag:s29] =	ssyncadd.s32 $0xFFFFFF00  }
0x44: {  	[tilespmem:s24], [sflag:$0x3] =	stream.indirect.gather [hbm4b:s4+s23], $0x80, s19, s23, $0xb8;
	[tilespmem:$0x1C400] =	vst v63  }
0x45: {  	_ =	swait.ge [sflag:s30], $0x3E80  }
0x46: {  	[sflag:s30] =	ssyncset.done $0x0  }
0x47: {  	[sflag:s30] =	ssyncadd.s32 $0xFFFFC180  }
0x48: {  	[spmem:s1] =	stream.indirect.scatter.add.f32 [tilespmem:s26], [sflag:$0x5], $0x80, s31, s23, $0xb8;
	[tilespmem:$0x1C400] =	vst v63  }
0x49: {  	p0 =	seq.s32 s6, $0x4C0;
	_ =	swait.ge [sflag:s21], $0x3E80  }
0x4a: {  	s7 =	simm.s32 @p0 $0x7D;
	[sflag:s21] =	ssyncset.done $0x0  }
0x4b: {  	s8 =	simm.s32 @p0 $0x180;
	s9 =	simm.s32 @p0 $0x4400;
	[sflag:s21] =	ssyncadd.s32 $0xFFFFC180  }
0x4c: {  	[tilespmem:s9], [sflag:$0x4] =	stream.indirect.gather @p0 [hbm4b:s4+s7], $0x80, s8, s7, $0xb8;
	[tilespmem:$0x1C400] =	vst v63  }
0x4d: {  	s8 =	simm.s32 @p0 $0x3  }
0x4e: {  	_ =	swait.ge @p0 [sflag:s8], $0x3E80  }
0x4f: {  	[sflag:s8] =	ssyncset.done @p0 $0x0  }
0x50: {  	s9 =	simm.s32 @p0 $0x400;
	[sflag:s8] =	ssyncadd.s32 @p0 $0xFFFFC180;
	s8 =	simm.s32 @p0 $0x300  }
0x51: {  	[spmem:s1] =	stream.indirect.scatter.add.f32 @p0 [tilespmem:s9], [sflag:$0x5], $0x80, s8, s7, $0xb8;
	[tilespmem:$0x1C400] =	vst v63  }
0x52: {  	s7 =	simm.s32 @p0 $0x5  }
0x53: {  	_ =	swait.ge @p0 [sflag:s7], $0x3E80  }
0x54: {  	[sflag:s7] =	ssyncset.done @p0 $0x0  }
0x55: {  	s8 =	simm.s32 @!p0 $0x0;
	[sflag:s7] =	ssyncadd.s32 @p0 $0xFFFFC180;
	s7 =	sadd.s32 @!p0 s6, s17  }
0x56: {  	[tilespmem:s8], [sflag:$0x1] =	stream.linear.gather @!p0 [hbm4b:s7+s8], $0x100, $0x38;
	[tilespmem:$0x1C400] =	vst v63  }
0x57: {  	s9 =	simm.s32 @!p0 $0x200;
	s7 =	sadd.s32 @!p0 s6, s16  }
0x58: {  	[tilespmem:s9], [sflag:$0x1] =	stream.linear.gather @!p0 [hbm4b:s7+s8], $0x100, $0x38;
	[tilespmem:$0x1C400] =	vst v63  }
0x59: {  	s10 =	simm.s32 @!p0 $0x4400;
	s7 =	simm.s32 @!p0 $0x7D;
	s9 =	simm.s32 @!p0 $0x180  }
0x5a: {  	[tilespmem:s10], [sflag:$0x4] =	stream.indirect.gather @!p0 [hbm4b:s4+s7], $0x80, s9, s7, $0xb8;
	[tilespmem:$0x1C400] =	vst v63  }
0x5b: {  	s9 =	simm.s32 @!p0 $0x3  }
0x5c: {  	_ =	swait.ge @!p0 [sflag:s9], $0x3E80  }
0x5d: {  	[sflag:s9] =	ssyncset.done @!p0 $0x0  }
0x5e: {  	s10 =	simm.s32 @!p0 $0x400;
	[sflag:s9] =	ssyncadd.s32 @!p0 $0xFFFFC180;
	s9 =	simm.s32 @!p0 $0x300  }
0x5f: {  	[spmem:s1] =	stream.indirect.scatter.add.f32 @!p0 [tilespmem:s10], [sflag:$0x5], $0x80, s9, s7, $0xb8;
	[tilespmem:$0x1C400] =	vst v63  }
0x60: {  	s9 =	simm.s32 @!p0 $0x5  }
0x61: {  	_ =	swait.ge @!p0 [sflag:s9], $0x3E80  }
0x62: {  	[sflag:s9] =	ssyncset.done @!p0 $0x0  }
0x63: {  	[sflag:s9] =	ssyncadd.s32 @!p0 $0xFFFFC180;
	s9 =	simm.s32 @!p0 $0x1  }
0x64: {  	_ =	swait.ge @!p0 [sflag:s9], $0x100  }
0x65: {  	[sflag:s9] =	ssyncset.done @!p0 $0x0  }
0x66: {  	[sflag:s9] =	ssyncadd.s32 @!p0 $0xFFFFFF00  }
0x67: {  	_ =	swait.ge @!p0 [sflag:s9], $0x100  }
0x68: {  	[sflag:s9] =	ssyncset.done @!p0 $0x0  }
0x69: {  	[sflag:s9] =	ssyncadd.s32 @!p0 $0xFFFFFF00  }
0x6a: {  	[tilespmem:s10], [sflag:$0x3] =	stream.indirect.gather @!p0 [hbm4b:s4+s7], $0x80, s8, s7, $0xb8;
	[tilespmem:$0x1C400] =	vst v63  }
0x6b: {  	_ =	swait.ge [sflag:s30], $0x3E80  }
0x6c: {  	[sflag:s30] =	ssyncset.done $0x0  }
.Ltmp2:
0x6d: {  	[sflag:s30] =	ssyncadd.s32 $0xFFFFC180;
	(pc) =	sbr.rel @p0 .LBB2_4-.Ltmp2, $4  }
0x6e: {  	[spmem:s1] =	stream.indirect.scatter.add.f32 [tilespmem:s26], [sflag:$0x5], $0x80, s0, s23, $0xb8;
	[tilespmem:$0x1C400] =	vst v63  }
0x6f: {  	_ =	swait.ge [sflag:s21], $0x3E80  }
0x70: {  	[sflag:s21] =	ssyncset.done $0x0  }
0x71: {  	[sflag:s21] =	ssyncadd.s32 $0xFFFFC180  }
.Ltmp3:
0x72: {  	(pc) =	sbr.rel .LBB2_2-.Ltmp3, $4  }
0x73: {  	s7 =	sadd.s32 s6, s15  }
0x74: {  	[tilespmem:s19], [sflag:$0x2] =	stream.linear.gather [hbm4b:s7+s3], $0x100, $0x38;
	[tilespmem:$0x1C400] =	vst v63  }
0x75: {  	s10 =	sadd.s32 s6, s14;
	s6 =	sadd.s32 $0x40, s6  }
0x76: {  	[tilespmem:s20], [sflag:$0x2] =	stream.linear.gather [hbm4b:s10+s3], $0x100, $0x38;
	[tilespmem:$0x1C400] =	vst v63  }
.LBB2_5:
0x77: {  	_ =	sfence.sel $0x180000  }
0x78: {  	[bflag:$0x0] =	sbarrier.arrive $0xFFFF  }
0x79: {  	_ =	strace $0x90000050  }
0x7a: {  	s0 =	stileid.u32;
	[bflag:$0x2] =	sbarrier.arrive $0xFFFF  }
0x7b: {  	p0 =	sne.s32 s0, $0x0;
	s0 =	rddreg [dreg:$0x2]  }
0x7c: {  	s0 =	sadd.s32 @!p0 $0x100000, s0  }
0x7d: {  	[sflag:s0] =	ssyncadd.tile.s32 @!p0 $0x1;
	_ =	shalt  }
.Lfunc_end2:
_tile_overlayer_lowered:
.L_overlay_start_2:
0x7e: {  	(tag) =	ssettag $0x2  }
0x7f: {  	s0 =	rddreg [dreg:$0x0];
	s2 =	stileid.u32  }
0x80: {  	s1 =	rddreg [dreg:$0x1];
	p0 =	sne.s32 s2, $0x0  }
0x81: {  	s3 =	rddreg [dreg:$0x2];
	[bflag:$0x3] =	sbarrier.arrive $0xFFFF;
	s2 =	simm.s32 @!p0 $0x1C05  }
0x82: {  	[timem:s3], [sflag:s2] =	dma.local @!p0 [hbm:s0], s1  }
0x83: {  	s0 =	simm.s32 @!p0 $0x5  }
0x84: {  	_ =	swait.ge @!p0 [sflag:s0], s1  }
0x85: {  	s1 =	ssub.s32 @!p0 $0x0, s1;
	[sflag:s0] =	ssyncset.done @!p0 $0x0  }
0x86: {  	[sflag:s0] =	ssyncadd.s32 @!p0 s1  }
0x87: {  	[bflag:$0x3] =	sbarrier.arrive $0xFFFF  }
0x88: {  	_ =	shalt  }

// kernel: kernel.24.cloned.1.call-start
scs
__scs_entry_jumppad:
0x0: {  	(pc) =	sbr.rel $0x88, $3  }
0x1: {  	(tag) =	ssettag $0x0;
	lr =	simm.s32 $0x1  }
0x2: {  	[smem:$0x3F91] =	sst lr;
	_ =	strace $0xD0000000  }
0x3: {  	_ = 	snop  }
0x4: {  	_ = 	snop  }
0x5: {  	_ = 	snop  }
0x6: {  	_ = 	snop  }
0x7: {  	_ = 	snop  }
__scs_overlays_trampoline_lowered:
0x8: {  	[smem:$0x3FA0] =	sst s0  }
0x9: {  	[smem:$0x3FA1] =	sst s1  }
0xa: {  	[smem:$0x3FA2] =	sst s2  }
0xb: {  	[smem:$0x3FA3] =	sst s3  }
0xc: {  	[smem:$0x3FA4] =	sst s4  }
0xd: {  	[smem:$0x3FA5] =	sst s5  }
0xe: {  	[smem:$0x3FA6] =	sst s6  }
0xf: {  	[smem:$0x3FA7] =	sst s7  }
0x10: {  	[smem:$0x3FA8] =	sst s8  }
0x11: {  	[smem:$0x3FA9] =	sst s9;
	s0 =	simm.s32 @!p0 $0x0  }
0x12: {  	s1 =	sld [smem:$0x3F8F];
	s0 =	simm.s32 @p0 $0x1  }
0x13: {  	[smem:$0x3FAA] =	sst s0;
	s0 =	simm.s32 @!p1 $0x0  }
0x14: {  	s2 =	sld [smem:$0x3F8E];
	s0 =	simm.s32 @p1 $0x1  }
0x15: {  	[smem:$0x3FAB] =	sst s0;
	s0 =	simm.s32 @!p2 $0x0  }
0x16: {  	s3 =	sld [smem:$0x3FDB];
	s0 =	simm.s32 @p2 $0x1  }
0x17: {  	s4 =	simm.s32 $0x1BF5;
	[smem:$0x3FAD] =	sst s0  }
0x18: {  	s0 =	sld [smem:$0x3F90];
	_ =	swait.ge [sflag:s4], $0x0  }
0x19: {  	s7 =	sld [smem:$0x3F91]  }
0x1a: {  	s8 =	sadd.s32 $0xFFFFE003, lr  }
0x1b: {  	s9 =	sadd.s32 $0xFFFFFEF7, lr;
	s5 =	simm.s32 $0xFFFFFFFF;
	p2 =	slt.u32 s8, $0xFFFFF086  }
0x1c: {  	p1 =	slt.u32 s9, $0xF7A;
	s5 =	simm.s32 @!p2 $0x0  }
0x1d: {  	s5 =	simm.s32 @p1 $0x1;
	p0 =	seq.s32 s7, s2  }
0x1e: {  	s7 =	smul.u32 @!p0 $0xF7A, s2;
	p2 =	seq.s32 @!p0 s5, $0x0  }
0x1f: {  	s9 =	smul.u32 $0xF7A, s1;
	s8 =	simm.s32 @!p0 $0x1BF5;
	p2 =	por !p2, p0  }
0x20: {  	[sflag:s8] =	ssyncset.s32 @!p0 $0xFFFFF086;
	s6 =	sadd.s32 @!p0 s3, s7;
	s7 =	simm.s32 @!p0 $0x108  }
0x21: {  	s3 =	sadd.s32 s3, s9;
	s6 =	sadd.s32 @!p0 $0x88, s6;
	s7 =	simm.s32 @p2 $0x1082  }
0x22: {  	[simem:s7], [sflag:s8] =	dma.local @!p0 [hbm:s6], $0xF7A  }
0x23: {  	s9 =	sor.u32 $0xD0000000, s2;
	s6 =	simm.s32 $0x108;
	_ =	swait.ge @!p0 [sflag:s8], $0x0  }
0x24: {  	s3 =	sadd.s32 $0x88, s3;
	s6 =	simm.s32 @!p1 $0x1082;
	[sflag:s4] =	ssyncset.s32 $0xFFFFF086  }
0x25: {  	[simem:s6], [sflag:s4] =	dma.local [hbm:s3], $0xF7A  }
0x26: {  	[smem:$0x3F91] =	sst s1;
	(tag) =	ssettag s2;
	_ =	strace s9  }
0x27: {  	s1 =	sld [smem:$0x3FA1]  }
0x28: {  	s2 =	sld [smem:$0x3FA2]  }
0x29: {  	s4 =	sld [smem:$0x3FA4]  }
0x2a: {  	p0 =	seq.s32 s5, $0x0;
	s5 =	sld [smem:$0x3FA5]  }
0x2b: {  	s6 =	sld [smem:$0x3FA6]  }
0x2c: {  	s7 =	sld [smem:$0x3FA7]  }
0x2d: {  	s3 =	simm.s32 $0x108;
	s8 =	sld [smem:$0x3FA8]  }
0x2e: {  	s3 =	simm.s32 @!p0 $0x1082;
	s9 =	sld [smem:$0x3FA9]  }
0x2f: {  	lr =	sadd.s32 s0, s3;
	s0 =	sld [smem:$0x3FA0]  }
0x30: {  	s3 =	sld [smem:$0x3FA3]  }
0x31: {  	[smem:$0x3FAC] =	sst s10  }
0x32: {  	s10 =	sld [smem:$0x3FAA];
	_ =	sdelay $0x3  }
0x33: {  	p0 =	seq.s32 s10, $0x1;
	s10 =	sld [smem:$0x3FAC];
	_ =	sdelay $0x3  }
0x34: {  	[smem:$0x3FAC] =	sst s10  }
0x35: {  	s10 =	sld [smem:$0x3FAB];
	_ =	sdelay $0x3  }
0x36: {  	p1 =	seq.s32 s10, $0x1;
	s10 =	sld [smem:$0x3FAC];
	_ =	sdelay $0x3  }
0x37: {  	[smem:$0x3FAC] =	sst s10  }
0x38: {  	s10 =	sld [smem:$0x3FAD]  }
0x39: {  	_ = 	snop;
	(pc) =	sbr.ind lr, $3  }
0x3a: {  	_ = 	snop  }
0x3b: {  	_ = 	snop  }
0x3c: {  	p2 =	seq.s32 s10, $0x1;
	s10 =	sld [smem:$0x3FAC]  }
0x3d: {  	_ =	shalt  }
0x3e: {  	_ =	shalt  }
0x3f: {  	_ =	shalt  }
0x40: {  	_ =	shalt  }
0x41: {  	_ =	shalt  }
0x42: {  	_ =	shalt  }
0x43: {  	_ =	shalt  }
0x44: {  	_ =	shalt  }
0x45: {  	_ =	shalt  }
0x46: {  	_ =	shalt  }
0x47: {  	_ =	shalt  }
0x48: {  	_ =	shalt  }
0x49: {  	_ =	shalt  }
0x4a: {  	_ =	shalt  }
0x4b: {  	_ =	shalt  }
0x4c: {  	_ =	shalt  }
0x4d: {  	_ =	shalt  }
0x4e: {  	_ =	shalt  }
0x4f: {  	_ =	shalt  }
0x50: {  	_ =	shalt  }
0x51: {  	_ =	shalt  }
0x52: {  	_ =	shalt  }
0x53: {  	_ =	shalt  }
0x54: {  	_ =	shalt  }
0x55: {  	_ =	shalt  }
0x56: {  	_ =	shalt  }
0x57: {  	_ =	shalt  }
0x58: {  	_ =	shalt  }
0x59: {  	_ =	shalt  }
0x5a: {  	_ =	shalt  }
0x5b: {  	_ =	shalt  }
0x5c: {  	_ =	shalt  }
0x5d: {  	_ =	shalt  }
0x5e: {  	_ =	shalt  }
0x5f: {  	_ =	shalt  }
0x60: {  	_ =	shalt  }
0x61: {  	_ =	shalt  }
0x62: {  	_ =	shalt  }
0x63: {  	_ =	shalt  }
0x64: {  	_ =	shalt  }
0x65: {  	_ =	shalt  }
0x66: {  	_ =	shalt  }
0x67: {  	_ =	shalt  }
0x68: {  	_ =	shalt  }
0x69: {  	_ =	shalt  }
0x6a: {  	_ =	shalt  }
0x6b: {  	_ =	shalt  }
0x6c: {  	_ =	shalt  }
0x6d: {  	_ =	shalt  }
0x6e: {  	_ =	shalt  }
0x6f: {  	_ =	shalt  }
0x70: {  	_ =	shalt  }
0x71: {  	_ =	shalt  }
0x72: {  	_ =	shalt  }
0x73: {  	_ =	shalt  }
0x74: {  	_ =	shalt  }
0x75: {  	_ =	shalt  }
0x76: {  	_ =	shalt  }
0x77: {  	_ =	shalt  }
0x78: {  	_ =	shalt  }
0x79: {  	_ =	shalt  }
0x7a: {  	_ =	shalt  }
0x7b: {  	_ =	shalt  }
0x7c: {  	_ =	shalt  }
0x7d: {  	_ =	shalt  }
0x7e: {  	_ =	shalt  }
0x7f: {  	_ =	shalt  }
0x80: {  	_ =	shalt  }
0x81: {  	_ =	shalt  }
0x82: {  	_ =	shalt  }
0x83: {  	_ =	shalt  }
0x84: {  	_ =	shalt  }
0x85: {  	_ =	shalt  }
0x86: {  	_ =	shalt  }
0x87: {  	_ =	shalt  }
.Lfunc_end0:
.L_simem_size_0:
called_computation.4_lowered:
.L_overlay_start_0:
0x88: {  	s2 =	sld [smem:$0x3FD9]  }
0x89: {  	s3 =	sld [smem:$0x3FFE];
	_ =	sdelay $0x1  }
0x8a: {  	s1 =	srdreg.scid  }
0x8b: {  	s0 =	sand.u32 $0x1, s1  }
0x8c: {  	s16 =	sshll.u32 s0, $0xA;
	s2 =	sadd.s32 s3, s2  }
0x8d: {  	s2 =	sadd.s32 s2, s16  }
0x8e: {  	[smem:$0x3FB8] =	sst s2  }
0x8f: {  	_ = 	snop  }
0x90: {  	(tm) =	ssettm $0x1  }
0x91: {  	s17 =	sld [smem:$0x3FFB];
	_ =	sdelay $0x3  }
0x92: {  	_ =	strace s17  }
0x93: {  	s2 =	sld [smem:$0x3FFC];
	_ =	sdelay $0x3  }
0x94: {  	_ =	strace s2  }
0x95: {  	s2 =	sld [smem:$0x3FFD];
	_ =	sdelay $0x3  }
0x96: {  	_ =	strace s2  }
0x97: {  	_ =	strace $0x8FFFFFFF  }
0x98: {  	s18 =	sld [smem:$0x3FDB];
	_ =	sdelay $0x1  }
0x99: {  	s19 =	simm.s32 $_scs_section_size  }
0x9a: {  	s4 =	simm.s32 $_size__tile_overlayer_lowered;
	s5 =	simm.s32 $_tile_overlayer_lowered  }
0x9b: {  	s22 =	simm.s32 $0x1BFF;
	s21 =	sshll.u32 s5, $0x1;
	s2 =	sadd.s32 s19, s18  }
0x9c: {  	s6 =	simm.s32 $0x0;
	s20 =	sshll.u32 s4, $0x1;
	s4 =	sadd.s32 s21, s2  }
0x9d: {  	[timem:s6], [sflag:s22] =	dma.local [hbm:s4], s20  }
0x9e: {  	_ =	swait.ge [sflag:s22], s20  }
0x9f: {  	s3 =	ssub.s32 $0x0, s20;
	[sflag:s22] =	ssyncset.done $0x0  }
0xa0: {  	[sflag:s22] =	ssyncadd.s32 s3;
	_ =	sdelay $0x1  }
0xa1: {  	s23 =	simm.s32 $0x1B8B  }
0xa2: {  	_ =	swait.ge [sflag:s23], $0x1  }
0xa3: {  	[sflag:s23] =	ssyncset.done $0x0  }
0xa4: {  	s25 =	simm.s32 $0x1B8E;
	s24 =	sld [smem:$0x3FFE];
	[sflag:s23] =	ssyncadd.s32 $0xFFFFFFFF  }
0xa5: {  	s26 =	simm.s32 $execute0_lowered;
	[smem:$0x3FD2] =	sst s25  }
0xa6: {  	s4 =	sshll.u32 s26, $0x1;
	_ =	strace $0x80000052;
	[dreg:$0x1] =	wrdreg $0xFFFFFFFF  }
0xa7: {  	s28 =	simm.s32 $_size_execute0_lowered;
	s2 =	sadd.s32 s2, s4;
	[dreg:$0x0] =	wrdreg $0x0  }
0xa8: {  	s4 =	sshll.u32 s28, $0x1;
	[dreg:$0x2] =	wrdreg s2  }
0xa9: {  	[dreg:$0x3] =	wrdreg s4  }
0xaa: {  	[dreg:$0x4] =	wrdreg $0xC0  }
0xab: {  	_ =	task [dreg:s6], $0x5FFFF  }
0xac: {  	[dreg:$0x1] =	wrdreg $0xFFFFFFFF  }
0xad: {  	[dreg:$0x0] =	wrdreg $0x60  }
0xae: {  	[dreg:$0x2] =	wrdreg s24  }
0xaf: {  	[dreg:$0x3] =	wrdreg $0x84000  }
0xb0: {  	[dreg:$0x4] =	wrdreg $0x9  }
0xb1: {  	_ =	task.clear_ibuf [dreg:s6], $0x5FFFF;
	_ =	strace $0x90000052  }
0xb2: {  	s29 =	simm.s32 $0x9;
	_ =	strace $0x80000054  }
0xb3: {  	_ =	swait.ge [sflag:s29], $0x1  }
0xb4: {  	[sflag:s29] =	ssyncadd.s32 $0xFFFFFFFF  }
0xb5: {  	_ =	strace $0x90000054  }
0xb6: {  	_ =	sfence  }
0xb7: {  	s30 =	sld [smem:$0x0];
	_ =	sdelay $0x2  }
0xb8: {  	s31 =	sshll.u32 s1, $0xD;
	s1 =	sshrl.u32 s1, $0x2  }
0xb9: {  	s3 =	sand.u32 $0x4000, s31;
	s1 =	sadd.s32 s1, s30  }
0xba: {  	s0 =	sor.u32 s3, s0;
	s1 =	sshll.u32 s1, $0x11  }
0xbb: {  	s0 =	sor.u32 s1, s0  }
0xbc: {  	s0 =	sadd.s32 $0x8F2B, s0  }
0xbd: {  	[sflag:s0] =	ssyncadd.remote.s32 $0x1  }
0xbe: {  	_ =	sfence.sel $0xFFFF  }
0xbf: {  	[dreg:$0x0] =	wrdreg $0xFFFFFFFF;
	(pc) =	sbr.abs _section_cstart, $3  }
0xc0: {  	[dreg:$0x1] =	wrdreg $0xFFFFFFFF  }
0xc1: {  	_ =	task.clear_ibuf [dreg:s6], $0x2FFFF;
	_ =	strace $0x9FFFFFFF  }
0xc2: {  	(tm) =	ssettm $0x7FFFFFFF  }
0xc3: {  	_ =	shalt  }
tec
execute0_lowered:
.L_overlay_start_1:
0x0: {  	(tag) =	ssettag $0x1  }
0x1: {  	s0 =	rddreg [dreg:$0x0]  }
0x2: {  	s1 =	rddreg [dreg:$0x1];
	s3 =	simm.s32 $0x0  }
0x3: {  	s2 =	srdreg.scid;
	s8 =	stileid.u32;
	s28 =	simm.s32 $0x3  }
0x4: {  	s29 =	simm.s32 $0x2;
	s30 =	simm.s32 $0x4;
	s31 =	simm.s32 $0x280  }
0x5: {  	[smem:$0x7FF] =	sst s3;
	s2 =	sand.u32 $0x1, s2;
	s6 =	smul.u32 $0x14000, s8  }
0x6: {  	s4 =	sadd.s32 $0x1A200, s0;
	s17 =	sadd.s32 $0x6200, s0;
	s10 =	smul.u32 $0x50000, s8  }
0x7: {  	s16 =	sadd.s32 $0x10200, s0;
	s7 =	sshll.u32 s8, $0x1;
	s11 =	smul.u32 $0x5000, s8  }
0x8: {  	s9 =	sadd.s32 $0x42200, s0;
	s12 =	sshll.u32 s8, $0x6;
	s5 =	smul.u32 $0x140000, s2  }
0x9: {  	_ =	strace $0x80000053;
	[dreg:$0x3] =	wrdreg s9;
	s18 =	ssub.s32 $0x2, s2  }
0xa: {  	s15 =	sor.u32 s2, s7;
	s2 =	smul.u32 $0x2800, s2;
	s19 =	sshrl.u32 s18, $0x1  }
0xb: {  	s24 =	sshrl.u32 s10, $0x2;
	s5 =	sadd.s32 s6, s5;
	s6 =	smul.u32 $0x2800, s15  }
0xc: {  	s2 =	sadd.s32 s2, s11;
	s11 =	sor.u32 $0x1C05, s12;
	s5 =	sshrl.u32 s5, $0x3  }
0xd: {  	s25 =	sor.u32 $0x300, s2;
	s2 =	sor.u32 $0x200, s2;
	s0 =	sadd.s32 s5, s0  }
0xe: {  	s5 =	ssub.s32 s18, s19;
	s6 =	sshrl.u32 s6, $0x3;
	s26 =	sshrl.u32 s25, $0x3  }
0xf: {  	s2 =	sshrl.u32 s2, $0x3;
	s18 =	simm.s32 $0x200;
	s19 =	simm.s32 $0x100  }
0x10: {  	s25 =	simm.s32 $0x80;
	s20 =	sadd.s32 s17, s6;
	s21 =	sor.u32 $0x20, s6  }
0x11: {  	s6 =	sadd.s32 s16, s6;
	s12 =	sadd.s32 $0x44A00, s0;
	s13 =	smax.u32 s5, $0x1  }
0x12: {  	s14 =	sadd.s32 s26, s16;
	s15 =	sadd.s32 s26, s17;
	[dreg:$0x4] =	wrdreg s20  }
0x13: {  	s26 =	simm.s32 $0x4400;
	s0 =	simm.s32 $0x380;
	[dreg:$0x5] =	wrdreg s6  }
.Ltmp0:
0x14: {  	s22 =	sadd.s32 s17, s21;
	s23 =	sadd.s32 s16, s21;
	(pc) =	sbr.rel .LBB2_1-.Ltmp0, $4  }
0x15: {  	s6 =	sadd.s32 s24, s1;
	s16 =	sadd.s32 s2, s16;
	s17 =	sadd.s32 s2, s17  }
0x16: {  	s20 =	simm.s32 $0x300;
	s21 =	simm.s32 $0x5;
	[dreg:$0x6] =	wrdreg s22  }
0x17: {  	s24 =	simm.s32 $0x400;
	s2 =	simm.s32 $0x0;
	[dreg:$0x7] =	wrdreg s23  }
0x18: {  	[dreg:$0x8] =	wrdreg s6;
	s22 =	simm.s32 $0x1;
	s23 =	simm.s32 $0x7D  }
.LBB2_4:
0x19: {  	s2 =	sadd.s32 $0x1, s2  }
0x1a: {  	p0 =	sne.s32 s2, s13  }
.Ltmp1:
0x1b: {  	[bflag:$0x0] =	sbarrier.arrive $0xFFFF;
	(pc) =	sbr.rel @!p0 .LBB2_5-.Ltmp1, $4  }
0x1c: {  	[hbm:s12], [sflag:s11] =	dma.local [spmem:s5], $0x2800  }
0x1d: {  	_ =	swait.ge [sflag:s21], $0x2800  }
0x1e: {  	[sflag:s21] =	ssyncset.done $0x0  }
0x1f: {  	[sflag:s21] =	ssyncadd.s32 $0xFFFFD800  }
.LBB2_1:
0x20: {  	s5 =	rddreg [dreg:$0x4]  }
0x21: {  	s7 =	rddreg [dreg:$0x5]  }
0x22: {  	s8 =	rddreg [dreg:$0x6]  }
0x23: {  	[tilespmem:s3], [sflag:$0x1] =	stream.linear.gather [hbm4b:s5+s3], $0x100, $0x38;
	[tilespmem:$0x1C400] =	vst v63  }
0x24: {  	s9 =	rddreg [dreg:$0x7]  }
0x25: {  	[tilespmem:s18], [sflag:$0x1] =	stream.linear.gather [hbm4b:s7+s3], $0x100, $0x38;
	[tilespmem:$0x1C400] =	vst v63  }
0x26: {  	s10 =	rddreg [dreg:$0x8]  }
0x27: {  	[tilespmem:s19], [sflag:$0x2] =	stream.linear.gather [hbm4b:s8+s3], $0x100, $0x38;
	[tilespmem:$0x1C400] =	vst v63  }
0x28: {  	s6 =	rddreg [dreg:$0x3];
	s5 =	sshrl.u32 s10, $0x3  }
0x29: {  	[tilespmem:s20], [sflag:$0x2] =	stream.linear.gather [hbm4b:s9+s3], $0x100, $0x38;
	[tilespmem:$0x1C400] =	vst v63  }
0x2a: {  	[spmem:s5], [sflag:s11] =	dma.local [hbm:s6], $0x2800  }
0x2b: {  	_ =	swait.ge [sflag:s21], $0x2800  }
0x2c: {  	[sflag:s21] =	ssyncset.done $0x0  }
0x2d: {  	[sflag:s21] =	ssyncadd.s32 $0xFFFFD800  }
0x2e: {  	[bflag:$0x0] =	sbarrier.arrive $0xFFFF  }
0x2f: {  	_ =	swait.ge [sflag:s22], $0x100  }
0x30: {  	[sflag:s22] =	ssyncset.done $0x0  }
0x31: {  	[sflag:s22] =	ssyncadd.s32 $0xFFFFFF00  }
0x32: {  	_ =	swait.ge [sflag:s22], $0x100  }
0x33: {  	[sflag:s22] =	ssyncset.done $0x0  }
0x34: {  	s6 =	simm.s32 $0x0;
	[sflag:s22] =	ssyncadd.s32 $0xFFFFFF00  }
0x35: {  	[tilespmem:s24], [sflag:$0x3] =	stream.indirect.gather [hbm4b:s4+s23], $0x80, s3, s23, $0xb8;
	[tilespmem:$0x1C400] =	vst v63  }
.LBB2_2:
0x36: {  	[tilespmem:s26], [sflag:$0x4] =	stream.indirect.gather [hbm4b:s4+s23], $0x80, s25, s23, $0xb8;
	[tilespmem:$0x1C400] =	vst v63  }
0x37: {  	_ =	swait.ge [sflag:s28], $0x3E80  }
0x38: {  	[sflag:s28] =	ssyncset.done $0x0  }
0x39: {  	[sflag:s28] =	ssyncadd.s32 $0xFFFFC180  }
0x3a: {  	[spmem:s1] =	stream.indirect.scatter.add.f32 [tilespmem:s24], [sflag:$0x5], $0x80, s18, s23, $0xb8;
	[tilespmem:$0x1C400] =	vst v63  }
0x3b: {  	_ =	swait.ge [sflag:s21], $0x3E80  }
0x3c: {  	[sflag:s21] =	ssyncset.done $0x0  }
0x3d: {  	[sflag:s21] =	ssyncadd.s32 $0xFFFFC180  }
0x3e: {  	_ =	swait.ge [sflag:s29], $0x100  }
0x3f: {  	[sflag:s29] =	ssyncset.done $0x0  }
0x40: {  	[sflag:s29] =	ssyncadd.s32 $0xFFFFFF00  }
0x41: {  	_ =	swait.ge [sflag:s29], $0x100  }
0x42: {  	[sflag:s29] =	ssyncset.done $0x0  }
0x43: {  	[sflag:s29] =	ssyncadd.s32 $0xFFFFFF00  }
0x44: {  	[tilespmem:s24], [sflag:$0x3] =	stream.indirect.gather [hbm4b:s4+s23], $0x80, s19, s23, $0xb8;
	[tilespmem:$0x1C400] =	vst v63  }
0x45: {  	_ =	swait.ge [sflag:s30], $0x3E80  }
0x46: {  	[sflag:s30] =	ssyncset.done $0x0  }
0x47: {  	[sflag:s30] =	ssyncadd.s32 $0xFFFFC180  }
0x48: {  	[spmem:s1] =	stream.indirect.scatter.add.f32 [tilespmem:s26], [sflag:$0x5], $0x80, s31, s23, $0xb8;
	[tilespmem:$0x1C400] =	vst v63  }
0x49: {  	p0 =	seq.s32 s6, $0x4C0;
	_ =	swait.ge [sflag:s21], $0x3E80  }
0x4a: {  	s7 =	simm.s32 @p0 $0x7D;
	[sflag:s21] =	ssyncset.done $0x0  }
0x4b: {  	s8 =	simm.s32 @p0 $0x180;
	s9 =	simm.s32 @p0 $0x4400;
	[sflag:s21] =	ssyncadd.s32 $0xFFFFC180  }
0x4c: {  	[tilespmem:s9], [sflag:$0x4] =	stream.indirect.gather @p0 [hbm4b:s4+s7], $0x80, s8, s7, $0xb8;
	[tilespmem:$0x1C400] =	vst v63  }
0x4d: {  	s8 =	simm.s32 @p0 $0x3  }
0x4e: {  	_ =	swait.ge @p0 [sflag:s8], $0x3E80  }
0x4f: {  	[sflag:s8] =	ssyncset.done @p0 $0x0  }
0x50: {  	s9 =	simm.s32 @p0 $0x400;
	[sflag:s8] =	ssyncadd.s32 @p0 $0xFFFFC180;
	s8 =	simm.s32 @p0 $0x300  }
0x51: {  	[spmem:s1] =	stream.indirect.scatter.add.f32 @p0 [tilespmem:s9], [sflag:$0x5], $0x80, s8, s7, $0xb8;
	[tilespmem:$0x1C400] =	vst v63  }
0x52: {  	s7 =	simm.s32 @p0 $0x5  }
0x53: {  	_ =	swait.ge @p0 [sflag:s7], $0x3E80  }
0x54: {  	[sflag:s7] =	ssyncset.done @p0 $0x0  }
0x55: {  	s8 =	simm.s32 @!p0 $0x0;
	[sflag:s7] =	ssyncadd.s32 @p0 $0xFFFFC180;
	s7 =	sadd.s32 @!p0 s6, s17  }
0x56: {  	[tilespmem:s8], [sflag:$0x1] =	stream.linear.gather @!p0 [hbm4b:s7+s8], $0x100, $0x38;
	[tilespmem:$0x1C400] =	vst v63  }
0x57: {  	s9 =	simm.s32 @!p0 $0x200;
	s7 =	sadd.s32 @!p0 s6, s16  }
0x58: {  	[tilespmem:s9], [sflag:$0x1] =	stream.linear.gather @!p0 [hbm4b:s7+s8], $0x100, $0x38;
	[tilespmem:$0x1C400] =	vst v63  }
0x59: {  	s10 =	simm.s32 @!p0 $0x4400;
	s7 =	simm.s32 @!p0 $0x7D;
	s9 =	simm.s32 @!p0 $0x180  }
0x5a: {  	[tilespmem:s10], [sflag:$0x4] =	stream.indirect.gather @!p0 [hbm4b:s4+s7], $0x80, s9, s7, $0xb8;
	[tilespmem:$0x1C400] =	vst v63  }
0x5b: {  	s9 =	simm.s32 @!p0 $0x3  }
0x5c: {  	_ =	swait.ge @!p0 [sflag:s9], $0x3E80  }
0x5d: {  	[sflag:s9] =	ssyncset.done @!p0 $0x0  }
0x5e: {  	s10 =	simm.s32 @!p0 $0x400;
	[sflag:s9] =	ssyncadd.s32 @!p0 $0xFFFFC180;
	s9 =	simm.s32 @!p0 $0x300  }
0x5f: {  	[spmem:s1] =	stream.indirect.scatter.add.f32 @!p0 [tilespmem:s10], [sflag:$0x5], $0x80, s9, s7, $0xb8;
	[tilespmem:$0x1C400] =	vst v63  }
0x60: {  	s9 =	simm.s32 @!p0 $0x5  }
0x61: {  	_ =	swait.ge @!p0 [sflag:s9], $0x3E80  }
0x62: {  	[sflag:s9] =	ssyncset.done @!p0 $0x0  }
0x63: {  	[sflag:s9] =	ssyncadd.s32 @!p0 $0xFFFFC180;
	s9 =	simm.s32 @!p0 $0x1  }
0x64: {  	_ =	swait.ge @!p0 [sflag:s9], $0x100  }
0x65: {  	[sflag:s9] =	ssyncset.done @!p0 $0x0  }
0x66: {  	[sflag:s9] =	ssyncadd.s32 @!p0 $0xFFFFFF00  }
0x67: {  	_ =	swait.ge @!p0 [sflag:s9], $0x100  }
0x68: {  	[sflag:s9] =	ssyncset.done @!p0 $0x0  }
0x69: {  	[sflag:s9] =	ssyncadd.s32 @!p0 $0xFFFFFF00  }
0x6a: {  	[tilespmem:s10], [sflag:$0x3] =	stream.indirect.gather @!p0 [hbm4b:s4+s7], $0x80, s8, s7, $0xb8;
	[tilespmem:$0x1C400] =	vst v63  }
0x6b: {  	_ =	swait.ge [sflag:s30], $0x3E80  }
0x6c: {  	[sflag:s30] =	ssyncset.done $0x0  }
.Ltmp2:
0x6d: {  	[sflag:s30] =	ssyncadd.s32 $0xFFFFC180;
	(pc) =	sbr.rel @p0 .LBB2_4-.Ltmp2, $4  }
0x6e: {  	[spmem:s1] =	stream.indirect.scatter.add.f32 [tilespmem:s26], [sflag:$0x5], $0x80, s0, s23, $0xb8;
	[tilespmem:$0x1C400] =	vst v63  }
0x6f: {  	_ =	swait.ge [sflag:s21], $0x3E80  }
0x70: {  	[sflag:s21] =	ssyncset.done $0x0  }
0x71: {  	[sflag:s21] =	ssyncadd.s32 $0xFFFFC180  }
.Ltmp3:
0x72: {  	(pc) =	sbr.rel .LBB2_2-.Ltmp3, $4  }
0x73: {  	s7 =	sadd.s32 s6, s15  }
0x74: {  	[tilespmem:s19], [sflag:$0x2] =	stream.linear.gather [hbm4b:s7+s3], $0x100, $0x38;
	[tilespmem:$0x1C400] =	vst v63  }
0x75: {  	s10 =	sadd.s32 s6, s14;
	s6 =	sadd.s32 $0x40, s6  }
0x76: {  	[tilespmem:s20], [sflag:$0x2] =	stream.linear.gather [hbm4b:s10+s3], $0x100, $0x38;
	[tilespmem:$0x1C400] =	vst v63  }
.LBB2_5:
0x77: {  	_ =	sfence.sel $0x180000  }
0x78: {  	[bflag:$0x0] =	sbarrier.arrive $0xFFFF  }
0x79: {  	_ =	strace $0x90000053  }
0x7a: {  	s0 =	stileid.u32;
	[bflag:$0x2] =	sbarrier.arrive $0xFFFF  }
0x7b: {  	p0 =	sne.s32 s0, $0x0;
	s0 =	rddreg [dreg:$0x2]  }
0x7c: {  	s0 =	sadd.s32 @!p0 $0x100000, s0  }
0x7d: {  	[sflag:s0] =	ssyncadd.tile.s32 @!p0 $0x1;
	_ =	shalt  }
.Lfunc_end2:
_tile_overlayer_lowered:
.L_overlay_start_2:
0x7e: {  	(tag) =	ssettag $0x2  }
0x7f: {  	s0 =	rddreg [dreg:$0x0];
	s2 =	stileid.u32  }
0x80: {  	s1 =	rddreg [dreg:$0x1];
	p0 =	sne.s32 s2, $0x0  }
0x81: {  	s3 =	rddreg [dreg:$0x2];
	[bflag:$0x3] =	sbarrier.arrive $0xFFFF;
	s2 =	simm.s32 @!p0 $0x1C05  }
0x82: {  	[timem:s3], [sflag:s2] =	dma.local @!p0 [hbm:s0], s1  }
0x83: {  	s0 =	simm.s32 @!p0 $0x5  }
0x84: {  	_ =	swait.ge @!p0 [sflag:s0], s1  }
0x85: {  	s1 =	ssub.s32 @!p0 $0x0, s1;
	[sflag:s0] =	ssyncset.done @!p0 $0x0  }
0x86: {  	[sflag:s0] =	ssyncadd.s32 @!p0 s1  }
0x87: {  	[bflag:$0x3] =	sbarrier.arrive $0xFFFF  }
0x88: {  	_ =	shalt  }

</sc_bundles>
